<compile_context>
chip_gen: v7x
topology: tpu7x:2x2x1
jax: 0.10.2.dev20260603
libtpu: 0.0.44.dev20260713+nightly
codegen_flags: <defaults>
</compile_context>

<pallas_src>
import jax
import jax.numpy as jnp
from jax import lax
from jax.experimental import pallas as pl
from jax.experimental.pallas import tpu as pltpu
from jax.experimental.pallas import tpu_sc as plsc

_R = 32
_A = 6
_NW = 16

_B_SC = 2048
_SPT = _B_SC // _NW
_NV = _SPT // 16
_TC_BBLK = 7168


def _sc_body(x_hbm, sig_hbm, ma_hbm, mb_hbm, c1_hbm, c2_hbm, out_hbm,
             xv, euv, elv, mv,
             sufL, sufcL, sufU, sufcU,
             pcU, pU, pcL, pLv, rminv, rmaxv, outv,
             sigv, mav, mbv, m1v, m2v, ninvv,
             c1sv, c2sv, perm1v, perm2v):
    cid = lax.axis_index("c")
    sid = lax.axis_index("s")

    def _sget(ref, idx):
        return ref[pl.ds(idx, 16)][0]
    wid = sid + cid
    base = wid * _SPT

    pltpu.sync_copy(x_hbm.at[wid], xv)
    pltpu.sync_copy(sig_hbm, sigv)
    pltpu.sync_copy(ma_hbm, mav)
    pltpu.sync_copy(mb_hbm, mbv)
    pltpu.sync_copy(c1_hbm, c1sv.at[pl.ds(0, _R)])
    pltpu.sync_copy(c2_hbm, c2sv.at[pl.ds(0, _R)])

    for c in range(_R * _A // 16):
        sl = pl.ds(c * 16, 16)
        sgc = sigv[sl] + 0.0001
        ninvv[sl] = -1.0 / (2.0 * sgc * sgc)
        m1v[sl] = jnp.minimum(mav[sl], mbv[sl])
        m2v[sl] = jnp.maximum(mav[sl], mbv[sl])

    lane = lax.iota(jnp.int32, 16)

    def _perm(csv, permv):
        ch0 = csv[pl.ds(0, 16)]
        ch1 = csv[pl.ds(16, 16)]
        onei = jnp.full((16,), 1, jnp.int32)
        zeroi = jnp.zeros((16,), jnp.int32)
        lane1 = lane + 16
        r0 = zeroi
        r1 = zeroi
        for i in range(_R):
            ci = csv[pl.ds(i, 16)][0]
            tie0 = jnp.where(i < lane, onei, zeroi)
            tie1 = jnp.where(i < lane1, onei, zeroi)
            r0 = r0 + jnp.where(ci < ch0, onei,
                                jnp.where(ci == ch0, tie0, zeroi))
            r1 = r1 + jnp.where(ci < ch1, onei,
                                jnp.where(ci == ch1, tie1, zeroi))
        plsc.store_scatter(permv, [r0], lane)
        plsc.store_scatter(permv, [r1], lane1)

    _perm(c1sv, perm1v)
    _perm(c2sv, perm2v)

    minf = jnp.full((16,), -3.0e38, jnp.float32)

    @plsc.parallel_loop(0, _NV, unroll=4)
    def _init_m(i):
        mv[pl.ds(i * 16, 16)] = minf

    def _p1_r(r, _):
        m1s = [_sget(m1v, r * _A + a) for a in range(_A)]
        m2s = [_sget(m2v, r * _A + a) for a in range(_A)]
        nis = [_sget(ninvv, r * _A + a) for a in range(_A)]

        @plsc.parallel_loop(0, _NV, unroll=4)
        def _p1_i(i):
            o = i * 16
            eU = jnp.zeros((16,), jnp.float32)
            eL = jnp.zeros((16,), jnp.float32)
            for a in range(_A):
                xa = xv[pl.ds(a * _SPT + o, 16)]
                nt1 = m1s[a] - xa
                t2 = xa - m2s[a]
                du = jnp.maximum(jnp.maximum(nt1, t2), 0.0)
                dl = jnp.minimum(nt1, t2)
                eU = eU + (du * du) * nis[a]
                eL = eL + (dl * dl) * nis[a]
            euv[pl.ds((r * _NV + i) * 16, 16)] = eU
            elv[pl.ds((r * _NV + i) * 16, 16)] = eL
            mo = pl.ds(o, 16)
            mv[mo] = jnp.maximum(mv[mo], eU)
        return 0
    lax.fori_loop(0, _R, _p1_r, 0)

    def _pe_r(r, _):
        @plsc.parallel_loop(0, _NV, unroll=4)
        def _pe_i(i):
            sl = pl.ds((r * _NV + i) * 16, 16)
            mm = mv[pl.ds(i * 16, 16)]
            euv[sl] = jnp.exp(euv[sl] - mm)
            elv[sl] = jnp.exp(elv[sl] - mm)
        return 0
    lax.fori_loop(0, _R, _pe_r, 0)

    zero = jnp.zeros((16,), jnp.float32)

    @plsc.parallel_loop(0, _NV, unroll=4)
    def _z_i(i):
        sl = pl.ds((31 * _NV + i) * 16, 16)
        sufL[sl] = zero
        sufcL[sl] = zero
        sufU[sl] = zero
        sufcU[sl] = zero

    def _p2(kk, _):
        k = 30 - kk
        jl = _sget(perm1v, k + 1)
        jr = _sget(perm2v, k + 1)
        c1j = _sget(c1sv, jl)
        c2j = _sget(c2sv, jr)

        @plsc.parallel_loop(0, _NV, unroll=4)
        def _p2_i(i):
            cur = pl.ds((k * _NV + i) * 16, 16)
            nxt = pl.ds(((k + 1) * _NV + i) * 16, 16)
            Lv = elv[pl.ds((jl * _NV + i) * 16, 16)]
            sufL[cur] = sufL[nxt] + Lv
            sufcL[cur] = sufcL[nxt] + c1j * Lv
            Uv = euv[pl.ds((jr * _NV + i) * 16, 16)]
            sufU[cur] = sufU[nxt] + Uv
            sufcU[cur] = sufcU[nxt] + c2j * Uv
        return 0
    lax.fori_loop(0, _R - 1, _p2, 0)

    j0l = _sget(perm1v, 0)
    j0r = _sget(perm2v, 0)
    c1j0 = _sget(c1sv, j0l)
    c2j0 = _sget(c2sv, j0r)

    @plsc.parallel_loop(0, _NV, unroll=4)
    def _p3_init(i):
        o = pl.ds(i * 16, 16)
        s0 = pl.ds(i * 16, 16)
        Lv = elv[pl.ds((j0l * _NV + i) * 16, 16)]
        totL = sufL[s0] + Lv
        totcL = sufcL[s0] + c1j0 * Lv
        rminv[o] = totcL / totL
        Uv = euv[pl.ds((j0r * _NV + i) * 16, 16)]
        totU = sufU[s0] + Uv
        totcU = sufcU[s0] + c2j0 * Uv
        rmaxv[o] = totcU / totU
        pcU[o] = zero
        pU[o] = zero
        pcL[o] = zero
        pLv[o] = zero

    def _p3(k, _):
        jl = _sget(perm1v, k)
        jr = _sget(perm2v, k)
        c1j = _sget(c1sv, jl)
        c2j = _sget(c2sv, jr)

        @plsc.parallel_loop(0, _NV, unroll=4)
        def _p3_i(i):
            o = pl.ds(i * 16, 16)
            ks = pl.ds((k * _NV + i) * 16, 16)
            Uv = euv[pl.ds((jl * _NV + i) * 16, 16)]
            a1 = pcU[o] + c1j * Uv
            b1 = pU[o] + Uv
            pcU[o] = a1
            pU[o] = b1
            rminv[o] = jnp.minimum(rminv[o],
                                   (a1 + sufcL[ks]) / (b1 + sufL[ks]))
            Lv = elv[pl.ds((jr * _NV + i) * 16, 16)]
            e1 = pcL[o] + c2j * Lv
            f1 = pLv[o] + Lv
            pcL[o] = e1
            pLv[o] = f1
            rmaxv[o] = jnp.maximum(rmaxv[o],
                                   (e1 + sufcU[ks]) / (f1 + sufU[ks]))
        return 0
    lax.fori_loop(0, _R, _p3, 0)

    @plsc.parallel_loop(0, _NV, unroll=4)
    def _pout(i):
        o = pl.ds(i * 16, 16)
        outv[o] = (rminv[o] + rmaxv[o]) * 0.5

    pltpu.sync_copy(outv, out_hbm.at[pl.ds(base, _SPT)])


def _sc_call(x_sc, sig, ma, mb, c1, c2):
    B = x_sc.shape[0]
    x_pre = (x_sc.T.reshape(_A, _NW, _SPT)
             .transpose(1, 0, 2).reshape(_NW, _A * _SPT))

    mesh = plsc.VectorSubcoreMesh(core_axis_name="c", subcore_axis_name="s", num_cores=1)
    f = pl.kernel(
        _sc_body,
        mesh=mesh,
        out_type=jax.ShapeDtypeStruct((B,), jnp.float32),
        compiler_params=pltpu.CompilerParams(needs_layout_passes=False),
        scratch_types=[
            pltpu.VMEM((_A * _SPT,), jnp.float32),
            pltpu.VMEM((_R * _SPT,), jnp.float32),
            pltpu.VMEM((_R * _SPT,), jnp.float32),
            pltpu.VMEM((_SPT,), jnp.float32),
            pltpu.VMEM((_R * _SPT,), jnp.float32),
            pltpu.VMEM((_R * _SPT,), jnp.float32),
            pltpu.VMEM((_R * _SPT,), jnp.float32),
            pltpu.VMEM((_R * _SPT,), jnp.float32),
            pltpu.VMEM((_SPT,), jnp.float32),
            pltpu.VMEM((_SPT,), jnp.float32),
            pltpu.VMEM((_SPT,), jnp.float32),
            pltpu.VMEM((_SPT,), jnp.float32),
            pltpu.VMEM((_SPT,), jnp.float32),
            pltpu.VMEM((_SPT,), jnp.float32),
            pltpu.VMEM((_SPT,), jnp.float32),
            pltpu.VMEM((_R * _A,), jnp.float32),
            pltpu.VMEM((_R * _A,), jnp.float32),
            pltpu.VMEM((_R * _A,), jnp.float32),
            pltpu.VMEM((_R * _A + 16,), jnp.float32),
            pltpu.VMEM((_R * _A + 16,), jnp.float32),
            pltpu.VMEM((_R * _A + 16,), jnp.float32),
            pltpu.VMEM((_R + 16,), jnp.float32),
            pltpu.VMEM((_R + 16,), jnp.float32),
            pltpu.VMEM((_R + 16,), jnp.int32),
            pltpu.VMEM((_R + 16,), jnp.int32),
        ],
    )
    return f(x_pre, sig, ma, mb, c1, c2)


def _rank_mask(c_col, c_row):
    ii = jax.lax.broadcasted_iota(jnp.int32, (_R, _R), 0)
    jj = jax.lax.broadcasted_iota(jnp.int32, (_R, _R), 1)
    cmp = (c_col < c_row) | ((c_col == c_row) & (ii < jj))
    rank = jnp.sum(cmp.astype(jnp.int32), axis=0, keepdims=True)
    pre = (rank <= ii).astype(jnp.float32)
    return pre, 1.0 - pre


def _tc_body(xt_ref, sig_ref, ma_ref, mb_ref,
          c1c_ref, c1r_ref, c2c_ref, c2r_ref, out_ref):
    sig = sig_ref[...] + 0.0001
    m1 = jnp.minimum(ma_ref[...], mb_ref[...])
    m2 = jnp.maximum(ma_ref[...], mb_ref[...])
    ninv = -1.0 / (2.0 * sig * sig)

    eU = jnp.zeros((_R, _TC_BBLK), jnp.float32)
    eL = jnp.zeros((_R, _TC_BBLK), jnp.float32)
    for a in range(_A):
        xa = xt_ref[a:a + 1, :]
        m1a = m1[:, a:a + 1]
        m2a = m2[:, a:a + 1]
        ninva = ninv[:, a:a + 1]
        d1 = xa - m1a
        d2 = xa - m2a
        e1 = (d1 * d1) * ninva
        e2 = (d2 * d2) * ninva
        up = jnp.where(d1 * d2 <= 0.0, 0.0, jnp.maximum(e1, e2))
        eU = eU + up
        eL = eL + jnp.minimum(e1, e2)
    emax = jnp.max(eU, axis=0, keepdims=True)
    UU = jnp.exp(eU - emax)
    LL = jnp.exp(eL - emax)

    c1c = c1c_ref[...]
    c2c = c2c_ref[...]
    M1p, M1s = _rank_mask(c1c, c1r_ref[...])
    M2p, M2s = _rank_mask(c2c, c2r_ref[...])

    def _dot(m, v):
        return jnp.dot(m, v, preferred_element_type=jnp.float32)

    c1U = c1c * UU
    c1L = c1c * LL
    s0 = jnp.sum(c1L, axis=0, keepdims=True)
    s10 = jnp.sum(LL, axis=0, keepdims=True)
    s = _dot(M1p, c1U) + _dot(M1s, c1L)
    s1 = _dot(M1p, UU) + _dot(M1s, LL)
    left = jnp.minimum(s0 / s10, jnp.min(s / s1, axis=0, keepdims=True))

    c2U = c2c * UU
    c2L = c2c * LL
    t0 = jnp.sum(c2U, axis=0, keepdims=True)
    t10 = jnp.sum(UU, axis=0, keepdims=True)
    t = _dot(M2p, c2L) + _dot(M2s, c2U)
    t1 = _dot(M2p, LL) + _dot(M2s, UU)
    right = jnp.maximum(t0 / t10, jnp.max(t / t1, axis=0, keepdims=True))

    out_ref[...] = (left + right) * 0.5


def _tc_call(x_tc, sig2, ma2, mb2, c1, c2):
    Bt = x_tc.shape[0]
    xt = x_tc.T
    c1c = c1.reshape(_R, 1)
    c1r = c1.reshape(1, _R)
    c2c = c2.reshape(_R, 1)
    c2r = c2.reshape(1, _R)
    grid = (Bt // _TC_BBLK,)
    rep = lambda i: (0, 0)
    out = pl.pallas_call(
        _tc_body,
        grid=grid,
        in_specs=[
            pl.BlockSpec((_A, _TC_BBLK), lambda i: (0, i)),
            pl.BlockSpec((_R, _A), rep),
            pl.BlockSpec((_R, _A), rep),
            pl.BlockSpec((_R, _A), rep),
            pl.BlockSpec((_R, 1), rep),
            pl.BlockSpec((1, _R), rep),
            pl.BlockSpec((_R, 1), rep),
            pl.BlockSpec((1, _R), rep),
        ],
        out_specs=pl.BlockSpec((1, _TC_BBLK), lambda i: (0, i)),
        out_shape=jax.ShapeDtypeStruct((1, Bt), jnp.float32),
        compiler_params=pltpu.CompilerParams(
            dimension_semantics=("arbitrary",),
        ),
    )(xt, sig2, ma2, mb2, c1c, c1r, c2c, c2r)
    return out.reshape(Bt)


def kernel(input_data, FRB_weights, c1, c2):
    sig = FRB_weights[0:_R * _A]
    ma = FRB_weights[1:_R * _A + 1]
    mb = FRB_weights[2:_R * _A + 2]
    x_sc = input_data[:_B_SC]
    x_tc = input_data[_B_SC:]
    out_tc = _tc_call(x_tc, sig.reshape(_R, _A), ma.reshape(_R, _A),
                      mb.reshape(_R, _A), c1, c2)
    out_sc = _sc_call(x_sc, sig, ma, mb, c1, c2)
    return jnp.concatenate([out_sc, out_tc])

# --- scband reference (transcript-rebuilt; emitter-appended) ---
"""Pipeline reference for scband-single-t2-fls-mamdani-27530740367459 (READ-ONLY COPY).

The authoritative reference and input builder live on the scoring server;
editing this copy changes nothing except your own understanding.
"""

import jax, jax.numpy as jnp
import numpy as np

R = 32  # FuzzyRuleNum
A = 6   # FuzzyAntecedentsNum
B = 16384


def setup_inputs(seed: int = 0) -> dict:
    key = jax.random.key(seed)
    k1, k2, k3, k4 = jax.random.split(key, 4)
    x = jax.random.normal(k1, (B, A), dtype=jnp.float32)
    FRB_weights = jnp.abs(jax.random.normal(k2, (R * A * 3,), dtype=jnp.float32))
    c1 = jnp.abs(jax.random.normal(k3, (R,), dtype=jnp.float32))
    c2 = jnp.abs(jax.random.normal(k4, (R,), dtype=jnp.float32))
    return {"input_data": x, "FRB_weights": FRB_weights, "c1": c1, "c2": c2}


def _memberships(x, W):
    # faithful to original indexing: locat_num = Antecedents_num*j + k, slice of 3
    j = jnp.arange(R)
    k = jnp.arange(A)
    locat = A * j[:, None] + k[None, :]              # [R, A]
    sigma = jnp.take(W, locat) + 0.0001              # [R, A]
    M1 = jnp.take(W, locat + 1)
    M2 = jnp.take(W, locat + 2)
    m1 = jnp.minimum(M1, M2)
    m2 = jnp.maximum(M1, M2)
    m_middle = (m1 + m2) / 2.0
    xe = x[:, None, :]                               # [B, 1, A] -> broadcast to [B, R, A]
    g1 = jnp.exp(-jnp.power(xe - m1, 2.0) / (2.0 * jnp.power(sigma, 2.0)))
    g2 = jnp.exp(-jnp.power(xe - m2, 2.0) / (2.0 * jnp.power(sigma, 2.0)))
    # upper membership (mu1 in Gausstype2)
    mu_up = jnp.where((xe >= m1) & (xe <= m2), 1.0, jnp.where(xe > m2, g2, g1))
    # lower membership (mu2 in Gausstype2)
    mu_lo = jnp.where(xe <= m_middle, g2, g1)
    UU = jnp.prod(mu_up, axis=2)                     # [B, R]
    LL = jnp.prod(mu_lo, axis=2)                     # [B, R]
    return UU, LL


def _left_point(c1, UU, LL):
    idx = jnp.argsort(c1)
    b2 = jnp.take(c1, idx)                           # c1 sorted ascending
    U = jnp.take(UU, idx, axis=1)
    L = jnp.take(LL, idx, axis=1)
    s0 = jnp.sum(b2 * L, axis=1)
    s10 = jnp.sum(L, axis=1)
    d = U - L
    s = s0[:, None] + jnp.cumsum(b2 * d, axis=1)
    s1 = s10[:, None] + jnp.cumsum(d, axis=1)
    ratios = jnp.concatenate([(s0 / s10)[:, None], s / s1], axis=1)
    return jnp.min(ratios, axis=1)


def _right_point(c2, UU, LL):
    idx = jnp.argsort(c2)
    b1 = jnp.take(c2, idx)
    U = jnp.take(UU, idx, axis=1)
    L = jnp.take(LL, idx, axis=1)
    s0 = jnp.sum(b1 * U, axis=1)
    s10 = jnp.sum(U, axis=1)
    d = L - U
    s = s0[:, None] + jnp.cumsum(b1 * d, axis=1)
    s1 = s10[:, None] + jnp.cumsum(d, axis=1)
    ratios = jnp.concatenate([(s0 / s10)[:, None], s / s1], axis=1)
    return jnp.max(ratios, axis=1)


def reference(input_data, FRB_weights, c1, c2):
    UU, LL = _memberships(input_data, FRB_weights)
    Output_Left = _left_point(c1, UU, LL)
    Output_Right = _right_point(c2, UU, LL)
    Output = (Output_Right + Output_Left) / 2.0
    return Output

if __name__ == "__main__":
    import jax
    _d = setup_inputs()
    print(jax.jit(kernel)(*tuple(_d.values())))

</pallas_src>

<mosaic_0001>
#map = affine_map<(d0, d1) -> (0, 0)>
#map1 = affine_map<(d0, d1) -> (0)>
module attributes {stable_mosaic.version = 14 : i64} {
  func.func @_sc_body(%arg0: i32, %arg1: i32, %arg2: memref<16x768xf32, #tpu.memory_space<hbm>>, %arg3: memref<192xf32, #tpu.memory_space<hbm>>, %arg4: memref<192xf32, #tpu.memory_space<hbm>>, %arg5: memref<192xf32, #tpu.memory_space<hbm>>, %arg6: memref<32xf32, #tpu.memory_space<hbm>>, %arg7: memref<32xf32, #tpu.memory_space<hbm>>, %arg8: memref<2048xf32, #tpu.memory_space<hbm>>, %arg9: memref<768xf32, #tpu.memory_space<vmem>>, %arg10: memref<4096xf32, #tpu.memory_space<vmem>>, %arg11: memref<4096xf32, #tpu.memory_space<vmem>>, %arg12: memref<128xf32, #tpu.memory_space<vmem>>, %arg13: memref<4096xf32, #tpu.memory_space<vmem>>, %arg14: memref<4096xf32, #tpu.memory_space<vmem>>, %arg15: memref<4096xf32, #tpu.memory_space<vmem>>, %arg16: memref<4096xf32, #tpu.memory_space<vmem>>, %arg17: memref<128xf32, #tpu.memory_space<vmem>>, %arg18: memref<128xf32, #tpu.memory_space<vmem>>, %arg19: memref<128xf32, #tpu.memory_space<vmem>>, %arg20: memref<128xf32, #tpu.memory_space<vmem>>, %arg21: memref<128xf32, #tpu.memory_space<vmem>>, %arg22: memref<128xf32, #tpu.memory_space<vmem>>, %arg23: memref<128xf32, #tpu.memory_space<vmem>>, %arg24: memref<192xf32, #tpu.memory_space<vmem>>, %arg25: memref<192xf32, #tpu.memory_space<vmem>>, %arg26: memref<192xf32, #tpu.memory_space<vmem>>, %arg27: memref<208xf32, #tpu.memory_space<vmem>>, %arg28: memref<208xf32, #tpu.memory_space<vmem>>, %arg29: memref<208xf32, #tpu.memory_space<vmem>>, %arg30: memref<48xf32, #tpu.memory_space<vmem>>, %arg31: memref<48xf32, #tpu.memory_space<vmem>>, %arg32: memref<48xi32, #tpu.memory_space<vmem>>, %arg33: memref<48xi32, #tpu.memory_space<vmem>>) attributes {dimension_semantics = [#tpu.dimension_semantics<core_parallel>, #tpu.dimension_semantics<subcore_parallel>], iteration_bounds = array<i64: 1, 16>, scalar_prefetch = 0 : i64, scratch_operands = 25 : i64, tpu.core_type = #tpu.core_type<sc_vector_subcore>, window_params = [{transform_indices = #map}, {transform_indices = #map1}, {transform_indices = #map1}, {transform_indices = #map1}, {transform_indices = #map1}, {transform_indices = #map1}, {transform_indices = #map1}]} {
    %add3A = arith.addi %arg1, %arg0 : i32
    %mul3A = arith.constant 128 : i32
    %mul3A_0 = arith.muli %add3A, %mul3A : i32
    "tpu.region"() ({
      %run_scoped3A = tpu.sem_alloc : memref<!tpu.dma_semaphore, #tpu.memory_space<semaphore_mem>>
      %dma_start3A = arith.constant 0 : i32
      %dma_start3A_2069 = tpu.memref_slice %arg2[%add3A, %dma_start3A] : memref<16x768xf32, #tpu.memory_space<hbm>> -> memref<1x768xf32, #tpu.memory_space<hbm>>
      %dma_start3A_2070 = tpu.memref_squeeze %dma_start3A_2069 : memref<1x768xf32, #tpu.memory_space<hbm>> -> memref<768xf32, #tpu.memory_space<hbm>>
      %dma_start3A_2071 = arith.constant 0 : i32
      %dma_start3A_2072 = tpu.memref_slice %arg2[%add3A, %dma_start3A_2071] : memref<16x768xf32, #tpu.memory_space<hbm>> -> memref<1x768xf32, #tpu.memory_space<hbm>>
      %dma_start3A_2073 = tpu.memref_squeeze %dma_start3A_2072 : memref<1x768xf32, #tpu.memory_space<hbm>> -> memref<768xf32, #tpu.memory_space<hbm>>
      tpu.enqueue_dma source(%dma_start3A_2073 : memref<768xf32, #tpu.memory_space<hbm>>) target(%arg9 : memref<768xf32, #tpu.memory_space<vmem>>) target_semaphore(%run_scoped3A : memref<!tpu.dma_semaphore, #tpu.memory_space<semaphore_mem>>)
      %dma_wait3A = arith.constant 0 : i32
      %dma_wait3A_2074 = tpu.memref_slice %arg2[%add3A, %dma_wait3A] : memref<16x768xf32, #tpu.memory_space<hbm>> -> memref<1x768xf32, #tpu.memory_space<hbm>>
      %dma_wait3A_2075 = tpu.memref_squeeze %dma_wait3A_2074 : memref<1x768xf32, #tpu.memory_space<hbm>> -> memref<768xf32, #tpu.memory_space<hbm>>
      %dma_wait3A_2076 = arith.constant 0 : i32
      %dma_wait3A_2077 = tpu.memref_slice %arg2[%add3A, %dma_wait3A_2076] : memref<16x768xf32, #tpu.memory_space<hbm>> -> memref<1x768xf32, #tpu.memory_space<hbm>>
      %dma_wait3A_2078 = tpu.memref_squeeze %dma_wait3A_2077 : memref<1x768xf32, #tpu.memory_space<hbm>> -> memref<768xf32, #tpu.memory_space<hbm>>
      tpu.wait_dma2 semaphore(%run_scoped3A : memref<!tpu.dma_semaphore, #tpu.memory_space<semaphore_mem>>) src(%dma_wait3A_2078 : memref<768xf32, #tpu.memory_space<hbm>>) dst(%arg9 : memref<768xf32, #tpu.memory_space<vmem>>)
      tpu.yield
    }) : () -> ()
    "tpu.region"() ({
      %run_scoped3A = tpu.sem_alloc : memref<!tpu.dma_semaphore, #tpu.memory_space<semaphore_mem>>
      tpu.enqueue_dma source(%arg3 : memref<192xf32, #tpu.memory_space<hbm>>) target(%arg24 : memref<192xf32, #tpu.memory_space<vmem>>) target_semaphore(%run_scoped3A : memref<!tpu.dma_semaphore, #tpu.memory_space<semaphore_mem>>)
      tpu.wait_dma2 semaphore(%run_scoped3A : memref<!tpu.dma_semaphore, #tpu.memory_space<semaphore_mem>>) src(%arg3 : memref<192xf32, #tpu.memory_space<hbm>>) dst(%arg24 : memref<192xf32, #tpu.memory_space<vmem>>)
      tpu.yield
    }) : () -> ()
    "tpu.region"() ({
      %run_scoped3A = tpu.sem_alloc : memref<!tpu.dma_semaphore, #tpu.memory_space<semaphore_mem>>
      tpu.enqueue_dma source(%arg4 : memref<192xf32, #tpu.memory_space<hbm>>) target(%arg25 : memref<192xf32, #tpu.memory_space<vmem>>) target_semaphore(%run_scoped3A : memref<!tpu.dma_semaphore, #tpu.memory_space<semaphore_mem>>)
      tpu.wait_dma2 semaphore(%run_scoped3A : memref<!tpu.dma_semaphore, #tpu.memory_space<semaphore_mem>>) src(%arg4 : memref<192xf32, #tpu.memory_space<hbm>>) dst(%arg25 : memref<192xf32, #tpu.memory_space<vmem>>)
      tpu.yield
    }) : () -> ()
    "tpu.region"() ({
      %run_scoped3A = tpu.sem_alloc : memref<!tpu.dma_semaphore, #tpu.memory_space<semaphore_mem>>
      tpu.enqueue_dma source(%arg5 : memref<192xf32, #tpu.memory_space<hbm>>) target(%arg26 : memref<192xf32, #tpu.memory_space<vmem>>) target_semaphore(%run_scoped3A : memref<!tpu.dma_semaphore, #tpu.memory_space<semaphore_mem>>)
      tpu.wait_dma2 semaphore(%run_scoped3A : memref<!tpu.dma_semaphore, #tpu.memory_space<semaphore_mem>>) src(%arg5 : memref<192xf32, #tpu.memory_space<hbm>>) dst(%arg26 : memref<192xf32, #tpu.memory_space<vmem>>)
      tpu.yield
    }) : () -> ()
    "tpu.region"() ({
      %run_scoped3A = tpu.sem_alloc : memref<!tpu.dma_semaphore, #tpu.memory_space<semaphore_mem>>
      %dma_start3A = arith.constant 0 : i32
      %dma_start3A_2069 = tpu.memref_slice %arg30[%dma_start3A] : memref<48xf32, #tpu.memory_space<vmem>> -> memref<32xf32, #tpu.memory_space<vmem>>
      %dma_start3A_2070 = arith.constant 0 : i32
      %dma_start3A_2071 = tpu.memref_slice %arg30[%dma_start3A_2070] : memref<48xf32, #tpu.memory_space<vmem>> -> memref<32xf32, #tpu.memory_space<vmem>>
      tpu.enqueue_dma source(%arg6 : memref<32xf32, #tpu.memory_space<hbm>>) target(%dma_start3A_2071 : memref<32xf32, #tpu.memory_space<vmem>>) target_semaphore(%run_scoped3A : memref<!tpu.dma_semaphore, #tpu.memory_space<semaphore_mem>>)
      %dma_wait3A = arith.constant 0 : i32
      %dma_wait3A_2072 = tpu.memref_slice %arg30[%dma_wait3A] : memref<48xf32, #tpu.memory_space<vmem>> -> memref<32xf32, #tpu.memory_space<vmem>>
      %dma_wait3A_2073 = arith.constant 0 : i32
      %dma_wait3A_2074 = tpu.memref_slice %arg30[%dma_wait3A_2073] : memref<48xf32, #tpu.memory_space<vmem>> -> memref<32xf32, #tpu.memory_space<vmem>>
      tpu.wait_dma2 semaphore(%run_scoped3A : memref<!tpu.dma_semaphore, #tpu.memory_space<semaphore_mem>>) src(%arg6 : memref<32xf32, #tpu.memory_space<hbm>>) dst(%dma_wait3A_2074 : memref<32xf32, #tpu.memory_space<vmem>>)
      tpu.yield
    }) : () -> ()
    "tpu.region"() ({
      %run_scoped3A = tpu.sem_alloc : memref<!tpu.dma_semaphore, #tpu.memory_space<semaphore_mem>>
      %dma_start3A = arith.constant 0 : i32
      %dma_start3A_2069 = tpu.memref_slice %arg31[%dma_start3A] : memref<48xf32, #tpu.memory_space<vmem>> -> memref<32xf32, #tpu.memory_space<vmem>>
      %dma_start3A_2070 = arith.constant 0 : i32
      %dma_start3A_2071 = tpu.memref_slice %arg31[%dma_start3A_2070] : memref<48xf32, #tpu.memory_space<vmem>> -> memref<32xf32, #tpu.memory_space<vmem>>
      tpu.enqueue_dma source(%arg7 : memref<32xf32, #tpu.memory_space<hbm>>) target(%dma_start3A_2071 : memref<32xf32, #tpu.memory_space<vmem>>) target_semaphore(%run_scoped3A : memref<!tpu.dma_semaphore, #tpu.memory_space<semaphore_mem>>)
      %dma_wait3A = arith.constant 0 : i32
      %dma_wait3A_2072 = tpu.memref_slice %arg31[%dma_wait3A] : memref<48xf32, #tpu.memory_space<vmem>> -> memref<32xf32, #tpu.memory_space<vmem>>
      %dma_wait3A_2073 = arith.constant 0 : i32
      %dma_wait3A_2074 = tpu.memref_slice %arg31[%dma_wait3A_2073] : memref<48xf32, #tpu.memory_space<vmem>> -> memref<32xf32, #tpu.memory_space<vmem>>
      tpu.wait_dma2 semaphore(%run_scoped3A : memref<!tpu.dma_semaphore, #tpu.memory_space<semaphore_mem>>) src(%arg7 : memref<32xf32, #tpu.memory_space<hbm>>) dst(%dma_wait3A_2074 : memref<32xf32, #tpu.memory_space<vmem>>)
      tpu.yield
    }) : () -> ()
    %get3A = arith.constant 0 : index
    %get3A_1 = tpu.vector_load %arg24[%get3A] {strides = array<i32>} : memref<192xf32, #tpu.memory_space<vmem>>, vector<16xf32>,
    %add3A_2 = arith.constant 9.99999974E-5 : f32
    %add3A_3 = vector.broadcast %add3A_2 : f32 to vector<16xf32>
    %add3A_4 = arith.addf %get3A_1, %add3A_3 : vector<16xf32>
    %mul3A_5 = arith.constant 2.000000e+00 : f32
    %mul3A_6 = vector.broadcast %mul3A_5 : f32 to vector<16xf32>
    %mul3A_7 = arith.mulf %mul3A_6, %add3A_4 : vector<16xf32>
    %mul3A_8 = arith.mulf %mul3A_7, %add3A_4 : vector<16xf32>
    %div3A = arith.constant -1.000000e+00 : f32
    %div3A_9 = vector.broadcast %div3A : f32 to vector<16xf32>
    %div3A_10 = arith.divf %div3A_9, %mul3A_8 : vector<16xf32>
    %swap3A = arith.constant 0 : index
    %swap3A_11 = tpu.vector_load %arg29[%swap3A] {strides = array<i32>} : memref<208xf32, #tpu.memory_space<vmem>>, vector<16xf32>,
    tpu.vector_store %arg29[%swap3A], %div3A_10 {strides = array<i32>} : memref<208xf32, #tpu.memory_space<vmem>>, vector<16xf32>,
    %get3A_12 = arith.constant 0 : index
    %get3A_13 = tpu.vector_load %arg25[%get3A_12] {strides = array<i32>} : memref<192xf32, #tpu.memory_space<vmem>>, vector<16xf32>,
    %get3A_14 = arith.constant 0 : index
    %get3A_15 = tpu.vector_load %arg26[%get3A_14] {strides = array<i32>} : memref<192xf32, #tpu.memory_space<vmem>>, vector<16xf32>,
    %min3A = arith.minimumf %get3A_13, %get3A_15 : vector<16xf32>
    %swap3A_16 = arith.constant 0 : index
    %swap3A_17 = tpu.vector_load %arg27[%swap3A_16] {strides = array<i32>} : memref<208xf32, #tpu.memory_space<vmem>>, vector<16xf32>,
    tpu.vector_store %arg27[%swap3A_16], %min3A {strides = array<i32>} : memref<208xf32, #tpu.memory_space<vmem>>, vector<16xf32>,
    %get3A_18 = arith.constant 0 : index
    %get3A_19 = tpu.vector_load %arg25[%get3A_18] {strides = array<i32>} : memref<192xf32, #tpu.memory_space<vmem>>, vector<16xf32>,
    %get3A_20 = arith.constant 0 : index
    %get3A_21 = tpu.vector_load %arg26[%get3A_20] {strides = array<i32>} : memref<192xf32, #tpu.memory_space<vmem>>, vector<16xf32>,
    %max3A = arith.maximumf %get3A_19, %get3A_21 : vector<16xf32>
    %swap3A_22 = arith.constant 0 : index
    %swap3A_23 = tpu.vector_load %arg28[%swap3A_22] {strides = array<i32>} : memref<208xf32, #tpu.memory_space<vmem>>, vector<16xf32>,
    tpu.vector_store %arg28[%swap3A_22], %max3A {strides = array<i32>} : memref<208xf32, #tpu.memory_space<vmem>>, vector<16xf32>,
    %get3A_24 = arith.constant 16 : index
    %get3A_25 = tpu.vector_load %arg24[%get3A_24] {strides = array<i32>} : memref<192xf32, #tpu.memory_space<vmem>>, vector<16xf32>,
    %add3A_26 = arith.constant 9.99999974E-5 : f32
    %add3A_27 = vector.broadcast %add3A_26 : f32 to vector<16xf32>
    %add3A_28 = arith.addf %get3A_25, %add3A_27 : vector<16xf32>
    %mul3A_29 = arith.constant 2.000000e+00 : f32
    %mul3A_30 = vector.broadcast %mul3A_29 : f32 to vector<16xf32>
    %mul3A_31 = arith.mulf %mul3A_30, %add3A_28 : vector<16xf32>
    %mul3A_32 = arith.mulf %mul3A_31, %add3A_28 : vector<16xf32>
    %div3A_33 = arith.constant -1.000000e+00 : f32
    %div3A_34 = vector.broadcast %div3A_33 : f32 to vector<16xf32>
    %div3A_35 = arith.divf %div3A_34, %mul3A_32 : vector<16xf32>
    %swap3A_36 = arith.constant 16 : index
    %swap3A_37 = tpu.vector_load %arg29[%swap3A_36] {strides = array<i32>} : memref<208xf32, #tpu.memory_space<vmem>>, vector<16xf32>,
    tpu.vector_store %arg29[%swap3A_36], %div3A_35 {strides = array<i32>} : memref<208xf32, #tpu.memory_space<vmem>>, vector<16xf32>,
    %get3A_38 = arith.constant 16 : index
    %get3A_39 = tpu.vector_load %arg25[%get3A_38] {strides = array<i32>} : memref<192xf32, #tpu.memory_space<vmem>>, vector<16xf32>,
    %get3A_40 = arith.constant 16 : index
    %get3A_41 = tpu.vector_load %arg26[%get3A_40] {strides = array<i32>} : memref<192xf32, #tpu.memory_space<vmem>>, vector<16xf32>,
    %min3A_42 = arith.minimumf %get3A_39, %get3A_41 : vector<16xf32>
    %swap3A_43 = arith.constant 16 : index
    %swap3A_44 = tpu.vector_load %arg27[%swap3A_43] {strides = array<i32>} : memref<208xf32, #tpu.memory_space<vmem>>, vector<16xf32>,
    tpu.vector_store %arg27[%swap3A_43], %min3A_42 {strides = array<i32>} : memref<208xf32, #tpu.memory_space<vmem>>, vector<16xf32>,
    %get3A_45 = arith.constant 16 : index
    %get3A_46 = tpu.vector_load %arg25[%get3A_45] {strides = array<i32>} : memref<192xf32, #tpu.memory_space<vmem>>, vector<16xf32>,
    %get3A_47 = arith.constant 16 : index
    %get3A_48 = tpu.vector_load %arg26[%get3A_47] {strides = array<i32>} : memref<192xf32, #tpu.memory_space<vmem>>, vector<16xf32>,
    %max3A_49 = arith.maximumf %get3A_46, %get3A_48 : vector<16xf32>
    %swap3A_50 = arith.constant 16 : index
    %swap3A_51 = tpu.vector_load %arg28[%swap3A_50] {strides = array<i32>} : memref<208xf32, #tpu.memory_space<vmem>>, vector<16xf32>,
    tpu.vector_store %arg28[%swap3A_50], %max3A_49 {strides = array<i32>} : memref<208xf32, #tpu.memory_space<vmem>>, vector<16xf32>,
    %get3A_52 = arith.constant 32 : index
    %get3A_53 = tpu.vector_load %arg24[%get3A_52] {strides = array<i32>} : memref<192xf32, #tpu.memory_space<vmem>>, vector<16xf32>,
    %add3A_54 = arith.constant 9.99999974E-5 : f32
    %add3A_55 = vector.broadcast %add3A_54 : f32 to vector<16xf32>
    %add3A_56 = arith.addf %get3A_53, %add3A_55 : vector<16xf32>
    %mul3A_57 = arith.constant 2.000000e+00 : f32
    %mul3A_58 = vector.broadcast %mul3A_57 : f32 to vector<16xf32>
    %mul3A_59 = arith.mulf %mul3A_58, %add3A_56 : vector<16xf32>
    %mul3A_60 = arith.mulf %mul3A_59, %add3A_56 : vector<16xf32>
    %div3A_61 = arith.constant -1.000000e+00 : f32
    %div3A_62 = vector.broadcast %div3A_61 : f32 to vector<16xf32>
    %div3A_63 = arith.divf %div3A_62, %mul3A_60 : vector<16xf32>
    %swap3A_64 = arith.constant 32 : index
    %swap3A_65 = tpu.vector_load %arg29[%swap3A_64] {strides = array<i32>} : memref<208xf32, #tpu.memory_space<vmem>>, vector<16xf32>,
    tpu.vector_store %arg29[%swap3A_64], %div3A_63 {strides = array<i32>} : memref<208xf32, #tpu.memory_space<vmem>>, vector<16xf32>,
    %get3A_66 = arith.constant 32 : index
    %get3A_67 = tpu.vector_load %arg25[%get3A_66] {strides = array<i32>} : memref<192xf32, #tpu.memory_space<vmem>>, vector<16xf32>,
    %get3A_68 = arith.constant 32 : index
    %get3A_69 = tpu.vector_load %arg26[%get3A_68] {strides = array<i32>} : memref<192xf32, #tpu.memory_space<vmem>>, vector<16xf32>,
    %min3A_70 = arith.minimumf %get3A_67, %get3A_69 : vector<16xf32>
    %swap3A_71 = arith.constant 32 : index
    %swap3A_72 = tpu.vector_load %arg27[%swap3A_71] {strides = array<i32>} : memref<208xf32, #tpu.memory_space<vmem>>, vector<16xf32>,
    tpu.vector_store %arg27[%swap3A_71], %min3A_70 {strides = array<i32>} : memref<208xf32, #tpu.memory_space<vmem>>, vector<16xf32>,
    %get3A_73 = arith.constant 32 : index
    %get3A_74 = tpu.vector_load %arg25[%get3A_73] {strides = array<i32>} : memref<192xf32, #tpu.memory_space<vmem>>, vector<16xf32>,
    %get3A_75 = arith.constant 32 : index
    %get3A_76 = tpu.vector_load %arg26[%get3A_75] {strides = array<i32>} : memref<192xf32, #tpu.memory_space<vmem>>, vector<16xf32>,
    %max3A_77 = arith.maximumf %get3A_74, %get3A_76 : vector<16xf32>
    %swap3A_78 = arith.constant 32 : index
    %swap3A_79 = tpu.vector_load %arg28[%swap3A_78] {strides = array<i32>} : memref<208xf32, #tpu.memory_space<vmem>>, vector<16xf32>,
    tpu.vector_store %arg28[%swap3A_78], %max3A_77 {strides = array<i32>} : memref<208xf32, #tpu.memory_space<vmem>>, vector<16xf32>,
    %get3A_80 = arith.constant 48 : index
    %get3A_81 = tpu.vector_load %arg24[%get3A_80] {strides = array<i32>} : memref<192xf32, #tpu.memory_space<vmem>>, vector<16xf32>,
    %add3A_82 = arith.constant 9.99999974E-5 : f32
    %add3A_83 = vector.broadcast %add3A_82 : f32 to vector<16xf32>
    %add3A_84 = arith.addf %get3A_81, %add3A_83 : vector<16xf32>
    %mul3A_85 = arith.constant 2.000000e+00 : f32
    %mul3A_86 = vector.broadcast %mul3A_85 : f32 to vector<16xf32>
    %mul3A_87 = arith.mulf %mul3A_86, %add3A_84 : vector<16xf32>
    %mul3A_88 = arith.mulf %mul3A_87, %add3A_84 : vector<16xf32>
    %div3A_89 = arith.constant -1.000000e+00 : f32
    %div3A_90 = vector.broadcast %div3A_89 : f32 to vector<16xf32>
    %div3A_91 = arith.divf %div3A_90, %mul3A_88 : vector<16xf32>
    %swap3A_92 = arith.constant 48 : index
    %swap3A_93 = tpu.vector_load %arg29[%swap3A_92] {strides = array<i32>} : memref<208xf32, #tpu.memory_space<vmem>>, vector<16xf32>,
    tpu.vector_store %arg29[%swap3A_92], %div3A_91 {strides = array<i32>} : memref<208xf32, #tpu.memory_space<vmem>>, vector<16xf32>,
    %get3A_94 = arith.constant 48 : index
    %get3A_95 = tpu.vector_load %arg25[%get3A_94] {strides = array<i32>} : memref<192xf32, #tpu.memory_space<vmem>>, vector<16xf32>,
    %get3A_96 = arith.constant 48 : index
    %get3A_97 = tpu.vector_load %arg26[%get3A_96] {strides = array<i32>} : memref<192xf32, #tpu.memory_space<vmem>>, vector<16xf32>,
    %min3A_98 = arith.minimumf %get3A_95, %get3A_97 : vector<16xf32>
    %swap3A_99 = arith.constant 48 : index
    %swap3A_100 = tpu.vector_load %arg27[%swap3A_99] {strides = array<i32>} : memref<208xf32, #tpu.memory_space<vmem>>, vector<16xf32>,
    tpu.vector_store %arg27[%swap3A_99], %min3A_98 {strides = array<i32>} : memref<208xf32, #tpu.memory_space<vmem>>, vector<16xf32>,
    %get3A_101 = arith.constant 48 : index
    %get3A_102 = tpu.vector_load %arg25[%get3A_101] {strides = array<i32>} : memref<192xf32, #tpu.memory_space<vmem>>, vector<16xf32>,
    %get3A_103 = arith.constant 48 : index
    %get3A_104 = tpu.vector_load %arg26[%get3A_103] {strides = array<i32>} : memref<192xf32, #tpu.memory_space<vmem>>, vector<16xf32>,
    %max3A_105 = arith.maximumf %get3A_102, %get3A_104 : vector<16xf32>
    %swap3A_106 = arith.constant 48 : index
    %swap3A_107 = tpu.vector_load %arg28[%swap3A_106] {strides = array<i32>} : memref<208xf32, #tpu.memory_space<vmem>>, vector<16xf32>,
    tpu.vector_store %arg28[%swap3A_106], %max3A_105 {strides = array<i32>} : memref<208xf32, #tpu.memory_space<vmem>>, vector<16xf32>,
    %get3A_108 = arith.constant 64 : index
    %get3A_109 = tpu.vector_load %arg24[%get3A_108] {strides = array<i32>} : memref<192xf32, #tpu.memory_space<vmem>>, vector<16xf32>,
    %add3A_110 = arith.constant 9.99999974E-5 : f32
    %add3A_111 = vector.broadcast %add3A_110 : f32 to vector<16xf32>
    %add3A_112 = arith.addf %get3A_109, %add3A_111 : vector<16xf32>
    %mul3A_113 = arith.constant 2.000000e+00 : f32
    %mul3A_114 = vector.broadcast %mul3A_113 : f32 to vector<16xf32>
    %mul3A_115 = arith.mulf %mul3A_114, %add3A_112 : vector<16xf32>
    %mul3A_116 = arith.mulf %mul3A_115, %add3A_112 : vector<16xf32>
    %div3A_117 = arith.constant -1.000000e+00 : f32
    %div3A_118 = vector.broadcast %div3A_117 : f32 to vector<16xf32>
    %div3A_119 = arith.divf %div3A_118, %mul3A_116 : vector<16xf32>
    %swap3A_120 = arith.constant 64 : index
    %swap3A_121 = tpu.vector_load %arg29[%swap3A_120] {strides = array<i32>} : memref<208xf32, #tpu.memory_space<vmem>>, vector<16xf32>,
    tpu.vector_store %arg29[%swap3A_120], %div3A_119 {strides = array<i32>} : memref<208xf32, #tpu.memory_space<vmem>>, vector<16xf32>,
    %get3A_122 = arith.constant 64 : index
    %get3A_123 = tpu.vector_load %arg25[%get3A_122] {strides = array<i32>} : memref<192xf32, #tpu.memory_space<vmem>>, vector<16xf32>,
    %get3A_124 = arith.constant 64 : index
    %get3A_125 = tpu.vector_load %arg26[%get3A_124] {strides = array<i32>} : memref<192xf32, #tpu.memory_space<vmem>>, vector<16xf32>,
    %min3A_126 = arith.minimumf %get3A_123, %get3A_125 : vector<16xf32>
    %swap3A_127 = arith.constant 64 : index
    %swap3A_128 = tpu.vector_load %arg27[%swap3A_127] {strides = array<i32>} : memref<208xf32, #tpu.memory_space<vmem>>, vector<16xf32>,
    tpu.vector_store %arg27[%swap3A_127], %min3A_126 {strides = array<i32>} : memref<208xf32, #tpu.memory_space<vmem>>, vector<16xf32>,
    %get3A_129 = arith.constant 64 : index
    %get3A_130 = tpu.vector_load %arg25[%get3A_129] {strides = array<i32>} : memref<192xf32, #tpu.memory_space<vmem>>, vector<16xf32>,
    %get3A_131 = arith.constant 64 : index
    %get3A_132 = tpu.vector_load %arg26[%get3A_131] {strides = array<i32>} : memref<192xf32, #tpu.memory_space<vmem>>, vector<16xf32>,
    %max3A_133 = arith.maximumf %get3A_130, %get3A_132 : vector<16xf32>
    %swap3A_134 = arith.constant 64 : index
    %swap3A_135 = tpu.vector_load %arg28[%swap3A_134] {strides = array<i32>} : memref<208xf32, #tpu.memory_space<vmem>>, vector<16xf32>,
    tpu.vector_store %arg28[%swap3A_134], %max3A_133 {strides = array<i32>} : memref<208xf32, #tpu.memory_space<vmem>>, vector<16xf32>,
    %get3A_136 = arith.constant 80 : index
    %get3A_137 = tpu.vector_load %arg24[%get3A_136] {strides = array<i32>} : memref<192xf32, #tpu.memory_space<vmem>>, vector<16xf32>,
    %add3A_138 = arith.constant 9.99999974E-5 : f32
    %add3A_139 = vector.broadcast %add3A_138 : f32 to vector<16xf32>
    %add3A_140 = arith.addf %get3A_137, %add3A_139 : vector<16xf32>
    %mul3A_141 = arith.constant 2.000000e+00 : f32
    %mul3A_142 = vector.broadcast %mul3A_141 : f32 to vector<16xf32>
    %mul3A_143 = arith.mulf %mul3A_142, %add3A_140 : vector<16xf32>
    %mul3A_144 = arith.mulf %mul3A_143, %add3A_140 : vector<16xf32>
    %div3A_145 = arith.constant -1.000000e+00 : f32
    %div3A_146 = vector.broadcast %div3A_145 : f32 to vector<16xf32>
    %div3A_147 = arith.divf %div3A_146, %mul3A_144 : vector<16xf32>
    %swap3A_148 = arith.constant 80 : index
    %swap3A_149 = tpu.vector_load %arg29[%swap3A_148] {strides = array<i32>} : memref<208xf32, #tpu.memory_space<vmem>>, vector<16xf32>,
    tpu.vector_store %arg29[%swap3A_148], %div3A_147 {strides = array<i32>} : memref<208xf32, #tpu.memory_space<vmem>>, vector<16xf32>,
    %get3A_150 = arith.constant 80 : index
    %get3A_151 = tpu.vector_load %arg25[%get3A_150] {strides = array<i32>} : memref<192xf32, #tpu.memory_space<vmem>>, vector<16xf32>,
    %get3A_152 = arith.constant 80 : index
    %get3A_153 = tpu.vector_load %arg26[%get3A_152] {strides = array<i32>} : memref<192xf32, #tpu.memory_space<vmem>>, vector<16xf32>,
    %min3A_154 = arith.minimumf %get3A_151, %get3A_153 : vector<16xf32>
    %swap3A_155 = arith.constant 80 : index
    %swap3A_156 = tpu.vector_load %arg27[%swap3A_155] {strides = array<i32>} : memref<208xf32, #tpu.memory_space<vmem>>, vector<16xf32>,
    tpu.vector_store %arg27[%swap3A_155], %min3A_154 {strides = array<i32>} : memref<208xf32, #tpu.memory_space<vmem>>, vector<16xf32>,
    %get3A_157 = arith.constant 80 : index
    %get3A_158 = tpu.vector_load %arg25[%get3A_157] {strides = array<i32>} : memref<192xf32, #tpu.memory_space<vmem>>, vector<16xf32>,
    %get3A_159 = arith.constant 80 : index
    %get3A_160 = tpu.vector_load %arg26[%get3A_159] {strides = array<i32>} : memref<192xf32, #tpu.memory_space<vmem>>, vector<16xf32>,
    %max3A_161 = arith.maximumf %get3A_158, %get3A_160 : vector<16xf32>
    %swap3A_162 = arith.constant 80 : index
    %swap3A_163 = tpu.vector_load %arg28[%swap3A_162] {strides = array<i32>} : memref<208xf32, #tpu.memory_space<vmem>>, vector<16xf32>,
    tpu.vector_store %arg28[%swap3A_162], %max3A_161 {strides = array<i32>} : memref<208xf32, #tpu.memory_space<vmem>>, vector<16xf32>,
    %get3A_164 = arith.constant 96 : index
    %get3A_165 = tpu.vector_load %arg24[%get3A_164] {strides = array<i32>} : memref<192xf32, #tpu.memory_space<vmem>>, vector<16xf32>,
    %add3A_166 = arith.constant 9.99999974E-5 : f32
    %add3A_167 = vector.broadcast %add3A_166 : f32 to vector<16xf32>
    %add3A_168 = arith.addf %get3A_165, %add3A_167 : vector<16xf32>
    %mul3A_169 = arith.constant 2.000000e+00 : f32
    %mul3A_170 = vector.broadcast %mul3A_169 : f32 to vector<16xf32>
    %mul3A_171 = arith.mulf %mul3A_170, %add3A_168 : vector<16xf32>
    %mul3A_172 = arith.mulf %mul3A_171, %add3A_168 : vector<16xf32>
    %div3A_173 = arith.constant -1.000000e+00 : f32
    %div3A_174 = vector.broadcast %div3A_173 : f32 to vector<16xf32>
    %div3A_175 = arith.divf %div3A_174, %mul3A_172 : vector<16xf32>
    %swap3A_176 = arith.constant 96 : index
    %swap3A_177 = tpu.vector_load %arg29[%swap3A_176] {strides = array<i32>} : memref<208xf32, #tpu.memory_space<vmem>>, vector<16xf32>,
    tpu.vector_store %arg29[%swap3A_176], %div3A_175 {strides = array<i32>} : memref<208xf32, #tpu.memory_space<vmem>>, vector<16xf32>,
    %get3A_178 = arith.constant 96 : index
    %get3A_179 = tpu.vector_load %arg25[%get3A_178] {strides = array<i32>} : memref<192xf32, #tpu.memory_space<vmem>>, vector<16xf32>,
    %get3A_180 = arith.constant 96 : index
    %get3A_181 = tpu.vector_load %arg26[%get3A_180] {strides = array<i32>} : memref<192xf32, #tpu.memory_space<vmem>>, vector<16xf32>,
    %min3A_182 = arith.minimumf %get3A_179, %get3A_181 : vector<16xf32>
    %swap3A_183 = arith.constant 96 : index
    %swap3A_184 = tpu.vector_load %arg27[%swap3A_183] {strides = array<i32>} : memref<208xf32, #tpu.memory_space<vmem>>, vector<16xf32>,
    tpu.vector_store %arg27[%swap3A_183], %min3A_182 {strides = array<i32>} : memref<208xf32, #tpu.memory_space<vmem>>, vector<16xf32>,
    %get3A_185 = arith.constant 96 : index
    %get3A_186 = tpu.vector_load %arg25[%get3A_185] {strides = array<i32>} : memref<192xf32, #tpu.memory_space<vmem>>, vector<16xf32>,
    %get3A_187 = arith.constant 96 : index
    %get3A_188 = tpu.vector_load %arg26[%get3A_187] {strides = array<i32>} : memref<192xf32, #tpu.memory_space<vmem>>, vector<16xf32>,
    %max3A_189 = arith.maximumf %get3A_186, %get3A_188 : vector<16xf32>
    %swap3A_190 = arith.constant 96 : index
    %swap3A_191 = tpu.vector_load %arg28[%swap3A_190] {strides = array<i32>} : memref<208xf32, #tpu.memory_space<vmem>>, vector<16xf32>,
    tpu.vector_store %arg28[%swap3A_190], %max3A_189 {strides = array<i32>} : memref<208xf32, #tpu.memory_space<vmem>>, vector<16xf32>,
    %get3A_192 = arith.constant 112 : index
    %get3A_193 = tpu.vector_load %arg24[%get3A_192] {strides = array<i32>} : memref<192xf32, #tpu.memory_space<vmem>>, vector<16xf32>,
    %add3A_194 = arith.constant 9.99999974E-5 : f32
    %add3A_195 = vector.broadcast %add3A_194 : f32 to vector<16xf32>
    %add3A_196 = arith.addf %get3A_193, %add3A_195 : vector<16xf32>
    %mul3A_197 = arith.constant 2.000000e+00 : f32
    %mul3A_198 = vector.broadcast %mul3A_197 : f32 to vector<16xf32>
    %mul3A_199 = arith.mulf %mul3A_198, %add3A_196 : vector<16xf32>
    %mul3A_200 = arith.mulf %mul3A_199, %add3A_196 : vector<16xf32>
    %div3A_201 = arith.constant -1.000000e+00 : f32
    %div3A_202 = vector.broadcast %div3A_201 : f32 to vector<16xf32>
    %div3A_203 = arith.divf %div3A_202, %mul3A_200 : vector<16xf32>
    %swap3A_204 = arith.constant 112 : index
    %swap3A_205 = tpu.vector_load %arg29[%swap3A_204] {strides = array<i32>} : memref<208xf32, #tpu.memory_space<vmem>>, vector<16xf32>,
    tpu.vector_store %arg29[%swap3A_204], %div3A_203 {strides = array<i32>} : memref<208xf32, #tpu.memory_space<vmem>>, vector<16xf32>,
    %get3A_206 = arith.constant 112 : index
    %get3A_207 = tpu.vector_load %arg25[%get3A_206] {strides = array<i32>} : memref<192xf32, #tpu.memory_space<vmem>>, vector<16xf32>,
    %get3A_208 = arith.constant 112 : index
    %get3A_209 = tpu.vector_load %arg26[%get3A_208] {strides = array<i32>} : memref<192xf32, #tpu.memory_space<vmem>>, vector<16xf32>,
    %min3A_210 = arith.minimumf %get3A_207, %get3A_209 : vector<16xf32>
    %swap3A_211 = arith.constant 112 : index
    %swap3A_212 = tpu.vector_load %arg27[%swap3A_211] {strides = array<i32>} : memref<208xf32, #tpu.memory_space<vmem>>, vector<16xf32>,
    tpu.vector_store %arg27[%swap3A_211], %min3A_210 {strides = array<i32>} : memref<208xf32, #tpu.memory_space<vmem>>, vector<16xf32>,
    %get3A_213 = arith.constant 112 : index
    %get3A_214 = tpu.vector_load %arg25[%get3A_213] {strides = array<i32>} : memref<192xf32, #tpu.memory_space<vmem>>, vector<16xf32>,
    %get3A_215 = arith.constant 112 : index
    %get3A_216 = tpu.vector_load %arg26[%get3A_215] {strides = array<i32>} : memref<192xf32, #tpu.memory_space<vmem>>, vector<16xf32>,
    %max3A_217 = arith.maximumf %get3A_214, %get3A_216 : vector<16xf32>
    %swap3A_218 = arith.constant 112 : index
    %swap3A_219 = tpu.vector_load %arg28[%swap3A_218] {strides = array<i32>} : memref<208xf32, #tpu.memory_space<vmem>>, vector<16xf32>,
    tpu.vector_store %arg28[%swap3A_218], %max3A_217 {strides = array<i32>} : memref<208xf32, #tpu.memory_space<vmem>>, vector<16xf32>,
    %get3A_220 = arith.constant 128 : index
    %get3A_221 = tpu.vector_load %arg24[%get3A_220] {strides = array<i32>} : memref<192xf32, #tpu.memory_space<vmem>>, vector<16xf32>,
    %add3A_222 = arith.constant 9.99999974E-5 : f32
    %add3A_223 = vector.broadcast %add3A_222 : f32 to vector<16xf32>
    %add3A_224 = arith.addf %get3A_221, %add3A_223 : vector<16xf32>
    %mul3A_225 = arith.constant 2.000000e+00 : f32
    %mul3A_226 = vector.broadcast %mul3A_225 : f32 to vector<16xf32>
    %mul3A_227 = arith.mulf %mul3A_226, %add3A_224 : vector<16xf32>
    %mul3A_228 = arith.mulf %mul3A_227, %add3A_224 : vector<16xf32>
    %div3A_229 = arith.constant -1.000000e+00 : f32
    %div3A_230 = vector.broadcast %div3A_229 : f32 to vector<16xf32>
    %div3A_231 = arith.divf %div3A_230, %mul3A_228 : vector<16xf32>
    %swap3A_232 = arith.constant 128 : index
    %swap3A_233 = tpu.vector_load %arg29[%swap3A_232] {strides = array<i32>} : memref<208xf32, #tpu.memory_space<vmem>>, vector<16xf32>,
    tpu.vector_store %arg29[%swap3A_232], %div3A_231 {strides = array<i32>} : memref<208xf32, #tpu.memory_space<vmem>>, vector<16xf32>,
    %get3A_234 = arith.constant 128 : index
    %get3A_235 = tpu.vector_load %arg25[%get3A_234] {strides = array<i32>} : memref<192xf32, #tpu.memory_space<vmem>>, vector<16xf32>,
    %get3A_236 = arith.constant 128 : index
    %get3A_237 = tpu.vector_load %arg26[%get3A_236] {strides = array<i32>} : memref<192xf32, #tpu.memory_space<vmem>>, vector<16xf32>,
    %min3A_238 = arith.minimumf %get3A_235, %get3A_237 : vector<16xf32>
    %swap3A_239 = arith.constant 128 : index
    %swap3A_240 = tpu.vector_load %arg27[%swap3A_239] {strides = array<i32>} : memref<208xf32, #tpu.memory_space<vmem>>, vector<16xf32>,
    tpu.vector_store %arg27[%swap3A_239], %min3A_238 {strides = array<i32>} : memref<208xf32, #tpu.memory_space<vmem>>, vector<16xf32>,
    %get3A_241 = arith.constant 128 : index
    %get3A_242 = tpu.vector_load %arg25[%get3A_241] {strides = array<i32>} : memref<192xf32, #tpu.memory_space<vmem>>, vector<16xf32>,
    %get3A_243 = arith.constant 128 : index
    %get3A_244 = tpu.vector_load %arg26[%get3A_243] {strides = array<i32>} : memref<192xf32, #tpu.memory_space<vmem>>, vector<16xf32>,
    %max3A_245 = arith.maximumf %get3A_242, %get3A_244 : vector<16xf32>
    %swap3A_246 = arith.constant 128 : index
    %swap3A_247 = tpu.vector_load %arg28[%swap3A_246] {strides = array<i32>} : memref<208xf32, #tpu.memory_space<vmem>>, vector<16xf32>,
    tpu.vector_store %arg28[%swap3A_246], %max3A_245 {strides = array<i32>} : memref<208xf32, #tpu.memory_space<vmem>>, vector<16xf32>,
    %get3A_248 = arith.constant 144 : index
    %get3A_249 = tpu.vector_load %arg24[%get3A_248] {strides = array<i32>} : memref<192xf32, #tpu.memory_space<vmem>>, vector<16xf32>,
    %add3A_250 = arith.constant 9.99999974E-5 : f32
    %add3A_251 = vector.broadcast %add3A_250 : f32 to vector<16xf32>
    %add3A_252 = arith.addf %get3A_249, %add3A_251 : vector<16xf32>
    %mul3A_253 = arith.constant 2.000000e+00 : f32
    %mul3A_254 = vector.broadcast %mul3A_253 : f32 to vector<16xf32>
    %mul3A_255 = arith.mulf %mul3A_254, %add3A_252 : vector<16xf32>
    %mul3A_256 = arith.mulf %mul3A_255, %add3A_252 : vector<16xf32>
    %div3A_257 = arith.constant -1.000000e+00 : f32
    %div3A_258 = vector.broadcast %div3A_257 : f32 to vector<16xf32>
    %div3A_259 = arith.divf %div3A_258, %mul3A_256 : vector<16xf32>
    %swap3A_260 = arith.constant 144 : index
    %swap3A_261 = tpu.vector_load %arg29[%swap3A_260] {strides = array<i32>} : memref<208xf32, #tpu.memory_space<vmem>>, vector<16xf32>,
    tpu.vector_store %arg29[%swap3A_260], %div3A_259 {strides = array<i32>} : memref<208xf32, #tpu.memory_space<vmem>>, vector<16xf32>,
    %get3A_262 = arith.constant 144 : index
    %get3A_263 = tpu.vector_load %arg25[%get3A_262] {strides = array<i32>} : memref<192xf32, #tpu.memory_space<vmem>>, vector<16xf32>,
    %get3A_264 = arith.constant 144 : index
    %get3A_265 = tpu.vector_load %arg26[%get3A_264] {strides = array<i32>} : memref<192xf32, #tpu.memory_space<vmem>>, vector<16xf32>,
    %min3A_266 = arith.minimumf %get3A_263, %get3A_265 : vector<16xf32>
    %swap3A_267 = arith.constant 144 : index
    %swap3A_268 = tpu.vector_load %arg27[%swap3A_267] {strides = array<i32>} : memref<208xf32, #tpu.memory_space<vmem>>, vector<16xf32>,
    tpu.vector_store %arg27[%swap3A_267], %min3A_266 {strides = array<i32>} : memref<208xf32, #tpu.memory_space<vmem>>, vector<16xf32>,
    %get3A_269 = arith.constant 144 : index
    %get3A_270 = tpu.vector_load %arg25[%get3A_269] {strides = array<i32>} : memref<192xf32, #tpu.memory_space<vmem>>, vector<16xf32>,
    %get3A_271 = arith.constant 144 : index
    %get3A_272 = tpu.vector_load %arg26[%get3A_271] {strides = array<i32>} : memref<192xf32, #tpu.memory_space<vmem>>, vector<16xf32>,
    %max3A_273 = arith.maximumf %get3A_270, %get3A_272 : vector<16xf32>
    %swap3A_274 = arith.constant 144 : index
    %swap3A_275 = tpu.vector_load %arg28[%swap3A_274] {strides = array<i32>} : memref<208xf32, #tpu.memory_space<vmem>>, vector<16xf32>,
    tpu.vector_store %arg28[%swap3A_274], %max3A_273 {strides = array<i32>} : memref<208xf32, #tpu.memory_space<vmem>>, vector<16xf32>,
    %get3A_276 = arith.constant 160 : index
    %get3A_277 = tpu.vector_load %arg24[%get3A_276] {strides = array<i32>} : memref<192xf32, #tpu.memory_space<vmem>>, vector<16xf32>,
    %add3A_278 = arith.constant 9.99999974E-5 : f32
    %add3A_279 = vector.broadcast %add3A_278 : f32 to vector<16xf32>
    %add3A_280 = arith.addf %get3A_277, %add3A_279 : vector<16xf32>
    %mul3A_281 = arith.constant 2.000000e+00 : f32
    %mul3A_282 = vector.broadcast %mul3A_281 : f32 to vector<16xf32>
    %mul3A_283 = arith.mulf %mul3A_282, %add3A_280 : vector<16xf32>
    %mul3A_284 = arith.mulf %mul3A_283, %add3A_280 : vector<16xf32>
    %div3A_285 = arith.constant -1.000000e+00 : f32
    %div3A_286 = vector.broadcast %div3A_285 : f32 to vector<16xf32>
    %div3A_287 = arith.divf %div3A_286, %mul3A_284 : vector<16xf32>
    %swap3A_288 = arith.constant 160 : index
    %swap3A_289 = tpu.vector_load %arg29[%swap3A_288] {strides = array<i32>} : memref<208xf32, #tpu.memory_space<vmem>>, vector<16xf32>,
    tpu.vector_store %arg29[%swap3A_288], %div3A_287 {strides = array<i32>} : memref<208xf32, #tpu.memory_space<vmem>>, vector<16xf32>,
    %get3A_290 = arith.constant 160 : index
    %get3A_291 = tpu.vector_load %arg25[%get3A_290] {strides = array<i32>} : memref<192xf32, #tpu.memory_space<vmem>>, vector<16xf32>,
    %get3A_292 = arith.constant 160 : index
    %get3A_293 = tpu.vector_load %arg26[%get3A_292] {strides = array<i32>} : memref<192xf32, #tpu.memory_space<vmem>>, vector<16xf32>,
    %min3A_294 = arith.minimumf %get3A_291, %get3A_293 : vector<16xf32>
    %swap3A_295 = arith.constant 160 : index
    %swap3A_296 = tpu.vector_load %arg27[%swap3A_295] {strides = array<i32>} : memref<208xf32, #tpu.memory_space<vmem>>, vector<16xf32>,
    tpu.vector_store %arg27[%swap3A_295], %min3A_294 {strides = array<i32>} : memref<208xf32, #tpu.memory_space<vmem>>, vector<16xf32>,
    %get3A_297 = arith.constant 160 : index
    %get3A_298 = tpu.vector_load %arg25[%get3A_297] {strides = array<i32>} : memref<192xf32, #tpu.memory_space<vmem>>, vector<16xf32>,
    %get3A_299 = arith.constant 160 : index
    %get3A_300 = tpu.vector_load %arg26[%get3A_299] {strides = array<i32>} : memref<192xf32, #tpu.memory_space<vmem>>, vector<16xf32>,
    %max3A_301 = arith.maximumf %get3A_298, %get3A_300 : vector<16xf32>
    %swap3A_302 = arith.constant 160 : index
    %swap3A_303 = tpu.vector_load %arg28[%swap3A_302] {strides = array<i32>} : memref<208xf32, #tpu.memory_space<vmem>>, vector<16xf32>,
    tpu.vector_store %arg28[%swap3A_302], %max3A_301 {strides = array<i32>} : memref<208xf32, #tpu.memory_space<vmem>>, vector<16xf32>,
    %get3A_304 = arith.constant 176 : index
    %get3A_305 = tpu.vector_load %arg24[%get3A_304] {strides = array<i32>} : memref<192xf32, #tpu.memory_space<vmem>>, vector<16xf32>,
    %add3A_306 = arith.constant 9.99999974E-5 : f32
    %add3A_307 = vector.broadcast %add3A_306 : f32 to vector<16xf32>
    %add3A_308 = arith.addf %get3A_305, %add3A_307 : vector<16xf32>
    %mul3A_309 = arith.constant 2.000000e+00 : f32
    %mul3A_310 = vector.broadcast %mul3A_309 : f32 to vector<16xf32>
    %mul3A_311 = arith.mulf %mul3A_310, %add3A_308 : vector<16xf32>
    %mul3A_312 = arith.mulf %mul3A_311, %add3A_308 : vector<16xf32>
    %div3A_313 = arith.constant -1.000000e+00 : f32
    %div3A_314 = vector.broadcast %div3A_313 : f32 to vector<16xf32>
    %div3A_315 = arith.divf %div3A_314, %mul3A_312 : vector<16xf32>
    %swap3A_316 = arith.constant 176 : index
    %swap3A_317 = tpu.vector_load %arg29[%swap3A_316] {strides = array<i32>} : memref<208xf32, #tpu.memory_space<vmem>>, vector<16xf32>,
    tpu.vector_store %arg29[%swap3A_316], %div3A_315 {strides = array<i32>} : memref<208xf32, #tpu.memory_space<vmem>>, vector<16xf32>,
    %get3A_318 = arith.constant 176 : index
    %get3A_319 = tpu.vector_load %arg25[%get3A_318] {strides = array<i32>} : memref<192xf32, #tpu.memory_space<vmem>>, vector<16xf32>,
    %get3A_320 = arith.constant 176 : index
    %get3A_321 = tpu.vector_load %arg26[%get3A_320] {strides = array<i32>} : memref<192xf32, #tpu.memory_space<vmem>>, vector<16xf32>,
    %min3A_322 = arith.minimumf %get3A_319, %get3A_321 : vector<16xf32>
    %swap3A_323 = arith.constant 176 : index
    %swap3A_324 = tpu.vector_load %arg27[%swap3A_323] {strides = array<i32>} : memref<208xf32, #tpu.memory_space<vmem>>, vector<16xf32>,
    tpu.vector_store %arg27[%swap3A_323], %min3A_322 {strides = array<i32>} : memref<208xf32, #tpu.memory_space<vmem>>, vector<16xf32>,
    %get3A_325 = arith.constant 176 : index
    %get3A_326 = tpu.vector_load %arg25[%get3A_325] {strides = array<i32>} : memref<192xf32, #tpu.memory_space<vmem>>, vector<16xf32>,
    %get3A_327 = arith.constant 176 : index
    %get3A_328 = tpu.vector_load %arg26[%get3A_327] {strides = array<i32>} : memref<192xf32, #tpu.memory_space<vmem>>, vector<16xf32>,
    %max3A_329 = arith.maximumf %get3A_326, %get3A_328 : vector<16xf32>
    %swap3A_330 = arith.constant 176 : index
    %swap3A_331 = tpu.vector_load %arg28[%swap3A_330] {strides = array<i32>} : memref<208xf32, #tpu.memory_space<vmem>>, vector<16xf32>,
    tpu.vector_store %arg28[%swap3A_330], %max3A_329 {strides = array<i32>} : memref<208xf32, #tpu.memory_space<vmem>>, vector<16xf32>,
    %iota3A = tpu.iota {dimensions = array<i32: 0>} : vector<16xi32>
    %get3A_332 = arith.constant 0 : index
    %get3A_333 = tpu.vector_load %arg30[%get3A_332] {strides = array<i32>} : memref<48xf32, #tpu.memory_space<vmem>>, vector<16xf32>,
    %get3A_334 = arith.constant 16 : index
    %get3A_335 = tpu.vector_load %arg30[%get3A_334] {strides = array<i32>} : memref<48xf32, #tpu.memory_space<vmem>>, vector<16xf32>,
    %broadcast_in_dim3A = arith.constant 1 : i32
    %broadcast_in_dim3A_336 = vector.broadcast %broadcast_in_dim3A : i32 to vector<16xi32>
    %broadcast_in_dim3A_337 = arith.constant 0 : i32
    %broadcast_in_dim3A_338 = vector.broadcast %broadcast_in_dim3A_337 : i32 to vector<16xi32>
    %add3A_339 = arith.constant 16 : i32
    %add3A_340 = vector.broadcast %add3A_339 : i32 to vector<16xi32>
    %add3A_341 = arith.addi %iota3A, %add3A_340 : vector<16xi32>
    %get3A_342 = arith.constant 0 : index
    %get3A_343 = tpu.vector_load %arg30[%get3A_342] {strides = array<i32>} : memref<48xf32, #tpu.memory_space<vmem>>, vector<16xf32>,
    %slice3A = vector.extract_strided_slice %get3A_343 {offsets = [0], sizes = [1], strides = [1]} : vector<16xf32> to vector<1xf32>
    %squeeze3A = vector.extract %slice3A[0] : f32 from vector<1xf32>
    %gt3A = arith.constant 0 : i32
    %gt3A_344 = vector.broadcast %gt3A : i32 to vector<16xi32>
    %gt3A_345 = arith.cmpi sgt, %iota3A, %gt3A_344 : vector<16xi32>
    %select_n3A = arith.select %gt3A_345, %broadcast_in_dim3A_336, %broadcast_in_dim3A_338 : vector<16xi1>, vector<16xi32>
    %gt3A_346 = arith.constant 0 : i32
    %gt3A_347 = vector.broadcast %gt3A_346 : i32 to vector<16xi32>
    %gt3A_348 = arith.cmpi sgt, %add3A_341, %gt3A_347 : vector<16xi32>
    %select_n3A_349 = arith.select %gt3A_348, %broadcast_in_dim3A_336, %broadcast_in_dim3A_338 : vector<16xi1>, vector<16xi32>
    %lt3A = vector.broadcast %squeeze3A : f32 to vector<16xf32>
    %lt3A_350 = arith.cmpf olt, %lt3A, %get3A_333 : vector<16xf32>
    %eq3A = vector.broadcast %squeeze3A : f32 to vector<16xf32>
    %eq3A_351 = arith.cmpf oeq, %eq3A, %get3A_333 : vector<16xf32>
    %select_n3A_352 = arith.select %eq3A_351, %select_n3A, %broadcast_in_dim3A_338 : vector<16xi1>, vector<16xi32>
    %select_n3A_353 = arith.select %lt3A_350, %broadcast_in_dim3A_336, %select_n3A_352 : vector<16xi1>, vector<16xi32>
    %add3A_354 = arith.addi %broadcast_in_dim3A_338, %select_n3A_353 : vector<16xi32>
    %lt3A_355 = vector.broadcast %squeeze3A : f32 to vector<16xf32>
    %lt3A_356 = arith.cmpf olt, %lt3A_355, %get3A_335 : vector<16xf32>
    %eq3A_357 = vector.broadcast %squeeze3A : f32 to vector<16xf32>
    %eq3A_358 = arith.cmpf oeq, %eq3A_357, %get3A_335 : vector<16xf32>
    %select_n3A_359 = arith.select %eq3A_358, %select_n3A_349, %broadcast_in_dim3A_338 : vector<16xi1>, vector<16xi32>
    %select_n3A_360 = arith.select %lt3A_356, %broadcast_in_dim3A_336, %select_n3A_359 : vector<16xi1>, vector<16xi32>
    %add3A_361 = arith.addi %broadcast_in_dim3A_338, %select_n3A_360 : vector<16xi32>
    %get3A_362 = arith.constant 1 : index
    %get3A_363 = tpu.vector_load %arg30[%get3A_362] {strides = array<i32>} : memref<48xf32, #tpu.memory_space<vmem>>, vector<16xf32>,
    %slice3A_364 = vector.extract_strided_slice %get3A_363 {offsets = [0], sizes = [1], strides = [1]} : vector<16xf32> to vector<1xf32>
    %squeeze3A_365 = vector.extract %slice3A_364[0] : f32 from vector<1xf32>
    %gt3A_366 = arith.constant 1 : i32
    %gt3A_367 = vector.broadcast %gt3A_366 : i32 to vector<16xi32>
    %gt3A_368 = arith.cmpi sgt, %iota3A, %gt3A_367 : vector<16xi32>
    %select_n3A_369 = arith.select %gt3A_368, %broadcast_in_dim3A_336, %broadcast_in_dim3A_338 : vector<16xi1>, vector<16xi32>
    %gt3A_370 = arith.constant 1 : i32
    %gt3A_371 = vector.broadcast %gt3A_370 : i32 to vector<16xi32>
    %gt3A_372 = arith.cmpi sgt, %add3A_341, %gt3A_371 : vector<16xi32>
    %select_n3A_373 = arith.select %gt3A_372, %broadcast_in_dim3A_336, %broadcast_in_dim3A_338 : vector<16xi1>, vector<16xi32>
    %lt3A_374 = vector.broadcast %squeeze3A_365 : f32 to vector<16xf32>
    %lt3A_375 = arith.cmpf olt, %lt3A_374, %get3A_333 : vector<16xf32>
    %eq3A_376 = vector.broadcast %squeeze3A_365 : f32 to vector<16xf32>
    %eq3A_377 = arith.cmpf oeq, %eq3A_376, %get3A_333 : vector<16xf32>
    %select_n3A_378 = arith.select %eq3A_377, %select_n3A_369, %broadcast_in_dim3A_338 : vector<16xi1>, vector<16xi32>
    %select_n3A_379 = arith.select %lt3A_375, %broadcast_in_dim3A_336, %select_n3A_378 : vector<16xi1>, vector<16xi32>
    %add3A_380 = arith.addi %add3A_354, %select_n3A_379 : vector<16xi32>
    %lt3A_381 = vector.broadcast %squeeze3A_365 : f32 to vector<16xf32>
    %lt3A_382 = arith.cmpf olt, %lt3A_381, %get3A_335 : vector<16xf32>
    %eq3A_383 = vector.broadcast %squeeze3A_365 : f32 to vector<16xf32>
    %eq3A_384 = arith.cmpf oeq, %eq3A_383, %get3A_335 : vector<16xf32>
    %select_n3A_385 = arith.select %eq3A_384, %select_n3A_373, %broadcast_in_dim3A_338 : vector<16xi1>, vector<16xi32>
    %select_n3A_386 = arith.select %lt3A_382, %broadcast_in_dim3A_336, %select_n3A_385 : vector<16xi1>, vector<16xi32>
    %add3A_387 = arith.addi %add3A_361, %select_n3A_386 : vector<16xi32>
    %get3A_388 = arith.constant 2 : index
    %get3A_389 = tpu.vector_load %arg30[%get3A_388] {strides = array<i32>} : memref<48xf32, #tpu.memory_space<vmem>>, vector<16xf32>,
    %slice3A_390 = vector.extract_strided_slice %get3A_389 {offsets = [0], sizes = [1], strides = [1]} : vector<16xf32> to vector<1xf32>
    %squeeze3A_391 = vector.extract %slice3A_390[0] : f32 from vector<1xf32>
    %gt3A_392 = arith.constant 2 : i32
    %gt3A_393 = vector.broadcast %gt3A_392 : i32 to vector<16xi32>
    %gt3A_394 = arith.cmpi sgt, %iota3A, %gt3A_393 : vector<16xi32>
    %select_n3A_395 = arith.select %gt3A_394, %broadcast_in_dim3A_336, %broadcast_in_dim3A_338 : vector<16xi1>, vector<16xi32>
    %gt3A_396 = arith.constant 2 : i32
    %gt3A_397 = vector.broadcast %gt3A_396 : i32 to vector<16xi32>
    %gt3A_398 = arith.cmpi sgt, %add3A_341, %gt3A_397 : vector<16xi32>
    %select_n3A_399 = arith.select %gt3A_398, %broadcast_in_dim3A_336, %broadcast_in_dim3A_338 : vector<16xi1>, vector<16xi32>
    %lt3A_400 = vector.broadcast %squeeze3A_391 : f32 to vector<16xf32>
    %lt3A_401 = arith.cmpf olt, %lt3A_400, %get3A_333 : vector<16xf32>
    %eq3A_402 = vector.broadcast %squeeze3A_391 : f32 to vector<16xf32>
    %eq3A_403 = arith.cmpf oeq, %eq3A_402, %get3A_333 : vector<16xf32>
    %select_n3A_404 = arith.select %eq3A_403, %select_n3A_395, %broadcast_in_dim3A_338 : vector<16xi1>, vector<16xi32>
    %select_n3A_405 = arith.select %lt3A_401, %broadcast_in_dim3A_336, %select_n3A_404 : vector<16xi1>, vector<16xi32>
    %add3A_406 = arith.addi %add3A_380, %select_n3A_405 : vector<16xi32>
    %lt3A_407 = vector.broadcast %squeeze3A_391 : f32 to vector<16xf32>
    %lt3A_408 = arith.cmpf olt, %lt3A_407, %get3A_335 : vector<16xf32>
    %eq3A_409 = vector.broadcast %squeeze3A_391 : f32 to vector<16xf32>
    %eq3A_410 = arith.cmpf oeq, %eq3A_409, %get3A_335 : vector<16xf32>
    %select_n3A_411 = arith.select %eq3A_410, %select_n3A_399, %broadcast_in_dim3A_338 : vector<16xi1>, vector<16xi32>
    %select_n3A_412 = arith.select %lt3A_408, %broadcast_in_dim3A_336, %select_n3A_411 : vector<16xi1>, vector<16xi32>
    %add3A_413 = arith.addi %add3A_387, %select_n3A_412 : vector<16xi32>
    %get3A_414 = arith.constant 3 : index
    %get3A_415 = tpu.vector_load %arg30[%get3A_414] {strides = array<i32>} : memref<48xf32, #tpu.memory_space<vmem>>, vector<16xf32>,
    %slice3A_416 = vector.extract_strided_slice %get3A_415 {offsets = [0], sizes = [1], strides = [1]} : vector<16xf32> to vector<1xf32>
    %squeeze3A_417 = vector.extract %slice3A_416[0] : f32 from vector<1xf32>
    %gt3A_418 = arith.constant 3 : i32
    %gt3A_419 = vector.broadcast %gt3A_418 : i32 to vector<16xi32>
    %gt3A_420 = arith.cmpi sgt, %iota3A, %gt3A_419 : vector<16xi32>
    %select_n3A_421 = arith.select %gt3A_420, %broadcast_in_dim3A_336, %broadcast_in_dim3A_338 : vector<16xi1>, vector<16xi32>
    %gt3A_422 = arith.constant 3 : i32
    %gt3A_423 = vector.broadcast %gt3A_422 : i32 to vector<16xi32>
    %gt3A_424 = arith.cmpi sgt, %add3A_341, %gt3A_423 : vector<16xi32>
    %select_n3A_425 = arith.select %gt3A_424, %broadcast_in_dim3A_336, %broadcast_in_dim3A_338 : vector<16xi1>, vector<16xi32>
    %lt3A_426 = vector.broadcast %squeeze3A_417 : f32 to vector<16xf32>
    %lt3A_427 = arith.cmpf olt, %lt3A_426, %get3A_333 : vector<16xf32>
    %eq3A_428 = vector.broadcast %squeeze3A_417 : f32 to vector<16xf32>
    %eq3A_429 = arith.cmpf oeq, %eq3A_428, %get3A_333 : vector<16xf32>
    %select_n3A_430 = arith.select %eq3A_429, %select_n3A_421, %broadcast_in_dim3A_338 : vector<16xi1>, vector<16xi32>
    %select_n3A_431 = arith.select %lt3A_427, %broadcast_in_dim3A_336, %select_n3A_430 : vector<16xi1>, vector<16xi32>
    %add3A_432 = arith.addi %add3A_406, %select_n3A_431 : vector<16xi32>
    %lt3A_433 = vector.broadcast %squeeze3A_417 : f32 to vector<16xf32>
    %lt3A_434 = arith.cmpf olt, %lt3A_433, %get3A_335 : vector<16xf32>
    %eq3A_435 = vector.broadcast %squeeze3A_417 : f32 to vector<16xf32>
    %eq3A_436 = arith.cmpf oeq, %eq3A_435, %get3A_335 : vector<16xf32>
    %select_n3A_437 = arith.select %eq3A_436, %select_n3A_425, %broadcast_in_dim3A_338 : vector<16xi1>, vector<16xi32>
    %select_n3A_438 = arith.select %lt3A_434, %broadcast_in_dim3A_336, %select_n3A_437 : vector<16xi1>, vector<16xi32>
    %add3A_439 = arith.addi %add3A_413, %select_n3A_438 : vector<16xi32>
    %get3A_440 = arith.constant 4 : index
    %get3A_441 = tpu.vector_load %arg30[%get3A_440] {strides = array<i32>} : memref<48xf32, #tpu.memory_space<vmem>>, vector<16xf32>,
    %slice3A_442 = vector.extract_strided_slice %get3A_441 {offsets = [0], sizes = [1], strides = [1]} : vector<16xf32> to vector<1xf32>
    %squeeze3A_443 = vector.extract %slice3A_442[0] : f32 from vector<1xf32>
    %gt3A_444 = arith.constant 4 : i32
    %gt3A_445 = vector.broadcast %gt3A_444 : i32 to vector<16xi32>
    %gt3A_446 = arith.cmpi sgt, %iota3A, %gt3A_445 : vector<16xi32>
    %select_n3A_447 = arith.select %gt3A_446, %broadcast_in_dim3A_336, %broadcast_in_dim3A_338 : vector<16xi1>, vector<16xi32>
    %gt3A_448 = arith.constant 4 : i32
    %gt3A_449 = vector.broadcast %gt3A_448 : i32 to vector<16xi32>
    %gt3A_450 = arith.cmpi sgt, %add3A_341, %gt3A_449 : vector<16xi32>
    %select_n3A_451 = arith.select %gt3A_450, %broadcast_in_dim3A_336, %broadcast_in_dim3A_338 : vector<16xi1>, vector<16xi32>
    %lt3A_452 = vector.broadcast %squeeze3A_443 : f32 to vector<16xf32>
    %lt3A_453 = arith.cmpf olt, %lt3A_452, %get3A_333 : vector<16xf32>
    %eq3A_454 = vector.broadcast %squeeze3A_443 : f32 to vector<16xf32>
    %eq3A_455 = arith.cmpf oeq, %eq3A_454, %get3A_333 : vector<16xf32>
    %select_n3A_456 = arith.select %eq3A_455, %select_n3A_447, %broadcast_in_dim3A_338 : vector<16xi1>, vector<16xi32>
    %select_n3A_457 = arith.select %lt3A_453, %broadcast_in_dim3A_336, %select_n3A_456 : vector<16xi1>, vector<16xi32>
    %add3A_458 = arith.addi %add3A_432, %select_n3A_457 : vector<16xi32>
    %lt3A_459 = vector.broadcast %squeeze3A_443 : f32 to vector<16xf32>
    %lt3A_460 = arith.cmpf olt, %lt3A_459, %get3A_335 : vector<16xf32>
    %eq3A_461 = vector.broadcast %squeeze3A_443 : f32 to vector<16xf32>
    %eq3A_462 = arith.cmpf oeq, %eq3A_461, %get3A_335 : vector<16xf32>
    %select_n3A_463 = arith.select %eq3A_462, %select_n3A_451, %broadcast_in_dim3A_338 : vector<16xi1>, vector<16xi32>
    %select_n3A_464 = arith.select %lt3A_460, %broadcast_in_dim3A_336, %select_n3A_463 : vector<16xi1>, vector<16xi32>
    %add3A_465 = arith.addi %add3A_439, %select_n3A_464 : vector<16xi32>
    %get3A_466 = arith.constant 5 : index
    %get3A_467 = tpu.vector_load %arg30[%get3A_466] {strides = array<i32>} : memref<48xf32, #tpu.memory_space<vmem>>, vector<16xf32>,
    %slice3A_468 = vector.extract_strided_slice %get3A_467 {offsets = [0], sizes = [1], strides = [1]} : vector<16xf32> to vector<1xf32>
    %squeeze3A_469 = vector.extract %slice3A_468[0] : f32 from vector<1xf32>
    %gt3A_470 = arith.constant 5 : i32
    %gt3A_471 = vector.broadcast %gt3A_470 : i32 to vector<16xi32>
    %gt3A_472 = arith.cmpi sgt, %iota3A, %gt3A_471 : vector<16xi32>
    %select_n3A_473 = arith.select %gt3A_472, %broadcast_in_dim3A_336, %broadcast_in_dim3A_338 : vector<16xi1>, vector<16xi32>
    %gt3A_474 = arith.constant 5 : i32
    %gt3A_475 = vector.broadcast %gt3A_474 : i32 to vector<16xi32>
    %gt3A_476 = arith.cmpi sgt, %add3A_341, %gt3A_475 : vector<16xi32>
    %select_n3A_477 = arith.select %gt3A_476, %broadcast_in_dim3A_336, %broadcast_in_dim3A_338 : vector<16xi1>, vector<16xi32>
    %lt3A_478 = vector.broadcast %squeeze3A_469 : f32 to vector<16xf32>
    %lt3A_479 = arith.cmpf olt, %lt3A_478, %get3A_333 : vector<16xf32>
    %eq3A_480 = vector.broadcast %squeeze3A_469 : f32 to vector<16xf32>
    %eq3A_481 = arith.cmpf oeq, %eq3A_480, %get3A_333 : vector<16xf32>
    %select_n3A_482 = arith.select %eq3A_481, %select_n3A_473, %broadcast_in_dim3A_338 : vector<16xi1>, vector<16xi32>
    %select_n3A_483 = arith.select %lt3A_479, %broadcast_in_dim3A_336, %select_n3A_482 : vector<16xi1>, vector<16xi32>
    %add3A_484 = arith.addi %add3A_458, %select_n3A_483 : vector<16xi32>
    %lt3A_485 = vector.broadcast %squeeze3A_469 : f32 to vector<16xf32>
    %lt3A_486 = arith.cmpf olt, %lt3A_485, %get3A_335 : vector<16xf32>
    %eq3A_487 = vector.broadcast %squeeze3A_469 : f32 to vector<16xf32>
    %eq3A_488 = arith.cmpf oeq, %eq3A_487, %get3A_335 : vector<16xf32>
    %select_n3A_489 = arith.select %eq3A_488, %select_n3A_477, %broadcast_in_dim3A_338 : vector<16xi1>, vector<16xi32>
    %select_n3A_490 = arith.select %lt3A_486, %broadcast_in_dim3A_336, %select_n3A_489 : vector<16xi1>, vector<16xi32>
    %add3A_491 = arith.addi %add3A_465, %select_n3A_490 : vector<16xi32>
    %get3A_492 = arith.constant 6 : index
    %get3A_493 = tpu.vector_load %arg30[%get3A_492] {strides = array<i32>} : memref<48xf32, #tpu.memory_space<vmem>>, vector<16xf32>,
    %slice3A_494 = vector.extract_strided_slice %get3A_493 {offsets = [0], sizes = [1], strides = [1]} : vector<16xf32> to vector<1xf32>
    %squeeze3A_495 = vector.extract %slice3A_494[0] : f32 from vector<1xf32>
    %gt3A_496 = arith.constant 6 : i32
    %gt3A_497 = vector.broadcast %gt3A_496 : i32 to vector<16xi32>
    %gt3A_498 = arith.cmpi sgt, %iota3A, %gt3A_497 : vector<16xi32>
    %select_n3A_499 = arith.select %gt3A_498, %broadcast_in_dim3A_336, %broadcast_in_dim3A_338 : vector<16xi1>, vector<16xi32>
    %gt3A_500 = arith.constant 6 : i32
    %gt3A_501 = vector.broadcast %gt3A_500 : i32 to vector<16xi32>
    %gt3A_502 = arith.cmpi sgt, %add3A_341, %gt3A_501 : vector<16xi32>
    %select_n3A_503 = arith.select %gt3A_502, %broadcast_in_dim3A_336, %broadcast_in_dim3A_338 : vector<16xi1>, vector<16xi32>
    %lt3A_504 = vector.broadcast %squeeze3A_495 : f32 to vector<16xf32>
    %lt3A_505 = arith.cmpf olt, %lt3A_504, %get3A_333 : vector<16xf32>
    %eq3A_506 = vector.broadcast %squeeze3A_495 : f32 to vector<16xf32>
    %eq3A_507 = arith.cmpf oeq, %eq3A_506, %get3A_333 : vector<16xf32>
    %select_n3A_508 = arith.select %eq3A_507, %select_n3A_499, %broadcast_in_dim3A_338 : vector<16xi1>, vector<16xi32>
    %select_n3A_509 = arith.select %lt3A_505, %broadcast_in_dim3A_336, %select_n3A_508 : vector<16xi1>, vector<16xi32>
    %add3A_510 = arith.addi %add3A_484, %select_n3A_509 : vector<16xi32>
    %lt3A_511 = vector.broadcast %squeeze3A_495 : f32 to vector<16xf32>
    %lt3A_512 = arith.cmpf olt, %lt3A_511, %get3A_335 : vector<16xf32>
    %eq3A_513 = vector.broadcast %squeeze3A_495 : f32 to vector<16xf32>
    %eq3A_514 = arith.cmpf oeq, %eq3A_513, %get3A_335 : vector<16xf32>
    %select_n3A_515 = arith.select %eq3A_514, %select_n3A_503, %broadcast_in_dim3A_338 : vector<16xi1>, vector<16xi32>
    %select_n3A_516 = arith.select %lt3A_512, %broadcast_in_dim3A_336, %select_n3A_515 : vector<16xi1>, vector<16xi32>
    %add3A_517 = arith.addi %add3A_491, %select_n3A_516 : vector<16xi32>
    %get3A_518 = arith.constant 7 : index
    %get3A_519 = tpu.vector_load %arg30[%get3A_518] {strides = array<i32>} : memref<48xf32, #tpu.memory_space<vmem>>, vector<16xf32>,
    %slice3A_520 = vector.extract_strided_slice %get3A_519 {offsets = [0], sizes = [1], strides = [1]} : vector<16xf32> to vector<1xf32>
    %squeeze3A_521 = vector.extract %slice3A_520[0] : f32 from vector<1xf32>
    %gt3A_522 = arith.constant 7 : i32
    %gt3A_523 = vector.broadcast %gt3A_522 : i32 to vector<16xi32>
    %gt3A_524 = arith.cmpi sgt, %iota3A, %gt3A_523 : vector<16xi32>
    %select_n3A_525 = arith.select %gt3A_524, %broadcast_in_dim3A_336, %broadcast_in_dim3A_338 : vector<16xi1>, vector<16xi32>
    %gt3A_526 = arith.constant 7 : i32
    %gt3A_527 = vector.broadcast %gt3A_526 : i32 to vector<16xi32>
    %gt3A_528 = arith.cmpi sgt, %add3A_341, %gt3A_527 : vector<16xi32>
    %select_n3A_529 = arith.select %gt3A_528, %broadcast_in_dim3A_336, %broadcast_in_dim3A_338 : vector<16xi1>, vector<16xi32>
    %lt3A_530 = vector.broadcast %squeeze3A_521 : f32 to vector<16xf32>
    %lt3A_531 = arith.cmpf olt, %lt3A_530, %get3A_333 : vector<16xf32>
    %eq3A_532 = vector.broadcast %squeeze3A_521 : f32 to vector<16xf32>
    %eq3A_533 = arith.cmpf oeq, %eq3A_532, %get3A_333 : vector<16xf32>
    %select_n3A_534 = arith.select %eq3A_533, %select_n3A_525, %broadcast_in_dim3A_338 : vector<16xi1>, vector<16xi32>
    %select_n3A_535 = arith.select %lt3A_531, %broadcast_in_dim3A_336, %select_n3A_534 : vector<16xi1>, vector<16xi32>
    %add3A_536 = arith.addi %add3A_510, %select_n3A_535 : vector<16xi32>
    %lt3A_537 = vector.broadcast %squeeze3A_521 : f32 to vector<16xf32>
    %lt3A_538 = arith.cmpf olt, %lt3A_537, %get3A_335 : vector<16xf32>
    %eq3A_539 = vector.broadcast %squeeze3A_521 : f32 to vector<16xf32>
    %eq3A_540 = arith.cmpf oeq, %eq3A_539, %get3A_335 : vector<16xf32>
    %select_n3A_541 = arith.select %eq3A_540, %select_n3A_529, %broadcast_in_dim3A_338 : vector<16xi1>, vector<16xi32>
    %select_n3A_542 = arith.select %lt3A_538, %broadcast_in_dim3A_336, %select_n3A_541 : vector<16xi1>, vector<16xi32>
    %add3A_543 = arith.addi %add3A_517, %select_n3A_542 : vector<16xi32>
    %get3A_544 = arith.constant 8 : index
    %get3A_545 = tpu.vector_load %arg30[%get3A_544] {strides = array<i32>} : memref<48xf32, #tpu.memory_space<vmem>>, vector<16xf32>,
    %slice3A_546 = vector.extract_strided_slice %get3A_545 {offsets = [0], sizes = [1], strides = [1]} : vector<16xf32> to vector<1xf32>
    %squeeze3A_547 = vector.extract %slice3A_546[0] : f32 from vector<1xf32>
    %gt3A_548 = arith.constant 8 : i32
    %gt3A_549 = vector.broadcast %gt3A_548 : i32 to vector<16xi32>
    %gt3A_550 = arith.cmpi sgt, %iota3A, %gt3A_549 : vector<16xi32>
    %select_n3A_551 = arith.select %gt3A_550, %broadcast_in_dim3A_336, %broadcast_in_dim3A_338 : vector<16xi1>, vector<16xi32>
    %gt3A_552 = arith.constant 8 : i32
    %gt3A_553 = vector.broadcast %gt3A_552 : i32 to vector<16xi32>
    %gt3A_554 = arith.cmpi sgt, %add3A_341, %gt3A_553 : vector<16xi32>
    %select_n3A_555 = arith.select %gt3A_554, %broadcast_in_dim3A_336, %broadcast_in_dim3A_338 : vector<16xi1>, vector<16xi32>
    %lt3A_556 = vector.broadcast %squeeze3A_547 : f32 to vector<16xf32>
    %lt3A_557 = arith.cmpf olt, %lt3A_556, %get3A_333 : vector<16xf32>
    %eq3A_558 = vector.broadcast %squeeze3A_547 : f32 to vector<16xf32>
    %eq3A_559 = arith.cmpf oeq, %eq3A_558, %get3A_333 : vector<16xf32>
    %select_n3A_560 = arith.select %eq3A_559, %select_n3A_551, %broadcast_in_dim3A_338 : vector<16xi1>, vector<16xi32>
    %select_n3A_561 = arith.select %lt3A_557, %broadcast_in_dim3A_336, %select_n3A_560 : vector<16xi1>, vector<16xi32>
    %add3A_562 = arith.addi %add3A_536, %select_n3A_561 : vector<16xi32>
    %lt3A_563 = vector.broadcast %squeeze3A_547 : f32 to vector<16xf32>
    %lt3A_564 = arith.cmpf olt, %lt3A_563, %get3A_335 : vector<16xf32>
    %eq3A_565 = vector.broadcast %squeeze3A_547 : f32 to vector<16xf32>
    %eq3A_566 = arith.cmpf oeq, %eq3A_565, %get3A_335 : vector<16xf32>
    %select_n3A_567 = arith.select %eq3A_566, %select_n3A_555, %broadcast_in_dim3A_338 : vector<16xi1>, vector<16xi32>
    %select_n3A_568 = arith.select %lt3A_564, %broadcast_in_dim3A_336, %select_n3A_567 : vector<16xi1>, vector<16xi32>
    %add3A_569 = arith.addi %add3A_543, %select_n3A_568 : vector<16xi32>
    %get3A_570 = arith.constant 9 : index
    %get3A_571 = tpu.vector_load %arg30[%get3A_570] {strides = array<i32>} : memref<48xf32, #tpu.memory_space<vmem>>, vector<16xf32>,
    %slice3A_572 = vector.extract_strided_slice %get3A_571 {offsets = [0], sizes = [1], strides = [1]} : vector<16xf32> to vector<1xf32>
    %squeeze3A_573 = vector.extract %slice3A_572[0] : f32 from vector<1xf32>
    %gt3A_574 = arith.constant 9 : i32
    %gt3A_575 = vector.broadcast %gt3A_574 : i32 to vector<16xi32>
    %gt3A_576 = arith.cmpi sgt, %iota3A, %gt3A_575 : vector<16xi32>
    %select_n3A_577 = arith.select %gt3A_576, %broadcast_in_dim3A_336, %broadcast_in_dim3A_338 : vector<16xi1>, vector<16xi32>
    %gt3A_578 = arith.constant 9 : i32
    %gt3A_579 = vector.broadcast %gt3A_578 : i32 to vector<16xi32>
    %gt3A_580 = arith.cmpi sgt, %add3A_341, %gt3A_579 : vector<16xi32>
    %select_n3A_581 = arith.select %gt3A_580, %broadcast_in_dim3A_336, %broadcast_in_dim3A_338 : vector<16xi1>, vector<16xi32>
    %lt3A_582 = vector.broadcast %squeeze3A_573 : f32 to vector<16xf32>
    %lt3A_583 = arith.cmpf olt, %lt3A_582, %get3A_333 : vector<16xf32>
    %eq3A_584 = vector.broadcast %squeeze3A_573 : f32 to vector<16xf32>
    %eq3A_585 = arith.cmpf oeq, %eq3A_584, %get3A_333 : vector<16xf32>
    %select_n3A_586 = arith.select %eq3A_585, %select_n3A_577, %broadcast_in_dim3A_338 : vector<16xi1>, vector<16xi32>
    %select_n3A_587 = arith.select %lt3A_583, %broadcast_in_dim3A_336, %select_n3A_586 : vector<16xi1>, vector<16xi32>
    %add3A_588 = arith.addi %add3A_562, %select_n3A_587 : vector<16xi32>
    %lt3A_589 = vector.broadcast %squeeze3A_573 : f32 to vector<16xf32>
    %lt3A_590 = arith.cmpf olt, %lt3A_589, %get3A_335 : vector<16xf32>
    %eq3A_591 = vector.broadcast %squeeze3A_573 : f32 to vector<16xf32>
    %eq3A_592 = arith.cmpf oeq, %eq3A_591, %get3A_335 : vector<16xf32>
    %select_n3A_593 = arith.select %eq3A_592, %select_n3A_581, %broadcast_in_dim3A_338 : vector<16xi1>, vector<16xi32>
    %select_n3A_594 = arith.select %lt3A_590, %broadcast_in_dim3A_336, %select_n3A_593 : vector<16xi1>, vector<16xi32>
    %add3A_595 = arith.addi %add3A_569, %select_n3A_594 : vector<16xi32>
    %get3A_596 = arith.constant 10 : index
    %get3A_597 = tpu.vector_load %arg30[%get3A_596] {strides = array<i32>} : memref<48xf32, #tpu.memory_space<vmem>>, vector<16xf32>,
    %slice3A_598 = vector.extract_strided_slice %get3A_597 {offsets = [0], sizes = [1], strides = [1]} : vector<16xf32> to vector<1xf32>
    %squeeze3A_599 = vector.extract %slice3A_598[0] : f32 from vector<1xf32>
    %gt3A_600 = arith.constant 10 : i32
    %gt3A_601 = vector.broadcast %gt3A_600 : i32 to vector<16xi32>
    %gt3A_602 = arith.cmpi sgt, %iota3A, %gt3A_601 : vector<16xi32>
    %select_n3A_603 = arith.select %gt3A_602, %broadcast_in_dim3A_336, %broadcast_in_dim3A_338 : vector<16xi1>, vector<16xi32>
    %gt3A_604 = arith.constant 10 : i32
    %gt3A_605 = vector.broadcast %gt3A_604 : i32 to vector<16xi32>
    %gt3A_606 = arith.cmpi sgt, %add3A_341, %gt3A_605 : vector<16xi32>
    %select_n3A_607 = arith.select %gt3A_606, %broadcast_in_dim3A_336, %broadcast_in_dim3A_338 : vector<16xi1>, vector<16xi32>
    %lt3A_608 = vector.broadcast %squeeze3A_599 : f32 to vector<16xf32>
    %lt3A_609 = arith.cmpf olt, %lt3A_608, %get3A_333 : vector<16xf32>
    %eq3A_610 = vector.broadcast %squeeze3A_599 : f32 to vector<16xf32>
    %eq3A_611 = arith.cmpf oeq, %eq3A_610, %get3A_333 : vector<16xf32>
    %select_n3A_612 = arith.select %eq3A_611, %select_n3A_603, %broadcast_in_dim3A_338 : vector<16xi1>, vector<16xi32>
    %select_n3A_613 = arith.select %lt3A_609, %broadcast_in_dim3A_336, %select_n3A_612 : vector<16xi1>, vector<16xi32>
    %add3A_614 = arith.addi %add3A_588, %select_n3A_613 : vector<16xi32>
    %lt3A_615 = vector.broadcast %squeeze3A_599 : f32 to vector<16xf32>
    %lt3A_616 = arith.cmpf olt, %lt3A_615, %get3A_335 : vector<16xf32>
    %eq3A_617 = vector.broadcast %squeeze3A_599 : f32 to vector<16xf32>
    %eq3A_618 = arith.cmpf oeq, %eq3A_617, %get3A_335 : vector<16xf32>
    %select_n3A_619 = arith.select %eq3A_618, %select_n3A_607, %broadcast_in_dim3A_338 : vector<16xi1>, vector<16xi32>
    %select_n3A_620 = arith.select %lt3A_616, %broadcast_in_dim3A_336, %select_n3A_619 : vector<16xi1>, vector<16xi32>
    %add3A_621 = arith.addi %add3A_595, %select_n3A_620 : vector<16xi32>
    %get3A_622 = arith.constant 11 : index
    %get3A_623 = tpu.vector_load %arg30[%get3A_622] {strides = array<i32>} : memref<48xf32, #tpu.memory_space<vmem>>, vector<16xf32>,
    %slice3A_624 = vector.extract_strided_slice %get3A_623 {offsets = [0], sizes = [1], strides = [1]} : vector<16xf32> to vector<1xf32>
    %squeeze3A_625 = vector.extract %slice3A_624[0] : f32 from vector<1xf32>
    %gt3A_626 = arith.constant 11 : i32
    %gt3A_627 = vector.broadcast %gt3A_626 : i32 to vector<16xi32>
    %gt3A_628 = arith.cmpi sgt, %iota3A, %gt3A_627 : vector<16xi32>
    %select_n3A_629 = arith.select %gt3A_628, %broadcast_in_dim3A_336, %broadcast_in_dim3A_338 : vector<16xi1>, vector<16xi32>
    %gt3A_630 = arith.constant 11 : i32
    %gt3A_631 = vector.broadcast %gt3A_630 : i32 to vector<16xi32>
    %gt3A_632 = arith.cmpi sgt, %add3A_341, %gt3A_631 : vector<16xi32>
    %select_n3A_633 = arith.select %gt3A_632, %broadcast_in_dim3A_336, %broadcast_in_dim3A_338 : vector<16xi1>, vector<16xi32>
    %lt3A_634 = vector.broadcast %squeeze3A_625 : f32 to vector<16xf32>
    %lt3A_635 = arith.cmpf olt, %lt3A_634, %get3A_333 : vector<16xf32>
    %eq3A_636 = vector.broadcast %squeeze3A_625 : f32 to vector<16xf32>
    %eq3A_637 = arith.cmpf oeq, %eq3A_636, %get3A_333 : vector<16xf32>
    %select_n3A_638 = arith.select %eq3A_637, %select_n3A_629, %broadcast_in_dim3A_338 : vector<16xi1>, vector<16xi32>
    %select_n3A_639 = arith.select %lt3A_635, %broadcast_in_dim3A_336, %select_n3A_638 : vector<16xi1>, vector<16xi32>
    %add3A_640 = arith.addi %add3A_614, %select_n3A_639 : vector<16xi32>
    %lt3A_641 = vector.broadcast %squeeze3A_625 : f32 to vector<16xf32>
    %lt3A_642 = arith.cmpf olt, %lt3A_641, %get3A_335 : vector<16xf32>
    %eq3A_643 = vector.broadcast %squeeze3A_625 : f32 to vector<16xf32>
    %eq3A_644 = arith.cmpf oeq, %eq3A_643, %get3A_335 : vector<16xf32>
    %select_n3A_645 = arith.select %eq3A_644, %select_n3A_633, %broadcast_in_dim3A_338 : vector<16xi1>, vector<16xi32>
    %select_n3A_646 = arith.select %lt3A_642, %broadcast_in_dim3A_336, %select_n3A_645 : vector<16xi1>, vector<16xi32>
    %add3A_647 = arith.addi %add3A_621, %select_n3A_646 : vector<16xi32>
    %get3A_648 = arith.constant 12 : index
    %get3A_649 = tpu.vector_load %arg30[%get3A_648] {strides = array<i32>} : memref<48xf32, #tpu.memory_space<vmem>>, vector<16xf32>,
    %slice3A_650 = vector.extract_strided_slice %get3A_649 {offsets = [0], sizes = [1], strides = [1]} : vector<16xf32> to vector<1xf32>
    %squeeze3A_651 = vector.extract %slice3A_650[0] : f32 from vector<1xf32>
    %gt3A_652 = arith.constant 12 : i32
    %gt3A_653 = vector.broadcast %gt3A_652 : i32 to vector<16xi32>
    %gt3A_654 = arith.cmpi sgt, %iota3A, %gt3A_653 : vector<16xi32>
    %select_n3A_655 = arith.select %gt3A_654, %broadcast_in_dim3A_336, %broadcast_in_dim3A_338 : vector<16xi1>, vector<16xi32>
    %gt3A_656 = arith.constant 12 : i32
    %gt3A_657 = vector.broadcast %gt3A_656 : i32 to vector<16xi32>
    %gt3A_658 = arith.cmpi sgt, %add3A_341, %gt3A_657 : vector<16xi32>
    %select_n3A_659 = arith.select %gt3A_658, %broadcast_in_dim3A_336, %broadcast_in_dim3A_338 : vector<16xi1>, vector<16xi32>
    %lt3A_660 = vector.broadcast %squeeze3A_651 : f32 to vector<16xf32>
    %lt3A_661 = arith.cmpf olt, %lt3A_660, %get3A_333 : vector<16xf32>
    %eq3A_662 = vector.broadcast %squeeze3A_651 : f32 to vector<16xf32>
    %eq3A_663 = arith.cmpf oeq, %eq3A_662, %get3A_333 : vector<16xf32>
    %select_n3A_664 = arith.select %eq3A_663, %select_n3A_655, %broadcast_in_dim3A_338 : vector<16xi1>, vector<16xi32>
    %select_n3A_665 = arith.select %lt3A_661, %broadcast_in_dim3A_336, %select_n3A_664 : vector<16xi1>, vector<16xi32>
    %add3A_666 = arith.addi %add3A_640, %select_n3A_665 : vector<16xi32>
    %lt3A_667 = vector.broadcast %squeeze3A_651 : f32 to vector<16xf32>
    %lt3A_668 = arith.cmpf olt, %lt3A_667, %get3A_335 : vector<16xf32>
    %eq3A_669 = vector.broadcast %squeeze3A_651 : f32 to vector<16xf32>
    %eq3A_670 = arith.cmpf oeq, %eq3A_669, %get3A_335 : vector<16xf32>
    %select_n3A_671 = arith.select %eq3A_670, %select_n3A_659, %broadcast_in_dim3A_338 : vector<16xi1>, vector<16xi32>
    %select_n3A_672 = arith.select %lt3A_668, %broadcast_in_dim3A_336, %select_n3A_671 : vector<16xi1>, vector<16xi32>
    %add3A_673 = arith.addi %add3A_647, %select_n3A_672 : vector<16xi32>
    %get3A_674 = arith.constant 13 : index
    %get3A_675 = tpu.vector_load %arg30[%get3A_674] {strides = array<i32>} : memref<48xf32, #tpu.memory_space<vmem>>, vector<16xf32>,
    %slice3A_676 = vector.extract_strided_slice %get3A_675 {offsets = [0], sizes = [1], strides = [1]} : vector<16xf32> to vector<1xf32>
    %squeeze3A_677 = vector.extract %slice3A_676[0] : f32 from vector<1xf32>
    %gt3A_678 = arith.constant 13 : i32
    %gt3A_679 = vector.broadcast %gt3A_678 : i32 to vector<16xi32>
    %gt3A_680 = arith.cmpi sgt, %iota3A, %gt3A_679 : vector<16xi32>
    %select_n3A_681 = arith.select %gt3A_680, %broadcast_in_dim3A_336, %broadcast_in_dim3A_338 : vector<16xi1>, vector<16xi32>
    %gt3A_682 = arith.constant 13 : i32
    %gt3A_683 = vector.broadcast %gt3A_682 : i32 to vector<16xi32>
    %gt3A_684 = arith.cmpi sgt, %add3A_341, %gt3A_683 : vector<16xi32>
    %select_n3A_685 = arith.select %gt3A_684, %broadcast_in_dim3A_336, %broadcast_in_dim3A_338 : vector<16xi1>, vector<16xi32>
    %lt3A_686 = vector.broadcast %squeeze3A_677 : f32 to vector<16xf32>
    %lt3A_687 = arith.cmpf olt, %lt3A_686, %get3A_333 : vector<16xf32>
    %eq3A_688 = vector.broadcast %squeeze3A_677 : f32 to vector<16xf32>
    %eq3A_689 = arith.cmpf oeq, %eq3A_688, %get3A_333 : vector<16xf32>
    %select_n3A_690 = arith.select %eq3A_689, %select_n3A_681, %broadcast_in_dim3A_338 : vector<16xi1>, vector<16xi32>
    %select_n3A_691 = arith.select %lt3A_687, %broadcast_in_dim3A_336, %select_n3A_690 : vector<16xi1>, vector<16xi32>
    %add3A_692 = arith.addi %add3A_666, %select_n3A_691 : vector<16xi32>
    %lt3A_693 = vector.broadcast %squeeze3A_677 : f32 to vector<16xf32>
    %lt3A_694 = arith.cmpf olt, %lt3A_693, %get3A_335 : vector<16xf32>
    %eq3A_695 = vector.broadcast %squeeze3A_677 : f32 to vector<16xf32>
    %eq3A_696 = arith.cmpf oeq, %eq3A_695, %get3A_335 : vector<16xf32>
    %select_n3A_697 = arith.select %eq3A_696, %select_n3A_685, %broadcast_in_dim3A_338 : vector<16xi1>, vector<16xi32>
    %select_n3A_698 = arith.select %lt3A_694, %broadcast_in_dim3A_336, %select_n3A_697 : vector<16xi1>, vector<16xi32>
    %add3A_699 = arith.addi %add3A_673, %select_n3A_698 : vector<16xi32>
    %get3A_700 = arith.constant 14 : index
    %get3A_701 = tpu.vector_load %arg30[%get3A_700] {strides = array<i32>} : memref<48xf32, #tpu.memory_space<vmem>>, vector<16xf32>,
    %slice3A_702 = vector.extract_strided_slice %get3A_701 {offsets = [0], sizes = [1], strides = [1]} : vector<16xf32> to vector<1xf32>
    %squeeze3A_703 = vector.extract %slice3A_702[0] : f32 from vector<1xf32>
    %gt3A_704 = arith.constant 14 : i32
    %gt3A_705 = vector.broadcast %gt3A_704 : i32 to vector<16xi32>
    %gt3A_706 = arith.cmpi sgt, %iota3A, %gt3A_705 : vector<16xi32>
    %select_n3A_707 = arith.select %gt3A_706, %broadcast_in_dim3A_336, %broadcast_in_dim3A_338 : vector<16xi1>, vector<16xi32>
    %gt3A_708 = arith.constant 14 : i32
    %gt3A_709 = vector.broadcast %gt3A_708 : i32 to vector<16xi32>
    %gt3A_710 = arith.cmpi sgt, %add3A_341, %gt3A_709 : vector<16xi32>
    %select_n3A_711 = arith.select %gt3A_710, %broadcast_in_dim3A_336, %broadcast_in_dim3A_338 : vector<16xi1>, vector<16xi32>
    %lt3A_712 = vector.broadcast %squeeze3A_703 : f32 to vector<16xf32>
    %lt3A_713 = arith.cmpf olt, %lt3A_712, %get3A_333 : vector<16xf32>
    %eq3A_714 = vector.broadcast %squeeze3A_703 : f32 to vector<16xf32>
    %eq3A_715 = arith.cmpf oeq, %eq3A_714, %get3A_333 : vector<16xf32>
    %select_n3A_716 = arith.select %eq3A_715, %select_n3A_707, %broadcast_in_dim3A_338 : vector<16xi1>, vector<16xi32>
    %select_n3A_717 = arith.select %lt3A_713, %broadcast_in_dim3A_336, %select_n3A_716 : vector<16xi1>, vector<16xi32>
    %add3A_718 = arith.addi %add3A_692, %select_n3A_717 : vector<16xi32>
    %lt3A_719 = vector.broadcast %squeeze3A_703 : f32 to vector<16xf32>
    %lt3A_720 = arith.cmpf olt, %lt3A_719, %get3A_335 : vector<16xf32>
    %eq3A_721 = vector.broadcast %squeeze3A_703 : f32 to vector<16xf32>
    %eq3A_722 = arith.cmpf oeq, %eq3A_721, %get3A_335 : vector<16xf32>
    %select_n3A_723 = arith.select %eq3A_722, %select_n3A_711, %broadcast_in_dim3A_338 : vector<16xi1>, vector<16xi32>
    %select_n3A_724 = arith.select %lt3A_720, %broadcast_in_dim3A_336, %select_n3A_723 : vector<16xi1>, vector<16xi32>
    %add3A_725 = arith.addi %add3A_699, %select_n3A_724 : vector<16xi32>
    %get3A_726 = arith.constant 15 : index
    %get3A_727 = tpu.vector_load %arg30[%get3A_726] {strides = array<i32>} : memref<48xf32, #tpu.memory_space<vmem>>, vector<16xf32>,
    %slice3A_728 = vector.extract_strided_slice %get3A_727 {offsets = [0], sizes = [1], strides = [1]} : vector<16xf32> to vector<1xf32>
    %squeeze3A_729 = vector.extract %slice3A_728[0] : f32 from vector<1xf32>
    %gt3A_730 = arith.constant 15 : i32
    %gt3A_731 = vector.broadcast %gt3A_730 : i32 to vector<16xi32>
    %gt3A_732 = arith.cmpi sgt, %iota3A, %gt3A_731 : vector<16xi32>
    %select_n3A_733 = arith.select %gt3A_732, %broadcast_in_dim3A_336, %broadcast_in_dim3A_338 : vector<16xi1>, vector<16xi32>
    %gt3A_734 = arith.constant 15 : i32
    %gt3A_735 = vector.broadcast %gt3A_734 : i32 to vector<16xi32>
    %gt3A_736 = arith.cmpi sgt, %add3A_341, %gt3A_735 : vector<16xi32>
    %select_n3A_737 = arith.select %gt3A_736, %broadcast_in_dim3A_336, %broadcast_in_dim3A_338 : vector<16xi1>, vector<16xi32>
    %lt3A_738 = vector.broadcast %squeeze3A_729 : f32 to vector<16xf32>
    %lt3A_739 = arith.cmpf olt, %lt3A_738, %get3A_333 : vector<16xf32>
    %eq3A_740 = vector.broadcast %squeeze3A_729 : f32 to vector<16xf32>
    %eq3A_741 = arith.cmpf oeq, %eq3A_740, %get3A_333 : vector<16xf32>
    %select_n3A_742 = arith.select %eq3A_741, %select_n3A_733, %broadcast_in_dim3A_338 : vector<16xi1>, vector<16xi32>
    %select_n3A_743 = arith.select %lt3A_739, %broadcast_in_dim3A_336, %select_n3A_742 : vector<16xi1>, vector<16xi32>
    %add3A_744 = arith.addi %add3A_718, %select_n3A_743 : vector<16xi32>
    %lt3A_745 = vector.broadcast %squeeze3A_729 : f32 to vector<16xf32>
    %lt3A_746 = arith.cmpf olt, %lt3A_745, %get3A_335 : vector<16xf32>
    %eq3A_747 = vector.broadcast %squeeze3A_729 : f32 to vector<16xf32>
    %eq3A_748 = arith.cmpf oeq, %eq3A_747, %get3A_335 : vector<16xf32>
    %select_n3A_749 = arith.select %eq3A_748, %select_n3A_737, %broadcast_in_dim3A_338 : vector<16xi1>, vector<16xi32>
    %select_n3A_750 = arith.select %lt3A_746, %broadcast_in_dim3A_336, %select_n3A_749 : vector<16xi1>, vector<16xi32>
    %add3A_751 = arith.addi %add3A_725, %select_n3A_750 : vector<16xi32>
    %get3A_752 = arith.constant 16 : index
    %get3A_753 = tpu.vector_load %arg30[%get3A_752] {strides = array<i32>} : memref<48xf32, #tpu.memory_space<vmem>>, vector<16xf32>,
    %slice3A_754 = vector.extract_strided_slice %get3A_753 {offsets = [0], sizes = [1], strides = [1]} : vector<16xf32> to vector<1xf32>
    %squeeze3A_755 = vector.extract %slice3A_754[0] : f32 from vector<1xf32>
    %gt3A_756 = arith.constant 16 : i32
    %gt3A_757 = vector.broadcast %gt3A_756 : i32 to vector<16xi32>
    %gt3A_758 = arith.cmpi sgt, %iota3A, %gt3A_757 : vector<16xi32>
    %select_n3A_759 = arith.select %gt3A_758, %broadcast_in_dim3A_336, %broadcast_in_dim3A_338 : vector<16xi1>, vector<16xi32>
    %gt3A_760 = arith.constant 16 : i32
    %gt3A_761 = vector.broadcast %gt3A_760 : i32 to vector<16xi32>
    %gt3A_762 = arith.cmpi sgt, %add3A_341, %gt3A_761 : vector<16xi32>
    %select_n3A_763 = arith.select %gt3A_762, %broadcast_in_dim3A_336, %broadcast_in_dim3A_338 : vector<16xi1>, vector<16xi32>
    %lt3A_764 = vector.broadcast %squeeze3A_755 : f32 to vector<16xf32>
    %lt3A_765 = arith.cmpf olt, %lt3A_764, %get3A_333 : vector<16xf32>
    %eq3A_766 = vector.broadcast %squeeze3A_755 : f32 to vector<16xf32>
    %eq3A_767 = arith.cmpf oeq, %eq3A_766, %get3A_333 : vector<16xf32>
    %select_n3A_768 = arith.select %eq3A_767, %select_n3A_759, %broadcast_in_dim3A_338 : vector<16xi1>, vector<16xi32>
    %select_n3A_769 = arith.select %lt3A_765, %broadcast_in_dim3A_336, %select_n3A_768 : vector<16xi1>, vector<16xi32>
    %add3A_770 = arith.addi %add3A_744, %select_n3A_769 : vector<16xi32>
    %lt3A_771 = vector.broadcast %squeeze3A_755 : f32 to vector<16xf32>
    %lt3A_772 = arith.cmpf olt, %lt3A_771, %get3A_335 : vector<16xf32>
    %eq3A_773 = vector.broadcast %squeeze3A_755 : f32 to vector<16xf32>
    %eq3A_774 = arith.cmpf oeq, %eq3A_773, %get3A_335 : vector<16xf32>
    %select_n3A_775 = arith.select %eq3A_774, %select_n3A_763, %broadcast_in_dim3A_338 : vector<16xi1>, vector<16xi32>
    %select_n3A_776 = arith.select %lt3A_772, %broadcast_in_dim3A_336, %select_n3A_775 : vector<16xi1>, vector<16xi32>
    %add3A_777 = arith.addi %add3A_751, %select_n3A_776 : vector<16xi32>
    %get3A_778 = arith.constant 17 : index
    %get3A_779 = tpu.vector_load %arg30[%get3A_778] {strides = array<i32>} : memref<48xf32, #tpu.memory_space<vmem>>, vector<16xf32>,
    %slice3A_780 = vector.extract_strided_slice %get3A_779 {offsets = [0], sizes = [1], strides = [1]} : vector<16xf32> to vector<1xf32>
    %squeeze3A_781 = vector.extract %slice3A_780[0] : f32 from vector<1xf32>
    %gt3A_782 = arith.constant 17 : i32
    %gt3A_783 = vector.broadcast %gt3A_782 : i32 to vector<16xi32>
    %gt3A_784 = arith.cmpi sgt, %iota3A, %gt3A_783 : vector<16xi32>
    %select_n3A_785 = arith.select %gt3A_784, %broadcast_in_dim3A_336, %broadcast_in_dim3A_338 : vector<16xi1>, vector<16xi32>
    %gt3A_786 = arith.constant 17 : i32
    %gt3A_787 = vector.broadcast %gt3A_786 : i32 to vector<16xi32>
    %gt3A_788 = arith.cmpi sgt, %add3A_341, %gt3A_787 : vector<16xi32>
    %select_n3A_789 = arith.select %gt3A_788, %broadcast_in_dim3A_336, %broadcast_in_dim3A_338 : vector<16xi1>, vector<16xi32>
    %lt3A_790 = vector.broadcast %squeeze3A_781 : f32 to vector<16xf32>
    %lt3A_791 = arith.cmpf olt, %lt3A_790, %get3A_333 : vector<16xf32>
    %eq3A_792 = vector.broadcast %squeeze3A_781 : f32 to vector<16xf32>
    %eq3A_793 = arith.cmpf oeq, %eq3A_792, %get3A_333 : vector<16xf32>
    %select_n3A_794 = arith.select %eq3A_793, %select_n3A_785, %broadcast_in_dim3A_338 : vector<16xi1>, vector<16xi32>
    %select_n3A_795 = arith.select %lt3A_791, %broadcast_in_dim3A_336, %select_n3A_794 : vector<16xi1>, vector<16xi32>
    %add3A_796 = arith.addi %add3A_770, %select_n3A_795 : vector<16xi32>
    %lt3A_797 = vector.broadcast %squeeze3A_781 : f32 to vector<16xf32>
    %lt3A_798 = arith.cmpf olt, %lt3A_797, %get3A_335 : vector<16xf32>
    %eq3A_799 = vector.broadcast %squeeze3A_781 : f32 to vector<16xf32>
    %eq3A_800 = arith.cmpf oeq, %eq3A_799, %get3A_335 : vector<16xf32>
    %select_n3A_801 = arith.select %eq3A_800, %select_n3A_789, %broadcast_in_dim3A_338 : vector<16xi1>, vector<16xi32>
    %select_n3A_802 = arith.select %lt3A_798, %broadcast_in_dim3A_336, %select_n3A_801 : vector<16xi1>, vector<16xi32>
    %add3A_803 = arith.addi %add3A_777, %select_n3A_802 : vector<16xi32>
    %get3A_804 = arith.constant 18 : index
    %get3A_805 = tpu.vector_load %arg30[%get3A_804] {strides = array<i32>} : memref<48xf32, #tpu.memory_space<vmem>>, vector<16xf32>,
    %slice3A_806 = vector.extract_strided_slice %get3A_805 {offsets = [0], sizes = [1], strides = [1]} : vector<16xf32> to vector<1xf32>
    %squeeze3A_807 = vector.extract %slice3A_806[0] : f32 from vector<1xf32>
    %gt3A_808 = arith.constant 18 : i32
    %gt3A_809 = vector.broadcast %gt3A_808 : i32 to vector<16xi32>
    %gt3A_810 = arith.cmpi sgt, %iota3A, %gt3A_809 : vector<16xi32>
    %select_n3A_811 = arith.select %gt3A_810, %broadcast_in_dim3A_336, %broadcast_in_dim3A_338 : vector<16xi1>, vector<16xi32>
    %gt3A_812 = arith.constant 18 : i32
    %gt3A_813 = vector.broadcast %gt3A_812 : i32 to vector<16xi32>
    %gt3A_814 = arith.cmpi sgt, %add3A_341, %gt3A_813 : vector<16xi32>
    %select_n3A_815 = arith.select %gt3A_814, %broadcast_in_dim3A_336, %broadcast_in_dim3A_338 : vector<16xi1>, vector<16xi32>
    %lt3A_816 = vector.broadcast %squeeze3A_807 : f32 to vector<16xf32>
    %lt3A_817 = arith.cmpf olt, %lt3A_816, %get3A_333 : vector<16xf32>
    %eq3A_818 = vector.broadcast %squeeze3A_807 : f32 to vector<16xf32>
    %eq3A_819 = arith.cmpf oeq, %eq3A_818, %get3A_333 : vector<16xf32>
    %select_n3A_820 = arith.select %eq3A_819, %select_n3A_811, %broadcast_in_dim3A_338 : vector<16xi1>, vector<16xi32>
    %select_n3A_821 = arith.select %lt3A_817, %broadcast_in_dim3A_336, %select_n3A_820 : vector<16xi1>, vector<16xi32>
    %add3A_822 = arith.addi %add3A_796, %select_n3A_821 : vector<16xi32>
    %lt3A_823 = vector.broadcast %squeeze3A_807 : f32 to vector<16xf32>
    %lt3A_824 = arith.cmpf olt, %lt3A_823, %get3A_335 : vector<16xf32>
    %eq3A_825 = vector.broadcast %squeeze3A_807 : f32 to vector<16xf32>
    %eq3A_826 = arith.cmpf oeq, %eq3A_825, %get3A_335 : vector<16xf32>
    %select_n3A_827 = arith.select %eq3A_826, %select_n3A_815, %broadcast_in_dim3A_338 : vector<16xi1>, vector<16xi32>
    %select_n3A_828 = arith.select %lt3A_824, %broadcast_in_dim3A_336, %select_n3A_827 : vector<16xi1>, vector<16xi32>
    %add3A_829 = arith.addi %add3A_803, %select_n3A_828 : vector<16xi32>
    %get3A_830 = arith.constant 19 : index
    %get3A_831 = tpu.vector_load %arg30[%get3A_830] {strides = array<i32>} : memref<48xf32, #tpu.memory_space<vmem>>, vector<16xf32>,
    %slice3A_832 = vector.extract_strided_slice %get3A_831 {offsets = [0], sizes = [1], strides = [1]} : vector<16xf32> to vector<1xf32>
    %squeeze3A_833 = vector.extract %slice3A_832[0] : f32 from vector<1xf32>
    %gt3A_834 = arith.constant 19 : i32
    %gt3A_835 = vector.broadcast %gt3A_834 : i32 to vector<16xi32>
    %gt3A_836 = arith.cmpi sgt, %iota3A, %gt3A_835 : vector<16xi32>
    %select_n3A_837 = arith.select %gt3A_836, %broadcast_in_dim3A_336, %broadcast_in_dim3A_338 : vector<16xi1>, vector<16xi32>
    %gt3A_838 = arith.constant 19 : i32
    %gt3A_839 = vector.broadcast %gt3A_838 : i32 to vector<16xi32>
    %gt3A_840 = arith.cmpi sgt, %add3A_341, %gt3A_839 : vector<16xi32>
    %select_n3A_841 = arith.select %gt3A_840, %broadcast_in_dim3A_336, %broadcast_in_dim3A_338 : vector<16xi1>, vector<16xi32>
    %lt3A_842 = vector.broadcast %squeeze3A_833 : f32 to vector<16xf32>
    %lt3A_843 = arith.cmpf olt, %lt3A_842, %get3A_333 : vector<16xf32>
    %eq3A_844 = vector.broadcast %squeeze3A_833 : f32 to vector<16xf32>
    %eq3A_845 = arith.cmpf oeq, %eq3A_844, %get3A_333 : vector<16xf32>
    %select_n3A_846 = arith.select %eq3A_845, %select_n3A_837, %broadcast_in_dim3A_338 : vector<16xi1>, vector<16xi32>
    %select_n3A_847 = arith.select %lt3A_843, %broadcast_in_dim3A_336, %select_n3A_846 : vector<16xi1>, vector<16xi32>
    %add3A_848 = arith.addi %add3A_822, %select_n3A_847 : vector<16xi32>
    %lt3A_849 = vector.broadcast %squeeze3A_833 : f32 to vector<16xf32>
    %lt3A_850 = arith.cmpf olt, %lt3A_849, %get3A_335 : vector<16xf32>
    %eq3A_851 = vector.broadcast %squeeze3A_833 : f32 to vector<16xf32>
    %eq3A_852 = arith.cmpf oeq, %eq3A_851, %get3A_335 : vector<16xf32>
    %select_n3A_853 = arith.select %eq3A_852, %select_n3A_841, %broadcast_in_dim3A_338 : vector<16xi1>, vector<16xi32>
    %select_n3A_854 = arith.select %lt3A_850, %broadcast_in_dim3A_336, %select_n3A_853 : vector<16xi1>, vector<16xi32>
    %add3A_855 = arith.addi %add3A_829, %select_n3A_854 : vector<16xi32>
    %get3A_856 = arith.constant 20 : index
    %get3A_857 = tpu.vector_load %arg30[%get3A_856] {strides = array<i32>} : memref<48xf32, #tpu.memory_space<vmem>>, vector<16xf32>,
    %slice3A_858 = vector.extract_strided_slice %get3A_857 {offsets = [0], sizes = [1], strides = [1]} : vector<16xf32> to vector<1xf32>
    %squeeze3A_859 = vector.extract %slice3A_858[0] : f32 from vector<1xf32>
    %gt3A_860 = arith.constant 20 : i32
    %gt3A_861 = vector.broadcast %gt3A_860 : i32 to vector<16xi32>
    %gt3A_862 = arith.cmpi sgt, %iota3A, %gt3A_861 : vector<16xi32>
    %select_n3A_863 = arith.select %gt3A_862, %broadcast_in_dim3A_336, %broadcast_in_dim3A_338 : vector<16xi1>, vector<16xi32>
    %gt3A_864 = arith.constant 20 : i32
    %gt3A_865 = vector.broadcast %gt3A_864 : i32 to vector<16xi32>
    %gt3A_866 = arith.cmpi sgt, %add3A_341, %gt3A_865 : vector<16xi32>
    %select_n3A_867 = arith.select %gt3A_866, %broadcast_in_dim3A_336, %broadcast_in_dim3A_338 : vector<16xi1>, vector<16xi32>
    %lt3A_868 = vector.broadcast %squeeze3A_859 : f32 to vector<16xf32>
    %lt3A_869 = arith.cmpf olt, %lt3A_868, %get3A_333 : vector<16xf32>
    %eq3A_870 = vector.broadcast %squeeze3A_859 : f32 to vector<16xf32>
    %eq3A_871 = arith.cmpf oeq, %eq3A_870, %get3A_333 : vector<16xf32>
    %select_n3A_872 = arith.select %eq3A_871, %select_n3A_863, %broadcast_in_dim3A_338 : vector<16xi1>, vector<16xi32>
    %select_n3A_873 = arith.select %lt3A_869, %broadcast_in_dim3A_336, %select_n3A_872 : vector<16xi1>, vector<16xi32>
    %add3A_874 = arith.addi %add3A_848, %select_n3A_873 : vector<16xi32>
    %lt3A_875 = vector.broadcast %squeeze3A_859 : f32 to vector<16xf32>
    %lt3A_876 = arith.cmpf olt, %lt3A_875, %get3A_335 : vector<16xf32>
    %eq3A_877 = vector.broadcast %squeeze3A_859 : f32 to vector<16xf32>
    %eq3A_878 = arith.cmpf oeq, %eq3A_877, %get3A_335 : vector<16xf32>
    %select_n3A_879 = arith.select %eq3A_878, %select_n3A_867, %broadcast_in_dim3A_338 : vector<16xi1>, vector<16xi32>
    %select_n3A_880 = arith.select %lt3A_876, %broadcast_in_dim3A_336, %select_n3A_879 : vector<16xi1>, vector<16xi32>
    %add3A_881 = arith.addi %add3A_855, %select_n3A_880 : vector<16xi32>
    %get3A_882 = arith.constant 21 : index
    %get3A_883 = tpu.vector_load %arg30[%get3A_882] {strides = array<i32>} : memref<48xf32, #tpu.memory_space<vmem>>, vector<16xf32>,
    %slice3A_884 = vector.extract_strided_slice %get3A_883 {offsets = [0], sizes = [1], strides = [1]} : vector<16xf32> to vector<1xf32>
    %squeeze3A_885 = vector.extract %slice3A_884[0] : f32 from vector<1xf32>
    %gt3A_886 = arith.constant 21 : i32
    %gt3A_887 = vector.broadcast %gt3A_886 : i32 to vector<16xi32>
    %gt3A_888 = arith.cmpi sgt, %iota3A, %gt3A_887 : vector<16xi32>
    %select_n3A_889 = arith.select %gt3A_888, %broadcast_in_dim3A_336, %broadcast_in_dim3A_338 : vector<16xi1>, vector<16xi32>
    %gt3A_890 = arith.constant 21 : i32
    %gt3A_891 = vector.broadcast %gt3A_890 : i32 to vector<16xi32>
    %gt3A_892 = arith.cmpi sgt, %add3A_341, %gt3A_891 : vector<16xi32>
    %select_n3A_893 = arith.select %gt3A_892, %broadcast_in_dim3A_336, %broadcast_in_dim3A_338 : vector<16xi1>, vector<16xi32>
    %lt3A_894 = vector.broadcast %squeeze3A_885 : f32 to vector<16xf32>
    %lt3A_895 = arith.cmpf olt, %lt3A_894, %get3A_333 : vector<16xf32>
    %eq3A_896 = vector.broadcast %squeeze3A_885 : f32 to vector<16xf32>
    %eq3A_897 = arith.cmpf oeq, %eq3A_896, %get3A_333 : vector<16xf32>
    %select_n3A_898 = arith.select %eq3A_897, %select_n3A_889, %broadcast_in_dim3A_338 : vector<16xi1>, vector<16xi32>
    %select_n3A_899 = arith.select %lt3A_895, %broadcast_in_dim3A_336, %select_n3A_898 : vector<16xi1>, vector<16xi32>
    %add3A_900 = arith.addi %add3A_874, %select_n3A_899 : vector<16xi32>
    %lt3A_901 = vector.broadcast %squeeze3A_885 : f32 to vector<16xf32>
    %lt3A_902 = arith.cmpf olt, %lt3A_901, %get3A_335 : vector<16xf32>
    %eq3A_903 = vector.broadcast %squeeze3A_885 : f32 to vector<16xf32>
    %eq3A_904 = arith.cmpf oeq, %eq3A_903, %get3A_335 : vector<16xf32>
    %select_n3A_905 = arith.select %eq3A_904, %select_n3A_893, %broadcast_in_dim3A_338 : vector<16xi1>, vector<16xi32>
    %select_n3A_906 = arith.select %lt3A_902, %broadcast_in_dim3A_336, %select_n3A_905 : vector<16xi1>, vector<16xi32>
    %add3A_907 = arith.addi %add3A_881, %select_n3A_906 : vector<16xi32>
    %get3A_908 = arith.constant 22 : index
    %get3A_909 = tpu.vector_load %arg30[%get3A_908] {strides = array<i32>} : memref<48xf32, #tpu.memory_space<vmem>>, vector<16xf32>,
    %slice3A_910 = vector.extract_strided_slice %get3A_909 {offsets = [0], sizes = [1], strides = [1]} : vector<16xf32> to vector<1xf32>
    %squeeze3A_911 = vector.extract %slice3A_910[0] : f32 from vector<1xf32>
    %gt3A_912 = arith.constant 22 : i32
    %gt3A_913 = vector.broadcast %gt3A_912 : i32 to vector<16xi32>
    %gt3A_914 = arith.cmpi sgt, %iota3A, %gt3A_913 : vector<16xi32>
    %select_n3A_915 = arith.select %gt3A_914, %broadcast_in_dim3A_336, %broadcast_in_dim3A_338 : vector<16xi1>, vector<16xi32>
    %gt3A_916 = arith.constant 22 : i32
    %gt3A_917 = vector.broadcast %gt3A_916 : i32 to vector<16xi32>
    %gt3A_918 = arith.cmpi sgt, %add3A_341, %gt3A_917 : vector<16xi32>
    %select_n3A_919 = arith.select %gt3A_918, %broadcast_in_dim3A_336, %broadcast_in_dim3A_338 : vector<16xi1>, vector<16xi32>
    %lt3A_920 = vector.broadcast %squeeze3A_911 : f32 to vector<16xf32>
    %lt3A_921 = arith.cmpf olt, %lt3A_920, %get3A_333 : vector<16xf32>
    %eq3A_922 = vector.broadcast %squeeze3A_911 : f32 to vector<16xf32>
    %eq3A_923 = arith.cmpf oeq, %eq3A_922, %get3A_333 : vector<16xf32>
    %select_n3A_924 = arith.select %eq3A_923, %select_n3A_915, %broadcast_in_dim3A_338 : vector<16xi1>, vector<16xi32>
    %select_n3A_925 = arith.select %lt3A_921, %broadcast_in_dim3A_336, %select_n3A_924 : vector<16xi1>, vector<16xi32>
    %add3A_926 = arith.addi %add3A_900, %select_n3A_925 : vector<16xi32>
    %lt3A_927 = vector.broadcast %squeeze3A_911 : f32 to vector<16xf32>
    %lt3A_928 = arith.cmpf olt, %lt3A_927, %get3A_335 : vector<16xf32>
    %eq3A_929 = vector.broadcast %squeeze3A_911 : f32 to vector<16xf32>
    %eq3A_930 = arith.cmpf oeq, %eq3A_929, %get3A_335 : vector<16xf32>
    %select_n3A_931 = arith.select %eq3A_930, %select_n3A_919, %broadcast_in_dim3A_338 : vector<16xi1>, vector<16xi32>
    %select_n3A_932 = arith.select %lt3A_928, %broadcast_in_dim3A_336, %select_n3A_931 : vector<16xi1>, vector<16xi32>
    %add3A_933 = arith.addi %add3A_907, %select_n3A_932 : vector<16xi32>
    %get3A_934 = arith.constant 23 : index
    %get3A_935 = tpu.vector_load %arg30[%get3A_934] {strides = array<i32>} : memref<48xf32, #tpu.memory_space<vmem>>, vector<16xf32>,
    %slice3A_936 = vector.extract_strided_slice %get3A_935 {offsets = [0], sizes = [1], strides = [1]} : vector<16xf32> to vector<1xf32>
    %squeeze3A_937 = vector.extract %slice3A_936[0] : f32 from vector<1xf32>
    %gt3A_938 = arith.constant 23 : i32
    %gt3A_939 = vector.broadcast %gt3A_938 : i32 to vector<16xi32>
    %gt3A_940 = arith.cmpi sgt, %iota3A, %gt3A_939 : vector<16xi32>
    %select_n3A_941 = arith.select %gt3A_940, %broadcast_in_dim3A_336, %broadcast_in_dim3A_338 : vector<16xi1>, vector<16xi32>
    %gt3A_942 = arith.constant 23 : i32
    %gt3A_943 = vector.broadcast %gt3A_942 : i32 to vector<16xi32>
    %gt3A_944 = arith.cmpi sgt, %add3A_341, %gt3A_943 : vector<16xi32>
    %select_n3A_945 = arith.select %gt3A_944, %broadcast_in_dim3A_336, %broadcast_in_dim3A_338 : vector<16xi1>, vector<16xi32>
    %lt3A_946 = vector.broadcast %squeeze3A_937 : f32 to vector<16xf32>
    %lt3A_947 = arith.cmpf olt, %lt3A_946, %get3A_333 : vector<16xf32>
    %eq3A_948 = vector.broadcast %squeeze3A_937 : f32 to vector<16xf32>
    %eq3A_949 = arith.cmpf oeq, %eq3A_948, %get3A_333 : vector<16xf32>
    %select_n3A_950 = arith.select %eq3A_949, %select_n3A_941, %broadcast_in_dim3A_338 : vector<16xi1>, vector<16xi32>
    %select_n3A_951 = arith.select %lt3A_947, %broadcast_in_dim3A_336, %select_n3A_950 : vector<16xi1>, vector<16xi32>
    %add3A_952 = arith.addi %add3A_926, %select_n3A_951 : vector<16xi32>
    %lt3A_953 = vector.broadcast %squeeze3A_937 : f32 to vector<16xf32>
    %lt3A_954 = arith.cmpf olt, %lt3A_953, %get3A_335 : vector<16xf32>
    %eq3A_955 = vector.broadcast %squeeze3A_937 : f32 to vector<16xf32>
    %eq3A_956 = arith.cmpf oeq, %eq3A_955, %get3A_335 : vector<16xf32>
    %select_n3A_957 = arith.select %eq3A_956, %select_n3A_945, %broadcast_in_dim3A_338 : vector<16xi1>, vector<16xi32>
    %select_n3A_958 = arith.select %lt3A_954, %broadcast_in_dim3A_336, %select_n3A_957 : vector<16xi1>, vector<16xi32>
    %add3A_959 = arith.addi %add3A_933, %select_n3A_958 : vector<16xi32>
    %get3A_960 = arith.constant 24 : index
    %get3A_961 = tpu.vector_load %arg30[%get3A_960] {strides = array<i32>} : memref<48xf32, #tpu.memory_space<vmem>>, vector<16xf32>,
    %slice3A_962 = vector.extract_strided_slice %get3A_961 {offsets = [0], sizes = [1], strides = [1]} : vector<16xf32> to vector<1xf32>
    %squeeze3A_963 = vector.extract %slice3A_962[0] : f32 from vector<1xf32>
    %gt3A_964 = arith.constant 24 : i32
    %gt3A_965 = vector.broadcast %gt3A_964 : i32 to vector<16xi32>
    %gt3A_966 = arith.cmpi sgt, %iota3A, %gt3A_965 : vector<16xi32>
    %select_n3A_967 = arith.select %gt3A_966, %broadcast_in_dim3A_336, %broadcast_in_dim3A_338 : vector<16xi1>, vector<16xi32>
    %gt3A_968 = arith.constant 24 : i32
    %gt3A_969 = vector.broadcast %gt3A_968 : i32 to vector<16xi32>
    %gt3A_970 = arith.cmpi sgt, %add3A_341, %gt3A_969 : vector<16xi32>
    %select_n3A_971 = arith.select %gt3A_970, %broadcast_in_dim3A_336, %broadcast_in_dim3A_338 : vector<16xi1>, vector<16xi32>
    %lt3A_972 = vector.broadcast %squeeze3A_963 : f32 to vector<16xf32>
    %lt3A_973 = arith.cmpf olt, %lt3A_972, %get3A_333 : vector<16xf32>
    %eq3A_974 = vector.broadcast %squeeze3A_963 : f32 to vector<16xf32>
    %eq3A_975 = arith.cmpf oeq, %eq3A_974, %get3A_333 : vector<16xf32>
    %select_n3A_976 = arith.select %eq3A_975, %select_n3A_967, %broadcast_in_dim3A_338 : vector<16xi1>, vector<16xi32>
    %select_n3A_977 = arith.select %lt3A_973, %broadcast_in_dim3A_336, %select_n3A_976 : vector<16xi1>, vector<16xi32>
    %add3A_978 = arith.addi %add3A_952, %select_n3A_977 : vector<16xi32>
    %lt3A_979 = vector.broadcast %squeeze3A_963 : f32 to vector<16xf32>
    %lt3A_980 = arith.cmpf olt, %lt3A_979, %get3A_335 : vector<16xf32>
    %eq3A_981 = vector.broadcast %squeeze3A_963 : f32 to vector<16xf32>
    %eq3A_982 = arith.cmpf oeq, %eq3A_981, %get3A_335 : vector<16xf32>
    %select_n3A_983 = arith.select %eq3A_982, %select_n3A_971, %broadcast_in_dim3A_338 : vector<16xi1>, vector<16xi32>
    %select_n3A_984 = arith.select %lt3A_980, %broadcast_in_dim3A_336, %select_n3A_983 : vector<16xi1>, vector<16xi32>
    %add3A_985 = arith.addi %add3A_959, %select_n3A_984 : vector<16xi32>
    %get3A_986 = arith.constant 25 : index
    %get3A_987 = tpu.vector_load %arg30[%get3A_986] {strides = array<i32>} : memref<48xf32, #tpu.memory_space<vmem>>, vector<16xf32>,
    %slice3A_988 = vector.extract_strided_slice %get3A_987 {offsets = [0], sizes = [1], strides = [1]} : vector<16xf32> to vector<1xf32>
    %squeeze3A_989 = vector.extract %slice3A_988[0] : f32 from vector<1xf32>
    %gt3A_990 = arith.constant 25 : i32
    %gt3A_991 = vector.broadcast %gt3A_990 : i32 to vector<16xi32>
    %gt3A_992 = arith.cmpi sgt, %iota3A, %gt3A_991 : vector<16xi32>
    %select_n3A_993 = arith.select %gt3A_992, %broadcast_in_dim3A_336, %broadcast_in_dim3A_338 : vector<16xi1>, vector<16xi32>
    %gt3A_994 = arith.constant 25 : i32
    %gt3A_995 = vector.broadcast %gt3A_994 : i32 to vector<16xi32>
    %gt3A_996 = arith.cmpi sgt, %add3A_341, %gt3A_995 : vector<16xi32>
    %select_n3A_997 = arith.select %gt3A_996, %broadcast_in_dim3A_336, %broadcast_in_dim3A_338 : vector<16xi1>, vector<16xi32>
    %lt3A_998 = vector.broadcast %squeeze3A_989 : f32 to vector<16xf32>
    %lt3A_999 = arith.cmpf olt, %lt3A_998, %get3A_333 : vector<16xf32>
    %eq3A_1000 = vector.broadcast %squeeze3A_989 : f32 to vector<16xf32>
    %eq3A_1001 = arith.cmpf oeq, %eq3A_1000, %get3A_333 : vector<16xf32>
    %select_n3A_1002 = arith.select %eq3A_1001, %select_n3A_993, %broadcast_in_dim3A_338 : vector<16xi1>, vector<16xi32>
    %select_n3A_1003 = arith.select %lt3A_999, %broadcast_in_dim3A_336, %select_n3A_1002 : vector<16xi1>, vector<16xi32>
    %add3A_1004 = arith.addi %add3A_978, %select_n3A_1003 : vector<16xi32>
    %lt3A_1005 = vector.broadcast %squeeze3A_989 : f32 to vector<16xf32>
    %lt3A_1006 = arith.cmpf olt, %lt3A_1005, %get3A_335 : vector<16xf32>
    %eq3A_1007 = vector.broadcast %squeeze3A_989 : f32 to vector<16xf32>
    %eq3A_1008 = arith.cmpf oeq, %eq3A_1007, %get3A_335 : vector<16xf32>
    %select_n3A_1009 = arith.select %eq3A_1008, %select_n3A_997, %broadcast_in_dim3A_338 : vector<16xi1>, vector<16xi32>
    %select_n3A_1010 = arith.select %lt3A_1006, %broadcast_in_dim3A_336, %select_n3A_1009 : vector<16xi1>, vector<16xi32>
    %add3A_1011 = arith.addi %add3A_985, %select_n3A_1010 : vector<16xi32>
    %get3A_1012 = arith.constant 26 : index
    %get3A_1013 = tpu.vector_load %arg30[%get3A_1012] {strides = array<i32>} : memref<48xf32, #tpu.memory_space<vmem>>, vector<16xf32>,
    %slice3A_1014 = vector.extract_strided_slice %get3A_1013 {offsets = [0], sizes = [1], strides = [1]} : vector<16xf32> to vector<1xf32>
    %squeeze3A_1015 = vector.extract %slice3A_1014[0] : f32 from vector<1xf32>
    %gt3A_1016 = arith.constant 26 : i32
    %gt3A_1017 = vector.broadcast %gt3A_1016 : i32 to vector<16xi32>
    %gt3A_1018 = arith.cmpi sgt, %iota3A, %gt3A_1017 : vector<16xi32>
    %select_n3A_1019 = arith.select %gt3A_1018, %broadcast_in_dim3A_336, %broadcast_in_dim3A_338 : vector<16xi1>, vector<16xi32>
    %gt3A_1020 = arith.constant 26 : i32
    %gt3A_1021 = vector.broadcast %gt3A_1020 : i32 to vector<16xi32>
    %gt3A_1022 = arith.cmpi sgt, %add3A_341, %gt3A_1021 : vector<16xi32>
    %select_n3A_1023 = arith.select %gt3A_1022, %broadcast_in_dim3A_336, %broadcast_in_dim3A_338 : vector<16xi1>, vector<16xi32>
    %lt3A_1024 = vector.broadcast %squeeze3A_1015 : f32 to vector<16xf32>
    %lt3A_1025 = arith.cmpf olt, %lt3A_1024, %get3A_333 : vector<16xf32>
    %eq3A_1026 = vector.broadcast %squeeze3A_1015 : f32 to vector<16xf32>
    %eq3A_1027 = arith.cmpf oeq, %eq3A_1026, %get3A_333 : vector<16xf32>
    %select_n3A_1028 = arith.select %eq3A_1027, %select_n3A_1019, %broadcast_in_dim3A_338 : vector<16xi1>, vector<16xi32>
    %select_n3A_1029 = arith.select %lt3A_1025, %broadcast_in_dim3A_336, %select_n3A_1028 : vector<16xi1>, vector<16xi32>
    %add3A_1030 = arith.addi %add3A_1004, %select_n3A_1029 : vector<16xi32>
    %lt3A_1031 = vector.broadcast %squeeze3A_1015 : f32 to vector<16xf32>
    %lt3A_1032 = arith.cmpf olt, %lt3A_1031, %get3A_335 : vector<16xf32>
    %eq3A_1033 = vector.broadcast %squeeze3A_1015 : f32 to vector<16xf32>
    %eq3A_1034 = arith.cmpf oeq, %eq3A_1033, %get3A_335 : vector<16xf32>
    %select_n3A_1035 = arith.select %eq3A_1034, %select_n3A_1023, %broadcast_in_dim3A_338 : vector<16xi1>, vector<16xi32>
    %select_n3A_1036 = arith.select %lt3A_1032, %broadcast_in_dim3A_336, %select_n3A_1035 : vector<16xi1>, vector<16xi32>
    %add3A_1037 = arith.addi %add3A_1011, %select_n3A_1036 : vector<16xi32>
    %get3A_1038 = arith.constant 27 : index
    %get3A_1039 = tpu.vector_load %arg30[%get3A_1038] {strides = array<i32>} : memref<48xf32, #tpu.memory_space<vmem>>, vector<16xf32>,
    %slice3A_1040 = vector.extract_strided_slice %get3A_1039 {offsets = [0], sizes = [1], strides = [1]} : vector<16xf32> to vector<1xf32>
    %squeeze3A_1041 = vector.extract %slice3A_1040[0] : f32 from vector<1xf32>
    %gt3A_1042 = arith.constant 27 : i32
    %gt3A_1043 = vector.broadcast %gt3A_1042 : i32 to vector<16xi32>
    %gt3A_1044 = arith.cmpi sgt, %iota3A, %gt3A_1043 : vector<16xi32>
    %select_n3A_1045 = arith.select %gt3A_1044, %broadcast_in_dim3A_336, %broadcast_in_dim3A_338 : vector<16xi1>, vector<16xi32>
    %gt3A_1046 = arith.constant 27 : i32
    %gt3A_1047 = vector.broadcast %gt3A_1046 : i32 to vector<16xi32>
    %gt3A_1048 = arith.cmpi sgt, %add3A_341, %gt3A_1047 : vector<16xi32>
    %select_n3A_1049 = arith.select %gt3A_1048, %broadcast_in_dim3A_336, %broadcast_in_dim3A_338 : vector<16xi1>, vector<16xi32>
    %lt3A_1050 = vector.broadcast %squeeze3A_1041 : f32 to vector<16xf32>
    %lt3A_1051 = arith.cmpf olt, %lt3A_1050, %get3A_333 : vector<16xf32>
    %eq3A_1052 = vector.broadcast %squeeze3A_1041 : f32 to vector<16xf32>
    %eq3A_1053 = arith.cmpf oeq, %eq3A_1052, %get3A_333 : vector<16xf32>
    %select_n3A_1054 = arith.select %eq3A_1053, %select_n3A_1045, %broadcast_in_dim3A_338 : vector<16xi1>, vector<16xi32>
    %select_n3A_1055 = arith.select %lt3A_1051, %broadcast_in_dim3A_336, %select_n3A_1054 : vector<16xi1>, vector<16xi32>
    %add3A_1056 = arith.addi %add3A_1030, %select_n3A_1055 : vector<16xi32>
    %lt3A_1057 = vector.broadcast %squeeze3A_1041 : f32 to vector<16xf32>
    %lt3A_1058 = arith.cmpf olt, %lt3A_1057, %get3A_335 : vector<16xf32>
    %eq3A_1059 = vector.broadcast %squeeze3A_1041 : f32 to vector<16xf32>
    %eq3A_1060 = arith.cmpf oeq, %eq3A_1059, %get3A_335 : vector<16xf32>
    %select_n3A_1061 = arith.select %eq3A_1060, %select_n3A_1049, %broadcast_in_dim3A_338 : vector<16xi1>, vector<16xi32>
    %select_n3A_1062 = arith.select %lt3A_1058, %broadcast_in_dim3A_336, %select_n3A_1061 : vector<16xi1>, vector<16xi32>
    %add3A_1063 = arith.addi %add3A_1037, %select_n3A_1062 : vector<16xi32>
    %get3A_1064 = arith.constant 28 : index
    %get3A_1065 = tpu.vector_load %arg30[%get3A_1064] {strides = array<i32>} : memref<48xf32, #tpu.memory_space<vmem>>, vector<16xf32>,
    %slice3A_1066 = vector.extract_strided_slice %get3A_1065 {offsets = [0], sizes = [1], strides = [1]} : vector<16xf32> to vector<1xf32>
    %squeeze3A_1067 = vector.extract %slice3A_1066[0] : f32 from vector<1xf32>
    %gt3A_1068 = arith.constant 28 : i32
    %gt3A_1069 = vector.broadcast %gt3A_1068 : i32 to vector<16xi32>
    %gt3A_1070 = arith.cmpi sgt, %iota3A, %gt3A_1069 : vector<16xi32>
    %select_n3A_1071 = arith.select %gt3A_1070, %broadcast_in_dim3A_336, %broadcast_in_dim3A_338 : vector<16xi1>, vector<16xi32>
    %gt3A_1072 = arith.constant 28 : i32
    %gt3A_1073 = vector.broadcast %gt3A_1072 : i32 to vector<16xi32>
    %gt3A_1074 = arith.cmpi sgt, %add3A_341, %gt3A_1073 : vector<16xi32>
    %select_n3A_1075 = arith.select %gt3A_1074, %broadcast_in_dim3A_336, %broadcast_in_dim3A_338 : vector<16xi1>, vector<16xi32>
    %lt3A_1076 = vector.broadcast %squeeze3A_1067 : f32 to vector<16xf32>
    %lt3A_1077 = arith.cmpf olt, %lt3A_1076, %get3A_333 : vector<16xf32>
    %eq3A_1078 = vector.broadcast %squeeze3A_1067 : f32 to vector<16xf32>
    %eq3A_1079 = arith.cmpf oeq, %eq3A_1078, %get3A_333 : vector<16xf32>
    %select_n3A_1080 = arith.select %eq3A_1079, %select_n3A_1071, %broadcast_in_dim3A_338 : vector<16xi1>, vector<16xi32>
    %select_n3A_1081 = arith.select %lt3A_1077, %broadcast_in_dim3A_336, %select_n3A_1080 : vector<16xi1>, vector<16xi32>
    %add3A_1082 = arith.addi %add3A_1056, %select_n3A_1081 : vector<16xi32>
    %lt3A_1083 = vector.broadcast %squeeze3A_1067 : f32 to vector<16xf32>
    %lt3A_1084 = arith.cmpf olt, %lt3A_1083, %get3A_335 : vector<16xf32>
    %eq3A_1085 = vector.broadcast %squeeze3A_1067 : f32 to vector<16xf32>
    %eq3A_1086 = arith.cmpf oeq, %eq3A_1085, %get3A_335 : vector<16xf32>
    %select_n3A_1087 = arith.select %eq3A_1086, %select_n3A_1075, %broadcast_in_dim3A_338 : vector<16xi1>, vector<16xi32>
    %select_n3A_1088 = arith.select %lt3A_1084, %broadcast_in_dim3A_336, %select_n3A_1087 : vector<16xi1>, vector<16xi32>
    %add3A_1089 = arith.addi %add3A_1063, %select_n3A_1088 : vector<16xi32>
    %get3A_1090 = arith.constant 29 : index
    %get3A_1091 = tpu.vector_load %arg30[%get3A_1090] {strides = array<i32>} : memref<48xf32, #tpu.memory_space<vmem>>, vector<16xf32>,
    %slice3A_1092 = vector.extract_strided_slice %get3A_1091 {offsets = [0], sizes = [1], strides = [1]} : vector<16xf32> to vector<1xf32>
    %squeeze3A_1093 = vector.extract %slice3A_1092[0] : f32 from vector<1xf32>
    %gt3A_1094 = arith.constant 29 : i32
    %gt3A_1095 = vector.broadcast %gt3A_1094 : i32 to vector<16xi32>
    %gt3A_1096 = arith.cmpi sgt, %iota3A, %gt3A_1095 : vector<16xi32>
    %select_n3A_1097 = arith.select %gt3A_1096, %broadcast_in_dim3A_336, %broadcast_in_dim3A_338 : vector<16xi1>, vector<16xi32>
    %gt3A_1098 = arith.constant 29 : i32
    %gt3A_1099 = vector.broadcast %gt3A_1098 : i32 to vector<16xi32>
    %gt3A_1100 = arith.cmpi sgt, %add3A_341, %gt3A_1099 : vector<16xi32>
    %select_n3A_1101 = arith.select %gt3A_1100, %broadcast_in_dim3A_336, %broadcast_in_dim3A_338 : vector<16xi1>, vector<16xi32>
    %lt3A_1102 = vector.broadcast %squeeze3A_1093 : f32 to vector<16xf32>
    %lt3A_1103 = arith.cmpf olt, %lt3A_1102, %get3A_333 : vector<16xf32>
    %eq3A_1104 = vector.broadcast %squeeze3A_1093 : f32 to vector<16xf32>
    %eq3A_1105 = arith.cmpf oeq, %eq3A_1104, %get3A_333 : vector<16xf32>
    %select_n3A_1106 = arith.select %eq3A_1105, %select_n3A_1097, %broadcast_in_dim3A_338 : vector<16xi1>, vector<16xi32>
    %select_n3A_1107 = arith.select %lt3A_1103, %broadcast_in_dim3A_336, %select_n3A_1106 : vector<16xi1>, vector<16xi32>
    %add3A_1108 = arith.addi %add3A_1082, %select_n3A_1107 : vector<16xi32>
    %lt3A_1109 = vector.broadcast %squeeze3A_1093 : f32 to vector<16xf32>
    %lt3A_1110 = arith.cmpf olt, %lt3A_1109, %get3A_335 : vector<16xf32>
    %eq3A_1111 = vector.broadcast %squeeze3A_1093 : f32 to vector<16xf32>
    %eq3A_1112 = arith.cmpf oeq, %eq3A_1111, %get3A_335 : vector<16xf32>
    %select_n3A_1113 = arith.select %eq3A_1112, %select_n3A_1101, %broadcast_in_dim3A_338 : vector<16xi1>, vector<16xi32>
    %select_n3A_1114 = arith.select %lt3A_1110, %broadcast_in_dim3A_336, %select_n3A_1113 : vector<16xi1>, vector<16xi32>
    %add3A_1115 = arith.addi %add3A_1089, %select_n3A_1114 : vector<16xi32>
    %get3A_1116 = arith.constant 30 : index
    %get3A_1117 = tpu.vector_load %arg30[%get3A_1116] {strides = array<i32>} : memref<48xf32, #tpu.memory_space<vmem>>, vector<16xf32>,
    %slice3A_1118 = vector.extract_strided_slice %get3A_1117 {offsets = [0], sizes = [1], strides = [1]} : vector<16xf32> to vector<1xf32>
    %squeeze3A_1119 = vector.extract %slice3A_1118[0] : f32 from vector<1xf32>
    %gt3A_1120 = arith.constant 30 : i32
    %gt3A_1121 = vector.broadcast %gt3A_1120 : i32 to vector<16xi32>
    %gt3A_1122 = arith.cmpi sgt, %iota3A, %gt3A_1121 : vector<16xi32>
    %select_n3A_1123 = arith.select %gt3A_1122, %broadcast_in_dim3A_336, %broadcast_in_dim3A_338 : vector<16xi1>, vector<16xi32>
    %gt3A_1124 = arith.constant 30 : i32
    %gt3A_1125 = vector.broadcast %gt3A_1124 : i32 to vector<16xi32>
    %gt3A_1126 = arith.cmpi sgt, %add3A_341, %gt3A_1125 : vector<16xi32>
    %select_n3A_1127 = arith.select %gt3A_1126, %broadcast_in_dim3A_336, %broadcast_in_dim3A_338 : vector<16xi1>, vector<16xi32>
    %lt3A_1128 = vector.broadcast %squeeze3A_1119 : f32 to vector<16xf32>
    %lt3A_1129 = arith.cmpf olt, %lt3A_1128, %get3A_333 : vector<16xf32>
    %eq3A_1130 = vector.broadcast %squeeze3A_1119 : f32 to vector<16xf32>
    %eq3A_1131 = arith.cmpf oeq, %eq3A_1130, %get3A_333 : vector<16xf32>
    %select_n3A_1132 = arith.select %eq3A_1131, %select_n3A_1123, %broadcast_in_dim3A_338 : vector<16xi1>, vector<16xi32>
    %select_n3A_1133 = arith.select %lt3A_1129, %broadcast_in_dim3A_336, %select_n3A_1132 : vector<16xi1>, vector<16xi32>
    %add3A_1134 = arith.addi %add3A_1108, %select_n3A_1133 : vector<16xi32>
    %lt3A_1135 = vector.broadcast %squeeze3A_1119 : f32 to vector<16xf32>
    %lt3A_1136 = arith.cmpf olt, %lt3A_1135, %get3A_335 : vector<16xf32>
    %eq3A_1137 = vector.broadcast %squeeze3A_1119 : f32 to vector<16xf32>
    %eq3A_1138 = arith.cmpf oeq, %eq3A_1137, %get3A_335 : vector<16xf32>
    %select_n3A_1139 = arith.select %eq3A_1138, %select_n3A_1127, %broadcast_in_dim3A_338 : vector<16xi1>, vector<16xi32>
    %select_n3A_1140 = arith.select %lt3A_1136, %broadcast_in_dim3A_336, %select_n3A_1139 : vector<16xi1>, vector<16xi32>
    %add3A_1141 = arith.addi %add3A_1115, %select_n3A_1140 : vector<16xi32>
    %get3A_1142 = arith.constant 31 : index
    %get3A_1143 = tpu.vector_load %arg30[%get3A_1142] {strides = array<i32>} : memref<48xf32, #tpu.memory_space<vmem>>, vector<16xf32>,
    %slice3A_1144 = vector.extract_strided_slice %get3A_1143 {offsets = [0], sizes = [1], strides = [1]} : vector<16xf32> to vector<1xf32>
    %squeeze3A_1145 = vector.extract %slice3A_1144[0] : f32 from vector<1xf32>
    %gt3A_1146 = arith.constant 31 : i32
    %gt3A_1147 = vector.broadcast %gt3A_1146 : i32 to vector<16xi32>
    %gt3A_1148 = arith.cmpi sgt, %iota3A, %gt3A_1147 : vector<16xi32>
    %select_n3A_1149 = arith.select %gt3A_1148, %broadcast_in_dim3A_336, %broadcast_in_dim3A_338 : vector<16xi1>, vector<16xi32>
    %gt3A_1150 = arith.constant 31 : i32
    %gt3A_1151 = vector.broadcast %gt3A_1150 : i32 to vector<16xi32>
    %gt3A_1152 = arith.cmpi sgt, %add3A_341, %gt3A_1151 : vector<16xi32>
    %select_n3A_1153 = arith.select %gt3A_1152, %broadcast_in_dim3A_336, %broadcast_in_dim3A_338 : vector<16xi1>, vector<16xi32>
    %lt3A_1154 = vector.broadcast %squeeze3A_1145 : f32 to vector<16xf32>
    %lt3A_1155 = arith.cmpf olt, %lt3A_1154, %get3A_333 : vector<16xf32>
    %eq3A_1156 = vector.broadcast %squeeze3A_1145 : f32 to vector<16xf32>
    %eq3A_1157 = arith.cmpf oeq, %eq3A_1156, %get3A_333 : vector<16xf32>
    %select_n3A_1158 = arith.select %eq3A_1157, %select_n3A_1149, %broadcast_in_dim3A_338 : vector<16xi1>, vector<16xi32>
    %select_n3A_1159 = arith.select %lt3A_1155, %broadcast_in_dim3A_336, %select_n3A_1158 : vector<16xi1>, vector<16xi32>
    %add3A_1160 = arith.addi %add3A_1134, %select_n3A_1159 : vector<16xi32>
    %lt3A_1161 = vector.broadcast %squeeze3A_1145 : f32 to vector<16xf32>
    %lt3A_1162 = arith.cmpf olt, %lt3A_1161, %get3A_335 : vector<16xf32>
    %eq3A_1163 = vector.broadcast %squeeze3A_1145 : f32 to vector<16xf32>
    %eq3A_1164 = arith.cmpf oeq, %eq3A_1163, %get3A_335 : vector<16xf32>
    %select_n3A_1165 = arith.select %eq3A_1164, %select_n3A_1153, %broadcast_in_dim3A_338 : vector<16xi1>, vector<16xi32>
    %select_n3A_1166 = arith.select %lt3A_1162, %broadcast_in_dim3A_336, %select_n3A_1165 : vector<16xi1>, vector<16xi32>
    %add3A_1167 = arith.addi %add3A_1141, %select_n3A_1166 : vector<16xi32>
    tpu.vector_store_idx %arg32[%add3A_1160], %iota3A : memref<48xi32, #tpu.memory_space<vmem>>[vector<16xi32>], vector<16xi32>,
    tpu.vector_store_idx %arg32[%add3A_1167], %add3A_341 : memref<48xi32, #tpu.memory_space<vmem>>[vector<16xi32>], vector<16xi32>,
    %get3A_1168 = arith.constant 0 : index
    %get3A_1169 = tpu.vector_load %arg31[%get3A_1168] {strides = array<i32>} : memref<48xf32, #tpu.memory_space<vmem>>, vector<16xf32>,
    %get3A_1170 = arith.constant 16 : index
    %get3A_1171 = tpu.vector_load %arg31[%get3A_1170] {strides = array<i32>} : memref<48xf32, #tpu.memory_space<vmem>>, vector<16xf32>,
    %broadcast_in_dim3A_1172 = arith.constant 1 : i32
    %broadcast_in_dim3A_1173 = vector.broadcast %broadcast_in_dim3A_1172 : i32 to vector<16xi32>
    %broadcast_in_dim3A_1174 = arith.constant 0 : i32
    %broadcast_in_dim3A_1175 = vector.broadcast %broadcast_in_dim3A_1174 : i32 to vector<16xi32>
    %add3A_1176 = arith.constant 16 : i32
    %add3A_1177 = vector.broadcast %add3A_1176 : i32 to vector<16xi32>
    %add3A_1178 = arith.addi %iota3A, %add3A_1177 : vector<16xi32>
    %get3A_1179 = arith.constant 0 : index
    %get3A_1180 = tpu.vector_load %arg31[%get3A_1179] {strides = array<i32>} : memref<48xf32, #tpu.memory_space<vmem>>, vector<16xf32>,
    %slice3A_1181 = vector.extract_strided_slice %get3A_1180 {offsets = [0], sizes = [1], strides = [1]} : vector<16xf32> to vector<1xf32>
    %squeeze3A_1182 = vector.extract %slice3A_1181[0] : f32 from vector<1xf32>
    %gt3A_1183 = arith.constant 0 : i32
    %gt3A_1184 = vector.broadcast %gt3A_1183 : i32 to vector<16xi32>
    %gt3A_1185 = arith.cmpi sgt, %iota3A, %gt3A_1184 : vector<16xi32>
    %select_n3A_1186 = arith.select %gt3A_1185, %broadcast_in_dim3A_1173, %broadcast_in_dim3A_1175 : vector<16xi1>, vector<16xi32>
    %gt3A_1187 = arith.constant 0 : i32
    %gt3A_1188 = vector.broadcast %gt3A_1187 : i32 to vector<16xi32>
    %gt3A_1189 = arith.cmpi sgt, %add3A_1178, %gt3A_1188 : vector<16xi32>
    %select_n3A_1190 = arith.select %gt3A_1189, %broadcast_in_dim3A_1173, %broadcast_in_dim3A_1175 : vector<16xi1>, vector<16xi32>
    %lt3A_1191 = vector.broadcast %squeeze3A_1182 : f32 to vector<16xf32>
    %lt3A_1192 = arith.cmpf olt, %lt3A_1191, %get3A_1169 : vector<16xf32>
    %eq3A_1193 = vector.broadcast %squeeze3A_1182 : f32 to vector<16xf32>
    %eq3A_1194 = arith.cmpf oeq, %eq3A_1193, %get3A_1169 : vector<16xf32>
    %select_n3A_1195 = arith.select %eq3A_1194, %select_n3A_1186, %broadcast_in_dim3A_1175 : vector<16xi1>, vector<16xi32>
    %select_n3A_1196 = arith.select %lt3A_1192, %broadcast_in_dim3A_1173, %select_n3A_1195 : vector<16xi1>, vector<16xi32>
    %add3A_1197 = arith.addi %broadcast_in_dim3A_1175, %select_n3A_1196 : vector<16xi32>
    %lt3A_1198 = vector.broadcast %squeeze3A_1182 : f32 to vector<16xf32>
    %lt3A_1199 = arith.cmpf olt, %lt3A_1198, %get3A_1171 : vector<16xf32>
    %eq3A_1200 = vector.broadcast %squeeze3A_1182 : f32 to vector<16xf32>
    %eq3A_1201 = arith.cmpf oeq, %eq3A_1200, %get3A_1171 : vector<16xf32>
    %select_n3A_1202 = arith.select %eq3A_1201, %select_n3A_1190, %broadcast_in_dim3A_1175 : vector<16xi1>, vector<16xi32>
    %select_n3A_1203 = arith.select %lt3A_1199, %broadcast_in_dim3A_1173, %select_n3A_1202 : vector<16xi1>, vector<16xi32>
    %add3A_1204 = arith.addi %broadcast_in_dim3A_1175, %select_n3A_1203 : vector<16xi32>
    %get3A_1205 = arith.constant 1 : index
    %get3A_1206 = tpu.vector_load %arg31[%get3A_1205] {strides = array<i32>} : memref<48xf32, #tpu.memory_space<vmem>>, vector<16xf32>,
    %slice3A_1207 = vector.extract_strided_slice %get3A_1206 {offsets = [0], sizes = [1], strides = [1]} : vector<16xf32> to vector<1xf32>
    %squeeze3A_1208 = vector.extract %slice3A_1207[0] : f32 from vector<1xf32>
    %gt3A_1209 = arith.constant 1 : i32
    %gt3A_1210 = vector.broadcast %gt3A_1209 : i32 to vector<16xi32>
    %gt3A_1211 = arith.cmpi sgt, %iota3A, %gt3A_1210 : vector<16xi32>
    %select_n3A_1212 = arith.select %gt3A_1211, %broadcast_in_dim3A_1173, %broadcast_in_dim3A_1175 : vector<16xi1>, vector<16xi32>
    %gt3A_1213 = arith.constant 1 : i32
    %gt3A_1214 = vector.broadcast %gt3A_1213 : i32 to vector<16xi32>
    %gt3A_1215 = arith.cmpi sgt, %add3A_1178, %gt3A_1214 : vector<16xi32>
    %select_n3A_1216 = arith.select %gt3A_1215, %broadcast_in_dim3A_1173, %broadcast_in_dim3A_1175 : vector<16xi1>, vector<16xi32>
    %lt3A_1217 = vector.broadcast %squeeze3A_1208 : f32 to vector<16xf32>
    %lt3A_1218 = arith.cmpf olt, %lt3A_1217, %get3A_1169 : vector<16xf32>
    %eq3A_1219 = vector.broadcast %squeeze3A_1208 : f32 to vector<16xf32>
    %eq3A_1220 = arith.cmpf oeq, %eq3A_1219, %get3A_1169 : vector<16xf32>
    %select_n3A_1221 = arith.select %eq3A_1220, %select_n3A_1212, %broadcast_in_dim3A_1175 : vector<16xi1>, vector<16xi32>
    %select_n3A_1222 = arith.select %lt3A_1218, %broadcast_in_dim3A_1173, %select_n3A_1221 : vector<16xi1>, vector<16xi32>
    %add3A_1223 = arith.addi %add3A_1197, %select_n3A_1222 : vector<16xi32>
    %lt3A_1224 = vector.broadcast %squeeze3A_1208 : f32 to vector<16xf32>
    %lt3A_1225 = arith.cmpf olt, %lt3A_1224, %get3A_1171 : vector<16xf32>
    %eq3A_1226 = vector.broadcast %squeeze3A_1208 : f32 to vector<16xf32>
    %eq3A_1227 = arith.cmpf oeq, %eq3A_1226, %get3A_1171 : vector<16xf32>
    %select_n3A_1228 = arith.select %eq3A_1227, %select_n3A_1216, %broadcast_in_dim3A_1175 : vector<16xi1>, vector<16xi32>
    %select_n3A_1229 = arith.select %lt3A_1225, %broadcast_in_dim3A_1173, %select_n3A_1228 : vector<16xi1>, vector<16xi32>
    %add3A_1230 = arith.addi %add3A_1204, %select_n3A_1229 : vector<16xi32>
    %get3A_1231 = arith.constant 2 : index
    %get3A_1232 = tpu.vector_load %arg31[%get3A_1231] {strides = array<i32>} : memref<48xf32, #tpu.memory_space<vmem>>, vector<16xf32>,
    %slice3A_1233 = vector.extract_strided_slice %get3A_1232 {offsets = [0], sizes = [1], strides = [1]} : vector<16xf32> to vector<1xf32>
    %squeeze3A_1234 = vector.extract %slice3A_1233[0] : f32 from vector<1xf32>
    %gt3A_1235 = arith.constant 2 : i32
    %gt3A_1236 = vector.broadcast %gt3A_1235 : i32 to vector<16xi32>
    %gt3A_1237 = arith.cmpi sgt, %iota3A, %gt3A_1236 : vector<16xi32>
    %select_n3A_1238 = arith.select %gt3A_1237, %broadcast_in_dim3A_1173, %broadcast_in_dim3A_1175 : vector<16xi1>, vector<16xi32>
    %gt3A_1239 = arith.constant 2 : i32
    %gt3A_1240 = vector.broadcast %gt3A_1239 : i32 to vector<16xi32>
    %gt3A_1241 = arith.cmpi sgt, %add3A_1178, %gt3A_1240 : vector<16xi32>
    %select_n3A_1242 = arith.select %gt3A_1241, %broadcast_in_dim3A_1173, %broadcast_in_dim3A_1175 : vector<16xi1>, vector<16xi32>
    %lt3A_1243 = vector.broadcast %squeeze3A_1234 : f32 to vector<16xf32>
    %lt3A_1244 = arith.cmpf olt, %lt3A_1243, %get3A_1169 : vector<16xf32>
    %eq3A_1245 = vector.broadcast %squeeze3A_1234 : f32 to vector<16xf32>
    %eq3A_1246 = arith.cmpf oeq, %eq3A_1245, %get3A_1169 : vector<16xf32>
    %select_n3A_1247 = arith.select %eq3A_1246, %select_n3A_1238, %broadcast_in_dim3A_1175 : vector<16xi1>, vector<16xi32>
    %select_n3A_1248 = arith.select %lt3A_1244, %broadcast_in_dim3A_1173, %select_n3A_1247 : vector<16xi1>, vector<16xi32>
    %add3A_1249 = arith.addi %add3A_1223, %select_n3A_1248 : vector<16xi32>
    %lt3A_1250 = vector.broadcast %squeeze3A_1234 : f32 to vector<16xf32>
    %lt3A_1251 = arith.cmpf olt, %lt3A_1250, %get3A_1171 : vector<16xf32>
    %eq3A_1252 = vector.broadcast %squeeze3A_1234 : f32 to vector<16xf32>
    %eq3A_1253 = arith.cmpf oeq, %eq3A_1252, %get3A_1171 : vector<16xf32>
    %select_n3A_1254 = arith.select %eq3A_1253, %select_n3A_1242, %broadcast_in_dim3A_1175 : vector<16xi1>, vector<16xi32>
    %select_n3A_1255 = arith.select %lt3A_1251, %broadcast_in_dim3A_1173, %select_n3A_1254 : vector<16xi1>, vector<16xi32>
    %add3A_1256 = arith.addi %add3A_1230, %select_n3A_1255 : vector<16xi32>
    %get3A_1257 = arith.constant 3 : index
    %get3A_1258 = tpu.vector_load %arg31[%get3A_1257] {strides = array<i32>} : memref<48xf32, #tpu.memory_space<vmem>>, vector<16xf32>,
    %slice3A_1259 = vector.extract_strided_slice %get3A_1258 {offsets = [0], sizes = [1], strides = [1]} : vector<16xf32> to vector<1xf32>
    %squeeze3A_1260 = vector.extract %slice3A_1259[0] : f32 from vector<1xf32>
    %gt3A_1261 = arith.constant 3 : i32
    %gt3A_1262 = vector.broadcast %gt3A_1261 : i32 to vector<16xi32>
    %gt3A_1263 = arith.cmpi sgt, %iota3A, %gt3A_1262 : vector<16xi32>
    %select_n3A_1264 = arith.select %gt3A_1263, %broadcast_in_dim3A_1173, %broadcast_in_dim3A_1175 : vector<16xi1>, vector<16xi32>
    %gt3A_1265 = arith.constant 3 : i32
    %gt3A_1266 = vector.broadcast %gt3A_1265 : i32 to vector<16xi32>
    %gt3A_1267 = arith.cmpi sgt, %add3A_1178, %gt3A_1266 : vector<16xi32>
    %select_n3A_1268 = arith.select %gt3A_1267, %broadcast_in_dim3A_1173, %broadcast_in_dim3A_1175 : vector<16xi1>, vector<16xi32>
    %lt3A_1269 = vector.broadcast %squeeze3A_1260 : f32 to vector<16xf32>
    %lt3A_1270 = arith.cmpf olt, %lt3A_1269, %get3A_1169 : vector<16xf32>
    %eq3A_1271 = vector.broadcast %squeeze3A_1260 : f32 to vector<16xf32>
    %eq3A_1272 = arith.cmpf oeq, %eq3A_1271, %get3A_1169 : vector<16xf32>
    %select_n3A_1273 = arith.select %eq3A_1272, %select_n3A_1264, %broadcast_in_dim3A_1175 : vector<16xi1>, vector<16xi32>
    %select_n3A_1274 = arith.select %lt3A_1270, %broadcast_in_dim3A_1173, %select_n3A_1273 : vector<16xi1>, vector<16xi32>
    %add3A_1275 = arith.addi %add3A_1249, %select_n3A_1274 : vector<16xi32>
    %lt3A_1276 = vector.broadcast %squeeze3A_1260 : f32 to vector<16xf32>
    %lt3A_1277 = arith.cmpf olt, %lt3A_1276, %get3A_1171 : vector<16xf32>
    %eq3A_1278 = vector.broadcast %squeeze3A_1260 : f32 to vector<16xf32>
    %eq3A_1279 = arith.cmpf oeq, %eq3A_1278, %get3A_1171 : vector<16xf32>
    %select_n3A_1280 = arith.select %eq3A_1279, %select_n3A_1268, %broadcast_in_dim3A_1175 : vector<16xi1>, vector<16xi32>
    %select_n3A_1281 = arith.select %lt3A_1277, %broadcast_in_dim3A_1173, %select_n3A_1280 : vector<16xi1>, vector<16xi32>
    %add3A_1282 = arith.addi %add3A_1256, %select_n3A_1281 : vector<16xi32>
    %get3A_1283 = arith.constant 4 : index
    %get3A_1284 = tpu.vector_load %arg31[%get3A_1283] {strides = array<i32>} : memref<48xf32, #tpu.memory_space<vmem>>, vector<16xf32>,
    %slice3A_1285 = vector.extract_strided_slice %get3A_1284 {offsets = [0], sizes = [1], strides = [1]} : vector<16xf32> to vector<1xf32>
    %squeeze3A_1286 = vector.extract %slice3A_1285[0] : f32 from vector<1xf32>
    %gt3A_1287 = arith.constant 4 : i32
    %gt3A_1288 = vector.broadcast %gt3A_1287 : i32 to vector<16xi32>
    %gt3A_1289 = arith.cmpi sgt, %iota3A, %gt3A_1288 : vector<16xi32>
    %select_n3A_1290 = arith.select %gt3A_1289, %broadcast_in_dim3A_1173, %broadcast_in_dim3A_1175 : vector<16xi1>, vector<16xi32>
    %gt3A_1291 = arith.constant 4 : i32
    %gt3A_1292 = vector.broadcast %gt3A_1291 : i32 to vector<16xi32>
    %gt3A_1293 = arith.cmpi sgt, %add3A_1178, %gt3A_1292 : vector<16xi32>
    %select_n3A_1294 = arith.select %gt3A_1293, %broadcast_in_dim3A_1173, %broadcast_in_dim3A_1175 : vector<16xi1>, vector<16xi32>
    %lt3A_1295 = vector.broadcast %squeeze3A_1286 : f32 to vector<16xf32>
    %lt3A_1296 = arith.cmpf olt, %lt3A_1295, %get3A_1169 : vector<16xf32>
    %eq3A_1297 = vector.broadcast %squeeze3A_1286 : f32 to vector<16xf32>
    %eq3A_1298 = arith.cmpf oeq, %eq3A_1297, %get3A_1169 : vector<16xf32>
    %select_n3A_1299 = arith.select %eq3A_1298, %select_n3A_1290, %broadcast_in_dim3A_1175 : vector<16xi1>, vector<16xi32>
    %select_n3A_1300 = arith.select %lt3A_1296, %broadcast_in_dim3A_1173, %select_n3A_1299 : vector<16xi1>, vector<16xi32>
    %add3A_1301 = arith.addi %add3A_1275, %select_n3A_1300 : vector<16xi32>
    %lt3A_1302 = vector.broadcast %squeeze3A_1286 : f32 to vector<16xf32>
    %lt3A_1303 = arith.cmpf olt, %lt3A_1302, %get3A_1171 : vector<16xf32>
    %eq3A_1304 = vector.broadcast %squeeze3A_1286 : f32 to vector<16xf32>
    %eq3A_1305 = arith.cmpf oeq, %eq3A_1304, %get3A_1171 : vector<16xf32>
    %select_n3A_1306 = arith.select %eq3A_1305, %select_n3A_1294, %broadcast_in_dim3A_1175 : vector<16xi1>, vector<16xi32>
    %select_n3A_1307 = arith.select %lt3A_1303, %broadcast_in_dim3A_1173, %select_n3A_1306 : vector<16xi1>, vector<16xi32>
    %add3A_1308 = arith.addi %add3A_1282, %select_n3A_1307 : vector<16xi32>
    %get3A_1309 = arith.constant 5 : index
    %get3A_1310 = tpu.vector_load %arg31[%get3A_1309] {strides = array<i32>} : memref<48xf32, #tpu.memory_space<vmem>>, vector<16xf32>,
    %slice3A_1311 = vector.extract_strided_slice %get3A_1310 {offsets = [0], sizes = [1], strides = [1]} : vector<16xf32> to vector<1xf32>
    %squeeze3A_1312 = vector.extract %slice3A_1311[0] : f32 from vector<1xf32>
    %gt3A_1313 = arith.constant 5 : i32
    %gt3A_1314 = vector.broadcast %gt3A_1313 : i32 to vector<16xi32>
    %gt3A_1315 = arith.cmpi sgt, %iota3A, %gt3A_1314 : vector<16xi32>
    %select_n3A_1316 = arith.select %gt3A_1315, %broadcast_in_dim3A_1173, %broadcast_in_dim3A_1175 : vector<16xi1>, vector<16xi32>
    %gt3A_1317 = arith.constant 5 : i32
    %gt3A_1318 = vector.broadcast %gt3A_1317 : i32 to vector<16xi32>
    %gt3A_1319 = arith.cmpi sgt, %add3A_1178, %gt3A_1318 : vector<16xi32>
    %select_n3A_1320 = arith.select %gt3A_1319, %broadcast_in_dim3A_1173, %broadcast_in_dim3A_1175 : vector<16xi1>, vector<16xi32>
    %lt3A_1321 = vector.broadcast %squeeze3A_1312 : f32 to vector<16xf32>
    %lt3A_1322 = arith.cmpf olt, %lt3A_1321, %get3A_1169 : vector<16xf32>
    %eq3A_1323 = vector.broadcast %squeeze3A_1312 : f32 to vector<16xf32>
    %eq3A_1324 = arith.cmpf oeq, %eq3A_1323, %get3A_1169 : vector<16xf32>
    %select_n3A_1325 = arith.select %eq3A_1324, %select_n3A_1316, %broadcast_in_dim3A_1175 : vector<16xi1>, vector<16xi32>
    %select_n3A_1326 = arith.select %lt3A_1322, %broadcast_in_dim3A_1173, %select_n3A_1325 : vector<16xi1>, vector<16xi32>
    %add3A_1327 = arith.addi %add3A_1301, %select_n3A_1326 : vector<16xi32>
    %lt3A_1328 = vector.broadcast %squeeze3A_1312 : f32 to vector<16xf32>
    %lt3A_1329 = arith.cmpf olt, %lt3A_1328, %get3A_1171 : vector<16xf32>
    %eq3A_1330 = vector.broadcast %squeeze3A_1312 : f32 to vector<16xf32>
    %eq3A_1331 = arith.cmpf oeq, %eq3A_1330, %get3A_1171 : vector<16xf32>
    %select_n3A_1332 = arith.select %eq3A_1331, %select_n3A_1320, %broadcast_in_dim3A_1175 : vector<16xi1>, vector<16xi32>
    %select_n3A_1333 = arith.select %lt3A_1329, %broadcast_in_dim3A_1173, %select_n3A_1332 : vector<16xi1>, vector<16xi32>
    %add3A_1334 = arith.addi %add3A_1308, %select_n3A_1333 : vector<16xi32>
    %get3A_1335 = arith.constant 6 : index
    %get3A_1336 = tpu.vector_load %arg31[%get3A_1335] {strides = array<i32>} : memref<48xf32, #tpu.memory_space<vmem>>, vector<16xf32>,
    %slice3A_1337 = vector.extract_strided_slice %get3A_1336 {offsets = [0], sizes = [1], strides = [1]} : vector<16xf32> to vector<1xf32>
    %squeeze3A_1338 = vector.extract %slice3A_1337[0] : f32 from vector<1xf32>
    %gt3A_1339 = arith.constant 6 : i32
    %gt3A_1340 = vector.broadcast %gt3A_1339 : i32 to vector<16xi32>
    %gt3A_1341 = arith.cmpi sgt, %iota3A, %gt3A_1340 : vector<16xi32>
    %select_n3A_1342 = arith.select %gt3A_1341, %broadcast_in_dim3A_1173, %broadcast_in_dim3A_1175 : vector<16xi1>, vector<16xi32>
    %gt3A_1343 = arith.constant 6 : i32
    %gt3A_1344 = vector.broadcast %gt3A_1343 : i32 to vector<16xi32>
    %gt3A_1345 = arith.cmpi sgt, %add3A_1178, %gt3A_1344 : vector<16xi32>
    %select_n3A_1346 = arith.select %gt3A_1345, %broadcast_in_dim3A_1173, %broadcast_in_dim3A_1175 : vector<16xi1>, vector<16xi32>
    %lt3A_1347 = vector.broadcast %squeeze3A_1338 : f32 to vector<16xf32>
    %lt3A_1348 = arith.cmpf olt, %lt3A_1347, %get3A_1169 : vector<16xf32>
    %eq3A_1349 = vector.broadcast %squeeze3A_1338 : f32 to vector<16xf32>
    %eq3A_1350 = arith.cmpf oeq, %eq3A_1349, %get3A_1169 : vector<16xf32>
    %select_n3A_1351 = arith.select %eq3A_1350, %select_n3A_1342, %broadcast_in_dim3A_1175 : vector<16xi1>, vector<16xi32>
    %select_n3A_1352 = arith.select %lt3A_1348, %broadcast_in_dim3A_1173, %select_n3A_1351 : vector<16xi1>, vector<16xi32>
    %add3A_1353 = arith.addi %add3A_1327, %select_n3A_1352 : vector<16xi32>
    %lt3A_1354 = vector.broadcast %squeeze3A_1338 : f32 to vector<16xf32>
    %lt3A_1355 = arith.cmpf olt, %lt3A_1354, %get3A_1171 : vector<16xf32>
    %eq3A_1356 = vector.broadcast %squeeze3A_1338 : f32 to vector<16xf32>
    %eq3A_1357 = arith.cmpf oeq, %eq3A_1356, %get3A_1171 : vector<16xf32>
    %select_n3A_1358 = arith.select %eq3A_1357, %select_n3A_1346, %broadcast_in_dim3A_1175 : vector<16xi1>, vector<16xi32>
    %select_n3A_1359 = arith.select %lt3A_1355, %broadcast_in_dim3A_1173, %select_n3A_1358 : vector<16xi1>, vector<16xi32>
    %add3A_1360 = arith.addi %add3A_1334, %select_n3A_1359 : vector<16xi32>
    %get3A_1361 = arith.constant 7 : index
    %get3A_1362 = tpu.vector_load %arg31[%get3A_1361] {strides = array<i32>} : memref<48xf32, #tpu.memory_space<vmem>>, vector<16xf32>,
    %slice3A_1363 = vector.extract_strided_slice %get3A_1362 {offsets = [0], sizes = [1], strides = [1]} : vector<16xf32> to vector<1xf32>
    %squeeze3A_1364 = vector.extract %slice3A_1363[0] : f32 from vector<1xf32>
    %gt3A_1365 = arith.constant 7 : i32
    %gt3A_1366 = vector.broadcast %gt3A_1365 : i32 to vector<16xi32>
    %gt3A_1367 = arith.cmpi sgt, %iota3A, %gt3A_1366 : vector<16xi32>
    %select_n3A_1368 = arith.select %gt3A_1367, %broadcast_in_dim3A_1173, %broadcast_in_dim3A_1175 : vector<16xi1>, vector<16xi32>
    %gt3A_1369 = arith.constant 7 : i32
    %gt3A_1370 = vector.broadcast %gt3A_1369 : i32 to vector<16xi32>
    %gt3A_1371 = arith.cmpi sgt, %add3A_1178, %gt3A_1370 : vector<16xi32>
    %select_n3A_1372 = arith.select %gt3A_1371, %broadcast_in_dim3A_1173, %broadcast_in_dim3A_1175 : vector<16xi1>, vector<16xi32>
    %lt3A_1373 = vector.broadcast %squeeze3A_1364 : f32 to vector<16xf32>
    %lt3A_1374 = arith.cmpf olt, %lt3A_1373, %get3A_1169 : vector<16xf32>
    %eq3A_1375 = vector.broadcast %squeeze3A_1364 : f32 to vector<16xf32>
    %eq3A_1376 = arith.cmpf oeq, %eq3A_1375, %get3A_1169 : vector<16xf32>
    %select_n3A_1377 = arith.select %eq3A_1376, %select_n3A_1368, %broadcast_in_dim3A_1175 : vector<16xi1>, vector<16xi32>
    %select_n3A_1378 = arith.select %lt3A_1374, %broadcast_in_dim3A_1173, %select_n3A_1377 : vector<16xi1>, vector<16xi32>
    %add3A_1379 = arith.addi %add3A_1353, %select_n3A_1378 : vector<16xi32>
    %lt3A_1380 = vector.broadcast %squeeze3A_1364 : f32 to vector<16xf32>
    %lt3A_1381 = arith.cmpf olt, %lt3A_1380, %get3A_1171 : vector<16xf32>
    %eq3A_1382 = vector.broadcast %squeeze3A_1364 : f32 to vector<16xf32>
    %eq3A_1383 = arith.cmpf oeq, %eq3A_1382, %get3A_1171 : vector<16xf32>
    %select_n3A_1384 = arith.select %eq3A_1383, %select_n3A_1372, %broadcast_in_dim3A_1175 : vector<16xi1>, vector<16xi32>
    %select_n3A_1385 = arith.select %lt3A_1381, %broadcast_in_dim3A_1173, %select_n3A_1384 : vector<16xi1>, vector<16xi32>
    %add3A_1386 = arith.addi %add3A_1360, %select_n3A_1385 : vector<16xi32>
    %get3A_1387 = arith.constant 8 : index
    %get3A_1388 = tpu.vector_load %arg31[%get3A_1387] {strides = array<i32>} : memref<48xf32, #tpu.memory_space<vmem>>, vector<16xf32>,
    %slice3A_1389 = vector.extract_strided_slice %get3A_1388 {offsets = [0], sizes = [1], strides = [1]} : vector<16xf32> to vector<1xf32>
    %squeeze3A_1390 = vector.extract %slice3A_1389[0] : f32 from vector<1xf32>
    %gt3A_1391 = arith.constant 8 : i32
    %gt3A_1392 = vector.broadcast %gt3A_1391 : i32 to vector<16xi32>
    %gt3A_1393 = arith.cmpi sgt, %iota3A, %gt3A_1392 : vector<16xi32>
    %select_n3A_1394 = arith.select %gt3A_1393, %broadcast_in_dim3A_1173, %broadcast_in_dim3A_1175 : vector<16xi1>, vector<16xi32>
    %gt3A_1395 = arith.constant 8 : i32
    %gt3A_1396 = vector.broadcast %gt3A_1395 : i32 to vector<16xi32>
    %gt3A_1397 = arith.cmpi sgt, %add3A_1178, %gt3A_1396 : vector<16xi32>
    %select_n3A_1398 = arith.select %gt3A_1397, %broadcast_in_dim3A_1173, %broadcast_in_dim3A_1175 : vector<16xi1>, vector<16xi32>
    %lt3A_1399 = vector.broadcast %squeeze3A_1390 : f32 to vector<16xf32>
    %lt3A_1400 = arith.cmpf olt, %lt3A_1399, %get3A_1169 : vector<16xf32>
    %eq3A_1401 = vector.broadcast %squeeze3A_1390 : f32 to vector<16xf32>
    %eq3A_1402 = arith.cmpf oeq, %eq3A_1401, %get3A_1169 : vector<16xf32>
    %select_n3A_1403 = arith.select %eq3A_1402, %select_n3A_1394, %broadcast_in_dim3A_1175 : vector<16xi1>, vector<16xi32>
    %select_n3A_1404 = arith.select %lt3A_1400, %broadcast_in_dim3A_1173, %select_n3A_1403 : vector<16xi1>, vector<16xi32>
    %add3A_1405 = arith.addi %add3A_1379, %select_n3A_1404 : vector<16xi32>
    %lt3A_1406 = vector.broadcast %squeeze3A_1390 : f32 to vector<16xf32>
    %lt3A_1407 = arith.cmpf olt, %lt3A_1406, %get3A_1171 : vector<16xf32>
    %eq3A_1408 = vector.broadcast %squeeze3A_1390 : f32 to vector<16xf32>
    %eq3A_1409 = arith.cmpf oeq, %eq3A_1408, %get3A_1171 : vector<16xf32>
    %select_n3A_1410 = arith.select %eq3A_1409, %select_n3A_1398, %broadcast_in_dim3A_1175 : vector<16xi1>, vector<16xi32>
    %select_n3A_1411 = arith.select %lt3A_1407, %broadcast_in_dim3A_1173, %select_n3A_1410 : vector<16xi1>, vector<16xi32>
    %add3A_1412 = arith.addi %add3A_1386, %select_n3A_1411 : vector<16xi32>
    %get3A_1413 = arith.constant 9 : index
    %get3A_1414 = tpu.vector_load %arg31[%get3A_1413] {strides = array<i32>} : memref<48xf32, #tpu.memory_space<vmem>>, vector<16xf32>,
    %slice3A_1415 = vector.extract_strided_slice %get3A_1414 {offsets = [0], sizes = [1], strides = [1]} : vector<16xf32> to vector<1xf32>
    %squeeze3A_1416 = vector.extract %slice3A_1415[0] : f32 from vector<1xf32>
    %gt3A_1417 = arith.constant 9 : i32
    %gt3A_1418 = vector.broadcast %gt3A_1417 : i32 to vector<16xi32>
    %gt3A_1419 = arith.cmpi sgt, %iota3A, %gt3A_1418 : vector<16xi32>
    %select_n3A_1420 = arith.select %gt3A_1419, %broadcast_in_dim3A_1173, %broadcast_in_dim3A_1175 : vector<16xi1>, vector<16xi32>
    %gt3A_1421 = arith.constant 9 : i32
    %gt3A_1422 = vector.broadcast %gt3A_1421 : i32 to vector<16xi32>
    %gt3A_1423 = arith.cmpi sgt, %add3A_1178, %gt3A_1422 : vector<16xi32>
    %select_n3A_1424 = arith.select %gt3A_1423, %broadcast_in_dim3A_1173, %broadcast_in_dim3A_1175 : vector<16xi1>, vector<16xi32>
    %lt3A_1425 = vector.broadcast %squeeze3A_1416 : f32 to vector<16xf32>
    %lt3A_1426 = arith.cmpf olt, %lt3A_1425, %get3A_1169 : vector<16xf32>
    %eq3A_1427 = vector.broadcast %squeeze3A_1416 : f32 to vector<16xf32>
    %eq3A_1428 = arith.cmpf oeq, %eq3A_1427, %get3A_1169 : vector<16xf32>
    %select_n3A_1429 = arith.select %eq3A_1428, %select_n3A_1420, %broadcast_in_dim3A_1175 : vector<16xi1>, vector<16xi32>
    %select_n3A_1430 = arith.select %lt3A_1426, %broadcast_in_dim3A_1173, %select_n3A_1429 : vector<16xi1>, vector<16xi32>
    %add3A_1431 = arith.addi %add3A_1405, %select_n3A_1430 : vector<16xi32>
    %lt3A_1432 = vector.broadcast %squeeze3A_1416 : f32 to vector<16xf32>
    %lt3A_1433 = arith.cmpf olt, %lt3A_1432, %get3A_1171 : vector<16xf32>
    %eq3A_1434 = vector.broadcast %squeeze3A_1416 : f32 to vector<16xf32>
    %eq3A_1435 = arith.cmpf oeq, %eq3A_1434, %get3A_1171 : vector<16xf32>
    %select_n3A_1436 = arith.select %eq3A_1435, %select_n3A_1424, %broadcast_in_dim3A_1175 : vector<16xi1>, vector<16xi32>
    %select_n3A_1437 = arith.select %lt3A_1433, %broadcast_in_dim3A_1173, %select_n3A_1436 : vector<16xi1>, vector<16xi32>
    %add3A_1438 = arith.addi %add3A_1412, %select_n3A_1437 : vector<16xi32>
    %get3A_1439 = arith.constant 10 : index
    %get3A_1440 = tpu.vector_load %arg31[%get3A_1439] {strides = array<i32>} : memref<48xf32, #tpu.memory_space<vmem>>, vector<16xf32>,
    %slice3A_1441 = vector.extract_strided_slice %get3A_1440 {offsets = [0], sizes = [1], strides = [1]} : vector<16xf32> to vector<1xf32>
    %squeeze3A_1442 = vector.extract %slice3A_1441[0] : f32 from vector<1xf32>
    %gt3A_1443 = arith.constant 10 : i32
    %gt3A_1444 = vector.broadcast %gt3A_1443 : i32 to vector<16xi32>
    %gt3A_1445 = arith.cmpi sgt, %iota3A, %gt3A_1444 : vector<16xi32>
    %select_n3A_1446 = arith.select %gt3A_1445, %broadcast_in_dim3A_1173, %broadcast_in_dim3A_1175 : vector<16xi1>, vector<16xi32>
    %gt3A_1447 = arith.constant 10 : i32
    %gt3A_1448 = vector.broadcast %gt3A_1447 : i32 to vector<16xi32>
    %gt3A_1449 = arith.cmpi sgt, %add3A_1178, %gt3A_1448 : vector<16xi32>
    %select_n3A_1450 = arith.select %gt3A_1449, %broadcast_in_dim3A_1173, %broadcast_in_dim3A_1175 : vector<16xi1>, vector<16xi32>
    %lt3A_1451 = vector.broadcast %squeeze3A_1442 : f32 to vector<16xf32>
    %lt3A_1452 = arith.cmpf olt, %lt3A_1451, %get3A_1169 : vector<16xf32>
    %eq3A_1453 = vector.broadcast %squeeze3A_1442 : f32 to vector<16xf32>
    %eq3A_1454 = arith.cmpf oeq, %eq3A_1453, %get3A_1169 : vector<16xf32>
    %select_n3A_1455 = arith.select %eq3A_1454, %select_n3A_1446, %broadcast_in_dim3A_1175 : vector<16xi1>, vector<16xi32>
    %select_n3A_1456 = arith.select %lt3A_1452, %broadcast_in_dim3A_1173, %select_n3A_1455 : vector<16xi1>, vector<16xi32>
    %add3A_1457 = arith.addi %add3A_1431, %select_n3A_1456 : vector<16xi32>
    %lt3A_1458 = vector.broadcast %squeeze3A_1442 : f32 to vector<16xf32>
    %lt3A_1459 = arith.cmpf olt, %lt3A_1458, %get3A_1171 : vector<16xf32>
    %eq3A_1460 = vector.broadcast %squeeze3A_1442 : f32 to vector<16xf32>
    %eq3A_1461 = arith.cmpf oeq, %eq3A_1460, %get3A_1171 : vector<16xf32>
    %select_n3A_1462 = arith.select %eq3A_1461, %select_n3A_1450, %broadcast_in_dim3A_1175 : vector<16xi1>, vector<16xi32>
    %select_n3A_1463 = arith.select %lt3A_1459, %broadcast_in_dim3A_1173, %select_n3A_1462 : vector<16xi1>, vector<16xi32>
    %add3A_1464 = arith.addi %add3A_1438, %select_n3A_1463 : vector<16xi32>
    %get3A_1465 = arith.constant 11 : index
    %get3A_1466 = tpu.vector_load %arg31[%get3A_1465] {strides = array<i32>} : memref<48xf32, #tpu.memory_space<vmem>>, vector<16xf32>,
    %slice3A_1467 = vector.extract_strided_slice %get3A_1466 {offsets = [0], sizes = [1], strides = [1]} : vector<16xf32> to vector<1xf32>
    %squeeze3A_1468 = vector.extract %slice3A_1467[0] : f32 from vector<1xf32>
    %gt3A_1469 = arith.constant 11 : i32
    %gt3A_1470 = vector.broadcast %gt3A_1469 : i32 to vector<16xi32>
    %gt3A_1471 = arith.cmpi sgt, %iota3A, %gt3A_1470 : vector<16xi32>
    %select_n3A_1472 = arith.select %gt3A_1471, %broadcast_in_dim3A_1173, %broadcast_in_dim3A_1175 : vector<16xi1>, vector<16xi32>
    %gt3A_1473 = arith.constant 11 : i32
    %gt3A_1474 = vector.broadcast %gt3A_1473 : i32 to vector<16xi32>
    %gt3A_1475 = arith.cmpi sgt, %add3A_1178, %gt3A_1474 : vector<16xi32>
    %select_n3A_1476 = arith.select %gt3A_1475, %broadcast_in_dim3A_1173, %broadcast_in_dim3A_1175 : vector<16xi1>, vector<16xi32>
    %lt3A_1477 = vector.broadcast %squeeze3A_1468 : f32 to vector<16xf32>
    %lt3A_1478 = arith.cmpf olt, %lt3A_1477, %get3A_1169 : vector<16xf32>
    %eq3A_1479 = vector.broadcast %squeeze3A_1468 : f32 to vector<16xf32>
    %eq3A_1480 = arith.cmpf oeq, %eq3A_1479, %get3A_1169 : vector<16xf32>
    %select_n3A_1481 = arith.select %eq3A_1480, %select_n3A_1472, %broadcast_in_dim3A_1175 : vector<16xi1>, vector<16xi32>
    %select_n3A_1482 = arith.select %lt3A_1478, %broadcast_in_dim3A_1173, %select_n3A_1481 : vector<16xi1>, vector<16xi32>
    %add3A_1483 = arith.addi %add3A_1457, %select_n3A_1482 : vector<16xi32>
    %lt3A_1484 = vector.broadcast %squeeze3A_1468 : f32 to vector<16xf32>
    %lt3A_1485 = arith.cmpf olt, %lt3A_1484, %get3A_1171 : vector<16xf32>
    %eq3A_1486 = vector.broadcast %squeeze3A_1468 : f32 to vector<16xf32>
    %eq3A_1487 = arith.cmpf oeq, %eq3A_1486, %get3A_1171 : vector<16xf32>
    %select_n3A_1488 = arith.select %eq3A_1487, %select_n3A_1476, %broadcast_in_dim3A_1175 : vector<16xi1>, vector<16xi32>
    %select_n3A_1489 = arith.select %lt3A_1485, %broadcast_in_dim3A_1173, %select_n3A_1488 : vector<16xi1>, vector<16xi32>
    %add3A_1490 = arith.addi %add3A_1464, %select_n3A_1489 : vector<16xi32>
    %get3A_1491 = arith.constant 12 : index
    %get3A_1492 = tpu.vector_load %arg31[%get3A_1491] {strides = array<i32>} : memref<48xf32, #tpu.memory_space<vmem>>, vector<16xf32>,
    %slice3A_1493 = vector.extract_strided_slice %get3A_1492 {offsets = [0], sizes = [1], strides = [1]} : vector<16xf32> to vector<1xf32>
    %squeeze3A_1494 = vector.extract %slice3A_1493[0] : f32 from vector<1xf32>
    %gt3A_1495 = arith.constant 12 : i32
    %gt3A_1496 = vector.broadcast %gt3A_1495 : i32 to vector<16xi32>
    %gt3A_1497 = arith.cmpi sgt, %iota3A, %gt3A_1496 : vector<16xi32>
    %select_n3A_1498 = arith.select %gt3A_1497, %broadcast_in_dim3A_1173, %broadcast_in_dim3A_1175 : vector<16xi1>, vector<16xi32>
    %gt3A_1499 = arith.constant 12 : i32
    %gt3A_1500 = vector.broadcast %gt3A_1499 : i32 to vector<16xi32>
    %gt3A_1501 = arith.cmpi sgt, %add3A_1178, %gt3A_1500 : vector<16xi32>
    %select_n3A_1502 = arith.select %gt3A_1501, %broadcast_in_dim3A_1173, %broadcast_in_dim3A_1175 : vector<16xi1>, vector<16xi32>
    %lt3A_1503 = vector.broadcast %squeeze3A_1494 : f32 to vector<16xf32>
    %lt3A_1504 = arith.cmpf olt, %lt3A_1503, %get3A_1169 : vector<16xf32>
    %eq3A_1505 = vector.broadcast %squeeze3A_1494 : f32 to vector<16xf32>
    %eq3A_1506 = arith.cmpf oeq, %eq3A_1505, %get3A_1169 : vector<16xf32>
    %select_n3A_1507 = arith.select %eq3A_1506, %select_n3A_1498, %broadcast_in_dim3A_1175 : vector<16xi1>, vector<16xi32>
    %select_n3A_1508 = arith.select %lt3A_1504, %broadcast_in_dim3A_1173, %select_n3A_1507 : vector<16xi1>, vector<16xi32>
    %add3A_1509 = arith.addi %add3A_1483, %select_n3A_1508 : vector<16xi32>
    %lt3A_1510 = vector.broadcast %squeeze3A_1494 : f32 to vector<16xf32>
    %lt3A_1511 = arith.cmpf olt, %lt3A_1510, %get3A_1171 : vector<16xf32>
    %eq3A_1512 = vector.broadcast %squeeze3A_1494 : f32 to vector<16xf32>
    %eq3A_1513 = arith.cmpf oeq, %eq3A_1512, %get3A_1171 : vector<16xf32>
    %select_n3A_1514 = arith.select %eq3A_1513, %select_n3A_1502, %broadcast_in_dim3A_1175 : vector<16xi1>, vector<16xi32>
    %select_n3A_1515 = arith.select %lt3A_1511, %broadcast_in_dim3A_1173, %select_n3A_1514 : vector<16xi1>, vector<16xi32>
    %add3A_1516 = arith.addi %add3A_1490, %select_n3A_1515 : vector<16xi32>
    %get3A_1517 = arith.constant 13 : index
    %get3A_1518 = tpu.vector_load %arg31[%get3A_1517] {strides = array<i32>} : memref<48xf32, #tpu.memory_space<vmem>>, vector<16xf32>,
    %slice3A_1519 = vector.extract_strided_slice %get3A_1518 {offsets = [0], sizes = [1], strides = [1]} : vector<16xf32> to vector<1xf32>
    %squeeze3A_1520 = vector.extract %slice3A_1519[0] : f32 from vector<1xf32>
    %gt3A_1521 = arith.constant 13 : i32
    %gt3A_1522 = vector.broadcast %gt3A_1521 : i32 to vector<16xi32>
    %gt3A_1523 = arith.cmpi sgt, %iota3A, %gt3A_1522 : vector<16xi32>
    %select_n3A_1524 = arith.select %gt3A_1523, %broadcast_in_dim3A_1173, %broadcast_in_dim3A_1175 : vector<16xi1>, vector<16xi32>
    %gt3A_1525 = arith.constant 13 : i32
    %gt3A_1526 = vector.broadcast %gt3A_1525 : i32 to vector<16xi32>
    %gt3A_1527 = arith.cmpi sgt, %add3A_1178, %gt3A_1526 : vector<16xi32>
    %select_n3A_1528 = arith.select %gt3A_1527, %broadcast_in_dim3A_1173, %broadcast_in_dim3A_1175 : vector<16xi1>, vector<16xi32>
    %lt3A_1529 = vector.broadcast %squeeze3A_1520 : f32 to vector<16xf32>
    %lt3A_1530 = arith.cmpf olt, %lt3A_1529, %get3A_1169 : vector<16xf32>
    %eq3A_1531 = vector.broadcast %squeeze3A_1520 : f32 to vector<16xf32>
    %eq3A_1532 = arith.cmpf oeq, %eq3A_1531, %get3A_1169 : vector<16xf32>
    %select_n3A_1533 = arith.select %eq3A_1532, %select_n3A_1524, %broadcast_in_dim3A_1175 : vector<16xi1>, vector<16xi32>
    %select_n3A_1534 = arith.select %lt3A_1530, %broadcast_in_dim3A_1173, %select_n3A_1533 : vector<16xi1>, vector<16xi32>
    %add3A_1535 = arith.addi %add3A_1509, %select_n3A_1534 : vector<16xi32>
    %lt3A_1536 = vector.broadcast %squeeze3A_1520 : f32 to vector<16xf32>
    %lt3A_1537 = arith.cmpf olt, %lt3A_1536, %get3A_1171 : vector<16xf32>
    %eq3A_1538 = vector.broadcast %squeeze3A_1520 : f32 to vector<16xf32>
    %eq3A_1539 = arith.cmpf oeq, %eq3A_1538, %get3A_1171 : vector<16xf32>
    %select_n3A_1540 = arith.select %eq3A_1539, %select_n3A_1528, %broadcast_in_dim3A_1175 : vector<16xi1>, vector<16xi32>
    %select_n3A_1541 = arith.select %lt3A_1537, %broadcast_in_dim3A_1173, %select_n3A_1540 : vector<16xi1>, vector<16xi32>
    %add3A_1542 = arith.addi %add3A_1516, %select_n3A_1541 : vector<16xi32>
    %get3A_1543 = arith.constant 14 : index
    %get3A_1544 = tpu.vector_load %arg31[%get3A_1543] {strides = array<i32>} : memref<48xf32, #tpu.memory_space<vmem>>, vector<16xf32>,
    %slice3A_1545 = vector.extract_strided_slice %get3A_1544 {offsets = [0], sizes = [1], strides = [1]} : vector<16xf32> to vector<1xf32>
    %squeeze3A_1546 = vector.extract %slice3A_1545[0] : f32 from vector<1xf32>
    %gt3A_1547 = arith.constant 14 : i32
    %gt3A_1548 = vector.broadcast %gt3A_1547 : i32 to vector<16xi32>
    %gt3A_1549 = arith.cmpi sgt, %iota3A, %gt3A_1548 : vector<16xi32>
    %select_n3A_1550 = arith.select %gt3A_1549, %broadcast_in_dim3A_1173, %broadcast_in_dim3A_1175 : vector<16xi1>, vector<16xi32>
    %gt3A_1551 = arith.constant 14 : i32
    %gt3A_1552 = vector.broadcast %gt3A_1551 : i32 to vector<16xi32>
    %gt3A_1553 = arith.cmpi sgt, %add3A_1178, %gt3A_1552 : vector<16xi32>
    %select_n3A_1554 = arith.select %gt3A_1553, %broadcast_in_dim3A_1173, %broadcast_in_dim3A_1175 : vector<16xi1>, vector<16xi32>
    %lt3A_1555 = vector.broadcast %squeeze3A_1546 : f32 to vector<16xf32>
    %lt3A_1556 = arith.cmpf olt, %lt3A_1555, %get3A_1169 : vector<16xf32>
    %eq3A_1557 = vector.broadcast %squeeze3A_1546 : f32 to vector<16xf32>
    %eq3A_1558 = arith.cmpf oeq, %eq3A_1557, %get3A_1169 : vector<16xf32>
    %select_n3A_1559 = arith.select %eq3A_1558, %select_n3A_1550, %broadcast_in_dim3A_1175 : vector<16xi1>, vector<16xi32>
    %select_n3A_1560 = arith.select %lt3A_1556, %broadcast_in_dim3A_1173, %select_n3A_1559 : vector<16xi1>, vector<16xi32>
    %add3A_1561 = arith.addi %add3A_1535, %select_n3A_1560 : vector<16xi32>
    %lt3A_1562 = vector.broadcast %squeeze3A_1546 : f32 to vector<16xf32>
    %lt3A_1563 = arith.cmpf olt, %lt3A_1562, %get3A_1171 : vector<16xf32>
    %eq3A_1564 = vector.broadcast %squeeze3A_1546 : f32 to vector<16xf32>
    %eq3A_1565 = arith.cmpf oeq, %eq3A_1564, %get3A_1171 : vector<16xf32>
    %select_n3A_1566 = arith.select %eq3A_1565, %select_n3A_1554, %broadcast_in_dim3A_1175 : vector<16xi1>, vector<16xi32>
    %select_n3A_1567 = arith.select %lt3A_1563, %broadcast_in_dim3A_1173, %select_n3A_1566 : vector<16xi1>, vector<16xi32>
    %add3A_1568 = arith.addi %add3A_1542, %select_n3A_1567 : vector<16xi32>
    %get3A_1569 = arith.constant 15 : index
    %get3A_1570 = tpu.vector_load %arg31[%get3A_1569] {strides = array<i32>} : memref<48xf32, #tpu.memory_space<vmem>>, vector<16xf32>,
    %slice3A_1571 = vector.extract_strided_slice %get3A_1570 {offsets = [0], sizes = [1], strides = [1]} : vector<16xf32> to vector<1xf32>
    %squeeze3A_1572 = vector.extract %slice3A_1571[0] : f32 from vector<1xf32>
    %gt3A_1573 = arith.constant 15 : i32
    %gt3A_1574 = vector.broadcast %gt3A_1573 : i32 to vector<16xi32>
    %gt3A_1575 = arith.cmpi sgt, %iota3A, %gt3A_1574 : vector<16xi32>
    %select_n3A_1576 = arith.select %gt3A_1575, %broadcast_in_dim3A_1173, %broadcast_in_dim3A_1175 : vector<16xi1>, vector<16xi32>
    %gt3A_1577 = arith.constant 15 : i32
    %gt3A_1578 = vector.broadcast %gt3A_1577 : i32 to vector<16xi32>
    %gt3A_1579 = arith.cmpi sgt, %add3A_1178, %gt3A_1578 : vector<16xi32>
    %select_n3A_1580 = arith.select %gt3A_1579, %broadcast_in_dim3A_1173, %broadcast_in_dim3A_1175 : vector<16xi1>, vector<16xi32>
    %lt3A_1581 = vector.broadcast %squeeze3A_1572 : f32 to vector<16xf32>
    %lt3A_1582 = arith.cmpf olt, %lt3A_1581, %get3A_1169 : vector<16xf32>
    %eq3A_1583 = vector.broadcast %squeeze3A_1572 : f32 to vector<16xf32>
    %eq3A_1584 = arith.cmpf oeq, %eq3A_1583, %get3A_1169 : vector<16xf32>
    %select_n3A_1585 = arith.select %eq3A_1584, %select_n3A_1576, %broadcast_in_dim3A_1175 : vector<16xi1>, vector<16xi32>
    %select_n3A_1586 = arith.select %lt3A_1582, %broadcast_in_dim3A_1173, %select_n3A_1585 : vector<16xi1>, vector<16xi32>
    %add3A_1587 = arith.addi %add3A_1561, %select_n3A_1586 : vector<16xi32>
    %lt3A_1588 = vector.broadcast %squeeze3A_1572 : f32 to vector<16xf32>
    %lt3A_1589 = arith.cmpf olt, %lt3A_1588, %get3A_1171 : vector<16xf32>
    %eq3A_1590 = vector.broadcast %squeeze3A_1572 : f32 to vector<16xf32>
    %eq3A_1591 = arith.cmpf oeq, %eq3A_1590, %get3A_1171 : vector<16xf32>
    %select_n3A_1592 = arith.select %eq3A_1591, %select_n3A_1580, %broadcast_in_dim3A_1175 : vector<16xi1>, vector<16xi32>
    %select_n3A_1593 = arith.select %lt3A_1589, %broadcast_in_dim3A_1173, %select_n3A_1592 : vector<16xi1>, vector<16xi32>
    %add3A_1594 = arith.addi %add3A_1568, %select_n3A_1593 : vector<16xi32>
    %get3A_1595 = arith.constant 16 : index
    %get3A_1596 = tpu.vector_load %arg31[%get3A_1595] {strides = array<i32>} : memref<48xf32, #tpu.memory_space<vmem>>, vector<16xf32>,
    %slice3A_1597 = vector.extract_strided_slice %get3A_1596 {offsets = [0], sizes = [1], strides = [1]} : vector<16xf32> to vector<1xf32>
    %squeeze3A_1598 = vector.extract %slice3A_1597[0] : f32 from vector<1xf32>
    %gt3A_1599 = arith.constant 16 : i32
    %gt3A_1600 = vector.broadcast %gt3A_1599 : i32 to vector<16xi32>
    %gt3A_1601 = arith.cmpi sgt, %iota3A, %gt3A_1600 : vector<16xi32>
    %select_n3A_1602 = arith.select %gt3A_1601, %broadcast_in_dim3A_1173, %broadcast_in_dim3A_1175 : vector<16xi1>, vector<16xi32>
    %gt3A_1603 = arith.constant 16 : i32
    %gt3A_1604 = vector.broadcast %gt3A_1603 : i32 to vector<16xi32>
    %gt3A_1605 = arith.cmpi sgt, %add3A_1178, %gt3A_1604 : vector<16xi32>
    %select_n3A_1606 = arith.select %gt3A_1605, %broadcast_in_dim3A_1173, %broadcast_in_dim3A_1175 : vector<16xi1>, vector<16xi32>
    %lt3A_1607 = vector.broadcast %squeeze3A_1598 : f32 to vector<16xf32>
    %lt3A_1608 = arith.cmpf olt, %lt3A_1607, %get3A_1169 : vector<16xf32>
    %eq3A_1609 = vector.broadcast %squeeze3A_1598 : f32 to vector<16xf32>
    %eq3A_1610 = arith.cmpf oeq, %eq3A_1609, %get3A_1169 : vector<16xf32>
    %select_n3A_1611 = arith.select %eq3A_1610, %select_n3A_1602, %broadcast_in_dim3A_1175 : vector<16xi1>, vector<16xi32>
    %select_n3A_1612 = arith.select %lt3A_1608, %broadcast_in_dim3A_1173, %select_n3A_1611 : vector<16xi1>, vector<16xi32>
    %add3A_1613 = arith.addi %add3A_1587, %select_n3A_1612 : vector<16xi32>
    %lt3A_1614 = vector.broadcast %squeeze3A_1598 : f32 to vector<16xf32>
    %lt3A_1615 = arith.cmpf olt, %lt3A_1614, %get3A_1171 : vector<16xf32>
    %eq3A_1616 = vector.broadcast %squeeze3A_1598 : f32 to vector<16xf32>
    %eq3A_1617 = arith.cmpf oeq, %eq3A_1616, %get3A_1171 : vector<16xf32>
    %select_n3A_1618 = arith.select %eq3A_1617, %select_n3A_1606, %broadcast_in_dim3A_1175 : vector<16xi1>, vector<16xi32>
    %select_n3A_1619 = arith.select %lt3A_1615, %broadcast_in_dim3A_1173, %select_n3A_1618 : vector<16xi1>, vector<16xi32>
    %add3A_1620 = arith.addi %add3A_1594, %select_n3A_1619 : vector<16xi32>
    %get3A_1621 = arith.constant 17 : index
    %get3A_1622 = tpu.vector_load %arg31[%get3A_1621] {strides = array<i32>} : memref<48xf32, #tpu.memory_space<vmem>>, vector<16xf32>,
    %slice3A_1623 = vector.extract_strided_slice %get3A_1622 {offsets = [0], sizes = [1], strides = [1]} : vector<16xf32> to vector<1xf32>
    %squeeze3A_1624 = vector.extract %slice3A_1623[0] : f32 from vector<1xf32>
    %gt3A_1625 = arith.constant 17 : i32
    %gt3A_1626 = vector.broadcast %gt3A_1625 : i32 to vector<16xi32>
    %gt3A_1627 = arith.cmpi sgt, %iota3A, %gt3A_1626 : vector<16xi32>
    %select_n3A_1628 = arith.select %gt3A_1627, %broadcast_in_dim3A_1173, %broadcast_in_dim3A_1175 : vector<16xi1>, vector<16xi32>
    %gt3A_1629 = arith.constant 17 : i32
    %gt3A_1630 = vector.broadcast %gt3A_1629 : i32 to vector<16xi32>
    %gt3A_1631 = arith.cmpi sgt, %add3A_1178, %gt3A_1630 : vector<16xi32>
    %select_n3A_1632 = arith.select %gt3A_1631, %broadcast_in_dim3A_1173, %broadcast_in_dim3A_1175 : vector<16xi1>, vector<16xi32>
    %lt3A_1633 = vector.broadcast %squeeze3A_1624 : f32 to vector<16xf32>
    %lt3A_1634 = arith.cmpf olt, %lt3A_1633, %get3A_1169 : vector<16xf32>
    %eq3A_1635 = vector.broadcast %squeeze3A_1624 : f32 to vector<16xf32>
    %eq3A_1636 = arith.cmpf oeq, %eq3A_1635, %get3A_1169 : vector<16xf32>
    %select_n3A_1637 = arith.select %eq3A_1636, %select_n3A_1628, %broadcast_in_dim3A_1175 : vector<16xi1>, vector<16xi32>
    %select_n3A_1638 = arith.select %lt3A_1634, %broadcast_in_dim3A_1173, %select_n3A_1637 : vector<16xi1>, vector<16xi32>
    %add3A_1639 = arith.addi %add3A_1613, %select_n3A_1638 : vector<16xi32>
    %lt3A_1640 = vector.broadcast %squeeze3A_1624 : f32 to vector<16xf32>
    %lt3A_1641 = arith.cmpf olt, %lt3A_1640, %get3A_1171 : vector<16xf32>
    %eq3A_1642 = vector.broadcast %squeeze3A_1624 : f32 to vector<16xf32>
    %eq3A_1643 = arith.cmpf oeq, %eq3A_1642, %get3A_1171 : vector<16xf32>
    %select_n3A_1644 = arith.select %eq3A_1643, %select_n3A_1632, %broadcast_in_dim3A_1175 : vector<16xi1>, vector<16xi32>
    %select_n3A_1645 = arith.select %lt3A_1641, %broadcast_in_dim3A_1173, %select_n3A_1644 : vector<16xi1>, vector<16xi32>
    %add3A_1646 = arith.addi %add3A_1620, %select_n3A_1645 : vector<16xi32>
    %get3A_1647 = arith.constant 18 : index
    %get3A_1648 = tpu.vector_load %arg31[%get3A_1647] {strides = array<i32>} : memref<48xf32, #tpu.memory_space<vmem>>, vector<16xf32>,
    %slice3A_1649 = vector.extract_strided_slice %get3A_1648 {offsets = [0], sizes = [1], strides = [1]} : vector<16xf32> to vector<1xf32>
    %squeeze3A_1650 = vector.extract %slice3A_1649[0] : f32 from vector<1xf32>
    %gt3A_1651 = arith.constant 18 : i32
    %gt3A_1652 = vector.broadcast %gt3A_1651 : i32 to vector<16xi32>
    %gt3A_1653 = arith.cmpi sgt, %iota3A, %gt3A_1652 : vector<16xi32>
    %select_n3A_1654 = arith.select %gt3A_1653, %broadcast_in_dim3A_1173, %broadcast_in_dim3A_1175 : vector<16xi1>, vector<16xi32>
    %gt3A_1655 = arith.constant 18 : i32
    %gt3A_1656 = vector.broadcast %gt3A_1655 : i32 to vector<16xi32>
    %gt3A_1657 = arith.cmpi sgt, %add3A_1178, %gt3A_1656 : vector<16xi32>
    %select_n3A_1658 = arith.select %gt3A_1657, %broadcast_in_dim3A_1173, %broadcast_in_dim3A_1175 : vector<16xi1>, vector<16xi32>
    %lt3A_1659 = vector.broadcast %squeeze3A_1650 : f32 to vector<16xf32>
    %lt3A_1660 = arith.cmpf olt, %lt3A_1659, %get3A_1169 : vector<16xf32>
    %eq3A_1661 = vector.broadcast %squeeze3A_1650 : f32 to vector<16xf32>
    %eq3A_1662 = arith.cmpf oeq, %eq3A_1661, %get3A_1169 : vector<16xf32>
    %select_n3A_1663 = arith.select %eq3A_1662, %select_n3A_1654, %broadcast_in_dim3A_1175 : vector<16xi1>, vector<16xi32>
    %select_n3A_1664 = arith.select %lt3A_1660, %broadcast_in_dim3A_1173, %select_n3A_1663 : vector<16xi1>, vector<16xi32>
    %add3A_1665 = arith.addi %add3A_1639, %select_n3A_1664 : vector<16xi32>
    %lt3A_1666 = vector.broadcast %squeeze3A_1650 : f32 to vector<16xf32>
    %lt3A_1667 = arith.cmpf olt, %lt3A_1666, %get3A_1171 : vector<16xf32>
    %eq3A_1668 = vector.broadcast %squeeze3A_1650 : f32 to vector<16xf32>
    %eq3A_1669 = arith.cmpf oeq, %eq3A_1668, %get3A_1171 : vector<16xf32>
    %select_n3A_1670 = arith.select %eq3A_1669, %select_n3A_1658, %broadcast_in_dim3A_1175 : vector<16xi1>, vector<16xi32>
    %select_n3A_1671 = arith.select %lt3A_1667, %broadcast_in_dim3A_1173, %select_n3A_1670 : vector<16xi1>, vector<16xi32>
    %add3A_1672 = arith.addi %add3A_1646, %select_n3A_1671 : vector<16xi32>
    %get3A_1673 = arith.constant 19 : index
    %get3A_1674 = tpu.vector_load %arg31[%get3A_1673] {strides = array<i32>} : memref<48xf32, #tpu.memory_space<vmem>>, vector<16xf32>,
    %slice3A_1675 = vector.extract_strided_slice %get3A_1674 {offsets = [0], sizes = [1], strides = [1]} : vector<16xf32> to vector<1xf32>
    %squeeze3A_1676 = vector.extract %slice3A_1675[0] : f32 from vector<1xf32>
    %gt3A_1677 = arith.constant 19 : i32
    %gt3A_1678 = vector.broadcast %gt3A_1677 : i32 to vector<16xi32>
    %gt3A_1679 = arith.cmpi sgt, %iota3A, %gt3A_1678 : vector<16xi32>
    %select_n3A_1680 = arith.select %gt3A_1679, %broadcast_in_dim3A_1173, %broadcast_in_dim3A_1175 : vector<16xi1>, vector<16xi32>
    %gt3A_1681 = arith.constant 19 : i32
    %gt3A_1682 = vector.broadcast %gt3A_1681 : i32 to vector<16xi32>
    %gt3A_1683 = arith.cmpi sgt, %add3A_1178, %gt3A_1682 : vector<16xi32>
    %select_n3A_1684 = arith.select %gt3A_1683, %broadcast_in_dim3A_1173, %broadcast_in_dim3A_1175 : vector<16xi1>, vector<16xi32>
    %lt3A_1685 = vector.broadcast %squeeze3A_1676 : f32 to vector<16xf32>
    %lt3A_1686 = arith.cmpf olt, %lt3A_1685, %get3A_1169 : vector<16xf32>
    %eq3A_1687 = vector.broadcast %squeeze3A_1676 : f32 to vector<16xf32>
    %eq3A_1688 = arith.cmpf oeq, %eq3A_1687, %get3A_1169 : vector<16xf32>
    %select_n3A_1689 = arith.select %eq3A_1688, %select_n3A_1680, %broadcast_in_dim3A_1175 : vector<16xi1>, vector<16xi32>
    %select_n3A_1690 = arith.select %lt3A_1686, %broadcast_in_dim3A_1173, %select_n3A_1689 : vector<16xi1>, vector<16xi32>
    %add3A_1691 = arith.addi %add3A_1665, %select_n3A_1690 : vector<16xi32>
    %lt3A_1692 = vector.broadcast %squeeze3A_1676 : f32 to vector<16xf32>
    %lt3A_1693 = arith.cmpf olt, %lt3A_1692, %get3A_1171 : vector<16xf32>
    %eq3A_1694 = vector.broadcast %squeeze3A_1676 : f32 to vector<16xf32>
    %eq3A_1695 = arith.cmpf oeq, %eq3A_1694, %get3A_1171 : vector<16xf32>
    %select_n3A_1696 = arith.select %eq3A_1695, %select_n3A_1684, %broadcast_in_dim3A_1175 : vector<16xi1>, vector<16xi32>
    %select_n3A_1697 = arith.select %lt3A_1693, %broadcast_in_dim3A_1173, %select_n3A_1696 : vector<16xi1>, vector<16xi32>
    %add3A_1698 = arith.addi %add3A_1672, %select_n3A_1697 : vector<16xi32>
    %get3A_1699 = arith.constant 20 : index
    %get3A_1700 = tpu.vector_load %arg31[%get3A_1699] {strides = array<i32>} : memref<48xf32, #tpu.memory_space<vmem>>, vector<16xf32>,
    %slice3A_1701 = vector.extract_strided_slice %get3A_1700 {offsets = [0], sizes = [1], strides = [1]} : vector<16xf32> to vector<1xf32>
    %squeeze3A_1702 = vector.extract %slice3A_1701[0] : f32 from vector<1xf32>
    %gt3A_1703 = arith.constant 20 : i32
    %gt3A_1704 = vector.broadcast %gt3A_1703 : i32 to vector<16xi32>
    %gt3A_1705 = arith.cmpi sgt, %iota3A, %gt3A_1704 : vector<16xi32>
    %select_n3A_1706 = arith.select %gt3A_1705, %broadcast_in_dim3A_1173, %broadcast_in_dim3A_1175 : vector<16xi1>, vector<16xi32>
    %gt3A_1707 = arith.constant 20 : i32
    %gt3A_1708 = vector.broadcast %gt3A_1707 : i32 to vector<16xi32>
    %gt3A_1709 = arith.cmpi sgt, %add3A_1178, %gt3A_1708 : vector<16xi32>
    %select_n3A_1710 = arith.select %gt3A_1709, %broadcast_in_dim3A_1173, %broadcast_in_dim3A_1175 : vector<16xi1>, vector<16xi32>
    %lt3A_1711 = vector.broadcast %squeeze3A_1702 : f32 to vector<16xf32>
    %lt3A_1712 = arith.cmpf olt, %lt3A_1711, %get3A_1169 : vector<16xf32>
    %eq3A_1713 = vector.broadcast %squeeze3A_1702 : f32 to vector<16xf32>
    %eq3A_1714 = arith.cmpf oeq, %eq3A_1713, %get3A_1169 : vector<16xf32>
    %select_n3A_1715 = arith.select %eq3A_1714, %select_n3A_1706, %broadcast_in_dim3A_1175 : vector<16xi1>, vector<16xi32>
    %select_n3A_1716 = arith.select %lt3A_1712, %broadcast_in_dim3A_1173, %select_n3A_1715 : vector<16xi1>, vector<16xi32>
    %add3A_1717 = arith.addi %add3A_1691, %select_n3A_1716 : vector<16xi32>
    %lt3A_1718 = vector.broadcast %squeeze3A_1702 : f32 to vector<16xf32>
    %lt3A_1719 = arith.cmpf olt, %lt3A_1718, %get3A_1171 : vector<16xf32>
    %eq3A_1720 = vector.broadcast %squeeze3A_1702 : f32 to vector<16xf32>
    %eq3A_1721 = arith.cmpf oeq, %eq3A_1720, %get3A_1171 : vector<16xf32>
    %select_n3A_1722 = arith.select %eq3A_1721, %select_n3A_1710, %broadcast_in_dim3A_1175 : vector<16xi1>, vector<16xi32>
    %select_n3A_1723 = arith.select %lt3A_1719, %broadcast_in_dim3A_1173, %select_n3A_1722 : vector<16xi1>, vector<16xi32>
    %add3A_1724 = arith.addi %add3A_1698, %select_n3A_1723 : vector<16xi32>
    %get3A_1725 = arith.constant 21 : index
    %get3A_1726 = tpu.vector_load %arg31[%get3A_1725] {strides = array<i32>} : memref<48xf32, #tpu.memory_space<vmem>>, vector<16xf32>,
    %slice3A_1727 = vector.extract_strided_slice %get3A_1726 {offsets = [0], sizes = [1], strides = [1]} : vector<16xf32> to vector<1xf32>
    %squeeze3A_1728 = vector.extract %slice3A_1727[0] : f32 from vector<1xf32>
    %gt3A_1729 = arith.constant 21 : i32
    %gt3A_1730 = vector.broadcast %gt3A_1729 : i32 to vector<16xi32>
    %gt3A_1731 = arith.cmpi sgt, %iota3A, %gt3A_1730 : vector<16xi32>
    %select_n3A_1732 = arith.select %gt3A_1731, %broadcast_in_dim3A_1173, %broadcast_in_dim3A_1175 : vector<16xi1>, vector<16xi32>
    %gt3A_1733 = arith.constant 21 : i32
    %gt3A_1734 = vector.broadcast %gt3A_1733 : i32 to vector<16xi32>
    %gt3A_1735 = arith.cmpi sgt, %add3A_1178, %gt3A_1734 : vector<16xi32>
    %select_n3A_1736 = arith.select %gt3A_1735, %broadcast_in_dim3A_1173, %broadcast_in_dim3A_1175 : vector<16xi1>, vector<16xi32>
    %lt3A_1737 = vector.broadcast %squeeze3A_1728 : f32 to vector<16xf32>
    %lt3A_1738 = arith.cmpf olt, %lt3A_1737, %get3A_1169 : vector<16xf32>
    %eq3A_1739 = vector.broadcast %squeeze3A_1728 : f32 to vector<16xf32>
    %eq3A_1740 = arith.cmpf oeq, %eq3A_1739, %get3A_1169 : vector<16xf32>
    %select_n3A_1741 = arith.select %eq3A_1740, %select_n3A_1732, %broadcast_in_dim3A_1175 : vector<16xi1>, vector<16xi32>
    %select_n3A_1742 = arith.select %lt3A_1738, %broadcast_in_dim3A_1173, %select_n3A_1741 : vector<16xi1>, vector<16xi32>
    %add3A_1743 = arith.addi %add3A_1717, %select_n3A_1742 : vector<16xi32>
    %lt3A_1744 = vector.broadcast %squeeze3A_1728 : f32 to vector<16xf32>
    %lt3A_1745 = arith.cmpf olt, %lt3A_1744, %get3A_1171 : vector<16xf32>
    %eq3A_1746 = vector.broadcast %squeeze3A_1728 : f32 to vector<16xf32>
    %eq3A_1747 = arith.cmpf oeq, %eq3A_1746, %get3A_1171 : vector<16xf32>
    %select_n3A_1748 = arith.select %eq3A_1747, %select_n3A_1736, %broadcast_in_dim3A_1175 : vector<16xi1>, vector<16xi32>
    %select_n3A_1749 = arith.select %lt3A_1745, %broadcast_in_dim3A_1173, %select_n3A_1748 : vector<16xi1>, vector<16xi32>
    %add3A_1750 = arith.addi %add3A_1724, %select_n3A_1749 : vector<16xi32>
    %get3A_1751 = arith.constant 22 : index
    %get3A_1752 = tpu.vector_load %arg31[%get3A_1751] {strides = array<i32>} : memref<48xf32, #tpu.memory_space<vmem>>, vector<16xf32>,
    %slice3A_1753 = vector.extract_strided_slice %get3A_1752 {offsets = [0], sizes = [1], strides = [1]} : vector<16xf32> to vector<1xf32>
    %squeeze3A_1754 = vector.extract %slice3A_1753[0] : f32 from vector<1xf32>
    %gt3A_1755 = arith.constant 22 : i32
    %gt3A_1756 = vector.broadcast %gt3A_1755 : i32 to vector<16xi32>
    %gt3A_1757 = arith.cmpi sgt, %iota3A, %gt3A_1756 : vector<16xi32>
    %select_n3A_1758 = arith.select %gt3A_1757, %broadcast_in_dim3A_1173, %broadcast_in_dim3A_1175 : vector<16xi1>, vector<16xi32>
    %gt3A_1759 = arith.constant 22 : i32
    %gt3A_1760 = vector.broadcast %gt3A_1759 : i32 to vector<16xi32>
    %gt3A_1761 = arith.cmpi sgt, %add3A_1178, %gt3A_1760 : vector<16xi32>
    %select_n3A_1762 = arith.select %gt3A_1761, %broadcast_in_dim3A_1173, %broadcast_in_dim3A_1175 : vector<16xi1>, vector<16xi32>
    %lt3A_1763 = vector.broadcast %squeeze3A_1754 : f32 to vector<16xf32>
    %lt3A_1764 = arith.cmpf olt, %lt3A_1763, %get3A_1169 : vector<16xf32>
    %eq3A_1765 = vector.broadcast %squeeze3A_1754 : f32 to vector<16xf32>
    %eq3A_1766 = arith.cmpf oeq, %eq3A_1765, %get3A_1169 : vector<16xf32>
    %select_n3A_1767 = arith.select %eq3A_1766, %select_n3A_1758, %broadcast_in_dim3A_1175 : vector<16xi1>, vector<16xi32>
    %select_n3A_1768 = arith.select %lt3A_1764, %broadcast_in_dim3A_1173, %select_n3A_1767 : vector<16xi1>, vector<16xi32>
    %add3A_1769 = arith.addi %add3A_1743, %select_n3A_1768 : vector<16xi32>
    %lt3A_1770 = vector.broadcast %squeeze3A_1754 : f32 to vector<16xf32>
    %lt3A_1771 = arith.cmpf olt, %lt3A_1770, %get3A_1171 : vector<16xf32>
    %eq3A_1772 = vector.broadcast %squeeze3A_1754 : f32 to vector<16xf32>
    %eq3A_1773 = arith.cmpf oeq, %eq3A_1772, %get3A_1171 : vector<16xf32>
    %select_n3A_1774 = arith.select %eq3A_1773, %select_n3A_1762, %broadcast_in_dim3A_1175 : vector<16xi1>, vector<16xi32>
    %select_n3A_1775 = arith.select %lt3A_1771, %broadcast_in_dim3A_1173, %select_n3A_1774 : vector<16xi1>, vector<16xi32>
    %add3A_1776 = arith.addi %add3A_1750, %select_n3A_1775 : vector<16xi32>
    %get3A_1777 = arith.constant 23 : index
    %get3A_1778 = tpu.vector_load %arg31[%get3A_1777] {strides = array<i32>} : memref<48xf32, #tpu.memory_space<vmem>>, vector<16xf32>,
    %slice3A_1779 = vector.extract_strided_slice %get3A_1778 {offsets = [0], sizes = [1], strides = [1]} : vector<16xf32> to vector<1xf32>
    %squeeze3A_1780 = vector.extract %slice3A_1779[0] : f32 from vector<1xf32>
    %gt3A_1781 = arith.constant 23 : i32
    %gt3A_1782 = vector.broadcast %gt3A_1781 : i32 to vector<16xi32>
    %gt3A_1783 = arith.cmpi sgt, %iota3A, %gt3A_1782 : vector<16xi32>
    %select_n3A_1784 = arith.select %gt3A_1783, %broadcast_in_dim3A_1173, %broadcast_in_dim3A_1175 : vector<16xi1>, vector<16xi32>
    %gt3A_1785 = arith.constant 23 : i32
    %gt3A_1786 = vector.broadcast %gt3A_1785 : i32 to vector<16xi32>
    %gt3A_1787 = arith.cmpi sgt, %add3A_1178, %gt3A_1786 : vector<16xi32>
    %select_n3A_1788 = arith.select %gt3A_1787, %broadcast_in_dim3A_1173, %broadcast_in_dim3A_1175 : vector<16xi1>, vector<16xi32>
    %lt3A_1789 = vector.broadcast %squeeze3A_1780 : f32 to vector<16xf32>
    %lt3A_1790 = arith.cmpf olt, %lt3A_1789, %get3A_1169 : vector<16xf32>
    %eq3A_1791 = vector.broadcast %squeeze3A_1780 : f32 to vector<16xf32>
    %eq3A_1792 = arith.cmpf oeq, %eq3A_1791, %get3A_1169 : vector<16xf32>
    %select_n3A_1793 = arith.select %eq3A_1792, %select_n3A_1784, %broadcast_in_dim3A_1175 : vector<16xi1>, vector<16xi32>
    %select_n3A_1794 = arith.select %lt3A_1790, %broadcast_in_dim3A_1173, %select_n3A_1793 : vector<16xi1>, vector<16xi32>
    %add3A_1795 = arith.addi %add3A_1769, %select_n3A_1794 : vector<16xi32>
    %lt3A_1796 = vector.broadcast %squeeze3A_1780 : f32 to vector<16xf32>
    %lt3A_1797 = arith.cmpf olt, %lt3A_1796, %get3A_1171 : vector<16xf32>
    %eq3A_1798 = vector.broadcast %squeeze3A_1780 : f32 to vector<16xf32>
    %eq3A_1799 = arith.cmpf oeq, %eq3A_1798, %get3A_1171 : vector<16xf32>
    %select_n3A_1800 = arith.select %eq3A_1799, %select_n3A_1788, %broadcast_in_dim3A_1175 : vector<16xi1>, vector<16xi32>
    %select_n3A_1801 = arith.select %lt3A_1797, %broadcast_in_dim3A_1173, %select_n3A_1800 : vector<16xi1>, vector<16xi32>
    %add3A_1802 = arith.addi %add3A_1776, %select_n3A_1801 : vector<16xi32>
    %get3A_1803 = arith.constant 24 : index
    %get3A_1804 = tpu.vector_load %arg31[%get3A_1803] {strides = array<i32>} : memref<48xf32, #tpu.memory_space<vmem>>, vector<16xf32>,
    %slice3A_1805 = vector.extract_strided_slice %get3A_1804 {offsets = [0], sizes = [1], strides = [1]} : vector<16xf32> to vector<1xf32>
    %squeeze3A_1806 = vector.extract %slice3A_1805[0] : f32 from vector<1xf32>
    %gt3A_1807 = arith.constant 24 : i32
    %gt3A_1808 = vector.broadcast %gt3A_1807 : i32 to vector<16xi32>
    %gt3A_1809 = arith.cmpi sgt, %iota3A, %gt3A_1808 : vector<16xi32>
    %select_n3A_1810 = arith.select %gt3A_1809, %broadcast_in_dim3A_1173, %broadcast_in_dim3A_1175 : vector<16xi1>, vector<16xi32>
    %gt3A_1811 = arith.constant 24 : i32
    %gt3A_1812 = vector.broadcast %gt3A_1811 : i32 to vector<16xi32>
    %gt3A_1813 = arith.cmpi sgt, %add3A_1178, %gt3A_1812 : vector<16xi32>
    %select_n3A_1814 = arith.select %gt3A_1813, %broadcast_in_dim3A_1173, %broadcast_in_dim3A_1175 : vector<16xi1>, vector<16xi32>
    %lt3A_1815 = vector.broadcast %squeeze3A_1806 : f32 to vector<16xf32>
    %lt3A_1816 = arith.cmpf olt, %lt3A_1815, %get3A_1169 : vector<16xf32>
    %eq3A_1817 = vector.broadcast %squeeze3A_1806 : f32 to vector<16xf32>
    %eq3A_1818 = arith.cmpf oeq, %eq3A_1817, %get3A_1169 : vector<16xf32>
    %select_n3A_1819 = arith.select %eq3A_1818, %select_n3A_1810, %broadcast_in_dim3A_1175 : vector<16xi1>, vector<16xi32>
    %select_n3A_1820 = arith.select %lt3A_1816, %broadcast_in_dim3A_1173, %select_n3A_1819 : vector<16xi1>, vector<16xi32>
    %add3A_1821 = arith.addi %add3A_1795, %select_n3A_1820 : vector<16xi32>
    %lt3A_1822 = vector.broadcast %squeeze3A_1806 : f32 to vector<16xf32>
    %lt3A_1823 = arith.cmpf olt, %lt3A_1822, %get3A_1171 : vector<16xf32>
    %eq3A_1824 = vector.broadcast %squeeze3A_1806 : f32 to vector<16xf32>
    %eq3A_1825 = arith.cmpf oeq, %eq3A_1824, %get3A_1171 : vector<16xf32>
    %select_n3A_1826 = arith.select %eq3A_1825, %select_n3A_1814, %broadcast_in_dim3A_1175 : vector<16xi1>, vector<16xi32>
    %select_n3A_1827 = arith.select %lt3A_1823, %broadcast_in_dim3A_1173, %select_n3A_1826 : vector<16xi1>, vector<16xi32>
    %add3A_1828 = arith.addi %add3A_1802, %select_n3A_1827 : vector<16xi32>
    %get3A_1829 = arith.constant 25 : index
    %get3A_1830 = tpu.vector_load %arg31[%get3A_1829] {strides = array<i32>} : memref<48xf32, #tpu.memory_space<vmem>>, vector<16xf32>,
    %slice3A_1831 = vector.extract_strided_slice %get3A_1830 {offsets = [0], sizes = [1], strides = [1]} : vector<16xf32> to vector<1xf32>
    %squeeze3A_1832 = vector.extract %slice3A_1831[0] : f32 from vector<1xf32>
    %gt3A_1833 = arith.constant 25 : i32
    %gt3A_1834 = vector.broadcast %gt3A_1833 : i32 to vector<16xi32>
    %gt3A_1835 = arith.cmpi sgt, %iota3A, %gt3A_1834 : vector<16xi32>
    %select_n3A_1836 = arith.select %gt3A_1835, %broadcast_in_dim3A_1173, %broadcast_in_dim3A_1175 : vector<16xi1>, vector<16xi32>
    %gt3A_1837 = arith.constant 25 : i32
    %gt3A_1838 = vector.broadcast %gt3A_1837 : i32 to vector<16xi32>
    %gt3A_1839 = arith.cmpi sgt, %add3A_1178, %gt3A_1838 : vector<16xi32>
    %select_n3A_1840 = arith.select %gt3A_1839, %broadcast_in_dim3A_1173, %broadcast_in_dim3A_1175 : vector<16xi1>, vector<16xi32>
    %lt3A_1841 = vector.broadcast %squeeze3A_1832 : f32 to vector<16xf32>
    %lt3A_1842 = arith.cmpf olt, %lt3A_1841, %get3A_1169 : vector<16xf32>
    %eq3A_1843 = vector.broadcast %squeeze3A_1832 : f32 to vector<16xf32>
    %eq3A_1844 = arith.cmpf oeq, %eq3A_1843, %get3A_1169 : vector<16xf32>
    %select_n3A_1845 = arith.select %eq3A_1844, %select_n3A_1836, %broadcast_in_dim3A_1175 : vector<16xi1>, vector<16xi32>
    %select_n3A_1846 = arith.select %lt3A_1842, %broadcast_in_dim3A_1173, %select_n3A_1845 : vector<16xi1>, vector<16xi32>
    %add3A_1847 = arith.addi %add3A_1821, %select_n3A_1846 : vector<16xi32>
    %lt3A_1848 = vector.broadcast %squeeze3A_1832 : f32 to vector<16xf32>
    %lt3A_1849 = arith.cmpf olt, %lt3A_1848, %get3A_1171 : vector<16xf32>
    %eq3A_1850 = vector.broadcast %squeeze3A_1832 : f32 to vector<16xf32>
    %eq3A_1851 = arith.cmpf oeq, %eq3A_1850, %get3A_1171 : vector<16xf32>
    %select_n3A_1852 = arith.select %eq3A_1851, %select_n3A_1840, %broadcast_in_dim3A_1175 : vector<16xi1>, vector<16xi32>
    %select_n3A_1853 = arith.select %lt3A_1849, %broadcast_in_dim3A_1173, %select_n3A_1852 : vector<16xi1>, vector<16xi32>
    %add3A_1854 = arith.addi %add3A_1828, %select_n3A_1853 : vector<16xi32>
    %get3A_1855 = arith.constant 26 : index
    %get3A_1856 = tpu.vector_load %arg31[%get3A_1855] {strides = array<i32>} : memref<48xf32, #tpu.memory_space<vmem>>, vector<16xf32>,
    %slice3A_1857 = vector.extract_strided_slice %get3A_1856 {offsets = [0], sizes = [1], strides = [1]} : vector<16xf32> to vector<1xf32>
    %squeeze3A_1858 = vector.extract %slice3A_1857[0] : f32 from vector<1xf32>
    %gt3A_1859 = arith.constant 26 : i32
    %gt3A_1860 = vector.broadcast %gt3A_1859 : i32 to vector<16xi32>
    %gt3A_1861 = arith.cmpi sgt, %iota3A, %gt3A_1860 : vector<16xi32>
    %select_n3A_1862 = arith.select %gt3A_1861, %broadcast_in_dim3A_1173, %broadcast_in_dim3A_1175 : vector<16xi1>, vector<16xi32>
    %gt3A_1863 = arith.constant 26 : i32
    %gt3A_1864 = vector.broadcast %gt3A_1863 : i32 to vector<16xi32>
    %gt3A_1865 = arith.cmpi sgt, %add3A_1178, %gt3A_1864 : vector<16xi32>
    %select_n3A_1866 = arith.select %gt3A_1865, %broadcast_in_dim3A_1173, %broadcast_in_dim3A_1175 : vector<16xi1>, vector<16xi32>
    %lt3A_1867 = vector.broadcast %squeeze3A_1858 : f32 to vector<16xf32>
    %lt3A_1868 = arith.cmpf olt, %lt3A_1867, %get3A_1169 : vector<16xf32>
    %eq3A_1869 = vector.broadcast %squeeze3A_1858 : f32 to vector<16xf32>
    %eq3A_1870 = arith.cmpf oeq, %eq3A_1869, %get3A_1169 : vector<16xf32>
    %select_n3A_1871 = arith.select %eq3A_1870, %select_n3A_1862, %broadcast_in_dim3A_1175 : vector<16xi1>, vector<16xi32>
    %select_n3A_1872 = arith.select %lt3A_1868, %broadcast_in_dim3A_1173, %select_n3A_1871 : vector<16xi1>, vector<16xi32>
    %add3A_1873 = arith.addi %add3A_1847, %select_n3A_1872 : vector<16xi32>
    %lt3A_1874 = vector.broadcast %squeeze3A_1858 : f32 to vector<16xf32>
    %lt3A_1875 = arith.cmpf olt, %lt3A_1874, %get3A_1171 : vector<16xf32>
    %eq3A_1876 = vector.broadcast %squeeze3A_1858 : f32 to vector<16xf32>
    %eq3A_1877 = arith.cmpf oeq, %eq3A_1876, %get3A_1171 : vector<16xf32>
    %select_n3A_1878 = arith.select %eq3A_1877, %select_n3A_1866, %broadcast_in_dim3A_1175 : vector<16xi1>, vector<16xi32>
    %select_n3A_1879 = arith.select %lt3A_1875, %broadcast_in_dim3A_1173, %select_n3A_1878 : vector<16xi1>, vector<16xi32>
    %add3A_1880 = arith.addi %add3A_1854, %select_n3A_1879 : vector<16xi32>
    %get3A_1881 = arith.constant 27 : index
    %get3A_1882 = tpu.vector_load %arg31[%get3A_1881] {strides = array<i32>} : memref<48xf32, #tpu.memory_space<vmem>>, vector<16xf32>,
    %slice3A_1883 = vector.extract_strided_slice %get3A_1882 {offsets = [0], sizes = [1], strides = [1]} : vector<16xf32> to vector<1xf32>
    %squeeze3A_1884 = vector.extract %slice3A_1883[0] : f32 from vector<1xf32>
    %gt3A_1885 = arith.constant 27 : i32
    %gt3A_1886 = vector.broadcast %gt3A_1885 : i32 to vector<16xi32>
    %gt3A_1887 = arith.cmpi sgt, %iota3A, %gt3A_1886 : vector<16xi32>
    %select_n3A_1888 = arith.select %gt3A_1887, %broadcast_in_dim3A_1173, %broadcast_in_dim3A_1175 : vector<16xi1>, vector<16xi32>
    %gt3A_1889 = arith.constant 27 : i32
    %gt3A_1890 = vector.broadcast %gt3A_1889 : i32 to vector<16xi32>
    %gt3A_1891 = arith.cmpi sgt, %add3A_1178, %gt3A_1890 : vector<16xi32>
    %select_n3A_1892 = arith.select %gt3A_1891, %broadcast_in_dim3A_1173, %broadcast_in_dim3A_1175 : vector<16xi1>, vector<16xi32>
    %lt3A_1893 = vector.broadcast %squeeze3A_1884 : f32 to vector<16xf32>
    %lt3A_1894 = arith.cmpf olt, %lt3A_1893, %get3A_1169 : vector<16xf32>
    %eq3A_1895 = vector.broadcast %squeeze3A_1884 : f32 to vector<16xf32>
    %eq3A_1896 = arith.cmpf oeq, %eq3A_1895, %get3A_1169 : vector<16xf32>
    %select_n3A_1897 = arith.select %eq3A_1896, %select_n3A_1888, %broadcast_in_dim3A_1175 : vector<16xi1>, vector<16xi32>
    %select_n3A_1898 = arith.select %lt3A_1894, %broadcast_in_dim3A_1173, %select_n3A_1897 : vector<16xi1>, vector<16xi32>
    %add3A_1899 = arith.addi %add3A_1873, %select_n3A_1898 : vector<16xi32>
    %lt3A_1900 = vector.broadcast %squeeze3A_1884 : f32 to vector<16xf32>
    %lt3A_1901 = arith.cmpf olt, %lt3A_1900, %get3A_1171 : vector<16xf32>
    %eq3A_1902 = vector.broadcast %squeeze3A_1884 : f32 to vector<16xf32>
    %eq3A_1903 = arith.cmpf oeq, %eq3A_1902, %get3A_1171 : vector<16xf32>
    %select_n3A_1904 = arith.select %eq3A_1903, %select_n3A_1892, %broadcast_in_dim3A_1175 : vector<16xi1>, vector<16xi32>
    %select_n3A_1905 = arith.select %lt3A_1901, %broadcast_in_dim3A_1173, %select_n3A_1904 : vector<16xi1>, vector<16xi32>
    %add3A_1906 = arith.addi %add3A_1880, %select_n3A_1905 : vector<16xi32>
    %get3A_1907 = arith.constant 28 : index
    %get3A_1908 = tpu.vector_load %arg31[%get3A_1907] {strides = array<i32>} : memref<48xf32, #tpu.memory_space<vmem>>, vector<16xf32>,
    %slice3A_1909 = vector.extract_strided_slice %get3A_1908 {offsets = [0], sizes = [1], strides = [1]} : vector<16xf32> to vector<1xf32>
    %squeeze3A_1910 = vector.extract %slice3A_1909[0] : f32 from vector<1xf32>
    %gt3A_1911 = arith.constant 28 : i32
    %gt3A_1912 = vector.broadcast %gt3A_1911 : i32 to vector<16xi32>
    %gt3A_1913 = arith.cmpi sgt, %iota3A, %gt3A_1912 : vector<16xi32>
    %select_n3A_1914 = arith.select %gt3A_1913, %broadcast_in_dim3A_1173, %broadcast_in_dim3A_1175 : vector<16xi1>, vector<16xi32>
    %gt3A_1915 = arith.constant 28 : i32
    %gt3A_1916 = vector.broadcast %gt3A_1915 : i32 to vector<16xi32>
    %gt3A_1917 = arith.cmpi sgt, %add3A_1178, %gt3A_1916 : vector<16xi32>
    %select_n3A_1918 = arith.select %gt3A_1917, %broadcast_in_dim3A_1173, %broadcast_in_dim3A_1175 : vector<16xi1>, vector<16xi32>
    %lt3A_1919 = vector.broadcast %squeeze3A_1910 : f32 to vector<16xf32>
    %lt3A_1920 = arith.cmpf olt, %lt3A_1919, %get3A_1169 : vector<16xf32>
    %eq3A_1921 = vector.broadcast %squeeze3A_1910 : f32 to vector<16xf32>
    %eq3A_1922 = arith.cmpf oeq, %eq3A_1921, %get3A_1169 : vector<16xf32>
    %select_n3A_1923 = arith.select %eq3A_1922, %select_n3A_1914, %broadcast_in_dim3A_1175 : vector<16xi1>, vector<16xi32>
    %select_n3A_1924 = arith.select %lt3A_1920, %broadcast_in_dim3A_1173, %select_n3A_1923 : vector<16xi1>, vector<16xi32>
    %add3A_1925 = arith.addi %add3A_1899, %select_n3A_1924 : vector<16xi32>
    %lt3A_1926 = vector.broadcast %squeeze3A_1910 : f32 to vector<16xf32>
    %lt3A_1927 = arith.cmpf olt, %lt3A_1926, %get3A_1171 : vector<16xf32>
    %eq3A_1928 = vector.broadcast %squeeze3A_1910 : f32 to vector<16xf32>
    %eq3A_1929 = arith.cmpf oeq, %eq3A_1928, %get3A_1171 : vector<16xf32>
    %select_n3A_1930 = arith.select %eq3A_1929, %select_n3A_1918, %broadcast_in_dim3A_1175 : vector<16xi1>, vector<16xi32>
    %select_n3A_1931 = arith.select %lt3A_1927, %broadcast_in_dim3A_1173, %select_n3A_1930 : vector<16xi1>, vector<16xi32>
    %add3A_1932 = arith.addi %add3A_1906, %select_n3A_1931 : vector<16xi32>
    %get3A_1933 = arith.constant 29 : index
    %get3A_1934 = tpu.vector_load %arg31[%get3A_1933] {strides = array<i32>} : memref<48xf32, #tpu.memory_space<vmem>>, vector<16xf32>,
    %slice3A_1935 = vector.extract_strided_slice %get3A_1934 {offsets = [0], sizes = [1], strides = [1]} : vector<16xf32> to vector<1xf32>
    %squeeze3A_1936 = vector.extract %slice3A_1935[0] : f32 from vector<1xf32>
    %gt3A_1937 = arith.constant 29 : i32
    %gt3A_1938 = vector.broadcast %gt3A_1937 : i32 to vector<16xi32>
    %gt3A_1939 = arith.cmpi sgt, %iota3A, %gt3A_1938 : vector<16xi32>
    %select_n3A_1940 = arith.select %gt3A_1939, %broadcast_in_dim3A_1173, %broadcast_in_dim3A_1175 : vector<16xi1>, vector<16xi32>
    %gt3A_1941 = arith.constant 29 : i32
    %gt3A_1942 = vector.broadcast %gt3A_1941 : i32 to vector<16xi32>
    %gt3A_1943 = arith.cmpi sgt, %add3A_1178, %gt3A_1942 : vector<16xi32>
    %select_n3A_1944 = arith.select %gt3A_1943, %broadcast_in_dim3A_1173, %broadcast_in_dim3A_1175 : vector<16xi1>, vector<16xi32>
    %lt3A_1945 = vector.broadcast %squeeze3A_1936 : f32 to vector<16xf32>
    %lt3A_1946 = arith.cmpf olt, %lt3A_1945, %get3A_1169 : vector<16xf32>
    %eq3A_1947 = vector.broadcast %squeeze3A_1936 : f32 to vector<16xf32>
    %eq3A_1948 = arith.cmpf oeq, %eq3A_1947, %get3A_1169 : vector<16xf32>
    %select_n3A_1949 = arith.select %eq3A_1948, %select_n3A_1940, %broadcast_in_dim3A_1175 : vector<16xi1>, vector<16xi32>
    %select_n3A_1950 = arith.select %lt3A_1946, %broadcast_in_dim3A_1173, %select_n3A_1949 : vector<16xi1>, vector<16xi32>
    %add3A_1951 = arith.addi %add3A_1925, %select_n3A_1950 : vector<16xi32>
    %lt3A_1952 = vector.broadcast %squeeze3A_1936 : f32 to vector<16xf32>
    %lt3A_1953 = arith.cmpf olt, %lt3A_1952, %get3A_1171 : vector<16xf32>
    %eq3A_1954 = vector.broadcast %squeeze3A_1936 : f32 to vector<16xf32>
    %eq3A_1955 = arith.cmpf oeq, %eq3A_1954, %get3A_1171 : vector<16xf32>
    %select_n3A_1956 = arith.select %eq3A_1955, %select_n3A_1944, %broadcast_in_dim3A_1175 : vector<16xi1>, vector<16xi32>
    %select_n3A_1957 = arith.select %lt3A_1953, %broadcast_in_dim3A_1173, %select_n3A_1956 : vector<16xi1>, vector<16xi32>
    %add3A_1958 = arith.addi %add3A_1932, %select_n3A_1957 : vector<16xi32>
    %get3A_1959 = arith.constant 30 : index
    %get3A_1960 = tpu.vector_load %arg31[%get3A_1959] {strides = array<i32>} : memref<48xf32, #tpu.memory_space<vmem>>, vector<16xf32>,
    %slice3A_1961 = vector.extract_strided_slice %get3A_1960 {offsets = [0], sizes = [1], strides = [1]} : vector<16xf32> to vector<1xf32>
    %squeeze3A_1962 = vector.extract %slice3A_1961[0] : f32 from vector<1xf32>
    %gt3A_1963 = arith.constant 30 : i32
    %gt3A_1964 = vector.broadcast %gt3A_1963 : i32 to vector<16xi32>
    %gt3A_1965 = arith.cmpi sgt, %iota3A, %gt3A_1964 : vector<16xi32>
    %select_n3A_1966 = arith.select %gt3A_1965, %broadcast_in_dim3A_1173, %broadcast_in_dim3A_1175 : vector<16xi1>, vector<16xi32>
    %gt3A_1967 = arith.constant 30 : i32
    %gt3A_1968 = vector.broadcast %gt3A_1967 : i32 to vector<16xi32>
    %gt3A_1969 = arith.cmpi sgt, %add3A_1178, %gt3A_1968 : vector<16xi32>
    %select_n3A_1970 = arith.select %gt3A_1969, %broadcast_in_dim3A_1173, %broadcast_in_dim3A_1175 : vector<16xi1>, vector<16xi32>
    %lt3A_1971 = vector.broadcast %squeeze3A_1962 : f32 to vector<16xf32>
    %lt3A_1972 = arith.cmpf olt, %lt3A_1971, %get3A_1169 : vector<16xf32>
    %eq3A_1973 = vector.broadcast %squeeze3A_1962 : f32 to vector<16xf32>
    %eq3A_1974 = arith.cmpf oeq, %eq3A_1973, %get3A_1169 : vector<16xf32>
    %select_n3A_1975 = arith.select %eq3A_1974, %select_n3A_1966, %broadcast_in_dim3A_1175 : vector<16xi1>, vector<16xi32>
    %select_n3A_1976 = arith.select %lt3A_1972, %broadcast_in_dim3A_1173, %select_n3A_1975 : vector<16xi1>, vector<16xi32>
    %add3A_1977 = arith.addi %add3A_1951, %select_n3A_1976 : vector<16xi32>
    %lt3A_1978 = vector.broadcast %squeeze3A_1962 : f32 to vector<16xf32>
    %lt3A_1979 = arith.cmpf olt, %lt3A_1978, %get3A_1171 : vector<16xf32>
    %eq3A_1980 = vector.broadcast %squeeze3A_1962 : f32 to vector<16xf32>
    %eq3A_1981 = arith.cmpf oeq, %eq3A_1980, %get3A_1171 : vector<16xf32>
    %select_n3A_1982 = arith.select %eq3A_1981, %select_n3A_1970, %broadcast_in_dim3A_1175 : vector<16xi1>, vector<16xi32>
    %select_n3A_1983 = arith.select %lt3A_1979, %broadcast_in_dim3A_1173, %select_n3A_1982 : vector<16xi1>, vector<16xi32>
    %add3A_1984 = arith.addi %add3A_1958, %select_n3A_1983 : vector<16xi32>
    %get3A_1985 = arith.constant 31 : index
    %get3A_1986 = tpu.vector_load %arg31[%get3A_1985] {strides = array<i32>} : memref<48xf32, #tpu.memory_space<vmem>>, vector<16xf32>,
    %slice3A_1987 = vector.extract_strided_slice %get3A_1986 {offsets = [0], sizes = [1], strides = [1]} : vector<16xf32> to vector<1xf32>
    %squeeze3A_1988 = vector.extract %slice3A_1987[0] : f32 from vector<1xf32>
    %gt3A_1989 = arith.constant 31 : i32
    %gt3A_1990 = vector.broadcast %gt3A_1989 : i32 to vector<16xi32>
    %gt3A_1991 = arith.cmpi sgt, %iota3A, %gt3A_1990 : vector<16xi32>
    %select_n3A_1992 = arith.select %gt3A_1991, %broadcast_in_dim3A_1173, %broadcast_in_dim3A_1175 : vector<16xi1>, vector<16xi32>
    %gt3A_1993 = arith.constant 31 : i32
    %gt3A_1994 = vector.broadcast %gt3A_1993 : i32 to vector<16xi32>
    %gt3A_1995 = arith.cmpi sgt, %add3A_1178, %gt3A_1994 : vector<16xi32>
    %select_n3A_1996 = arith.select %gt3A_1995, %broadcast_in_dim3A_1173, %broadcast_in_dim3A_1175 : vector<16xi1>, vector<16xi32>
    %lt3A_1997 = vector.broadcast %squeeze3A_1988 : f32 to vector<16xf32>
    %lt3A_1998 = arith.cmpf olt, %lt3A_1997, %get3A_1169 : vector<16xf32>
    %eq3A_1999 = vector.broadcast %squeeze3A_1988 : f32 to vector<16xf32>
    %eq3A_2000 = arith.cmpf oeq, %eq3A_1999, %get3A_1169 : vector<16xf32>
    %select_n3A_2001 = arith.select %eq3A_2000, %select_n3A_1992, %broadcast_in_dim3A_1175 : vector<16xi1>, vector<16xi32>
    %select_n3A_2002 = arith.select %lt3A_1998, %broadcast_in_dim3A_1173, %select_n3A_2001 : vector<16xi1>, vector<16xi32>
    %add3A_2003 = arith.addi %add3A_1977, %select_n3A_2002 : vector<16xi32>
    %lt3A_2004 = vector.broadcast %squeeze3A_1988 : f32 to vector<16xf32>
    %lt3A_2005 = arith.cmpf olt, %lt3A_2004, %get3A_1171 : vector<16xf32>
    %eq3A_2006 = vector.broadcast %squeeze3A_1988 : f32 to vector<16xf32>
    %eq3A_2007 = arith.cmpf oeq, %eq3A_2006, %get3A_1171 : vector<16xf32>
    %select_n3A_2008 = arith.select %eq3A_2007, %select_n3A_1996, %broadcast_in_dim3A_1175 : vector<16xi1>, vector<16xi32>
    %select_n3A_2009 = arith.select %lt3A_2005, %broadcast_in_dim3A_1173, %select_n3A_2008 : vector<16xi1>, vector<16xi32>
    %add3A_2010 = arith.addi %add3A_1984, %select_n3A_2009 : vector<16xi32>
    tpu.vector_store_idx %arg33[%add3A_2003], %iota3A : memref<48xi32, #tpu.memory_space<vmem>>[vector<16xi32>], vector<16xi32>,
    tpu.vector_store_idx %arg33[%add3A_2010], %add3A_1178 : memref<48xi32, #tpu.memory_space<vmem>>[vector<16xi32>], vector<16xi32>,
    %broadcast_in_dim3A_2011 = arith.constant -3.000000e+38 : f32
    %broadcast_in_dim3A_2012 = vector.broadcast %broadcast_in_dim3A_2011 : f32 to vector<16xf32>
    %parallel_loop3A = arith.constant 0 : i32
    %parallel_loop3A_2013 = arith.constant 8 : i32
    %parallel_loop3A_2014 = arith.constant 1 : i32
    scf.for %parallel_loop3A_2069 = %parallel_loop3A to %parallel_loop3A_2013 step %parallel_loop3A_2014  : i32 {
      %parallel_loop3A_2070 = arith.constant 16 : i32
      %parallel_loop3A_2071 = arith.muli %parallel_loop3A_2069, %parallel_loop3A_2070 : i32
      %parallel_loop3A_2072 = arith.index_cast %parallel_loop3A_2071 : i32 to index
      %parallel_loop3A_2073 = tpu.vector_load %arg12[%parallel_loop3A_2072] {strides = array<i32>} : memref<128xf32, #tpu.memory_space<vmem>>, vector<16xf32>,
      tpu.vector_store %arg12[%parallel_loop3A_2072], %broadcast_in_dim3A_2012 {strides = array<i32>} : memref<128xf32, #tpu.memory_space<vmem>>, vector<16xf32>,
    } {sc.loop_unroll_factor = 4 : i64, sc.parallel_access}
    %scan3A = arith.constant 0 : i32
    %scan3A_2015 = arith.constant 0 : i32
    %scan3A_2016 = arith.constant 32 : i32
    %scan3A_2017 = arith.addi %scan3A_2015, %scan3A_2016 : i32
    %scan3A_2018 = arith.constant 1 : i32
    %scan3A_2019 = scf.for %scan3A_2069 = %scan3A_2015 to %scan3A_2017 step %scan3A_2018 iter_args(%scan3A_2070 = %scan3A) -> (i32)  : i32 {
      %mul3A_2071 = arith.constant 6 : i32
      %mul3A_2072 = arith.muli %scan3A_2069, %mul3A_2071 : i32
      %add3A_2073 = arith.constant 0 : i32
      %add3A_2074 = arith.addi %mul3A_2072, %add3A_2073 : i32
      %get3A_2075 = arith.index_cast %add3A_2074 : i32 to index
      %get3A_2076 = tpu.vector_load %arg27[%get3A_2075] {strides = array<i32>} : memref<208xf32, #tpu.memory_space<vmem>>, vector<16xf32>,
      %slice3A_2077 = vector.extract_strided_slice %get3A_2076 {offsets = [0], sizes = [1], strides = [1]} : vector<16xf32> to vector<1xf32>
      %squeeze3A_2078 = vector.extract %slice3A_2077[0] : f32 from vector<1xf32>
      %mul3A_2079 = arith.constant 6 : i32
      %mul3A_2080 = arith.muli %scan3A_2069, %mul3A_2079 : i32
      %add3A_2081 = arith.constant 1 : i32
      %add3A_2082 = arith.addi %mul3A_2080, %add3A_2081 : i32
      %get3A_2083 = arith.index_cast %add3A_2082 : i32 to index
      %get3A_2084 = tpu.vector_load %arg27[%get3A_2083] {strides = array<i32>} : memref<208xf32, #tpu.memory_space<vmem>>, vector<16xf32>,
      %slice3A_2085 = vector.extract_strided_slice %get3A_2084 {offsets = [0], sizes = [1], strides = [1]} : vector<16xf32> to vector<1xf32>
      %squeeze3A_2086 = vector.extract %slice3A_2085[0] : f32 from vector<1xf32>
      %mul3A_2087 = arith.constant 6 : i32
      %mul3A_2088 = arith.muli %scan3A_2069, %mul3A_2087 : i32
      %add3A_2089 = arith.constant 2 : i32
      %add3A_2090 = arith.addi %mul3A_2088, %add3A_2089 : i32
      %get3A_2091 = arith.index_cast %add3A_2090 : i32 to index
      %get3A_2092 = tpu.vector_load %arg27[%get3A_2091] {strides = array<i32>} : memref<208xf32, #tpu.memory_space<vmem>>, vector<16xf32>,
      %slice3A_2093 = vector.extract_strided_slice %get3A_2092 {offsets = [0], sizes = [1], strides = [1]} : vector<16xf32> to vector<1xf32>
      %squeeze3A_2094 = vector.extract %slice3A_2093[0] : f32 from vector<1xf32>
      %mul3A_2095 = arith.constant 6 : i32
      %mul3A_2096 = arith.muli %scan3A_2069, %mul3A_2095 : i32
      %add3A_2097 = arith.constant 3 : i32
      %add3A_2098 = arith.addi %mul3A_2096, %add3A_2097 : i32
      %get3A_2099 = arith.index_cast %add3A_2098 : i32 to index
      %get3A_2100 = tpu.vector_load %arg27[%get3A_2099] {strides = array<i32>} : memref<208xf32, #tpu.memory_space<vmem>>, vector<16xf32>,
      %slice3A_2101 = vector.extract_strided_slice %get3A_2100 {offsets = [0], sizes = [1], strides = [1]} : vector<16xf32> to vector<1xf32>
      %squeeze3A_2102 = vector.extract %slice3A_2101[0] : f32 from vector<1xf32>
      %mul3A_2103 = arith.constant 6 : i32
      %mul3A_2104 = arith.muli %scan3A_2069, %mul3A_2103 : i32
      %add3A_2105 = arith.constant 4 : i32
      %add3A_2106 = arith.addi %mul3A_2104, %add3A_2105 : i32
      %get3A_2107 = arith.index_cast %add3A_2106 : i32 to index
      %get3A_2108 = tpu.vector_load %arg27[%get3A_2107] {strides = array<i32>} : memref<208xf32, #tpu.memory_space<vmem>>, vector<16xf32>,
      %slice3A_2109 = vector.extract_strided_slice %get3A_2108 {offsets = [0], sizes = [1], strides = [1]} : vector<16xf32> to vector<1xf32>
      %squeeze3A_2110 = vector.extract %slice3A_2109[0] : f32 from vector<1xf32>
      %mul3A_2111 = arith.constant 6 : i32
      %mul3A_2112 = arith.muli %scan3A_2069, %mul3A_2111 : i32
      %add3A_2113 = arith.constant 5 : i32
      %add3A_2114 = arith.addi %mul3A_2112, %add3A_2113 : i32
      %get3A_2115 = arith.index_cast %add3A_2114 : i32 to index
      %get3A_2116 = tpu.vector_load %arg27[%get3A_2115] {strides = array<i32>} : memref<208xf32, #tpu.memory_space<vmem>>, vector<16xf32>,
      %slice3A_2117 = vector.extract_strided_slice %get3A_2116 {offsets = [0], sizes = [1], strides = [1]} : vector<16xf32> to vector<1xf32>
      %squeeze3A_2118 = vector.extract %slice3A_2117[0] : f32 from vector<1xf32>
      %mul3A_2119 = arith.constant 6 : i32
      %mul3A_2120 = arith.muli %scan3A_2069, %mul3A_2119 : i32
      %add3A_2121 = arith.constant 0 : i32
      %add3A_2122 = arith.addi %mul3A_2120, %add3A_2121 : i32
      %get3A_2123 = arith.index_cast %add3A_2122 : i32 to index
      %get3A_2124 = tpu.vector_load %arg28[%get3A_2123] {strides = array<i32>} : memref<208xf32, #tpu.memory_space<vmem>>, vector<16xf32>,
      %slice3A_2125 = vector.extract_strided_slice %get3A_2124 {offsets = [0], sizes = [1], strides = [1]} : vector<16xf32> to vector<1xf32>
      %squeeze3A_2126 = vector.extract %slice3A_2125[0] : f32 from vector<1xf32>
      %mul3A_2127 = arith.constant 6 : i32
      %mul3A_2128 = arith.muli %scan3A_2069, %mul3A_2127 : i32
      %add3A_2129 = arith.constant 1 : i32
      %add3A_2130 = arith.addi %mul3A_2128, %add3A_2129 : i32
      %get3A_2131 = arith.index_cast %add3A_2130 : i32 to index
      %get3A_2132 = tpu.vector_load %arg28[%get3A_2131] {strides = array<i32>} : memref<208xf32, #tpu.memory_space<vmem>>, vector<16xf32>,
      %slice3A_2133 = vector.extract_strided_slice %get3A_2132 {offsets = [0], sizes = [1], strides = [1]} : vector<16xf32> to vector<1xf32>
      %squeeze3A_2134 = vector.extract %slice3A_2133[0] : f32 from vector<1xf32>
      %mul3A_2135 = arith.constant 6 : i32
      %mul3A_2136 = arith.muli %scan3A_2069, %mul3A_2135 : i32
      %add3A_2137 = arith.constant 2 : i32
      %add3A_2138 = arith.addi %mul3A_2136, %add3A_2137 : i32
      %get3A_2139 = arith.index_cast %add3A_2138 : i32 to index
      %get3A_2140 = tpu.vector_load %arg28[%get3A_2139] {strides = array<i32>} : memref<208xf32, #tpu.memory_space<vmem>>, vector<16xf32>,
      %slice3A_2141 = vector.extract_strided_slice %get3A_2140 {offsets = [0], sizes = [1], strides = [1]} : vector<16xf32> to vector<1xf32>
      %squeeze3A_2142 = vector.extract %slice3A_2141[0] : f32 from vector<1xf32>
      %mul3A_2143 = arith.constant 6 : i32
      %mul3A_2144 = arith.muli %scan3A_2069, %mul3A_2143 : i32
      %add3A_2145 = arith.constant 3 : i32
      %add3A_2146 = arith.addi %mul3A_2144, %add3A_2145 : i32
      %get3A_2147 = arith.index_cast %add3A_2146 : i32 to index
      %get3A_2148 = tpu.vector_load %arg28[%get3A_2147] {strides = array<i32>} : memref<208xf32, #tpu.memory_space<vmem>>, vector<16xf32>,
      %slice3A_2149 = vector.extract_strided_slice %get3A_2148 {offsets = [0], sizes = [1], strides = [1]} : vector<16xf32> to vector<1xf32>
      %squeeze3A_2150 = vector.extract %slice3A_2149[0] : f32 from vector<1xf32>
      %mul3A_2151 = arith.constant 6 : i32
      %mul3A_2152 = arith.muli %scan3A_2069, %mul3A_2151 : i32
      %add3A_2153 = arith.constant 4 : i32
      %add3A_2154 = arith.addi %mul3A_2152, %add3A_2153 : i32
      %get3A_2155 = arith.index_cast %add3A_2154 : i32 to index
      %get3A_2156 = tpu.vector_load %arg28[%get3A_2155] {strides = array<i32>} : memref<208xf32, #tpu.memory_space<vmem>>, vector<16xf32>,
      %slice3A_2157 = vector.extract_strided_slice %get3A_2156 {offsets = [0], sizes = [1], strides = [1]} : vector<16xf32> to vector<1xf32>
      %squeeze3A_2158 = vector.extract %slice3A_2157[0] : f32 from vector<1xf32>
      %mul3A_2159 = arith.constant 6 : i32
      %mul3A_2160 = arith.muli %scan3A_2069, %mul3A_2159 : i32
      %add3A_2161 = arith.constant 5 : i32
      %add3A_2162 = arith.addi %mul3A_2160, %add3A_2161 : i32
      %get3A_2163 = arith.index_cast %add3A_2162 : i32 to index
      %get3A_2164 = tpu.vector_load %arg28[%get3A_2163] {strides = array<i32>} : memref<208xf32, #tpu.memory_space<vmem>>, vector<16xf32>,
      %slice3A_2165 = vector.extract_strided_slice %get3A_2164 {offsets = [0], sizes = [1], strides = [1]} : vector<16xf32> to vector<1xf32>
      %squeeze3A_2166 = vector.extract %slice3A_2165[0] : f32 from vector<1xf32>
      %mul3A_2167 = arith.constant 6 : i32
      %mul3A_2168 = arith.muli %scan3A_2069, %mul3A_2167 : i32
      %add3A_2169 = arith.constant 0 : i32
      %add3A_2170 = arith.addi %mul3A_2168, %add3A_2169 : i32
      %get3A_2171 = arith.index_cast %add3A_2170 : i32 to index
      %get3A_2172 = tpu.vector_load %arg29[%get3A_2171] {strides = array<i32>} : memref<208xf32, #tpu.memory_space<vmem>>, vector<16xf32>,
      %slice3A_2173 = vector.extract_strided_slice %get3A_2172 {offsets = [0], sizes = [1], strides = [1]} : vector<16xf32> to vector<1xf32>
      %squeeze3A_2174 = vector.extract %slice3A_2173[0] : f32 from vector<1xf32>
      %mul3A_2175 = arith.constant 6 : i32
      %mul3A_2176 = arith.muli %scan3A_2069, %mul3A_2175 : i32
      %add3A_2177 = arith.constant 1 : i32
      %add3A_2178 = arith.addi %mul3A_2176, %add3A_2177 : i32
      %get3A_2179 = arith.index_cast %add3A_2178 : i32 to index
      %get3A_2180 = tpu.vector_load %arg29[%get3A_2179] {strides = array<i32>} : memref<208xf32, #tpu.memory_space<vmem>>, vector<16xf32>,
      %slice3A_2181 = vector.extract_strided_slice %get3A_2180 {offsets = [0], sizes = [1], strides = [1]} : vector<16xf32> to vector<1xf32>
      %squeeze3A_2182 = vector.extract %slice3A_2181[0] : f32 from vector<1xf32>
      %mul3A_2183 = arith.constant 6 : i32
      %mul3A_2184 = arith.muli %scan3A_2069, %mul3A_2183 : i32
      %add3A_2185 = arith.constant 2 : i32
      %add3A_2186 = arith.addi %mul3A_2184, %add3A_2185 : i32
      %get3A_2187 = arith.index_cast %add3A_2186 : i32 to index
      %get3A_2188 = tpu.vector_load %arg29[%get3A_2187] {strides = array<i32>} : memref<208xf32, #tpu.memory_space<vmem>>, vector<16xf32>,
      %slice3A_2189 = vector.extract_strided_slice %get3A_2188 {offsets = [0], sizes = [1], strides = [1]} : vector<16xf32> to vector<1xf32>
      %squeeze3A_2190 = vector.extract %slice3A_2189[0] : f32 from vector<1xf32>
      %mul3A_2191 = arith.constant 6 : i32
      %mul3A_2192 = arith.muli %scan3A_2069, %mul3A_2191 : i32
      %add3A_2193 = arith.constant 3 : i32
      %add3A_2194 = arith.addi %mul3A_2192, %add3A_2193 : i32
      %get3A_2195 = arith.index_cast %add3A_2194 : i32 to index
      %get3A_2196 = tpu.vector_load %arg29[%get3A_2195] {strides = array<i32>} : memref<208xf32, #tpu.memory_space<vmem>>, vector<16xf32>,
      %slice3A_2197 = vector.extract_strided_slice %get3A_2196 {offsets = [0], sizes = [1], strides = [1]} : vector<16xf32> to vector<1xf32>
      %squeeze3A_2198 = vector.extract %slice3A_2197[0] : f32 from vector<1xf32>
      %mul3A_2199 = arith.constant 6 : i32
      %mul3A_2200 = arith.muli %scan3A_2069, %mul3A_2199 : i32
      %add3A_2201 = arith.constant 4 : i32
      %add3A_2202 = arith.addi %mul3A_2200, %add3A_2201 : i32
      %get3A_2203 = arith.index_cast %add3A_2202 : i32 to index
      %get3A_2204 = tpu.vector_load %arg29[%get3A_2203] {strides = array<i32>} : memref<208xf32, #tpu.memory_space<vmem>>, vector<16xf32>,
      %slice3A_2205 = vector.extract_strided_slice %get3A_2204 {offsets = [0], sizes = [1], strides = [1]} : vector<16xf32> to vector<1xf32>
      %squeeze3A_2206 = vector.extract %slice3A_2205[0] : f32 from vector<1xf32>
      %mul3A_2207 = arith.constant 6 : i32
      %mul3A_2208 = arith.muli %scan3A_2069, %mul3A_2207 : i32
      %add3A_2209 = arith.constant 5 : i32
      %add3A_2210 = arith.addi %mul3A_2208, %add3A_2209 : i32
      %get3A_2211 = arith.index_cast %add3A_2210 : i32 to index
      %get3A_2212 = tpu.vector_load %arg29[%get3A_2211] {strides = array<i32>} : memref<208xf32, #tpu.memory_space<vmem>>, vector<16xf32>,
      %slice3A_2213 = vector.extract_strided_slice %get3A_2212 {offsets = [0], sizes = [1], strides = [1]} : vector<16xf32> to vector<1xf32>
      %squeeze3A_2214 = vector.extract %slice3A_2213[0] : f32 from vector<1xf32>
      %parallel_loop3A_2215 = arith.constant 0 : i32
      %parallel_loop3A_2216 = arith.constant 8 : i32
      %parallel_loop3A_2217 = arith.constant 1 : i32
      scf.for %parallel_loop3A_2219 = %parallel_loop3A_2215 to %parallel_loop3A_2216 step %parallel_loop3A_2217  : i32 {
        %parallel_loop3A_2220 = arith.constant 16 : i32
        %parallel_loop3A_2221 = arith.muli %parallel_loop3A_2219, %parallel_loop3A_2220 : i32
        %parallel_loop3A_2222 = arith.constant 0.000000e+00 : f32
        %parallel_loop3A_2223 = vector.broadcast %parallel_loop3A_2222 : f32 to vector<16xf32>
        %parallel_loop3A_2224 = arith.constant 0.000000e+00 : f32
        %parallel_loop3A_2225 = vector.broadcast %parallel_loop3A_2224 : f32 to vector<16xf32>
        %parallel_loop3A_2226 = arith.constant 0 : i32
        %parallel_loop3A_2227 = arith.addi %parallel_loop3A_2226, %parallel_loop3A_2221 : i32
        %parallel_loop3A_2228 = arith.index_cast %parallel_loop3A_2227 : i32 to index
        %parallel_loop3A_2229 = tpu.vector_load %arg9[%parallel_loop3A_2228] {strides = array<i32>} : memref<768xf32, #tpu.memory_space<vmem>>, vector<16xf32>,
        %parallel_loop3A_2230 = vector.broadcast %squeeze3A_2078 : f32 to vector<16xf32>
        %parallel_loop3A_2231 = arith.subf %parallel_loop3A_2230, %parallel_loop3A_2229 : vector<16xf32>
        %parallel_loop3A_2232 = vector.broadcast %squeeze3A_2126 : f32 to vector<16xf32>
        %parallel_loop3A_2233 = arith.subf %parallel_loop3A_2229, %parallel_loop3A_2232 : vector<16xf32>
        %parallel_loop3A_2234 = arith.maximumf %parallel_loop3A_2231, %parallel_loop3A_2233 : vector<16xf32>
        %parallel_loop3A_2235 = arith.constant 0.000000e+00 : f32
        %parallel_loop3A_2236 = vector.broadcast %parallel_loop3A_2235 : f32 to vector<16xf32>
        %parallel_loop3A_2237 = arith.maximumf %parallel_loop3A_2234, %parallel_loop3A_2236 : vector<16xf32>
        %parallel_loop3A_2238 = arith.minimumf %parallel_loop3A_2231, %parallel_loop3A_2233 : vector<16xf32>
        %parallel_loop3A_2239 = arith.mulf %parallel_loop3A_2237, %parallel_loop3A_2237 : vector<16xf32>
        %parallel_loop3A_2240 = vector.broadcast %squeeze3A_2174 : f32 to vector<16xf32>
        %parallel_loop3A_2241 = arith.mulf %parallel_loop3A_2239, %parallel_loop3A_2240 : vector<16xf32>
        %parallel_loop3A_2242 = arith.addf %parallel_loop3A_2223, %parallel_loop3A_2241 : vector<16xf32>
        %parallel_loop3A_2243 = arith.mulf %parallel_loop3A_2238, %parallel_loop3A_2238 : vector<16xf32>
        %parallel_loop3A_2244 = vector.broadcast %squeeze3A_2174 : f32 to vector<16xf32>
        %parallel_loop3A_2245 = arith.mulf %parallel_loop3A_2243, %parallel_loop3A_2244 : vector<16xf32>
        %parallel_loop3A_2246 = arith.addf %parallel_loop3A_2225, %parallel_loop3A_2245 : vector<16xf32>
        %parallel_loop3A_2247 = arith.constant 128 : i32
        %parallel_loop3A_2248 = arith.addi %parallel_loop3A_2247, %parallel_loop3A_2221 : i32
        %parallel_loop3A_2249 = arith.index_cast %parallel_loop3A_2248 : i32 to index
        %parallel_loop3A_2250 = tpu.vector_load %arg9[%parallel_loop3A_2249] {strides = array<i32>} : memref<768xf32, #tpu.memory_space<vmem>>, vector<16xf32>,
        %parallel_loop3A_2251 = vector.broadcast %squeeze3A_2086 : f32 to vector<16xf32>
        %parallel_loop3A_2252 = arith.subf %parallel_loop3A_2251, %parallel_loop3A_2250 : vector<16xf32>
        %parallel_loop3A_2253 = vector.broadcast %squeeze3A_2134 : f32 to vector<16xf32>
        %parallel_loop3A_2254 = arith.subf %parallel_loop3A_2250, %parallel_loop3A_2253 : vector<16xf32>
        %parallel_loop3A_2255 = arith.maximumf %parallel_loop3A_2252, %parallel_loop3A_2254 : vector<16xf32>
        %parallel_loop3A_2256 = arith.constant 0.000000e+00 : f32
        %parallel_loop3A_2257 = vector.broadcast %parallel_loop3A_2256 : f32 to vector<16xf32>
        %parallel_loop3A_2258 = arith.maximumf %parallel_loop3A_2255, %parallel_loop3A_2257 : vector<16xf32>
        %parallel_loop3A_2259 = arith.minimumf %parallel_loop3A_2252, %parallel_loop3A_2254 : vector<16xf32>
        %parallel_loop3A_2260 = arith.mulf %parallel_loop3A_2258, %parallel_loop3A_2258 : vector<16xf32>
        %parallel_loop3A_2261 = vector.broadcast %squeeze3A_2182 : f32 to vector<16xf32>
        %parallel_loop3A_2262 = arith.mulf %parallel_loop3A_2260, %parallel_loop3A_2261 : vector<16xf32>
        %parallel_loop3A_2263 = arith.addf %parallel_loop3A_2242, %parallel_loop3A_2262 : vector<16xf32>
        %parallel_loop3A_2264 = arith.mulf %parallel_loop3A_2259, %parallel_loop3A_2259 : vector<16xf32>
        %parallel_loop3A_2265 = vector.broadcast %squeeze3A_2182 : f32 to vector<16xf32>
        %parallel_loop3A_2266 = arith.mulf %parallel_loop3A_2264, %parallel_loop3A_2265 : vector<16xf32>
        %parallel_loop3A_2267 = arith.addf %parallel_loop3A_2246, %parallel_loop3A_2266 : vector<16xf32>
        %parallel_loop3A_2268 = arith.constant 256 : i32
        %parallel_loop3A_2269 = arith.addi %parallel_loop3A_2268, %parallel_loop3A_2221 : i32
        %parallel_loop3A_2270 = arith.index_cast %parallel_loop3A_2269 : i32 to index
        %parallel_loop3A_2271 = tpu.vector_load %arg9[%parallel_loop3A_2270] {strides = array<i32>} : memref<768xf32, #tpu.memory_space<vmem>>, vector<16xf32>,
        %parallel_loop3A_2272 = vector.broadcast %squeeze3A_2094 : f32 to vector<16xf32>
        %parallel_loop3A_2273 = arith.subf %parallel_loop3A_2272, %parallel_loop3A_2271 : vector<16xf32>
        %parallel_loop3A_2274 = vector.broadcast %squeeze3A_2142 : f32 to vector<16xf32>
        %parallel_loop3A_2275 = arith.subf %parallel_loop3A_2271, %parallel_loop3A_2274 : vector<16xf32>
        %parallel_loop3A_2276 = arith.maximumf %parallel_loop3A_2273, %parallel_loop3A_2275 : vector<16xf32>
        %parallel_loop3A_2277 = arith.constant 0.000000e+00 : f32
        %parallel_loop3A_2278 = vector.broadcast %parallel_loop3A_2277 : f32 to vector<16xf32>
        %parallel_loop3A_2279 = arith.maximumf %parallel_loop3A_2276, %parallel_loop3A_2278 : vector<16xf32>
        %parallel_loop3A_2280 = arith.minimumf %parallel_loop3A_2273, %parallel_loop3A_2275 : vector<16xf32>
        %parallel_loop3A_2281 = arith.mulf %parallel_loop3A_2279, %parallel_loop3A_2279 : vector<16xf32>
        %parallel_loop3A_2282 = vector.broadcast %squeeze3A_2190 : f32 to vector<16xf32>
        %parallel_loop3A_2283 = arith.mulf %parallel_loop3A_2281, %parallel_loop3A_2282 : vector<16xf32>
        %parallel_loop3A_2284 = arith.addf %parallel_loop3A_2263, %parallel_loop3A_2283 : vector<16xf32>
        %parallel_loop3A_2285 = arith.mulf %parallel_loop3A_2280, %parallel_loop3A_2280 : vector<16xf32>
        %parallel_loop3A_2286 = vector.broadcast %squeeze3A_2190 : f32 to vector<16xf32>
        %parallel_loop3A_2287 = arith.mulf %parallel_loop3A_2285, %parallel_loop3A_2286 : vector<16xf32>
        %parallel_loop3A_2288 = arith.addf %parallel_loop3A_2267, %parallel_loop3A_2287 : vector<16xf32>
        %parallel_loop3A_2289 = arith.constant 384 : i32
        %parallel_loop3A_2290 = arith.addi %parallel_loop3A_2289, %parallel_loop3A_2221 : i32
        %parallel_loop3A_2291 = arith.index_cast %parallel_loop3A_2290 : i32 to index
        %parallel_loop3A_2292 = tpu.vector_load %arg9[%parallel_loop3A_2291] {strides = array<i32>} : memref<768xf32, #tpu.memory_space<vmem>>, vector<16xf32>,
        %parallel_loop3A_2293 = vector.broadcast %squeeze3A_2102 : f32 to vector<16xf32>
        %parallel_loop3A_2294 = arith.subf %parallel_loop3A_2293, %parallel_loop3A_2292 : vector<16xf32>
        %parallel_loop3A_2295 = vector.broadcast %squeeze3A_2150 : f32 to vector<16xf32>
        %parallel_loop3A_2296 = arith.subf %parallel_loop3A_2292, %parallel_loop3A_2295 : vector<16xf32>
        %parallel_loop3A_2297 = arith.maximumf %parallel_loop3A_2294, %parallel_loop3A_2296 : vector<16xf32>
        %parallel_loop3A_2298 = arith.constant 0.000000e+00 : f32
        %parallel_loop3A_2299 = vector.broadcast %parallel_loop3A_2298 : f32 to vector<16xf32>
        %parallel_loop3A_2300 = arith.maximumf %parallel_loop3A_2297, %parallel_loop3A_2299 : vector<16xf32>
        %parallel_loop3A_2301 = arith.minimumf %parallel_loop3A_2294, %parallel_loop3A_2296 : vector<16xf32>
        %parallel_loop3A_2302 = arith.mulf %parallel_loop3A_2300, %parallel_loop3A_2300 : vector<16xf32>
        %parallel_loop3A_2303 = vector.broadcast %squeeze3A_2198 : f32 to vector<16xf32>
        %parallel_loop3A_2304 = arith.mulf %parallel_loop3A_2302, %parallel_loop3A_2303 : vector<16xf32>
        %parallel_loop3A_2305 = arith.addf %parallel_loop3A_2284, %parallel_loop3A_2304 : vector<16xf32>
        %parallel_loop3A_2306 = arith.mulf %parallel_loop3A_2301, %parallel_loop3A_2301 : vector<16xf32>
        %parallel_loop3A_2307 = vector.broadcast %squeeze3A_2198 : f32 to vector<16xf32>
        %parallel_loop3A_2308 = arith.mulf %parallel_loop3A_2306, %parallel_loop3A_2307 : vector<16xf32>
        %parallel_loop3A_2309 = arith.addf %parallel_loop3A_2288, %parallel_loop3A_2308 : vector<16xf32>
        %parallel_loop3A_2310 = arith.constant 512 : i32
        %parallel_loop3A_2311 = arith.addi %parallel_loop3A_2310, %parallel_loop3A_2221 : i32
        %parallel_loop3A_2312 = arith.index_cast %parallel_loop3A_2311 : i32 to index
        %parallel_loop3A_2313 = tpu.vector_load %arg9[%parallel_loop3A_2312] {strides = array<i32>} : memref<768xf32, #tpu.memory_space<vmem>>, vector<16xf32>,
        %parallel_loop3A_2314 = vector.broadcast %squeeze3A_2110 : f32 to vector<16xf32>
        %parallel_loop3A_2315 = arith.subf %parallel_loop3A_2314, %parallel_loop3A_2313 : vector<16xf32>
        %parallel_loop3A_2316 = vector.broadcast %squeeze3A_2158 : f32 to vector<16xf32>
        %parallel_loop3A_2317 = arith.subf %parallel_loop3A_2313, %parallel_loop3A_2316 : vector<16xf32>
        %parallel_loop3A_2318 = arith.maximumf %parallel_loop3A_2315, %parallel_loop3A_2317 : vector<16xf32>
        %parallel_loop3A_2319 = arith.constant 0.000000e+00 : f32
        %parallel_loop3A_2320 = vector.broadcast %parallel_loop3A_2319 : f32 to vector<16xf32>
        %parallel_loop3A_2321 = arith.maximumf %parallel_loop3A_2318, %parallel_loop3A_2320 : vector<16xf32>
        %parallel_loop3A_2322 = arith.minimumf %parallel_loop3A_2315, %parallel_loop3A_2317 : vector<16xf32>
        %parallel_loop3A_2323 = arith.mulf %parallel_loop3A_2321, %parallel_loop3A_2321 : vector<16xf32>
        %parallel_loop3A_2324 = vector.broadcast %squeeze3A_2206 : f32 to vector<16xf32>
        %parallel_loop3A_2325 = arith.mulf %parallel_loop3A_2323, %parallel_loop3A_2324 : vector<16xf32>
        %parallel_loop3A_2326 = arith.addf %parallel_loop3A_2305, %parallel_loop3A_2325 : vector<16xf32>
        %parallel_loop3A_2327 = arith.mulf %parallel_loop3A_2322, %parallel_loop3A_2322 : vector<16xf32>
        %parallel_loop3A_2328 = vector.broadcast %squeeze3A_2206 : f32 to vector<16xf32>
        %parallel_loop3A_2329 = arith.mulf %parallel_loop3A_2327, %parallel_loop3A_2328 : vector<16xf32>
        %parallel_loop3A_2330 = arith.addf %parallel_loop3A_2309, %parallel_loop3A_2329 : vector<16xf32>
        %parallel_loop3A_2331 = arith.constant 640 : i32
        %parallel_loop3A_2332 = arith.addi %parallel_loop3A_2331, %parallel_loop3A_2221 : i32
        %parallel_loop3A_2333 = arith.index_cast %parallel_loop3A_2332 : i32 to index
        %parallel_loop3A_2334 = tpu.vector_load %arg9[%parallel_loop3A_2333] {strides = array<i32>} : memref<768xf32, #tpu.memory_space<vmem>>, vector<16xf32>,
        %parallel_loop3A_2335 = vector.broadcast %squeeze3A_2118 : f32 to vector<16xf32>
        %parallel_loop3A_2336 = arith.subf %parallel_loop3A_2335, %parallel_loop3A_2334 : vector<16xf32>
        %parallel_loop3A_2337 = vector.broadcast %squeeze3A_2166 : f32 to vector<16xf32>
        %parallel_loop3A_2338 = arith.subf %parallel_loop3A_2334, %parallel_loop3A_2337 : vector<16xf32>
        %parallel_loop3A_2339 = arith.maximumf %parallel_loop3A_2336, %parallel_loop3A_2338 : vector<16xf32>
        %parallel_loop3A_2340 = arith.constant 0.000000e+00 : f32
        %parallel_loop3A_2341 = vector.broadcast %parallel_loop3A_2340 : f32 to vector<16xf32>
        %parallel_loop3A_2342 = arith.maximumf %parallel_loop3A_2339, %parallel_loop3A_2341 : vector<16xf32>
        %parallel_loop3A_2343 = arith.minimumf %parallel_loop3A_2336, %parallel_loop3A_2338 : vector<16xf32>
        %parallel_loop3A_2344 = arith.mulf %parallel_loop3A_2342, %parallel_loop3A_2342 : vector<16xf32>
        %parallel_loop3A_2345 = vector.broadcast %squeeze3A_2214 : f32 to vector<16xf32>
        %parallel_loop3A_2346 = arith.mulf %parallel_loop3A_2344, %parallel_loop3A_2345 : vector<16xf32>
        %parallel_loop3A_2347 = arith.addf %parallel_loop3A_2326, %parallel_loop3A_2346 : vector<16xf32>
        %parallel_loop3A_2348 = arith.mulf %parallel_loop3A_2343, %parallel_loop3A_2343 : vector<16xf32>
        %parallel_loop3A_2349 = vector.broadcast %squeeze3A_2214 : f32 to vector<16xf32>
        %parallel_loop3A_2350 = arith.mulf %parallel_loop3A_2348, %parallel_loop3A_2349 : vector<16xf32>
        %parallel_loop3A_2351 = arith.addf %parallel_loop3A_2330, %parallel_loop3A_2350 : vector<16xf32>
        %parallel_loop3A_2352 = arith.constant 8 : i32
        %parallel_loop3A_2353 = arith.muli %scan3A_2069, %parallel_loop3A_2352 : i32
        %parallel_loop3A_2354 = arith.addi %parallel_loop3A_2353, %parallel_loop3A_2219 : i32
        %parallel_loop3A_2355 = arith.constant 16 : i32
        %parallel_loop3A_2356 = arith.muli %parallel_loop3A_2354, %parallel_loop3A_2355 : i32
        %parallel_loop3A_2357 = arith.index_cast %parallel_loop3A_2356 : i32 to index
        %parallel_loop3A_2358 = tpu.vector_load %arg10[%parallel_loop3A_2357] {strides = array<i32>} : memref<4096xf32, #tpu.memory_space<vmem>>, vector<16xf32>,
        tpu.vector_store %arg10[%parallel_loop3A_2357], %parallel_loop3A_2347 {strides = array<i32>} : memref<4096xf32, #tpu.memory_space<vmem>>, vector<16xf32>,
        %parallel_loop3A_2359 = arith.constant 8 : i32
        %parallel_loop3A_2360 = arith.muli %scan3A_2069, %parallel_loop3A_2359 : i32
        %parallel_loop3A_2361 = arith.addi %parallel_loop3A_2360, %parallel_loop3A_2219 : i32
        %parallel_loop3A_2362 = arith.constant 16 : i32
        %parallel_loop3A_2363 = arith.muli %parallel_loop3A_2361, %parallel_loop3A_2362 : i32
        %parallel_loop3A_2364 = arith.index_cast %parallel_loop3A_2363 : i32 to index
        %parallel_loop3A_2365 = tpu.vector_load %arg11[%parallel_loop3A_2364] {strides = array<i32>} : memref<4096xf32, #tpu.memory_space<vmem>>, vector<16xf32>,
        tpu.vector_store %arg11[%parallel_loop3A_2364], %parallel_loop3A_2351 {strides = array<i32>} : memref<4096xf32, #tpu.memory_space<vmem>>, vector<16xf32>,
        %parallel_loop3A_2366 = arith.index_cast %parallel_loop3A_2221 : i32 to index
        %parallel_loop3A_2367 = tpu.vector_load %arg12[%parallel_loop3A_2366] {strides = array<i32>} : memref<128xf32, #tpu.memory_space<vmem>>, vector<16xf32>,
        %parallel_loop3A_2368 = arith.maximumf %parallel_loop3A_2367, %parallel_loop3A_2347 : vector<16xf32>
        %parallel_loop3A_2369 = arith.index_cast %parallel_loop3A_2221 : i32 to index
        %parallel_loop3A_2370 = tpu.vector_load %arg12[%parallel_loop3A_2369] {strides = array<i32>} : memref<128xf32, #tpu.memory_space<vmem>>, vector<16xf32>,
        tpu.vector_store %arg12[%parallel_loop3A_2369], %parallel_loop3A_2368 {strides = array<i32>} : memref<128xf32, #tpu.memory_space<vmem>>, vector<16xf32>,
      } {sc.loop_unroll_factor = 4 : i64, sc.parallel_access}
      %scan3A_2218 = arith.constant 0 : i32
      scf.yield %scan3A_2218 : i32
    }
    %scan3A_2020 = arith.constant 32 : i32
    %scan3A_2021 = arith.constant 0 : i32
    %scan3A_2022 = arith.constant 0 : i32
    %scan3A_2023 = arith.constant 32 : i32
    %scan3A_2024 = arith.addi %scan3A_2022, %scan3A_2023 : i32
    %scan3A_2025 = arith.constant 1 : i32
    %scan3A_2026 = scf.for %scan3A_2069 = %scan3A_2022 to %scan3A_2024 step %scan3A_2025 iter_args(%scan3A_2070 = %scan3A_2021) -> (i32)  : i32 {
      %parallel_loop3A_2071 = arith.constant 0 : i32
      %parallel_loop3A_2072 = arith.constant 8 : i32
      %parallel_loop3A_2073 = arith.constant 1 : i32
      scf.for %parallel_loop3A_2075 = %parallel_loop3A_2071 to %parallel_loop3A_2072 step %parallel_loop3A_2073  : i32 {
        %parallel_loop3A_2076 = arith.constant 8 : i32
        %parallel_loop3A_2077 = arith.muli %scan3A_2069, %parallel_loop3A_2076 : i32
        %parallel_loop3A_2078 = arith.addi %parallel_loop3A_2077, %parallel_loop3A_2075 : i32
        %parallel_loop3A_2079 = arith.constant 16 : i32
        %parallel_loop3A_2080 = arith.muli %parallel_loop3A_2078, %parallel_loop3A_2079 : i32
        %parallel_loop3A_2081 = arith.constant 16 : i32
        %parallel_loop3A_2082 = arith.muli %parallel_loop3A_2075, %parallel_loop3A_2081 : i32
        %parallel_loop3A_2083 = arith.index_cast %parallel_loop3A_2082 : i32 to index
        %parallel_loop3A_2084 = tpu.vector_load %arg12[%parallel_loop3A_2083] {strides = array<i32>} : memref<128xf32, #tpu.memory_space<vmem>>, vector<16xf32>,
        %parallel_loop3A_2085 = arith.index_cast %parallel_loop3A_2080 : i32 to index
        %parallel_loop3A_2086 = tpu.vector_load %arg10[%parallel_loop3A_2085] {strides = array<i32>} : memref<4096xf32, #tpu.memory_space<vmem>>, vector<16xf32>,
        %parallel_loop3A_2087 = arith.subf %parallel_loop3A_2086, %parallel_loop3A_2084 : vector<16xf32>
        %parallel_loop3A_2088 = math.exp %parallel_loop3A_2087 : vector<16xf32>
        %parallel_loop3A_2089 = arith.index_cast %parallel_loop3A_2080 : i32 to index
        %parallel_loop3A_2090 = tpu.vector_load %arg10[%parallel_loop3A_2089] {strides = array<i32>} : memref<4096xf32, #tpu.memory_space<vmem>>, vector<16xf32>,
        tpu.vector_store %arg10[%parallel_loop3A_2089], %parallel_loop3A_2088 {strides = array<i32>} : memref<4096xf32, #tpu.memory_space<vmem>>, vector<16xf32>,
        %parallel_loop3A_2091 = arith.index_cast %parallel_loop3A_2080 : i32 to index
        %parallel_loop3A_2092 = tpu.vector_load %arg11[%parallel_loop3A_2091] {strides = array<i32>} : memref<4096xf32, #tpu.memory_space<vmem>>, vector<16xf32>,
        %parallel_loop3A_2093 = arith.subf %parallel_loop3A_2092, %parallel_loop3A_2084 : vector<16xf32>
        %parallel_loop3A_2094 = math.exp %parallel_loop3A_2093 : vector<16xf32>
        %parallel_loop3A_2095 = arith.index_cast %parallel_loop3A_2080 : i32 to index
        %parallel_loop3A_2096 = tpu.vector_load %arg11[%parallel_loop3A_2095] {strides = array<i32>} : memref<4096xf32, #tpu.memory_space<vmem>>, vector<16xf32>,
        tpu.vector_store %arg11[%parallel_loop3A_2095], %parallel_loop3A_2094 {strides = array<i32>} : memref<4096xf32, #tpu.memory_space<vmem>>, vector<16xf32>,
      } {sc.loop_unroll_factor = 4 : i64, sc.parallel_access}
      %scan3A_2074 = arith.constant 0 : i32
      scf.yield %scan3A_2074 : i32
    }
    %scan3A_2027 = arith.constant 32 : i32
    %broadcast_in_dim3A_2028 = arith.constant 0.000000e+00 : f32
    %broadcast_in_dim3A_2029 = vector.broadcast %broadcast_in_dim3A_2028 : f32 to vector<16xf32>
    %parallel_loop3A_2030 = arith.constant 0 : i32
    %parallel_loop3A_2031 = arith.constant 8 : i32
    %parallel_loop3A_2032 = arith.constant 1 : i32
    scf.for %parallel_loop3A_2069 = %parallel_loop3A_2030 to %parallel_loop3A_2031 step %parallel_loop3A_2032  : i32 {
      %parallel_loop3A_2070 = arith.constant 248 : i32
      %parallel_loop3A_2071 = arith.addi %parallel_loop3A_2070, %parallel_loop3A_2069 : i32
      %parallel_loop3A_2072 = arith.constant 16 : i32
      %parallel_loop3A_2073 = arith.muli %parallel_loop3A_2071, %parallel_loop3A_2072 : i32
      %parallel_loop3A_2074 = arith.index_cast %parallel_loop3A_2073 : i32 to index
      %parallel_loop3A_2075 = tpu.vector_load %arg13[%parallel_loop3A_2074] {strides = array<i32>} : memref<4096xf32, #tpu.memory_space<vmem>>, vector<16xf32>,
      tpu.vector_store %arg13[%parallel_loop3A_2074], %broadcast_in_dim3A_2029 {strides = array<i32>} : memref<4096xf32, #tpu.memory_space<vmem>>, vector<16xf32>,
      %parallel_loop3A_2076 = arith.index_cast %parallel_loop3A_2073 : i32 to index
      %parallel_loop3A_2077 = tpu.vector_load %arg14[%parallel_loop3A_2076] {strides = array<i32>} : memref<4096xf32, #tpu.memory_space<vmem>>, vector<16xf32>,
      tpu.vector_store %arg14[%parallel_loop3A_2076], %broadcast_in_dim3A_2029 {strides = array<i32>} : memref<4096xf32, #tpu.memory_space<vmem>>, vector<16xf32>,
      %parallel_loop3A_2078 = arith.index_cast %parallel_loop3A_2073 : i32 to index
      %parallel_loop3A_2079 = tpu.vector_load %arg15[%parallel_loop3A_2078] {strides = array<i32>} : memref<4096xf32, #tpu.memory_space<vmem>>, vector<16xf32>,
      tpu.vector_store %arg15[%parallel_loop3A_2078], %broadcast_in_dim3A_2029 {strides = array<i32>} : memref<4096xf32, #tpu.memory_space<vmem>>, vector<16xf32>,
      %parallel_loop3A_2080 = arith.index_cast %parallel_loop3A_2073 : i32 to index
      %parallel_loop3A_2081 = tpu.vector_load %arg16[%parallel_loop3A_2080] {strides = array<i32>} : memref<4096xf32, #tpu.memory_space<vmem>>, vector<16xf32>,
      tpu.vector_store %arg16[%parallel_loop3A_2080], %broadcast_in_dim3A_2029 {strides = array<i32>} : memref<4096xf32, #tpu.memory_space<vmem>>, vector<16xf32>,
    } {sc.loop_unroll_factor = 4 : i64, sc.parallel_access}
    %scan3A_2033 = arith.constant 0 : i32
    %scan3A_2034 = arith.constant 0 : i32
    %scan3A_2035 = arith.constant 31 : i32
    %scan3A_2036 = arith.addi %scan3A_2034, %scan3A_2035 : i32
    %scan3A_2037 = arith.constant 1 : i32
    %scan3A_2038 = scf.for %scan3A_2069 = %scan3A_2034 to %scan3A_2036 step %scan3A_2037 iter_args(%scan3A_2070 = %scan3A_2033) -> (i32)  : i32 {
      %sub3A = arith.constant 30 : i32
      %sub3A_2071 = arith.subi %sub3A, %scan3A_2069 : i32
      %add3A_2072 = arith.constant 1 : i32
      %add3A_2073 = arith.addi %sub3A_2071, %add3A_2072 : i32
      %get3A_2074 = arith.index_cast %add3A_2073 : i32 to index
      %get3A_2075 = tpu.vector_load %arg32[%get3A_2074] {strides = array<i32>} : memref<48xi32, #tpu.memory_space<vmem>>, vector<16xi32>,
      %slice3A_2076 = vector.extract_strided_slice %get3A_2075 {offsets = [0], sizes = [1], strides = [1]} : vector<16xi32> to vector<1xi32>
      %squeeze3A_2077 = vector.extract %slice3A_2076[0] : i32 from vector<1xi32>
      %add3A_2078 = arith.constant 1 : i32
      %add3A_2079 = arith.addi %sub3A_2071, %add3A_2078 : i32
      %get3A_2080 = arith.index_cast %add3A_2079 : i32 to index
      %get3A_2081 = tpu.vector_load %arg33[%get3A_2080] {strides = array<i32>} : memref<48xi32, #tpu.memory_space<vmem>>, vector<16xi32>,
      %slice3A_2082 = vector.extract_strided_slice %get3A_2081 {offsets = [0], sizes = [1], strides = [1]} : vector<16xi32> to vector<1xi32>
      %squeeze3A_2083 = vector.extract %slice3A_2082[0] : i32 from vector<1xi32>
      %get3A_2084 = arith.index_cast %squeeze3A_2077 : i32 to index
      %get3A_2085 = tpu.vector_load %arg30[%get3A_2084] {strides = array<i32>} : memref<48xf32, #tpu.memory_space<vmem>>, vector<16xf32>,
      %slice3A_2086 = vector.extract_strided_slice %get3A_2085 {offsets = [0], sizes = [1], strides = [1]} : vector<16xf32> to vector<1xf32>
      %squeeze3A_2087 = vector.extract %slice3A_2086[0] : f32 from vector<1xf32>
      %get3A_2088 = arith.index_cast %squeeze3A_2083 : i32 to index
      %get3A_2089 = tpu.vector_load %arg31[%get3A_2088] {strides = array<i32>} : memref<48xf32, #tpu.memory_space<vmem>>, vector<16xf32>,
      %slice3A_2090 = vector.extract_strided_slice %get3A_2089 {offsets = [0], sizes = [1], strides = [1]} : vector<16xf32> to vector<1xf32>
      %squeeze3A_2091 = vector.extract %slice3A_2090[0] : f32 from vector<1xf32>
      %parallel_loop3A_2092 = arith.constant 0 : i32
      %parallel_loop3A_2093 = arith.constant 8 : i32
      %parallel_loop3A_2094 = arith.constant 1 : i32
      scf.for %parallel_loop3A_2096 = %parallel_loop3A_2092 to %parallel_loop3A_2093 step %parallel_loop3A_2094  : i32 {
        %parallel_loop3A_2097 = arith.constant 8 : i32
        %parallel_loop3A_2098 = arith.muli %sub3A_2071, %parallel_loop3A_2097 : i32
        %parallel_loop3A_2099 = arith.addi %parallel_loop3A_2098, %parallel_loop3A_2096 : i32
        %parallel_loop3A_2100 = arith.constant 16 : i32
        %parallel_loop3A_2101 = arith.muli %parallel_loop3A_2099, %parallel_loop3A_2100 : i32
        %parallel_loop3A_2102 = arith.constant 1 : i32
        %parallel_loop3A_2103 = arith.addi %sub3A_2071, %parallel_loop3A_2102 : i32
        %parallel_loop3A_2104 = arith.constant 8 : i32
        %parallel_loop3A_2105 = arith.muli %parallel_loop3A_2103, %parallel_loop3A_2104 : i32
        %parallel_loop3A_2106 = arith.addi %parallel_loop3A_2105, %parallel_loop3A_2096 : i32
        %parallel_loop3A_2107 = arith.constant 16 : i32
        %parallel_loop3A_2108 = arith.muli %parallel_loop3A_2106, %parallel_loop3A_2107 : i32
        %parallel_loop3A_2109 = arith.constant 8 : i32
        %parallel_loop3A_2110 = arith.muli %squeeze3A_2077, %parallel_loop3A_2109 : i32
        %parallel_loop3A_2111 = arith.addi %parallel_loop3A_2110, %parallel_loop3A_2096 : i32
        %parallel_loop3A_2112 = arith.constant 16 : i32
        %parallel_loop3A_2113 = arith.muli %parallel_loop3A_2111, %parallel_loop3A_2112 : i32
        %parallel_loop3A_2114 = arith.index_cast %parallel_loop3A_2113 : i32 to index
        %parallel_loop3A_2115 = tpu.vector_load %arg11[%parallel_loop3A_2114] {strides = array<i32>} : memref<4096xf32, #tpu.memory_space<vmem>>, vector<16xf32>,
        %parallel_loop3A_2116 = arith.index_cast %parallel_loop3A_2108 : i32 to index
        %parallel_loop3A_2117 = tpu.vector_load %arg13[%parallel_loop3A_2116] {strides = array<i32>} : memref<4096xf32, #tpu.memory_space<vmem>>, vector<16xf32>,
        %parallel_loop3A_2118 = arith.addf %parallel_loop3A_2117, %parallel_loop3A_2115 : vector<16xf32>
        %parallel_loop3A_2119 = arith.index_cast %parallel_loop3A_2101 : i32 to index
        %parallel_loop3A_2120 = tpu.vector_load %arg13[%parallel_loop3A_2119] {strides = array<i32>} : memref<4096xf32, #tpu.memory_space<vmem>>, vector<16xf32>,
        tpu.vector_store %arg13[%parallel_loop3A_2119], %parallel_loop3A_2118 {strides = array<i32>} : memref<4096xf32, #tpu.memory_space<vmem>>, vector<16xf32>,
        %parallel_loop3A_2121 = arith.index_cast %parallel_loop3A_2108 : i32 to index
        %parallel_loop3A_2122 = tpu.vector_load %arg14[%parallel_loop3A_2121] {strides = array<i32>} : memref<4096xf32, #tpu.memory_space<vmem>>, vector<16xf32>,
        %parallel_loop3A_2123 = vector.broadcast %squeeze3A_2087 : f32 to vector<16xf32>
        %parallel_loop3A_2124 = arith.mulf %parallel_loop3A_2123, %parallel_loop3A_2115 : vector<16xf32>
        %parallel_loop3A_2125 = arith.addf %parallel_loop3A_2122, %parallel_loop3A_2124 : vector<16xf32>
        %parallel_loop3A_2126 = arith.index_cast %parallel_loop3A_2101 : i32 to index
        %parallel_loop3A_2127 = tpu.vector_load %arg14[%parallel_loop3A_2126] {strides = array<i32>} : memref<4096xf32, #tpu.memory_space<vmem>>, vector<16xf32>,
        tpu.vector_store %arg14[%parallel_loop3A_2126], %parallel_loop3A_2125 {strides = array<i32>} : memref<4096xf32, #tpu.memory_space<vmem>>, vector<16xf32>,
        %parallel_loop3A_2128 = arith.constant 8 : i32
        %parallel_loop3A_2129 = arith.muli %squeeze3A_2083, %parallel_loop3A_2128 : i32
        %parallel_loop3A_2130 = arith.addi %parallel_loop3A_2129, %parallel_loop3A_2096 : i32
        %parallel_loop3A_2131 = arith.constant 16 : i32
        %parallel_loop3A_2132 = arith.muli %parallel_loop3A_2130, %parallel_loop3A_2131 : i32
        %parallel_loop3A_2133 = arith.index_cast %parallel_loop3A_2132 : i32 to index
        %parallel_loop3A_2134 = tpu.vector_load %arg10[%parallel_loop3A_2133] {strides = array<i32>} : memref<4096xf32, #tpu.memory_space<vmem>>, vector<16xf32>,
        %parallel_loop3A_2135 = arith.index_cast %parallel_loop3A_2108 : i32 to index
        %parallel_loop3A_2136 = tpu.vector_load %arg15[%parallel_loop3A_2135] {strides = array<i32>} : memref<4096xf32, #tpu.memory_space<vmem>>, vector<16xf32>,
        %parallel_loop3A_2137 = arith.addf %parallel_loop3A_2136, %parallel_loop3A_2134 : vector<16xf32>
        %parallel_loop3A_2138 = arith.index_cast %parallel_loop3A_2101 : i32 to index
        %parallel_loop3A_2139 = tpu.vector_load %arg15[%parallel_loop3A_2138] {strides = array<i32>} : memref<4096xf32, #tpu.memory_space<vmem>>, vector<16xf32>,
        tpu.vector_store %arg15[%parallel_loop3A_2138], %parallel_loop3A_2137 {strides = array<i32>} : memref<4096xf32, #tpu.memory_space<vmem>>, vector<16xf32>,
        %parallel_loop3A_2140 = arith.index_cast %parallel_loop3A_2108 : i32 to index
        %parallel_loop3A_2141 = tpu.vector_load %arg16[%parallel_loop3A_2140] {strides = array<i32>} : memref<4096xf32, #tpu.memory_space<vmem>>, vector<16xf32>,
        %parallel_loop3A_2142 = vector.broadcast %squeeze3A_2091 : f32 to vector<16xf32>
        %parallel_loop3A_2143 = arith.mulf %parallel_loop3A_2142, %parallel_loop3A_2134 : vector<16xf32>
        %parallel_loop3A_2144 = arith.addf %parallel_loop3A_2141, %parallel_loop3A_2143 : vector<16xf32>
        %parallel_loop3A_2145 = arith.index_cast %parallel_loop3A_2101 : i32 to index
        %parallel_loop3A_2146 = tpu.vector_load %arg16[%parallel_loop3A_2145] {strides = array<i32>} : memref<4096xf32, #tpu.memory_space<vmem>>, vector<16xf32>,
        tpu.vector_store %arg16[%parallel_loop3A_2145], %parallel_loop3A_2144 {strides = array<i32>} : memref<4096xf32, #tpu.memory_space<vmem>>, vector<16xf32>,
      } {sc.loop_unroll_factor = 4 : i64, sc.parallel_access}
      %scan3A_2095 = arith.constant 0 : i32
      scf.yield %scan3A_2095 : i32
    }
    %scan3A_2039 = arith.constant 31 : i32
    %get3A_2040 = arith.constant 0 : index
    %get3A_2041 = tpu.vector_load %arg32[%get3A_2040] {strides = array<i32>} : memref<48xi32, #tpu.memory_space<vmem>>, vector<16xi32>,
    %slice3A_2042 = vector.extract_strided_slice %get3A_2041 {offsets = [0], sizes = [1], strides = [1]} : vector<16xi32> to vector<1xi32>
    %squeeze3A_2043 = vector.extract %slice3A_2042[0] : i32 from vector<1xi32>
    %get3A_2044 = arith.constant 0 : index
    %get3A_2045 = tpu.vector_load %arg33[%get3A_2044] {strides = array<i32>} : memref<48xi32, #tpu.memory_space<vmem>>, vector<16xi32>,
    %slice3A_2046 = vector.extract_strided_slice %get3A_2045 {offsets = [0], sizes = [1], strides = [1]} : vector<16xi32> to vector<1xi32>
    %squeeze3A_2047 = vector.extract %slice3A_2046[0] : i32 from vector<1xi32>
    %get3A_2048 = arith.index_cast %squeeze3A_2043 : i32 to index
    %get3A_2049 = tpu.vector_load %arg30[%get3A_2048] {strides = array<i32>} : memref<48xf32, #tpu.memory_space<vmem>>, vector<16xf32>,
    %slice3A_2050 = vector.extract_strided_slice %get3A_2049 {offsets = [0], sizes = [1], strides = [1]} : vector<16xf32> to vector<1xf32>
    %squeeze3A_2051 = vector.extract %slice3A_2050[0] : f32 from vector<1xf32>
    %get3A_2052 = arith.index_cast %squeeze3A_2047 : i32 to index
    %get3A_2053 = tpu.vector_load %arg31[%get3A_2052] {strides = array<i32>} : memref<48xf32, #tpu.memory_space<vmem>>, vector<16xf32>,
    %slice3A_2054 = vector.extract_strided_slice %get3A_2053 {offsets = [0], sizes = [1], strides = [1]} : vector<16xf32> to vector<1xf32>
    %squeeze3A_2055 = vector.extract %slice3A_2054[0] : f32 from vector<1xf32>
    %parallel_loop3A_2056 = arith.constant 0 : i32
    %parallel_loop3A_2057 = arith.constant 8 : i32
    %parallel_loop3A_2058 = arith.constant 1 : i32
    scf.for %parallel_loop3A_2069 = %parallel_loop3A_2056 to %parallel_loop3A_2057 step %parallel_loop3A_2058  : i32 {
      %parallel_loop3A_2070 = arith.constant 16 : i32
      %parallel_loop3A_2071 = arith.muli %parallel_loop3A_2069, %parallel_loop3A_2070 : i32
      %parallel_loop3A_2072 = arith.constant 16 : i32
      %parallel_loop3A_2073 = arith.muli %parallel_loop3A_2069, %parallel_loop3A_2072 : i32
      %parallel_loop3A_2074 = arith.constant 8 : i32
      %parallel_loop3A_2075 = arith.muli %squeeze3A_2043, %parallel_loop3A_2074 : i32
      %parallel_loop3A_2076 = arith.addi %parallel_loop3A_2075, %parallel_loop3A_2069 : i32
      %parallel_loop3A_2077 = arith.constant 16 : i32
      %parallel_loop3A_2078 = arith.muli %parallel_loop3A_2076, %parallel_loop3A_2077 : i32
      %parallel_loop3A_2079 = arith.index_cast %parallel_loop3A_2078 : i32 to index
      %parallel_loop3A_2080 = tpu.vector_load %arg11[%parallel_loop3A_2079] {strides = array<i32>} : memref<4096xf32, #tpu.memory_space<vmem>>, vector<16xf32>,
      %parallel_loop3A_2081 = arith.index_cast %parallel_loop3A_2073 : i32 to index
      %parallel_loop3A_2082 = tpu.vector_load %arg13[%parallel_loop3A_2081] {strides = array<i32>} : memref<4096xf32, #tpu.memory_space<vmem>>, vector<16xf32>,
      %parallel_loop3A_2083 = arith.addf %parallel_loop3A_2082, %parallel_loop3A_2080 : vector<16xf32>
      %parallel_loop3A_2084 = arith.index_cast %parallel_loop3A_2073 : i32 to index
      %parallel_loop3A_2085 = tpu.vector_load %arg14[%parallel_loop3A_2084] {strides = array<i32>} : memref<4096xf32, #tpu.memory_space<vmem>>, vector<16xf32>,
      %parallel_loop3A_2086 = vector.broadcast %squeeze3A_2051 : f32 to vector<16xf32>
      %parallel_loop3A_2087 = arith.mulf %parallel_loop3A_2086, %parallel_loop3A_2080 : vector<16xf32>
      %parallel_loop3A_2088 = arith.addf %parallel_loop3A_2085, %parallel_loop3A_2087 : vector<16xf32>
      %parallel_loop3A_2089 = arith.divf %parallel_loop3A_2088, %parallel_loop3A_2083 : vector<16xf32>
      %parallel_loop3A_2090 = arith.index_cast %parallel_loop3A_2071 : i32 to index
      %parallel_loop3A_2091 = tpu.vector_load %arg21[%parallel_loop3A_2090] {strides = array<i32>} : memref<128xf32, #tpu.memory_space<vmem>>, vector<16xf32>,
      tpu.vector_store %arg21[%parallel_loop3A_2090], %parallel_loop3A_2089 {strides = array<i32>} : memref<128xf32, #tpu.memory_space<vmem>>, vector<16xf32>,
      %parallel_loop3A_2092 = arith.constant 8 : i32
      %parallel_loop3A_2093 = arith.muli %squeeze3A_2047, %parallel_loop3A_2092 : i32
      %parallel_loop3A_2094 = arith.addi %parallel_loop3A_2093, %parallel_loop3A_2069 : i32
      %parallel_loop3A_2095 = arith.constant 16 : i32
      %parallel_loop3A_2096 = arith.muli %parallel_loop3A_2094, %parallel_loop3A_2095 : i32
      %parallel_loop3A_2097 = arith.index_cast %parallel_loop3A_2096 : i32 to index
      %parallel_loop3A_2098 = tpu.vector_load %arg10[%parallel_loop3A_2097] {strides = array<i32>} : memref<4096xf32, #tpu.memory_space<vmem>>, vector<16xf32>,
      %parallel_loop3A_2099 = arith.index_cast %parallel_loop3A_2073 : i32 to index
      %parallel_loop3A_2100 = tpu.vector_load %arg15[%parallel_loop3A_2099] {strides = array<i32>} : memref<4096xf32, #tpu.memory_space<vmem>>, vector<16xf32>,
      %parallel_loop3A_2101 = arith.addf %parallel_loop3A_2100, %parallel_loop3A_2098 : vector<16xf32>
      %parallel_loop3A_2102 = arith.index_cast %parallel_loop3A_2073 : i32 to index
      %parallel_loop3A_2103 = tpu.vector_load %arg16[%parallel_loop3A_2102] {strides = array<i32>} : memref<4096xf32, #tpu.memory_space<vmem>>, vector<16xf32>,
      %parallel_loop3A_2104 = vector.broadcast %squeeze3A_2055 : f32 to vector<16xf32>
      %parallel_loop3A_2105 = arith.mulf %parallel_loop3A_2104, %parallel_loop3A_2098 : vector<16xf32>
      %parallel_loop3A_2106 = arith.addf %parallel_loop3A_2103, %parallel_loop3A_2105 : vector<16xf32>
      %parallel_loop3A_2107 = arith.divf %parallel_loop3A_2106, %parallel_loop3A_2101 : vector<16xf32>
      %parallel_loop3A_2108 = arith.index_cast %parallel_loop3A_2071 : i32 to index
      %parallel_loop3A_2109 = tpu.vector_load %arg22[%parallel_loop3A_2108] {strides = array<i32>} : memref<128xf32, #tpu.memory_space<vmem>>, vector<16xf32>,
      tpu.vector_store %arg22[%parallel_loop3A_2108], %parallel_loop3A_2107 {strides = array<i32>} : memref<128xf32, #tpu.memory_space<vmem>>, vector<16xf32>,
      %parallel_loop3A_2110 = arith.index_cast %parallel_loop3A_2071 : i32 to index
      %parallel_loop3A_2111 = tpu.vector_load %arg17[%parallel_loop3A_2110] {strides = array<i32>} : memref<128xf32, #tpu.memory_space<vmem>>, vector<16xf32>,
      tpu.vector_store %arg17[%parallel_loop3A_2110], %broadcast_in_dim3A_2029 {strides = array<i32>} : memref<128xf32, #tpu.memory_space<vmem>>, vector<16xf32>,
      %parallel_loop3A_2112 = arith.index_cast %parallel_loop3A_2071 : i32 to index
      %parallel_loop3A_2113 = tpu.vector_load %arg18[%parallel_loop3A_2112] {strides = array<i32>} : memref<128xf32, #tpu.memory_space<vmem>>, vector<16xf32>,
      tpu.vector_store %arg18[%parallel_loop3A_2112], %broadcast_in_dim3A_2029 {strides = array<i32>} : memref<128xf32, #tpu.memory_space<vmem>>, vector<16xf32>,
      %parallel_loop3A_2114 = arith.index_cast %parallel_loop3A_2071 : i32 to index
      %parallel_loop3A_2115 = tpu.vector_load %arg19[%parallel_loop3A_2114] {strides = array<i32>} : memref<128xf32, #tpu.memory_space<vmem>>, vector<16xf32>,
      tpu.vector_store %arg19[%parallel_loop3A_2114], %broadcast_in_dim3A_2029 {strides = array<i32>} : memref<128xf32, #tpu.memory_space<vmem>>, vector<16xf32>,
      %parallel_loop3A_2116 = arith.index_cast %parallel_loop3A_2071 : i32 to index
      %parallel_loop3A_2117 = tpu.vector_load %arg20[%parallel_loop3A_2116] {strides = array<i32>} : memref<128xf32, #tpu.memory_space<vmem>>, vector<16xf32>,
      tpu.vector_store %arg20[%parallel_loop3A_2116], %broadcast_in_dim3A_2029 {strides = array<i32>} : memref<128xf32, #tpu.memory_space<vmem>>, vector<16xf32>,
    } {sc.loop_unroll_factor = 4 : i64, sc.parallel_access}
    %scan3A_2059 = arith.constant 0 : i32
    %scan3A_2060 = arith.constant 0 : i32
    %scan3A_2061 = arith.constant 32 : i32
    %scan3A_2062 = arith.addi %scan3A_2060, %scan3A_2061 : i32
    %scan3A_2063 = arith.constant 1 : i32
    %scan3A_2064 = scf.for %scan3A_2069 = %scan3A_2060 to %scan3A_2062 step %scan3A_2063 iter_args(%scan3A_2070 = %scan3A_2059) -> (i32)  : i32 {
      %get3A_2071 = arith.index_cast %scan3A_2069 : i32 to index
      %get3A_2072 = tpu.vector_load %arg32[%get3A_2071] {strides = array<i32>} : memref<48xi32, #tpu.memory_space<vmem>>, vector<16xi32>,
      %slice3A_2073 = vector.extract_strided_slice %get3A_2072 {offsets = [0], sizes = [1], strides = [1]} : vector<16xi32> to vector<1xi32>
      %squeeze3A_2074 = vector.extract %slice3A_2073[0] : i32 from vector<1xi32>
      %get3A_2075 = arith.index_cast %scan3A_2069 : i32 to index
      %get3A_2076 = tpu.vector_load %arg33[%get3A_2075] {strides = array<i32>} : memref<48xi32, #tpu.memory_space<vmem>>, vector<16xi32>,
      %slice3A_2077 = vector.extract_strided_slice %get3A_2076 {offsets = [0], sizes = [1], strides = [1]} : vector<16xi32> to vector<1xi32>
      %squeeze3A_2078 = vector.extract %slice3A_2077[0] : i32 from vector<1xi32>
      %get3A_2079 = arith.index_cast %squeeze3A_2074 : i32 to index
      %get3A_2080 = tpu.vector_load %arg30[%get3A_2079] {strides = array<i32>} : memref<48xf32, #tpu.memory_space<vmem>>, vector<16xf32>,
      %slice3A_2081 = vector.extract_strided_slice %get3A_2080 {offsets = [0], sizes = [1], strides = [1]} : vector<16xf32> to vector<1xf32>
      %squeeze3A_2082 = vector.extract %slice3A_2081[0] : f32 from vector<1xf32>
      %get3A_2083 = arith.index_cast %squeeze3A_2078 : i32 to index
      %get3A_2084 = tpu.vector_load %arg31[%get3A_2083] {strides = array<i32>} : memref<48xf32, #tpu.memory_space<vmem>>, vector<16xf32>,
      %slice3A_2085 = vector.extract_strided_slice %get3A_2084 {offsets = [0], sizes = [1], strides = [1]} : vector<16xf32> to vector<1xf32>
      %squeeze3A_2086 = vector.extract %slice3A_2085[0] : f32 from vector<1xf32>
      %parallel_loop3A_2087 = arith.constant 0 : i32
      %parallel_loop3A_2088 = arith.constant 8 : i32
      %parallel_loop3A_2089 = arith.constant 1 : i32
      scf.for %parallel_loop3A_2091 = %parallel_loop3A_2087 to %parallel_loop3A_2088 step %parallel_loop3A_2089  : i32 {
        %parallel_loop3A_2092 = arith.constant 16 : i32
        %parallel_loop3A_2093 = arith.muli %parallel_loop3A_2091, %parallel_loop3A_2092 : i32
        %parallel_loop3A_2094 = arith.constant 8 : i32
        %parallel_loop3A_2095 = arith.muli %scan3A_2069, %parallel_loop3A_2094 : i32
        %parallel_loop3A_2096 = arith.addi %parallel_loop3A_2095, %parallel_loop3A_2091 : i32
        %parallel_loop3A_2097 = arith.constant 16 : i32
        %parallel_loop3A_2098 = arith.muli %parallel_loop3A_2096, %parallel_loop3A_2097 : i32
        %parallel_loop3A_2099 = arith.constant 8 : i32
        %parallel_loop3A_2100 = arith.muli %squeeze3A_2074, %parallel_loop3A_2099 : i32
        %parallel_loop3A_2101 = arith.addi %parallel_loop3A_2100, %parallel_loop3A_2091 : i32
        %parallel_loop3A_2102 = arith.constant 16 : i32
        %parallel_loop3A_2103 = arith.muli %parallel_loop3A_2101, %parallel_loop3A_2102 : i32
        %parallel_loop3A_2104 = arith.index_cast %parallel_loop3A_2103 : i32 to index
        %parallel_loop3A_2105 = tpu.vector_load %arg10[%parallel_loop3A_2104] {strides = array<i32>} : memref<4096xf32, #tpu.memory_space<vmem>>, vector<16xf32>,
        %parallel_loop3A_2106 = arith.index_cast %parallel_loop3A_2093 : i32 to index
        %parallel_loop3A_2107 = tpu.vector_load %arg17[%parallel_loop3A_2106] {strides = array<i32>} : memref<128xf32, #tpu.memory_space<vmem>>, vector<16xf32>,
        %parallel_loop3A_2108 = vector.broadcast %squeeze3A_2082 : f32 to vector<16xf32>
        %parallel_loop3A_2109 = arith.mulf %parallel_loop3A_2108, %parallel_loop3A_2105 : vector<16xf32>
        %parallel_loop3A_2110 = arith.addf %parallel_loop3A_2107, %parallel_loop3A_2109 : vector<16xf32>
        %parallel_loop3A_2111 = arith.index_cast %parallel_loop3A_2093 : i32 to index
        %parallel_loop3A_2112 = tpu.vector_load %arg18[%parallel_loop3A_2111] {strides = array<i32>} : memref<128xf32, #tpu.memory_space<vmem>>, vector<16xf32>,
        %parallel_loop3A_2113 = arith.addf %parallel_loop3A_2112, %parallel_loop3A_2105 : vector<16xf32>
        %parallel_loop3A_2114 = arith.index_cast %parallel_loop3A_2093 : i32 to index
        %parallel_loop3A_2115 = tpu.vector_load %arg17[%parallel_loop3A_2114] {strides = array<i32>} : memref<128xf32, #tpu.memory_space<vmem>>, vector<16xf32>,
        tpu.vector_store %arg17[%parallel_loop3A_2114], %parallel_loop3A_2110 {strides = array<i32>} : memref<128xf32, #tpu.memory_space<vmem>>, vector<16xf32>,
        %parallel_loop3A_2116 = arith.index_cast %parallel_loop3A_2093 : i32 to index
        %parallel_loop3A_2117 = tpu.vector_load %arg18[%parallel_loop3A_2116] {strides = array<i32>} : memref<128xf32, #tpu.memory_space<vmem>>, vector<16xf32>,
        tpu.vector_store %arg18[%parallel_loop3A_2116], %parallel_loop3A_2113 {strides = array<i32>} : memref<128xf32, #tpu.memory_space<vmem>>, vector<16xf32>,
        %parallel_loop3A_2118 = arith.index_cast %parallel_loop3A_2093 : i32 to index
        %parallel_loop3A_2119 = tpu.vector_load %arg21[%parallel_loop3A_2118] {strides = array<i32>} : memref<128xf32, #tpu.memory_space<vmem>>, vector<16xf32>,
        %parallel_loop3A_2120 = arith.index_cast %parallel_loop3A_2098 : i32 to index
        %parallel_loop3A_2121 = tpu.vector_load %arg14[%parallel_loop3A_2120] {strides = array<i32>} : memref<4096xf32, #tpu.memory_space<vmem>>, vector<16xf32>,
        %parallel_loop3A_2122 = arith.addf %parallel_loop3A_2110, %parallel_loop3A_2121 : vector<16xf32>
        %parallel_loop3A_2123 = arith.index_cast %parallel_loop3A_2098 : i32 to index
        %parallel_loop3A_2124 = tpu.vector_load %arg13[%parallel_loop3A_2123] {strides = array<i32>} : memref<4096xf32, #tpu.memory_space<vmem>>, vector<16xf32>,
        %parallel_loop3A_2125 = arith.addf %parallel_loop3A_2113, %parallel_loop3A_2124 : vector<16xf32>
        %parallel_loop3A_2126 = arith.divf %parallel_loop3A_2122, %parallel_loop3A_2125 : vector<16xf32>
        %parallel_loop3A_2127 = arith.minimumf %parallel_loop3A_2119, %parallel_loop3A_2126 : vector<16xf32>
        %parallel_loop3A_2128 = arith.index_cast %parallel_loop3A_2093 : i32 to index
        %parallel_loop3A_2129 = tpu.vector_load %arg21[%parallel_loop3A_2128] {strides = array<i32>} : memref<128xf32, #tpu.memory_space<vmem>>, vector<16xf32>,
        tpu.vector_store %arg21[%parallel_loop3A_2128], %parallel_loop3A_2127 {strides = array<i32>} : memref<128xf32, #tpu.memory_space<vmem>>, vector<16xf32>,
        %parallel_loop3A_2130 = arith.constant 8 : i32
        %parallel_loop3A_2131 = arith.muli %squeeze3A_2078, %parallel_loop3A_2130 : i32
        %parallel_loop3A_2132 = arith.addi %parallel_loop3A_2131, %parallel_loop3A_2091 : i32
        %parallel_loop3A_2133 = arith.constant 16 : i32
        %parallel_loop3A_2134 = arith.muli %parallel_loop3A_2132, %parallel_loop3A_2133 : i32
        %parallel_loop3A_2135 = arith.index_cast %parallel_loop3A_2134 : i32 to index
        %parallel_loop3A_2136 = tpu.vector_load %arg11[%parallel_loop3A_2135] {strides = array<i32>} : memref<4096xf32, #tpu.memory_space<vmem>>, vector<16xf32>,
        %parallel_loop3A_2137 = arith.index_cast %parallel_loop3A_2093 : i32 to index
        %parallel_loop3A_2138 = tpu.vector_load %arg19[%parallel_loop3A_2137] {strides = array<i32>} : memref<128xf32, #tpu.memory_space<vmem>>, vector<16xf32>,
        %parallel_loop3A_2139 = vector.broadcast %squeeze3A_2086 : f32 to vector<16xf32>
        %parallel_loop3A_2140 = arith.mulf %parallel_loop3A_2139, %parallel_loop3A_2136 : vector<16xf32>
        %parallel_loop3A_2141 = arith.addf %parallel_loop3A_2138, %parallel_loop3A_2140 : vector<16xf32>
        %parallel_loop3A_2142 = arith.index_cast %parallel_loop3A_2093 : i32 to index
        %parallel_loop3A_2143 = tpu.vector_load %arg20[%parallel_loop3A_2142] {strides = array<i32>} : memref<128xf32, #tpu.memory_space<vmem>>, vector<16xf32>,
        %parallel_loop3A_2144 = arith.addf %parallel_loop3A_2143, %parallel_loop3A_2136 : vector<16xf32>
        %parallel_loop3A_2145 = arith.index_cast %parallel_loop3A_2093 : i32 to index
        %parallel_loop3A_2146 = tpu.vector_load %arg19[%parallel_loop3A_2145] {strides = array<i32>} : memref<128xf32, #tpu.memory_space<vmem>>, vector<16xf32>,
        tpu.vector_store %arg19[%parallel_loop3A_2145], %parallel_loop3A_2141 {strides = array<i32>} : memref<128xf32, #tpu.memory_space<vmem>>, vector<16xf32>,
        %parallel_loop3A_2147 = arith.index_cast %parallel_loop3A_2093 : i32 to index
        %parallel_loop3A_2148 = tpu.vector_load %arg20[%parallel_loop3A_2147] {strides = array<i32>} : memref<128xf32, #tpu.memory_space<vmem>>, vector<16xf32>,
        tpu.vector_store %arg20[%parallel_loop3A_2147], %parallel_loop3A_2144 {strides = array<i32>} : memref<128xf32, #tpu.memory_space<vmem>>, vector<16xf32>,
        %parallel_loop3A_2149 = arith.index_cast %parallel_loop3A_2093 : i32 to index
        %parallel_loop3A_2150 = tpu.vector_load %arg22[%parallel_loop3A_2149] {strides = array<i32>} : memref<128xf32, #tpu.memory_space<vmem>>, vector<16xf32>,
        %parallel_loop3A_2151 = arith.index_cast %parallel_loop3A_2098 : i32 to index
        %parallel_loop3A_2152 = tpu.vector_load %arg16[%parallel_loop3A_2151] {strides = array<i32>} : memref<4096xf32, #tpu.memory_space<vmem>>, vector<16xf32>,
        %parallel_loop3A_2153 = arith.addf %parallel_loop3A_2141, %parallel_loop3A_2152 : vector<16xf32>
        %parallel_loop3A_2154 = arith.index_cast %parallel_loop3A_2098 : i32 to index
        %parallel_loop3A_2155 = tpu.vector_load %arg15[%parallel_loop3A_2154] {strides = array<i32>} : memref<4096xf32, #tpu.memory_space<vmem>>, vector<16xf32>,
        %parallel_loop3A_2156 = arith.addf %parallel_loop3A_2144, %parallel_loop3A_2155 : vector<16xf32>
        %parallel_loop3A_2157 = arith.divf %parallel_loop3A_2153, %parallel_loop3A_2156 : vector<16xf32>
        %parallel_loop3A_2158 = arith.maximumf %parallel_loop3A_2150, %parallel_loop3A_2157 : vector<16xf32>
        %parallel_loop3A_2159 = arith.index_cast %parallel_loop3A_2093 : i32 to index
        %parallel_loop3A_2160 = tpu.vector_load %arg22[%parallel_loop3A_2159] {strides = array<i32>} : memref<128xf32, #tpu.memory_space<vmem>>, vector<16xf32>,
        tpu.vector_store %arg22[%parallel_loop3A_2159], %parallel_loop3A_2158 {strides = array<i32>} : memref<128xf32, #tpu.memory_space<vmem>>, vector<16xf32>,
      } {sc.loop_unroll_factor = 4 : i64, sc.parallel_access}
      %scan3A_2090 = arith.constant 0 : i32
      scf.yield %scan3A_2090 : i32
    }
    %scan3A_2065 = arith.constant 32 : i32
    %parallel_loop3A_2066 = arith.constant 0 : i32
    %parallel_loop3A_2067 = arith.constant 8 : i32
    %parallel_loop3A_2068 = arith.constant 1 : i32
    scf.for %parallel_loop3A_2069 = %parallel_loop3A_2066 to %parallel_loop3A_2067 step %parallel_loop3A_2068  : i32 {
      %parallel_loop3A_2070 = arith.constant 16 : i32
      %parallel_loop3A_2071 = arith.muli %parallel_loop3A_2069, %parallel_loop3A_2070 : i32
      %parallel_loop3A_2072 = arith.index_cast %parallel_loop3A_2071 : i32 to index
      %parallel_loop3A_2073 = tpu.vector_load %arg21[%parallel_loop3A_2072] {strides = array<i32>} : memref<128xf32, #tpu.memory_space<vmem>>, vector<16xf32>,
      %parallel_loop3A_2074 = arith.index_cast %parallel_loop3A_2071 : i32 to index
      %parallel_loop3A_2075 = tpu.vector_load %arg22[%parallel_loop3A_2074] {strides = array<i32>} : memref<128xf32, #tpu.memory_space<vmem>>, vector<16xf32>,
      %parallel_loop3A_2076 = arith.addf %parallel_loop3A_2073, %parallel_loop3A_2075 : vector<16xf32>
      %parallel_loop3A_2077 = arith.constant 5.000000e-01 : f32
      %parallel_loop3A_2078 = vector.broadcast %parallel_loop3A_2077 : f32 to vector<16xf32>
      %parallel_loop3A_2079 = arith.mulf %parallel_loop3A_2076, %parallel_loop3A_2078 : vector<16xf32>
      %parallel_loop3A_2080 = arith.index_cast %parallel_loop3A_2071 : i32 to index
      %parallel_loop3A_2081 = tpu.vector_load %arg23[%parallel_loop3A_2080] {strides = array<i32>} : memref<128xf32, #tpu.memory_space<vmem>>, vector<16xf32>,
      tpu.vector_store %arg23[%parallel_loop3A_2080], %parallel_loop3A_2079 {strides = array<i32>} : memref<128xf32, #tpu.memory_space<vmem>>, vector<16xf32>,
    } {sc.loop_unroll_factor = 4 : i64, sc.parallel_access}
    "tpu.region"() ({
      %run_scoped3A = tpu.sem_alloc : memref<!tpu.dma_semaphore, #tpu.memory_space<semaphore_mem>>
      %dma_start3A = tpu.memref_slice %arg8[%mul3A_0] : memref<2048xf32, #tpu.memory_space<hbm>> -> memref<128xf32, #tpu.memory_space<hbm>>
      %dma_start3A_2069 = tpu.memref_slice %arg8[%mul3A_0] : memref<2048xf32, #tpu.memory_space<hbm>> -> memref<128xf32, #tpu.memory_space<hbm>>
      tpu.enqueue_dma source(%arg23 : memref<128xf32, #tpu.memory_space<vmem>>) target(%dma_start3A_2069 : memref<128xf32, #tpu.memory_space<hbm>>) target_semaphore(%run_scoped3A : memref<!tpu.dma_semaphore, #tpu.memory_space<semaphore_mem>>)
      %dma_wait3A = tpu.memref_slice %arg8[%mul3A_0] : memref<2048xf32, #tpu.memory_space<hbm>> -> memref<128xf32, #tpu.memory_space<hbm>>
      %dma_wait3A_2070 = tpu.memref_slice %arg8[%mul3A_0] : memref<2048xf32, #tpu.memory_space<hbm>> -> memref<128xf32, #tpu.memory_space<hbm>>
      tpu.wait_dma2 semaphore(%run_scoped3A : memref<!tpu.dma_semaphore, #tpu.memory_space<semaphore_mem>>) src(%arg23 : memref<128xf32, #tpu.memory_space<vmem>>) dst(%dma_wait3A_2070 : memref<128xf32, #tpu.memory_space<hbm>>)
      tpu.yield
    }) : () -> ()
    return
  }
}

module attributes {stable_mosaic.version = 14 : i64} {
  func.func @_tc_body(%arg0: i32, %arg1: memref<6x7168xf32, #tpu.memory_space<vmem>>, %arg2: memref<32x6xf32, #tpu.memory_space<vmem>>, %arg3: memref<32x6xf32, #tpu.memory_space<vmem>>, %arg4: memref<32x6xf32, #tpu.memory_space<vmem>>, %arg5: memref<32x1xf32, #tpu.memory_space<vmem>>, %arg6: memref<1x32xf32, #tpu.memory_space<vmem>>, %arg7: memref<32x1xf32, #tpu.memory_space<vmem>>, %arg8: memref<1x32xf32, #tpu.memory_space<vmem>>, %arg9: memref<1x7168xf32, #tpu.memory_space<vmem>>) attributes {dimension_semantics = [#tpu.dimension_semantics<arbitrary>], iteration_bounds = array<i64: 2>, scalar_prefetch = 0 : i64, scratch_operands = 0 : i64, tpu.core_type = #tpu.core_type<tc>, window_params = [{transform_indices = @transform_0, window_bounds = array<i64: 6, 7168>}, {pipeline_mode = #tpu.pipeline_mode<synchronous>, transform_indices = @transform_1, window_bounds = array<i64: 32, 6>}, {pipeline_mode = #tpu.pipeline_mode<synchronous>, transform_indices = @transform_2, window_bounds = array<i64: 32, 6>}, {pipeline_mode = #tpu.pipeline_mode<synchronous>, transform_indices = @transform_3, window_bounds = array<i64: 32, 6>}, {pipeline_mode = #tpu.pipeline_mode<synchronous>, transform_indices = @transform_4, window_bounds = array<i64: 32, 1>}, {pipeline_mode = #tpu.pipeline_mode<synchronous>, transform_indices = @transform_5, window_bounds = array<i64: 1, 32>}, {pipeline_mode = #tpu.pipeline_mode<synchronous>, transform_indices = @transform_6, window_bounds = array<i64: 32, 1>}, {pipeline_mode = #tpu.pipeline_mode<synchronous>, transform_indices = @transform_7, window_bounds = array<i64: 1, 32>}, {transform_indices = @transform_8, window_bounds = array<i64: 1, 7168>}]} {
    %get3A = arith.constant 0 : index
    %get3A_0 = arith.constant 0 : index
    %get3A_1 = vector.load %arg2[%get3A, %get3A_0] : memref<32x6xf32, #tpu.memory_space<vmem>>, vector<32x6xf32>
    %add3A = arith.constant 9.99999974E-5 : f32
    %add3A_2 = vector.broadcast %add3A : f32 to vector<32x6xf32>
    %add3A_3 = arith.addf %get3A_1, %add3A_2 : vector<32x6xf32>
    %get3A_4 = arith.constant 0 : index
    %get3A_5 = arith.constant 0 : index
    %get3A_6 = vector.load %arg3[%get3A_4, %get3A_5] : memref<32x6xf32, #tpu.memory_space<vmem>>, vector<32x6xf32>
    %get3A_7 = arith.constant 0 : index
    %get3A_8 = arith.constant 0 : index
    %get3A_9 = vector.load %arg4[%get3A_7, %get3A_8] : memref<32x6xf32, #tpu.memory_space<vmem>>, vector<32x6xf32>
    %min3A = arith.minimumf %get3A_6, %get3A_9 : vector<32x6xf32>
    %get3A_10 = arith.constant 0 : index
    %get3A_11 = arith.constant 0 : index
    %get3A_12 = vector.load %arg3[%get3A_10, %get3A_11] : memref<32x6xf32, #tpu.memory_space<vmem>>, vector<32x6xf32>
    %get3A_13 = arith.constant 0 : index
    %get3A_14 = arith.constant 0 : index
    %get3A_15 = vector.load %arg4[%get3A_13, %get3A_14] : memref<32x6xf32, #tpu.memory_space<vmem>>, vector<32x6xf32>
    %max3A = arith.maximumf %get3A_12, %get3A_15 : vector<32x6xf32>
    %mul3A = arith.constant 2.000000e+00 : f32
    %mul3A_16 = vector.broadcast %mul3A : f32 to vector<32x6xf32>
    %mul3A_17 = arith.mulf %mul3A_16, %add3A_3 : vector<32x6xf32>
    %mul3A_18 = arith.mulf %mul3A_17, %add3A_3 : vector<32x6xf32>
    %div3A = arith.constant -1.000000e+00 : f32
    %div3A_19 = vector.broadcast %div3A : f32 to vector<32x6xf32>
    %div3A_20 = arith.divf %div3A_19, %mul3A_18 : vector<32x6xf32>
    %broadcast_in_dim3A = arith.constant 0.000000e+00 : f32
    %broadcast_in_dim3A_21 = vector.broadcast %broadcast_in_dim3A : f32 to vector<32x7168xf32>
    %broadcast_in_dim3A_22 = arith.constant 0.000000e+00 : f32
    %broadcast_in_dim3A_23 = vector.broadcast %broadcast_in_dim3A_22 : f32 to vector<32x7168xf32>
    %get3A_24 = arith.constant 0 : index
    %get3A_25 = arith.constant 0 : index
    %get3A_26 = vector.load %arg1[%get3A_24, %get3A_25] : memref<6x7168xf32, #tpu.memory_space<vmem>>, vector<1x7168xf32>
    %slice3A = vector.extract_strided_slice %min3A {offsets = [0, 0], sizes = [32, 1], strides = [1, 1]} : vector<32x6xf32> to vector<32x1xf32>
    %slice3A_27 = vector.extract_strided_slice %max3A {offsets = [0, 0], sizes = [32, 1], strides = [1, 1]} : vector<32x6xf32> to vector<32x1xf32>
    %slice3A_28 = vector.extract_strided_slice %div3A_20 {offsets = [0, 0], sizes = [32, 1], strides = [1, 1]} : vector<32x6xf32> to vector<32x1xf32>
    %sub3A = vector.broadcast %get3A_26 : vector<1x7168xf32> to vector<32x7168xf32>
    %sub3A_29 = vector.broadcast %slice3A : vector<32x1xf32> to vector<32x7168xf32>
    %sub3A_30 = arith.subf %sub3A, %sub3A_29 : vector<32x7168xf32>
    %sub3A_31 = vector.broadcast %get3A_26 : vector<1x7168xf32> to vector<32x7168xf32>
    %sub3A_32 = vector.broadcast %slice3A_27 : vector<32x1xf32> to vector<32x7168xf32>
    %sub3A_33 = arith.subf %sub3A_31, %sub3A_32 : vector<32x7168xf32>
    %mul3A_34 = arith.mulf %sub3A_30, %sub3A_30 : vector<32x7168xf32>
    %mul3A_35 = vector.broadcast %slice3A_28 : vector<32x1xf32> to vector<32x7168xf32>
    %mul3A_36 = arith.mulf %mul3A_34, %mul3A_35 : vector<32x7168xf32>
    %mul3A_37 = arith.mulf %sub3A_33, %sub3A_33 : vector<32x7168xf32>
    %mul3A_38 = vector.broadcast %slice3A_28 : vector<32x1xf32> to vector<32x7168xf32>
    %mul3A_39 = arith.mulf %mul3A_37, %mul3A_38 : vector<32x7168xf32>
    %mul3A_40 = arith.mulf %sub3A_30, %sub3A_33 : vector<32x7168xf32>
    %le3A = arith.constant 0.000000e+00 : f32
    %le3A_41 = vector.broadcast %le3A : f32 to vector<32x7168xf32>
    %le3A_42 = arith.cmpf ole, %mul3A_40, %le3A_41 : vector<32x7168xf32>
    %max3A_43 = arith.maximumf %mul3A_36, %mul3A_39 : vector<32x7168xf32>
    %jit3A = arith.constant 0.000000e+00 : f32
    %broadcast_in_dim3A_44 = vector.broadcast %jit3A : f32 to vector<32x7168xf32>
    %select_n3A = arith.select %le3A_42, %broadcast_in_dim3A_44, %max3A_43 : vector<32x7168xi1>, vector<32x7168xf32>
    %add3A_45 = arith.addf %broadcast_in_dim3A_21, %select_n3A : vector<32x7168xf32>
    %min3A_46 = arith.minimumf %mul3A_36, %mul3A_39 : vector<32x7168xf32>
    %add3A_47 = arith.addf %broadcast_in_dim3A_23, %min3A_46 : vector<32x7168xf32>
    %get3A_48 = arith.constant 1 : index
    %get3A_49 = arith.constant 0 : index
    %get3A_50 = vector.load %arg1[%get3A_48, %get3A_49] : memref<6x7168xf32, #tpu.memory_space<vmem>>, vector<1x7168xf32>
    %slice3A_51 = vector.extract_strided_slice %min3A {offsets = [0, 1], sizes = [32, 1], strides = [1, 1]} : vector<32x6xf32> to vector<32x1xf32>
    %slice3A_52 = vector.extract_strided_slice %max3A {offsets = [0, 1], sizes = [32, 1], strides = [1, 1]} : vector<32x6xf32> to vector<32x1xf32>
    %slice3A_53 = vector.extract_strided_slice %div3A_20 {offsets = [0, 1], sizes = [32, 1], strides = [1, 1]} : vector<32x6xf32> to vector<32x1xf32>
    %sub3A_54 = vector.broadcast %get3A_50 : vector<1x7168xf32> to vector<32x7168xf32>
    %sub3A_55 = vector.broadcast %slice3A_51 : vector<32x1xf32> to vector<32x7168xf32>
    %sub3A_56 = arith.subf %sub3A_54, %sub3A_55 : vector<32x7168xf32>
    %sub3A_57 = vector.broadcast %get3A_50 : vector<1x7168xf32> to vector<32x7168xf32>
    %sub3A_58 = vector.broadcast %slice3A_52 : vector<32x1xf32> to vector<32x7168xf32>
    %sub3A_59 = arith.subf %sub3A_57, %sub3A_58 : vector<32x7168xf32>
    %mul3A_60 = arith.mulf %sub3A_56, %sub3A_56 : vector<32x7168xf32>
    %mul3A_61 = vector.broadcast %slice3A_53 : vector<32x1xf32> to vector<32x7168xf32>
    %mul3A_62 = arith.mulf %mul3A_60, %mul3A_61 : vector<32x7168xf32>
    %mul3A_63 = arith.mulf %sub3A_59, %sub3A_59 : vector<32x7168xf32>
    %mul3A_64 = vector.broadcast %slice3A_53 : vector<32x1xf32> to vector<32x7168xf32>
    %mul3A_65 = arith.mulf %mul3A_63, %mul3A_64 : vector<32x7168xf32>
    %mul3A_66 = arith.mulf %sub3A_56, %sub3A_59 : vector<32x7168xf32>
    %le3A_67 = arith.constant 0.000000e+00 : f32
    %le3A_68 = vector.broadcast %le3A_67 : f32 to vector<32x7168xf32>
    %le3A_69 = arith.cmpf ole, %mul3A_66, %le3A_68 : vector<32x7168xf32>
    %max3A_70 = arith.maximumf %mul3A_62, %mul3A_65 : vector<32x7168xf32>
    %jit3A_71 = arith.constant 0.000000e+00 : f32
    %broadcast_in_dim3A_72 = vector.broadcast %jit3A_71 : f32 to vector<32x7168xf32>
    %select_n3A_73 = arith.select %le3A_69, %broadcast_in_dim3A_72, %max3A_70 : vector<32x7168xi1>, vector<32x7168xf32>
    %add3A_74 = arith.addf %add3A_45, %select_n3A_73 : vector<32x7168xf32>
    %min3A_75 = arith.minimumf %mul3A_62, %mul3A_65 : vector<32x7168xf32>
    %add3A_76 = arith.addf %add3A_47, %min3A_75 : vector<32x7168xf32>
    %get3A_77 = arith.constant 2 : index
    %get3A_78 = arith.constant 0 : index
    %get3A_79 = vector.load %arg1[%get3A_77, %get3A_78] : memref<6x7168xf32, #tpu.memory_space<vmem>>, vector<1x7168xf32>
    %slice3A_80 = vector.extract_strided_slice %min3A {offsets = [0, 2], sizes = [32, 1], strides = [1, 1]} : vector<32x6xf32> to vector<32x1xf32>
    %slice3A_81 = vector.extract_strided_slice %max3A {offsets = [0, 2], sizes = [32, 1], strides = [1, 1]} : vector<32x6xf32> to vector<32x1xf32>
    %slice3A_82 = vector.extract_strided_slice %div3A_20 {offsets = [0, 2], sizes = [32, 1], strides = [1, 1]} : vector<32x6xf32> to vector<32x1xf32>
    %sub3A_83 = vector.broadcast %get3A_79 : vector<1x7168xf32> to vector<32x7168xf32>
    %sub3A_84 = vector.broadcast %slice3A_80 : vector<32x1xf32> to vector<32x7168xf32>
    %sub3A_85 = arith.subf %sub3A_83, %sub3A_84 : vector<32x7168xf32>
    %sub3A_86 = vector.broadcast %get3A_79 : vector<1x7168xf32> to vector<32x7168xf32>
    %sub3A_87 = vector.broadcast %slice3A_81 : vector<32x1xf32> to vector<32x7168xf32>
    %sub3A_88 = arith.subf %sub3A_86, %sub3A_87 : vector<32x7168xf32>
    %mul3A_89 = arith.mulf %sub3A_85, %sub3A_85 : vector<32x7168xf32>
    %mul3A_90 = vector.broadcast %slice3A_82 : vector<32x1xf32> to vector<32x7168xf32>
    %mul3A_91 = arith.mulf %mul3A_89, %mul3A_90 : vector<32x7168xf32>
    %mul3A_92 = arith.mulf %sub3A_88, %sub3A_88 : vector<32x7168xf32>
    %mul3A_93 = vector.broadcast %slice3A_82 : vector<32x1xf32> to vector<32x7168xf32>
    %mul3A_94 = arith.mulf %mul3A_92, %mul3A_93 : vector<32x7168xf32>
    %mul3A_95 = arith.mulf %sub3A_85, %sub3A_88 : vector<32x7168xf32>
    %le3A_96 = arith.constant 0.000000e+00 : f32
    %le3A_97 = vector.broadcast %le3A_96 : f32 to vector<32x7168xf32>
    %le3A_98 = arith.cmpf ole, %mul3A_95, %le3A_97 : vector<32x7168xf32>
    %max3A_99 = arith.maximumf %mul3A_91, %mul3A_94 : vector<32x7168xf32>
    %jit3A_100 = arith.constant 0.000000e+00 : f32
    %broadcast_in_dim3A_101 = vector.broadcast %jit3A_100 : f32 to vector<32x7168xf32>
    %select_n3A_102 = arith.select %le3A_98, %broadcast_in_dim3A_101, %max3A_99 : vector<32x7168xi1>, vector<32x7168xf32>
    %add3A_103 = arith.addf %add3A_74, %select_n3A_102 : vector<32x7168xf32>
    %min3A_104 = arith.minimumf %mul3A_91, %mul3A_94 : vector<32x7168xf32>
    %add3A_105 = arith.addf %add3A_76, %min3A_104 : vector<32x7168xf32>
    %get3A_106 = arith.constant 3 : index
    %get3A_107 = arith.constant 0 : index
    %get3A_108 = vector.load %arg1[%get3A_106, %get3A_107] : memref<6x7168xf32, #tpu.memory_space<vmem>>, vector<1x7168xf32>
    %slice3A_109 = vector.extract_strided_slice %min3A {offsets = [0, 3], sizes = [32, 1], strides = [1, 1]} : vector<32x6xf32> to vector<32x1xf32>
    %slice3A_110 = vector.extract_strided_slice %max3A {offsets = [0, 3], sizes = [32, 1], strides = [1, 1]} : vector<32x6xf32> to vector<32x1xf32>
    %slice3A_111 = vector.extract_strided_slice %div3A_20 {offsets = [0, 3], sizes = [32, 1], strides = [1, 1]} : vector<32x6xf32> to vector<32x1xf32>
    %sub3A_112 = vector.broadcast %get3A_108 : vector<1x7168xf32> to vector<32x7168xf32>
    %sub3A_113 = vector.broadcast %slice3A_109 : vector<32x1xf32> to vector<32x7168xf32>
    %sub3A_114 = arith.subf %sub3A_112, %sub3A_113 : vector<32x7168xf32>
    %sub3A_115 = vector.broadcast %get3A_108 : vector<1x7168xf32> to vector<32x7168xf32>
    %sub3A_116 = vector.broadcast %slice3A_110 : vector<32x1xf32> to vector<32x7168xf32>
    %sub3A_117 = arith.subf %sub3A_115, %sub3A_116 : vector<32x7168xf32>
    %mul3A_118 = arith.mulf %sub3A_114, %sub3A_114 : vector<32x7168xf32>
    %mul3A_119 = vector.broadcast %slice3A_111 : vector<32x1xf32> to vector<32x7168xf32>
    %mul3A_120 = arith.mulf %mul3A_118, %mul3A_119 : vector<32x7168xf32>
    %mul3A_121 = arith.mulf %sub3A_117, %sub3A_117 : vector<32x7168xf32>
    %mul3A_122 = vector.broadcast %slice3A_111 : vector<32x1xf32> to vector<32x7168xf32>
    %mul3A_123 = arith.mulf %mul3A_121, %mul3A_122 : vector<32x7168xf32>
    %mul3A_124 = arith.mulf %sub3A_114, %sub3A_117 : vector<32x7168xf32>
    %le3A_125 = arith.constant 0.000000e+00 : f32
    %le3A_126 = vector.broadcast %le3A_125 : f32 to vector<32x7168xf32>
    %le3A_127 = arith.cmpf ole, %mul3A_124, %le3A_126 : vector<32x7168xf32>
    %max3A_128 = arith.maximumf %mul3A_120, %mul3A_123 : vector<32x7168xf32>
    %jit3A_129 = arith.constant 0.000000e+00 : f32
    %broadcast_in_dim3A_130 = vector.broadcast %jit3A_129 : f32 to vector<32x7168xf32>
    %select_n3A_131 = arith.select %le3A_127, %broadcast_in_dim3A_130, %max3A_128 : vector<32x7168xi1>, vector<32x7168xf32>
    %add3A_132 = arith.addf %add3A_103, %select_n3A_131 : vector<32x7168xf32>
    %min3A_133 = arith.minimumf %mul3A_120, %mul3A_123 : vector<32x7168xf32>
    %add3A_134 = arith.addf %add3A_105, %min3A_133 : vector<32x7168xf32>
    %get3A_135 = arith.constant 4 : index
    %get3A_136 = arith.constant 0 : index
    %get3A_137 = vector.load %arg1[%get3A_135, %get3A_136] : memref<6x7168xf32, #tpu.memory_space<vmem>>, vector<1x7168xf32>
    %slice3A_138 = vector.extract_strided_slice %min3A {offsets = [0, 4], sizes = [32, 1], strides = [1, 1]} : vector<32x6xf32> to vector<32x1xf32>
    %slice3A_139 = vector.extract_strided_slice %max3A {offsets = [0, 4], sizes = [32, 1], strides = [1, 1]} : vector<32x6xf32> to vector<32x1xf32>
    %slice3A_140 = vector.extract_strided_slice %div3A_20 {offsets = [0, 4], sizes = [32, 1], strides = [1, 1]} : vector<32x6xf32> to vector<32x1xf32>
    %sub3A_141 = vector.broadcast %get3A_137 : vector<1x7168xf32> to vector<32x7168xf32>
    %sub3A_142 = vector.broadcast %slice3A_138 : vector<32x1xf32> to vector<32x7168xf32>
    %sub3A_143 = arith.subf %sub3A_141, %sub3A_142 : vector<32x7168xf32>
    %sub3A_144 = vector.broadcast %get3A_137 : vector<1x7168xf32> to vector<32x7168xf32>
    %sub3A_145 = vector.broadcast %slice3A_139 : vector<32x1xf32> to vector<32x7168xf32>
    %sub3A_146 = arith.subf %sub3A_144, %sub3A_145 : vector<32x7168xf32>
    %mul3A_147 = arith.mulf %sub3A_143, %sub3A_143 : vector<32x7168xf32>
    %mul3A_148 = vector.broadcast %slice3A_140 : vector<32x1xf32> to vector<32x7168xf32>
    %mul3A_149 = arith.mulf %mul3A_147, %mul3A_148 : vector<32x7168xf32>
    %mul3A_150 = arith.mulf %sub3A_146, %sub3A_146 : vector<32x7168xf32>
    %mul3A_151 = vector.broadcast %slice3A_140 : vector<32x1xf32> to vector<32x7168xf32>
    %mul3A_152 = arith.mulf %mul3A_150, %mul3A_151 : vector<32x7168xf32>
    %mul3A_153 = arith.mulf %sub3A_143, %sub3A_146 : vector<32x7168xf32>
    %le3A_154 = arith.constant 0.000000e+00 : f32
    %le3A_155 = vector.broadcast %le3A_154 : f32 to vector<32x7168xf32>
    %le3A_156 = arith.cmpf ole, %mul3A_153, %le3A_155 : vector<32x7168xf32>
    %max3A_157 = arith.maximumf %mul3A_149, %mul3A_152 : vector<32x7168xf32>
    %jit3A_158 = arith.constant 0.000000e+00 : f32
    %broadcast_in_dim3A_159 = vector.broadcast %jit3A_158 : f32 to vector<32x7168xf32>
    %select_n3A_160 = arith.select %le3A_156, %broadcast_in_dim3A_159, %max3A_157 : vector<32x7168xi1>, vector<32x7168xf32>
    %add3A_161 = arith.addf %add3A_132, %select_n3A_160 : vector<32x7168xf32>
    %min3A_162 = arith.minimumf %mul3A_149, %mul3A_152 : vector<32x7168xf32>
    %add3A_163 = arith.addf %add3A_134, %min3A_162 : vector<32x7168xf32>
    %get3A_164 = arith.constant 5 : index
    %get3A_165 = arith.constant 0 : index
    %get3A_166 = vector.load %arg1[%get3A_164, %get3A_165] : memref<6x7168xf32, #tpu.memory_space<vmem>>, vector<1x7168xf32>
    %slice3A_167 = vector.extract_strided_slice %min3A {offsets = [0, 5], sizes = [32, 1], strides = [1, 1]} : vector<32x6xf32> to vector<32x1xf32>
    %slice3A_168 = vector.extract_strided_slice %max3A {offsets = [0, 5], sizes = [32, 1], strides = [1, 1]} : vector<32x6xf32> to vector<32x1xf32>
    %slice3A_169 = vector.extract_strided_slice %div3A_20 {offsets = [0, 5], sizes = [32, 1], strides = [1, 1]} : vector<32x6xf32> to vector<32x1xf32>
    %sub3A_170 = vector.broadcast %get3A_166 : vector<1x7168xf32> to vector<32x7168xf32>
    %sub3A_171 = vector.broadcast %slice3A_167 : vector<32x1xf32> to vector<32x7168xf32>
    %sub3A_172 = arith.subf %sub3A_170, %sub3A_171 : vector<32x7168xf32>
    %sub3A_173 = vector.broadcast %get3A_166 : vector<1x7168xf32> to vector<32x7168xf32>
    %sub3A_174 = vector.broadcast %slice3A_168 : vector<32x1xf32> to vector<32x7168xf32>
    %sub3A_175 = arith.subf %sub3A_173, %sub3A_174 : vector<32x7168xf32>
    %mul3A_176 = arith.mulf %sub3A_172, %sub3A_172 : vector<32x7168xf32>
    %mul3A_177 = vector.broadcast %slice3A_169 : vector<32x1xf32> to vector<32x7168xf32>
    %mul3A_178 = arith.mulf %mul3A_176, %mul3A_177 : vector<32x7168xf32>
    %mul3A_179 = arith.mulf %sub3A_175, %sub3A_175 : vector<32x7168xf32>
    %mul3A_180 = vector.broadcast %slice3A_169 : vector<32x1xf32> to vector<32x7168xf32>
    %mul3A_181 = arith.mulf %mul3A_179, %mul3A_180 : vector<32x7168xf32>
    %mul3A_182 = arith.mulf %sub3A_172, %sub3A_175 : vector<32x7168xf32>
    %le3A_183 = arith.constant 0.000000e+00 : f32
    %le3A_184 = vector.broadcast %le3A_183 : f32 to vector<32x7168xf32>
    %le3A_185 = arith.cmpf ole, %mul3A_182, %le3A_184 : vector<32x7168xf32>
    %max3A_186 = arith.maximumf %mul3A_178, %mul3A_181 : vector<32x7168xf32>
    %jit3A_187 = arith.constant 0.000000e+00 : f32
    %broadcast_in_dim3A_188 = vector.broadcast %jit3A_187 : f32 to vector<32x7168xf32>
    %select_n3A_189 = arith.select %le3A_185, %broadcast_in_dim3A_188, %max3A_186 : vector<32x7168xi1>, vector<32x7168xf32>
    %add3A_190 = arith.addf %add3A_161, %select_n3A_189 : vector<32x7168xf32>
    %min3A_191 = arith.minimumf %mul3A_178, %mul3A_181 : vector<32x7168xf32>
    %add3A_192 = arith.addf %add3A_163, %min3A_191 : vector<32x7168xf32>
    %reduce_max3A = arith.constant dense<0xFF800000> : vector<7168xf32>
    %reduce_max3A_193 = vector.multi_reduction <maximumf>, %add3A_190, %reduce_max3A [0] : vector<32x7168xf32> to vector<7168xf32>
    %broadcast_in_dim3A_194 = vector.shape_cast %reduce_max3A_193 : vector<7168xf32> to vector<1x7168xf32>
    %sub3A_195 = vector.broadcast %broadcast_in_dim3A_194 : vector<1x7168xf32> to vector<32x7168xf32>
    %sub3A_196 = arith.subf %add3A_190, %sub3A_195 : vector<32x7168xf32>
    %exp3A = math.exp %sub3A_196 : vector<32x7168xf32>
    %sub3A_197 = vector.broadcast %broadcast_in_dim3A_194 : vector<1x7168xf32> to vector<32x7168xf32>
    %sub3A_198 = arith.subf %add3A_192, %sub3A_197 : vector<32x7168xf32>
    %exp3A_199 = math.exp %sub3A_198 : vector<32x7168xf32>
    %get3A_200 = arith.constant 0 : index
    %get3A_201 = arith.constant 0 : index
    %get3A_202 = vector.load %arg5[%get3A_200, %get3A_201] : memref<32x1xf32, #tpu.memory_space<vmem>>, vector<32x1xf32>
    %get3A_203 = arith.constant 0 : index
    %get3A_204 = arith.constant 0 : index
    %get3A_205 = vector.load %arg7[%get3A_203, %get3A_204] : memref<32x1xf32, #tpu.memory_space<vmem>>, vector<32x1xf32>
    %get3A_206 = arith.constant 0 : index
    %get3A_207 = arith.constant 0 : index
    %get3A_208 = vector.load %arg6[%get3A_206, %get3A_207] : memref<1x32xf32, #tpu.memory_space<vmem>>, vector<1x32xf32>
    %iota3A = tpu.iota {dimensions = array<i32: 0>} : vector<32x32xi32>
    %iota3A_209 = tpu.iota {dimensions = array<i32: 1>} : vector<32x32xi32>
    %lt3A = vector.broadcast %get3A_202 : vector<32x1xf32> to vector<32x32xf32>
    %lt3A_210 = vector.broadcast %get3A_208 : vector<1x32xf32> to vector<32x32xf32>
    %lt3A_211 = arith.cmpf olt, %lt3A, %lt3A_210 : vector<32x32xf32>
    %eq3A = vector.broadcast %get3A_202 : vector<32x1xf32> to vector<32x32xf32>
    %eq3A_212 = vector.broadcast %get3A_208 : vector<1x32xf32> to vector<32x32xf32>
    %eq3A_213 = arith.cmpf oeq, %eq3A, %eq3A_212 : vector<32x32xf32>
    %lt3A_214 = arith.cmpi slt, %iota3A, %iota3A_209 : vector<32x32xi32>
    %and3A = arith.andi %eq3A_213, %lt3A_214 : vector<32x32xi1>
    %or3A = arith.ori %lt3A_211, %and3A : vector<32x32xi1>
    %convert_element_type3A = arith.extui %or3A : vector<32x32xi1> to vector<32x32xi32>
    %reduce_sum3A = arith.constant dense<0> : vector<32xi32>
    %reduce_sum3A_215 = vector.multi_reduction <add>, %convert_element_type3A, %reduce_sum3A [0] : vector<32x32xi32> to vector<32xi32>
    %broadcast_in_dim3A_216 = vector.shape_cast %reduce_sum3A_215 : vector<32xi32> to vector<1x32xi32>
    %le3A_217 = vector.broadcast %broadcast_in_dim3A_216 : vector<1x32xi32> to vector<32x32xi32>
    %le3A_218 = arith.cmpi sle, %le3A_217, %iota3A : vector<32x32xi32>
    %convert_element_type3A_219 = arith.extui %le3A_218 : vector<32x32xi1> to vector<32x32xi32>
    %convert_element_type3A_220 = arith.sitofp %convert_element_type3A_219 : vector<32x32xi32> to vector<32x32xf32>
    %sub3A_221 = arith.constant 1.000000e+00 : f32
    %sub3A_222 = vector.broadcast %sub3A_221 : f32 to vector<32x32xf32>
    %sub3A_223 = arith.subf %sub3A_222, %convert_element_type3A_220 : vector<32x32xf32>
    %get3A_224 = arith.constant 0 : index
    %get3A_225 = arith.constant 0 : index
    %get3A_226 = vector.load %arg8[%get3A_224, %get3A_225] : memref<1x32xf32, #tpu.memory_space<vmem>>, vector<1x32xf32>
    %iota3A_227 = tpu.iota {dimensions = array<i32: 0>} : vector<32x32xi32>
    %iota3A_228 = tpu.iota {dimensions = array<i32: 1>} : vector<32x32xi32>
    %lt3A_229 = vector.broadcast %get3A_205 : vector<32x1xf32> to vector<32x32xf32>
    %lt3A_230 = vector.broadcast %get3A_226 : vector<1x32xf32> to vector<32x32xf32>
    %lt3A_231 = arith.cmpf olt, %lt3A_229, %lt3A_230 : vector<32x32xf32>
    %eq3A_232 = vector.broadcast %get3A_205 : vector<32x1xf32> to vector<32x32xf32>
    %eq3A_233 = vector.broadcast %get3A_226 : vector<1x32xf32> to vector<32x32xf32>
    %eq3A_234 = arith.cmpf oeq, %eq3A_232, %eq3A_233 : vector<32x32xf32>
    %lt3A_235 = arith.cmpi slt, %iota3A_227, %iota3A_228 : vector<32x32xi32>
    %and3A_236 = arith.andi %eq3A_234, %lt3A_235 : vector<32x32xi1>
    %or3A_237 = arith.ori %lt3A_231, %and3A_236 : vector<32x32xi1>
    %convert_element_type3A_238 = arith.extui %or3A_237 : vector<32x32xi1> to vector<32x32xi32>
    %reduce_sum3A_239 = arith.constant dense<0> : vector<32xi32>
    %reduce_sum3A_240 = vector.multi_reduction <add>, %convert_element_type3A_238, %reduce_sum3A_239 [0] : vector<32x32xi32> to vector<32xi32>
    %broadcast_in_dim3A_241 = vector.shape_cast %reduce_sum3A_240 : vector<32xi32> to vector<1x32xi32>
    %le3A_242 = vector.broadcast %broadcast_in_dim3A_241 : vector<1x32xi32> to vector<32x32xi32>
    %le3A_243 = arith.cmpi sle, %le3A_242, %iota3A_227 : vector<32x32xi32>
    %convert_element_type3A_244 = arith.extui %le3A_243 : vector<32x32xi1> to vector<32x32xi32>
    %convert_element_type3A_245 = arith.sitofp %convert_element_type3A_244 : vector<32x32xi32> to vector<32x32xf32>
    %sub3A_246 = arith.constant 1.000000e+00 : f32
    %sub3A_247 = vector.broadcast %sub3A_246 : f32 to vector<32x32xf32>
    %sub3A_248 = arith.subf %sub3A_247, %convert_element_type3A_245 : vector<32x32xf32>
    %mul3A_249 = vector.broadcast %get3A_202 : vector<32x1xf32> to vector<32x7168xf32>
    %mul3A_250 = arith.mulf %mul3A_249, %exp3A : vector<32x7168xf32>
    %mul3A_251 = vector.broadcast %get3A_202 : vector<32x1xf32> to vector<32x7168xf32>
    %mul3A_252 = arith.mulf %mul3A_251, %exp3A_199 : vector<32x7168xf32>
    %reduce_sum3A_253 = arith.constant dense<0.000000e+00> : vector<7168xf32>
    %reduce_sum3A_254 = vector.multi_reduction <add>, %mul3A_252, %reduce_sum3A_253 [0] : vector<32x7168xf32> to vector<7168xf32>
    %broadcast_in_dim3A_255 = vector.shape_cast %reduce_sum3A_254 : vector<7168xf32> to vector<1x7168xf32>
    %reduce_sum3A_256 = arith.constant dense<0.000000e+00> : vector<7168xf32>
    %reduce_sum3A_257 = vector.multi_reduction <add>, %exp3A_199, %reduce_sum3A_256 [0] : vector<32x7168xf32> to vector<7168xf32>
    %broadcast_in_dim3A_258 = vector.shape_cast %reduce_sum3A_257 : vector<7168xf32> to vector<1x7168xf32>
    %dot_general3A = arith.constant dense<0.000000e+00> : vector<32x7168xf32>
    %dot_general3A_259 = tpu.matmul %convert_element_type3A_220, %mul3A_250, %dot_general3A {dimension_numbers = #tpu.dot_dimension_numbers<[1], [0], [0], [1], [0, 0, 1, 1], [], []>, transpose_lhs_hint = false} : vector<32x32xf32>, vector<32x7168xf32>, vector<32x7168xf32> -> vector<32x7168xf32>
    %dot_general3A_260 = arith.constant dense<0.000000e+00> : vector<32x7168xf32>
    %dot_general3A_261 = tpu.matmul %sub3A_223, %mul3A_252, %dot_general3A_260 {dimension_numbers = #tpu.dot_dimension_numbers<[1], [0], [0], [1], [0, 0, 1, 1], [], []>, transpose_lhs_hint = false} : vector<32x32xf32>, vector<32x7168xf32>, vector<32x7168xf32> -> vector<32x7168xf32>
    %add3A_262 = arith.addf %dot_general3A_259, %dot_general3A_261 : vector<32x7168xf32>
    %dot_general3A_263 = arith.constant dense<0.000000e+00> : vector<32x7168xf32>
    %dot_general3A_264 = tpu.matmul %convert_element_type3A_220, %exp3A, %dot_general3A_263 {dimension_numbers = #tpu.dot_dimension_numbers<[1], [0], [0], [1], [0, 0, 1, 1], [], []>, transpose_lhs_hint = false} : vector<32x32xf32>, vector<32x7168xf32>, vector<32x7168xf32> -> vector<32x7168xf32>
    %dot_general3A_265 = arith.constant dense<0.000000e+00> : vector<32x7168xf32>
    %dot_general3A_266 = tpu.matmul %sub3A_223, %exp3A_199, %dot_general3A_265 {dimension_numbers = #tpu.dot_dimension_numbers<[1], [0], [0], [1], [0, 0, 1, 1], [], []>, transpose_lhs_hint = false} : vector<32x32xf32>, vector<32x7168xf32>, vector<32x7168xf32> -> vector<32x7168xf32>
    %add3A_267 = arith.addf %dot_general3A_264, %dot_general3A_266 : vector<32x7168xf32>
    %div3A_268 = arith.divf %broadcast_in_dim3A_255, %broadcast_in_dim3A_258 : vector<1x7168xf32>
    %div3A_269 = arith.divf %add3A_262, %add3A_267 : vector<32x7168xf32>
    %reduce_min3A = arith.constant dense<0x7F800000> : vector<7168xf32>
    %reduce_min3A_270 = vector.multi_reduction <minimumf>, %div3A_269, %reduce_min3A [0] : vector<32x7168xf32> to vector<7168xf32>
    %broadcast_in_dim3A_271 = vector.shape_cast %reduce_min3A_270 : vector<7168xf32> to vector<1x7168xf32>
    %min3A_272 = arith.minimumf %div3A_268, %broadcast_in_dim3A_271 : vector<1x7168xf32>
    %mul3A_273 = vector.broadcast %get3A_205 : vector<32x1xf32> to vector<32x7168xf32>
    %mul3A_274 = arith.mulf %mul3A_273, %exp3A : vector<32x7168xf32>
    %mul3A_275 = vector.broadcast %get3A_205 : vector<32x1xf32> to vector<32x7168xf32>
    %mul3A_276 = arith.mulf %mul3A_275, %exp3A_199 : vector<32x7168xf32>
    %reduce_sum3A_277 = arith.constant dense<0.000000e+00> : vector<7168xf32>
    %reduce_sum3A_278 = vector.multi_reduction <add>, %mul3A_274, %reduce_sum3A_277 [0] : vector<32x7168xf32> to vector<7168xf32>
    %broadcast_in_dim3A_279 = vector.shape_cast %reduce_sum3A_278 : vector<7168xf32> to vector<1x7168xf32>
    %reduce_sum3A_280 = arith.constant dense<0.000000e+00> : vector<7168xf32>
    %reduce_sum3A_281 = vector.multi_reduction <add>, %exp3A, %reduce_sum3A_280 [0] : vector<32x7168xf32> to vector<7168xf32>
    %broadcast_in_dim3A_282 = vector.shape_cast %reduce_sum3A_281 : vector<7168xf32> to vector<1x7168xf32>
    %dot_general3A_283 = arith.constant dense<0.000000e+00> : vector<32x7168xf32>
    %dot_general3A_284 = tpu.matmul %convert_element_type3A_245, %mul3A_276, %dot_general3A_283 {dimension_numbers = #tpu.dot_dimension_numbers<[1], [0], [0], [1], [0, 0, 1, 1], [], []>, transpose_lhs_hint = false} : vector<32x32xf32>, vector<32x7168xf32>, vector<32x7168xf32> -> vector<32x7168xf32>
    %dot_general3A_285 = arith.constant dense<0.000000e+00> : vector<32x7168xf32>
    %dot_general3A_286 = tpu.matmul %sub3A_248, %mul3A_274, %dot_general3A_285 {dimension_numbers = #tpu.dot_dimension_numbers<[1], [0], [0], [1], [0, 0, 1, 1], [], []>, transpose_lhs_hint = false} : vector<32x32xf32>, vector<32x7168xf32>, vector<32x7168xf32> -> vector<32x7168xf32>
    %add3A_287 = arith.addf %dot_general3A_284, %dot_general3A_286 : vector<32x7168xf32>
    %dot_general3A_288 = arith.constant dense<0.000000e+00> : vector<32x7168xf32>
    %dot_general3A_289 = tpu.matmul %convert_element_type3A_245, %exp3A_199, %dot_general3A_288 {dimension_numbers = #tpu.dot_dimension_numbers<[1], [0], [0], [1], [0, 0, 1, 1], [], []>, transpose_lhs_hint = false} : vector<32x32xf32>, vector<32x7168xf32>, vector<32x7168xf32> -> vector<32x7168xf32>
    %dot_general3A_290 = arith.constant dense<0.000000e+00> : vector<32x7168xf32>
    %dot_general3A_291 = tpu.matmul %sub3A_248, %exp3A, %dot_general3A_290 {dimension_numbers = #tpu.dot_dimension_numbers<[1], [0], [0], [1], [0, 0, 1, 1], [], []>, transpose_lhs_hint = false} : vector<32x32xf32>, vector<32x7168xf32>, vector<32x7168xf32> -> vector<32x7168xf32>
    %add3A_292 = arith.addf %dot_general3A_289, %dot_general3A_291 : vector<32x7168xf32>
    %div3A_293 = arith.divf %broadcast_in_dim3A_279, %broadcast_in_dim3A_282 : vector<1x7168xf32>
    %div3A_294 = arith.divf %add3A_287, %add3A_292 : vector<32x7168xf32>
    %reduce_max3A_295 = arith.constant dense<0xFF800000> : vector<7168xf32>
    %reduce_max3A_296 = vector.multi_reduction <maximumf>, %div3A_294, %reduce_max3A_295 [0] : vector<32x7168xf32> to vector<7168xf32>
    %broadcast_in_dim3A_297 = vector.shape_cast %reduce_max3A_296 : vector<7168xf32> to vector<1x7168xf32>
    %max3A_298 = arith.maximumf %div3A_293, %broadcast_in_dim3A_297 : vector<1x7168xf32>
    %add3A_299 = arith.addf %min3A_272, %max3A_298 : vector<1x7168xf32>
    %mul3A_300 = arith.constant 5.000000e-01 : f32
    %mul3A_301 = vector.broadcast %mul3A_300 : f32 to vector<1x7168xf32>
    %mul3A_302 = arith.mulf %add3A_299, %mul3A_301 : vector<1x7168xf32>
    %swap3A = arith.constant 0 : index
    %swap3A_303 = arith.constant 0 : index
    %swap3A_304 = vector.load %arg9[%swap3A, %swap3A_303] : memref<1x7168xf32, #tpu.memory_space<vmem>>, vector<1x7168xf32>
    tpu.vector_store %arg9[%swap3A, %swap3A_303], %mul3A_302 {strides = array<i32>} : memref<1x7168xf32, #tpu.memory_space<vmem>>, vector<1x7168xf32>,
    return
  }
  func.func @transform_0(%arg0: i32) -> (i32, i32) {
    %c0_i32 = arith.constant 0 : i32
    %c0_i32_0 = arith.constant 0 : i32
    return %c0_i32, %arg0 : i32, i32
  }
  func.func @transform_1(%arg0: i32) -> (i32, i32) {
    %c0_i32 = arith.constant 0 : i32
    %c0_i32_0 = arith.constant 0 : i32
    %c0_i32_1 = arith.constant 0 : i32
    return %c0_i32, %c0_i32_0 : i32, i32
  }
  func.func @transform_2(%arg0: i32) -> (i32, i32) {
    %c0_i32 = arith.constant 0 : i32
    %c0_i32_0 = arith.constant 0 : i32
    %c0_i32_1 = arith.constant 0 : i32
    return %c0_i32, %c0_i32_0 : i32, i32
  }
  func.func @transform_3(%arg0: i32) -> (i32, i32) {
    %c0_i32 = arith.constant 0 : i32
    %c0_i32_0 = arith.constant 0 : i32
    %c0_i32_1 = arith.constant 0 : i32
    return %c0_i32, %c0_i32_0 : i32, i32
  }
  func.func @transform_4(%arg0: i32) -> (i32, i32) {
    %c0_i32 = arith.constant 0 : i32
    %c0_i32_0 = arith.constant 0 : i32
    %c0_i32_1 = arith.constant 0 : i32
    return %c0_i32, %c0_i32_0 : i32, i32
  }
  func.func @transform_5(%arg0: i32) -> (i32, i32) {
    %c0_i32 = arith.constant 0 : i32
    %c0_i32_0 = arith.constant 0 : i32
    %c0_i32_1 = arith.constant 0 : i32
    return %c0_i32, %c0_i32_0 : i32, i32
  }
  func.func @transform_6(%arg0: i32) -> (i32, i32) {
    %c0_i32 = arith.constant 0 : i32
    %c0_i32_0 = arith.constant 0 : i32
    %c0_i32_1 = arith.constant 0 : i32
    return %c0_i32, %c0_i32_0 : i32, i32
  }
  func.func @transform_7(%arg0: i32) -> (i32, i32) {
    %c0_i32 = arith.constant 0 : i32
    %c0_i32_0 = arith.constant 0 : i32
    %c0_i32_1 = arith.constant 0 : i32
    return %c0_i32, %c0_i32_0 : i32, i32
  }
  func.func @transform_8(%arg0: i32) -> (i32, i32) {
    %c0_i32 = arith.constant 0 : i32
    %c0_i32_0 = arith.constant 0 : i32
    return %c0_i32, %arg0 : i32, i32
  }
}

</mosaic_0001>

<sc_bundles>
// kernel: kernel.4.cloned.1.call-start
scs
__scs_entry_jumppad:
0x0: {  	(pc) =	sbr.rel $0x88, $3  }
0x1: {  	(tag) =	ssettag $0x0;
	lr =	simm.s32 $0x1  }
0x2: {  	[smem:$0x3F9D] =	sst lr;
	_ =	strace $0xD0000000  }
0x3: {  	_ = 	snop  }
0x4: {  	_ = 	snop  }
0x5: {  	_ = 	snop  }
0x6: {  	_ = 	snop  }
0x7: {  	_ = 	snop  }
__scs_overlays_trampoline_lowered:
0x8: {  	[smem:$0x3FAC] =	sst s0  }
0x9: {  	[smem:$0x3FAD] =	sst s1  }
0xa: {  	[smem:$0x3FAE] =	sst s2  }
0xb: {  	[smem:$0x3FAF] =	sst s3  }
0xc: {  	[smem:$0x3FB0] =	sst s4  }
0xd: {  	[smem:$0x3FB1] =	sst s5  }
0xe: {  	[smem:$0x3FB2] =	sst s6  }
0xf: {  	[smem:$0x3FB3] =	sst s7  }
0x10: {  	[smem:$0x3FB4] =	sst s8  }
0x11: {  	[smem:$0x3FB5] =	sst s9;
	s0 =	simm.s32 @!p0 $0x0  }
0x12: {  	s1 =	sld [smem:$0x3F9B];
	s0 =	simm.s32 @p0 $0x1  }
0x13: {  	[smem:$0x3FB6] =	sst s0;
	s0 =	simm.s32 @!p1 $0x0  }
0x14: {  	s2 =	sld [smem:$0x3F9A];
	s0 =	simm.s32 @p1 $0x1  }
0x15: {  	[smem:$0x3FB7] =	sst s0;
	s0 =	simm.s32 @!p2 $0x0  }
0x16: {  	s3 =	sld [smem:$0x3FDB];
	s0 =	simm.s32 @p2 $0x1  }
0x17: {  	s4 =	simm.s32 $0x1BF5;
	[smem:$0x3FB9] =	sst s0  }
0x18: {  	s0 =	sld [smem:$0x3F9C];
	_ =	swait.ge [sflag:s4], $0x0  }
0x19: {  	s7 =	sld [smem:$0x3F9D]  }
0x1a: {  	s8 =	sadd.s32 $0xFFFFE003, lr  }
0x1b: {  	s9 =	sadd.s32 $0xFFFFFEF7, lr;
	s5 =	simm.s32 $0xFFFFFFFF;
	p2 =	slt.u32 s8, $0xFFFFF086  }
0x1c: {  	p1 =	slt.u32 s9, $0xF7A;
	s5 =	simm.s32 @!p2 $0x0  }
0x1d: {  	s5 =	simm.s32 @p1 $0x1;
	p0 =	seq.s32 s7, s2  }
0x1e: {  	s7 =	smul.u32 @!p0 $0xF7A, s2;
	p2 =	seq.s32 @!p0 s5, $0x0  }
0x1f: {  	s9 =	smul.u32 $0xF7A, s1;
	s8 =	simm.s32 @!p0 $0x1BF5;
	p2 =	por !p2, p0  }
0x20: {  	[sflag:s8] =	ssyncset.s32 @!p0 $0xFFFFF086;
	s6 =	sadd.s32 @!p0 s3, s7;
	s7 =	simm.s32 @!p0 $0x108  }
0x21: {  	s3 =	sadd.s32 s3, s9;
	s6 =	sadd.s32 @!p0 $0x88, s6;
	s7 =	simm.s32 @p2 $0x1082  }
0x22: {  	[simem:s7], [sflag:s8] =	dma.local @!p0 [hbm:s6], $0xF7A  }
0x23: {  	s9 =	sor.u32 $0xD0000000, s2;
	s6 =	simm.s32 $0x108;
	_ =	swait.ge @!p0 [sflag:s8], $0x0  }
0x24: {  	s3 =	sadd.s32 $0x88, s3;
	s6 =	simm.s32 @!p1 $0x1082;
	[sflag:s4] =	ssyncset.s32 $0xFFFFF086  }
0x25: {  	[simem:s6], [sflag:s4] =	dma.local [hbm:s3], $0xF7A  }
0x26: {  	[smem:$0x3F9D] =	sst s1;
	(tag) =	ssettag s2;
	_ =	strace s9  }
0x27: {  	s1 =	sld [smem:$0x3FAD]  }
0x28: {  	s2 =	sld [smem:$0x3FAE]  }
0x29: {  	s4 =	sld [smem:$0x3FB0]  }
0x2a: {  	p0 =	seq.s32 s5, $0x0;
	s5 =	sld [smem:$0x3FB1]  }
0x2b: {  	s6 =	sld [smem:$0x3FB2]  }
0x2c: {  	s7 =	sld [smem:$0x3FB3]  }
0x2d: {  	s3 =	simm.s32 $0x108;
	s8 =	sld [smem:$0x3FB4]  }
0x2e: {  	s3 =	simm.s32 @!p0 $0x1082;
	s9 =	sld [smem:$0x3FB5]  }
0x2f: {  	lr =	sadd.s32 s0, s3;
	s0 =	sld [smem:$0x3FAC]  }
0x30: {  	s3 =	sld [smem:$0x3FAF]  }
0x31: {  	[smem:$0x3FB8] =	sst s10  }
0x32: {  	s10 =	sld [smem:$0x3FB6];
	_ =	sdelay $0x3  }
0x33: {  	p0 =	seq.s32 s10, $0x1;
	s10 =	sld [smem:$0x3FB8];
	_ =	sdelay $0x3  }
0x34: {  	[smem:$0x3FB8] =	sst s10  }
0x35: {  	s10 =	sld [smem:$0x3FB7];
	_ =	sdelay $0x3  }
0x36: {  	p1 =	seq.s32 s10, $0x1;
	s10 =	sld [smem:$0x3FB8];
	_ =	sdelay $0x3  }
0x37: {  	[smem:$0x3FB8] =	sst s10  }
0x38: {  	s10 =	sld [smem:$0x3FB9]  }
0x39: {  	_ = 	snop;
	(pc) =	sbr.ind lr, $3  }
0x3a: {  	_ = 	snop  }
0x3b: {  	_ = 	snop  }
0x3c: {  	p2 =	seq.s32 s10, $0x1;
	s10 =	sld [smem:$0x3FB8]  }
0x3d: {  	_ =	shalt  }
0x3e: {  	_ =	shalt  }
0x3f: {  	_ =	shalt  }
0x40: {  	_ =	shalt  }
0x41: {  	_ =	shalt  }
0x42: {  	_ =	shalt  }
0x43: {  	_ =	shalt  }
0x44: {  	_ =	shalt  }
0x45: {  	_ =	shalt  }
0x46: {  	_ =	shalt  }
0x47: {  	_ =	shalt  }
0x48: {  	_ =	shalt  }
0x49: {  	_ =	shalt  }
0x4a: {  	_ =	shalt  }
0x4b: {  	_ =	shalt  }
0x4c: {  	_ =	shalt  }
0x4d: {  	_ =	shalt  }
0x4e: {  	_ =	shalt  }
0x4f: {  	_ =	shalt  }
0x50: {  	_ =	shalt  }
0x51: {  	_ =	shalt  }
0x52: {  	_ =	shalt  }
0x53: {  	_ =	shalt  }
0x54: {  	_ =	shalt  }
0x55: {  	_ =	shalt  }
0x56: {  	_ =	shalt  }
0x57: {  	_ =	shalt  }
0x58: {  	_ =	shalt  }
0x59: {  	_ =	shalt  }
0x5a: {  	_ =	shalt  }
0x5b: {  	_ =	shalt  }
0x5c: {  	_ =	shalt  }
0x5d: {  	_ =	shalt  }
0x5e: {  	_ =	shalt  }
0x5f: {  	_ =	shalt  }
0x60: {  	_ =	shalt  }
0x61: {  	_ =	shalt  }
0x62: {  	_ =	shalt  }
0x63: {  	_ =	shalt  }
0x64: {  	_ =	shalt  }
0x65: {  	_ =	shalt  }
0x66: {  	_ =	shalt  }
0x67: {  	_ =	shalt  }
0x68: {  	_ =	shalt  }
0x69: {  	_ =	shalt  }
0x6a: {  	_ =	shalt  }
0x6b: {  	_ =	shalt  }
0x6c: {  	_ =	shalt  }
0x6d: {  	_ =	shalt  }
0x6e: {  	_ =	shalt  }
0x6f: {  	_ =	shalt  }
0x70: {  	_ =	shalt  }
0x71: {  	_ =	shalt  }
0x72: {  	_ =	shalt  }
0x73: {  	_ =	shalt  }
0x74: {  	_ =	shalt  }
0x75: {  	_ =	shalt  }
0x76: {  	_ =	shalt  }
0x77: {  	_ =	shalt  }
0x78: {  	_ =	shalt  }
0x79: {  	_ =	shalt  }
0x7a: {  	_ =	shalt  }
0x7b: {  	_ =	shalt  }
0x7c: {  	_ =	shalt  }
0x7d: {  	_ =	shalt  }
0x7e: {  	_ =	shalt  }
0x7f: {  	_ =	shalt  }
0x80: {  	_ =	shalt  }
0x81: {  	_ =	shalt  }
0x82: {  	_ =	shalt  }
0x83: {  	_ =	shalt  }
0x84: {  	_ =	shalt  }
0x85: {  	_ =	shalt  }
0x86: {  	_ =	shalt  }
0x87: {  	_ =	shalt  }
.Lfunc_end0:
.L_simem_size_0:
called_computation_lowered:
.L_overlay_start_0:
0x88: {  	s0 =	sld [smem:$0x3FD9]  }
0x89: {  	s1 =	sld [smem:$0x3FFE];
	_ =	sdelay $0x3  }
0x8a: {  	s0 =	sadd.s32 s1, s0  }
0x8b: {  	[smem:$0x3FC4] =	sst s0  }
0x8c: {  	_ = 	snop  }
0x8d: {  	s0 =	sld [smem:$0x3FC7]  }
0x8e: {  	s16 =	sld [smem:$0x3FC6]  }
0x8f: {  	s2 =	sld [smem:$0x3FD0];
	(tm) =	ssettm $0x1  }
0x90: {  	s3 =	sld [smem:$0x3FFB];
	_ =	sdelay $0x3  }
0x91: {  	_ =	strace s3  }
0x92: {  	s3 =	sld [smem:$0x3FFC];
	_ =	sdelay $0x3  }
0x93: {  	_ =	strace s3  }
0x94: {  	s3 =	sld [smem:$0x3FFD];
	_ =	sdelay $0x3  }
0x95: {  	_ =	strace s3  }
0x96: {  	_ =	strace $0x8FFFFFFF  }
0x97: {  	s17 =	sld [smem:$0x3FDB];
	_ =	sdelay $0x1  }
0x98: {  	s4 =	simm.s32 $_scs_section_size  }
0x99: {  	s5 =	simm.s32 $_size__tile_overlayer_lowered;
	s6 =	simm.s32 $_tile_overlayer_lowered  }
0x9a: {  	s20 =	simm.s32 $0x1BFF;
	s19 =	sshll.u32 s6, $0x1;
	s3 =	sadd.s32 s4, s17  }
0x9b: {  	s7 =	simm.s32 $0x0;
	s18 =	sshll.u32 s5, $0x1;
	s5 =	sadd.s32 s19, s3  }
0x9c: {  	[timem:s7], [sflag:s20] =	dma.local [hbm:s5], s18  }
0x9d: {  	_ =	swait.ge [sflag:s20], s18  }
0x9e: {  	s4 =	ssub.s32 $0x0, s18;
	[sflag:s20] =	ssyncset.done $0x0  }
0x9f: {  	[sflag:s20] =	ssyncadd.s32 s4;
	_ =	sdelay $0x1  }
0xa0: {  	s21 =	simm.s32 $0x1B8B  }
0xa1: {  	_ =	swait.ge [sflag:s21], $0x1  }
0xa2: {  	[sflag:s21] =	ssyncset.done $0x0  }
0xa3: {  	s23 =	simm.s32 $0x1B8E;
	s22 =	sld [smem:$0x3FFE];
	[sflag:s21] =	ssyncadd.s32 $0xFFFFFFFF  }
0xa4: {  	s24 =	simm.s32 $execute0_lowered;
	[smem:$0x3FD2] =	sst s23  }
0xa5: {  	s5 =	sshll.u32 s24, $0x1;
	_ =	strace $0x80000046;
	[dreg:$0x1] =	wrdreg $0xFFFFFFFF  }
0xa6: {  	s25 =	simm.s32 $_size_execute0_lowered;
	s3 =	sadd.s32 s3, s5;
	[dreg:$0x0] =	wrdreg $0x0  }
0xa7: {  	s5 =	sshll.u32 s25, $0x1;
	[dreg:$0x2] =	wrdreg s3  }
0xa8: {  	[dreg:$0x3] =	wrdreg s5  }
0xa9: {  	[dreg:$0x4] =	wrdreg $0xC0  }
0xaa: {  	_ =	task [dreg:s7], $0x5FFFF  }
0xab: {  	[dreg:$0x1] =	wrdreg $0xFFFFFFFF  }
0xac: {  	[dreg:$0x0] =	wrdreg $0x60  }
0xad: {  	[dreg:$0x2] =	wrdreg s2  }
0xae: {  	[dreg:$0x3] =	wrdreg s22  }
0xaf: {  	[dreg:$0x4] =	wrdreg s0  }
0xb0: {  	[dreg:$0x5] =	wrdreg s16  }
0xb1: {  	[dreg:$0x6] =	wrdreg $0x9  }
0xb2: {  	_ =	task.clear_ibuf [dreg:s7], $0x7FFFF;
	_ =	strace $0x90000046  }
0xb3: {  	s26 =	simm.s32 $0x9;
	_ =	strace $0x80000048  }
0xb4: {  	_ =	swait.ge [sflag:s26], $0x1  }
0xb5: {  	[sflag:s26] =	ssyncadd.s32 $0xFFFFFFFF  }
0xb6: {  	_ =	strace $0x90000048  }
0xb7: {  	_ =	sfence  }
0xb8: {  	s28 =	sld [smem:$0x0];
	_ =	sdelay $0x1  }
0xb9: {  	s29 =	srdreg.scid  }
0xba: {  	s30 =	sshll.u32 s29, $0xD;
	s31 =	sshrl.u32 s29, $0x2  }
0xbb: {  	s1 =	sand.u32 $0x1, s29;
	s2 =	sand.u32 $0x4000, s30;
	s0 =	sadd.s32 s31, s28  }
0xbc: {  	s1 =	sor.u32 s2, s1;
	s0 =	sshll.u32 s0, $0x11  }
0xbd: {  	s0 =	sor.u32 s0, s1  }
0xbe: {  	s0 =	sadd.s32 $0x8F2B, s0  }
0xbf: {  	[sflag:s0] =	ssyncadd.remote.s32 $0x1  }
0xc0: {  	_ =	sfence.sel $0xFFFF  }
0xc1: {  	[dreg:$0x0] =	wrdreg $0xFFFFFFFF;
	(pc) =	sbr.abs _section_cstart, $3  }
0xc2: {  	[dreg:$0x1] =	wrdreg $0xFFFFFFFF  }
0xc3: {  	_ =	task.clear_ibuf [dreg:s7], $0x2FFFF;
	_ =	strace $0x9FFFFFFF  }
0xc4: {  	(tm) =	ssettm $0x7FFFFFFF  }
0xc5: {  	_ =	shalt  }
tec
execute0_lowered:
.L_overlay_start_1:
0x0: {  	(tag) =	ssettag $0x1  }
0x1: {  	s4 =	rddreg [dreg:$0x0];
	s0 =	stileid.u32  }
0x2: {  	s3 =	rddreg [dreg:$0x1];
	s1 =	sshrl.u32 s0, $0x3  }
0x3: {  	s5 =	rddreg [dreg:$0x2];
	s8 =	sshll.u32 s0, $0x7;
	s7 =	smul.u32 $0x1800, s1  }
0x4: {  	s6 =	rddreg [dreg:$0x3];
	s2 =	simm.s32 $0x0;
	s8 =	sand.u32 $0x380, s8  }
0x5: {  	s18 =	simm.s32 $0x80;
	s19 =	simm.s32 $0x400;
	s7 =	sor.u32 s8, s7  }
0x6: {  	s20 =	simm.s32 $0x1;
	[smem:$0x7FF] =	sst s2;
	s7 =	sshrl.u32 s7, $0x3  }
0x7: {  	s1 =	rddreg [dreg:$0x4];
	_ =	strace $0x80000047;
	s4 =	sadd.s32 s4, s7  }
0x8: {  	[tilespmem:s2], [sflag:$0x1] =	stream.strided.gather [hbm4b:s4+s18], $0x300, s19, s18, $0x38;
	[tilespmem:$0x6F00] =	vst v63  }
0x9: {  	_ =	swait.ge [sflag:s20], $0x300  }
0xa: {  	[sflag:s20] =	ssyncset.done $0x0  }
0xb: {  	s22 =	simm.s32 $0x6700;
	s21 =	sadd.s32 $0x1800, s3;
	[sflag:s20] =	ssyncadd.s32 $0xFFFFFD00  }
0xc: {  	[tilespmem:s22], [sflag:$0x1] =	stream.linear.gather [hbm4b:s21+s2], $0x100, $0x38;
	[tilespmem:$0x6F00] =	vst v63  }
0xd: {  	_ =	swait.ge [sflag:s20], $0x100  }
0xe: {  	[sflag:s20] =	ssyncset.done $0x0  }
0xf: {  	s24 =	simm.s32 $0x6800;
	s23 =	sadd.s32 $0x1600, s3;
	[sflag:s20] =	ssyncadd.s32 $0xFFFFFF00  }
0x10: {  	[tilespmem:s24], [sflag:$0x1] =	stream.linear.gather [hbm4b:s23+s2], $0x100, $0x38;
	[tilespmem:$0x6F00] =	vst v63  }
0x11: {  	_ =	swait.ge [sflag:s20], $0x100  }
0x12: {  	[sflag:s20] =	ssyncset.done $0x0  }
0x13: {  	s26 =	simm.s32 $0x6900;
	s25 =	sadd.s32 $0x1400, s3;
	[sflag:s20] =	ssyncadd.s32 $0xFFFFFF00  }
0x14: {  	[tilespmem:s26], [sflag:$0x1] =	stream.linear.gather [hbm4b:s25+s2], $0x100, $0x38;
	[tilespmem:$0x6F00] =	vst v63  }
0x15: {  	_ =	swait.ge [sflag:s20], $0x100  }
0x16: {  	[sflag:s20] =	ssyncset.done $0x0  }
0x17: {  	s28 =	simm.s32 $0x6D00;
	[sflag:s20] =	ssyncadd.s32 $0xFFFFFF00  }
0x18: {  	[tilespmem:s28], [sflag:$0x1] =	stream.linear.gather [hbm4b:s5+s2], $0x20, $0x38;
	[tilespmem:$0x6F00] =	vst v63  }
0x19: {  	_ =	swait.ge [sflag:s20], $0x20  }
0x1a: {  	[sflag:s20] =	ssyncset.done $0x0  }
0x1b: {  	s29 =	simm.s32 $0x6D80;
	[sflag:s20] =	ssyncadd.s32 $0xFFFFFFE0  }
0x1c: {  	[tilespmem:s29], [sflag:$0x1] =	stream.linear.gather [hbm4b:s6+s2], $0x20, $0x38;
	[tilespmem:$0x6F00] =	vst v63  }
0x1d: {  	_ =	swait.ge [sflag:s20], $0x20  }
0x1e: {  	[sflag:s20] =	ssyncset.done $0x0  }
0x1f: {  	[sflag:s20] =	ssyncadd.s32 $0xFFFFFFE0  }
0x20: {  	v0 =	vld [tilespmem:$0x6700]  }
0x21: {  	v1 =	vld [tilespmem:$0x6800]  }
0x22: {  	v2 =	vld [tilespmem:$0x6900]  }
0x23: {  	v3 =	vld [tilespmem:$0x6800]  }
0x24: {  	v4 =	vld [tilespmem:$0x6900]  }
0x25: {  	v5 =	vld [tilespmem:$0x6710]  }
0x26: {  	v6 =	vld [tilespmem:$0x6810]  }
0x27: {  	v7 =	vld [tilespmem:$0x6910]  }
0x28: {  	v8 =	vld [tilespmem:$0x6810]  }
0x29: {  	v9 =	vld [tilespmem:$0x6910]  }
0x2a: {  	v10 =	vld [tilespmem:$0x6720]  }
0x2b: {  	v11 =	vld [tilespmem:$0x6820]  }
0x2c: {  	v12 =	vld [tilespmem:$0x6920]  }
0x2d: {  	v13 =	vld [tilespmem:$0x6820]  }
0x2e: {  	v14 =	vld [tilespmem:$0x6920]  }
0x2f: {  	v16 =	vld [tilespmem:$0x6730]  }
0x30: {  	v17 =	vld [tilespmem:$0x6830]  }
0x31: {  	v47 =	vld [tilespmem:$0x6930]  }
0x32: {  	v19 =	vld [tilespmem:$0x6830]  }
0x33: {  	v49 =	vld [tilespmem:$0x6930]  }
0x34: {  	v50 =	vld [tilespmem:$0x6740]  }
0x35: {  	v21 =	vld [tilespmem:$0x6840]  }
0x36: {  	v52 =	vld [tilespmem:$0x6940]  }
0x37: {  	v53 =	vld [tilespmem:$0x6750]  }
0x38: {  	v23 =	vld [tilespmem:$0x6840]  }
0x39: {  	v55 =	vld [tilespmem:$0x6940];
	v0 =	vadd.f32 $9.999999740e-05, v0  }
0x3a: {  	v56 =	vld [tilespmem:$0x6760];
	v5 =	vadd.f32 $9.999999740e-05, v5  }
0x3b: {  	v25 =	vld [tilespmem:$0x6850];
	v48 =	vadd.f32 $9.999999740e-05, v10;
	v15 =	vadd.f32 v0, v0  }
0x3c: {  	v58 =	vld [tilespmem:$0x6770];
	v18 =	vadd.f32 v5, v5  }
0x3d: {  	v29 =	vld [tilespmem:$0x6860];
	v20 =	vadd.f32 v48, v48;
	v0 =	vmul.f32 v15, v0  }
0x3e: {  	v32 =	vld [tilespmem:$0x6960];
	v5 =	vmul.f32 v18, v5  }
0x3f: {  	v35 =	vld [tilespmem:$0x6790];
	(erf) = vrcp.f32 v0;
	v0 =	vmul.f32 v20, v48  }
0x40: {  	v37 =	vld [tilespmem:$0x6860];
	(erf) = vrcp.f32 v5  }
0x41: {  	v41 =	vld [tilespmem:$0x6960];
	v51 =	vadd.f32 $9.999999740e-05, v16;
	(erf) = vrcp.f32 v0  }
0x42: {  	v43 =	vld [tilespmem:$0x67A0];
	v54 =	vadd.f32 $9.999999740e-05, v50;
	v57 =	vadd.f32 $9.999999740e-05, v53  }
0x43: {  	v45 =	vld [tilespmem:$0x6870];
	v1 =	vmin.f32 v1, v2;
	v60 =	vmax.f32 v3, v4;
	v62 =	vadd.f32 $9.999999740e-05, v56  }
0x44: {  	v44 =	vmin.f32 v17, v47;
	v47 =	vmax.f32 v19, v49;
	v49 =	vld [tilespmem:$0x6970];
	[tilespmem:$0x6A00] =	vst v1;
	v22 =	vadd.f32 v51, v51  }
0x45: {  	v27 =	vmin.f32 v6, v7;
	v30 =	vmax.f32 v8, v9;
	v53 =	vld [tilespmem:$0x6870];
	[tilespmem:$0x6B00] =	vst v60;
	v24 =	vadd.f32 v54, v54  }
0x46: {  	v52 =	vmin.f32 v21, v52;
	v21 =	vld [tilespmem:$0x6880];
	[tilespmem:$0x6A10] =	vst v27;
	v59 =	vadd.f32 v57, v57;
	v5 =	vmul.f32 v22, v51  }
0x47: {  	v36 =	vmin.f32 v11, v12;
	v39 =	vmax.f32 v13, v14;
	[tilespmem:$0x6B10] =	vst v30;
	v60 =	vld [tilespmem:$0x6880];
	v0 =	vmul.f32 v24, v54  }
0x48: {  	[tilespmem:$0x6A20] =	vst v36;
	v28 =	vadd.f32 v62, v62;
	v2 =	vmul.f32 v59, v57;
	v22 =	vld [tilespmem:$0x6780];
	v26 =	vpop (erf);
	(erf) = vrcp.f32 v5  }
0x49: {  	[tilespmem:$0x6B20] =	vst v39;
	v57 =	vld [tilespmem:$0x6970];
	v61 =	vpop (erf);
	(erf) = vrcp.f32 v0  }
0x4a: {  	[tilespmem:$0x6A30] =	vst v44;
	v4 =	vmul.f32 v28, v62;
	v62 =	vld [tilespmem:$0x6980];
	v31 =	vpop (erf);
	(erf) = vrcp.f32 v2  }
0x4b: {  	[tilespmem:$0x6B30] =	vst v47;
	v24 =	vld [tilespmem:$0x6980]  }
0x4c: {  	v33 =	vadd.f32 $9.999999740e-05, v58;
	v55 =	vmax.f32 v23, v55;
	[tilespmem:$0x6A40] =	vst v52;
	v30 =	vld [tilespmem:$0x6990]  }
0x4d: {  	[tilespmem:$0x6B40] =	vst v55;
	v52 =	vld [tilespmem:$0x68B0];
	v28 =	vmax.f32 v37, v41;
	v3 =	vadd.f32 $9.999999740e-05, v22  }
0x4e: {  	v38 =	vadd.f32 v33, v33;
	[tilespmem:$0x6B60] =	vst v28;
	v20 =	vld [tilespmem:$0x6950];
	v36 =	vmax.f32 v53, v57  }
0x4f: {  	v51 =	vld [tilespmem:$0x67B0];
	v41 =	vmin.f32 v60, v62;
	[tilespmem:$0x6B70] =	vst v36;
	v46 =	vadd.f32 v3, v3  }
0x50: {  	v8 =	vmul.f32 v38, v33;
	[tilespmem:$0x6A80] =	vst v41;
	v44 =	vmax.f32 v21, v24;
	v5 =	vadd.f32 $9.999999740e-05, v35;
	v35 =	vld [tilespmem:$0x6990]  }
0x51: {  	[tilespmem:$0x6B80] =	vst v44;
	v26 =	vxor.u32 $0x80000000, v26;
	v0 =	vld [tilespmem:$0x6950];
	v3 =	vmul.f32 v46, v3;
	v40 =	vpop (erf);
	(erf) = vrcp.f32 v4  }
0x52: {  	[tilespmem:$0x6C00] =	vst v26;
	v26 =	vld [tilespmem:$0x6850];
	v63 =	vxor.u32 $0x80000000, v61;
	v54 =	vadd.f32 v5, v5;
	v48 =	vpop (erf);
	(erf) = vrcp.f32 v8  }
0x53: {  	v61 =	vmin.f32 v25, v20;
	v25 =	vmin.f32 v29, v32;
	v32 =	vld [tilespmem:$0x6890];
	[tilespmem:$0x6C10] =	vst v63;
	v56 =	vpop (erf);
	(erf) = vrcp.f32 v3  }
0x54: {  	[tilespmem:$0x6A50] =	vst v61;
	v5 =	vmul.f32 v54, v5;
	v54 =	vld [tilespmem:$0x69B0]  }
0x55: {  	v58 =	vadd.f32 $9.999999740e-05, v43;
	v47 =	vld [tilespmem:$0x68B0];
	v34 =	vxor.u32 $0x80000000, v31;
	[tilespmem:$0x6A60] =	vst v25  }
0x56: {  	v38 =	vld [tilespmem:$0x68A0];
	v22 =	vadd.f32 $9.999999740e-05, v51;
	[tilespmem:$0x6C20] =	vst v34;
	v34 =	vmin.f32 v45, v49  }
0x57: {  	v63 =	vadd.f32 v58, v58;
	v45 =	vld [tilespmem:$0x69A0];
	[tilespmem:$0x6A70] =	vst v34;
	v0 =	vmax.f32 v26, v0  }
0x58: {  	v27 =	vadd.f32 v22, v22;
	v26 =	vld [tilespmem:$0x6890];
	v51 =	vmax.f32 v32, v35;
	[tilespmem:$0x6B50] =	vst v0  }
0x59: {  	v49 =	vld [tilespmem:$0x69B0];
	[tilespmem:$0x6B90] =	vst v51;
	v60 =	vmax.f32 v52, v54;
	v3 =	vmul.f32 v63, v58  }
0x5a: {  	v33 =	vmul.f32 v27, v22;
	v42 =	vxor.u32 $0x80000000, v40;
	v40 =	vld [tilespmem:$0x69A0];
	[tilespmem:$0x6BB0] =	vst v60;
	v20 =	vpop (erf);
	(erf) = vrcp.f32 v5  }
0x5b: {  	[tilespmem:$0x6C30] =	vst v42;
	v50 =	vxor.u32 $0x80000000, v48;
	v42 =	vld [tilespmem:$0x68A0];
	v29 =	vpop (erf);
	(erf) = vrcp.f32 v3  }
0x5c: {  	[tilespmem:$0x6C40] =	vst v50;
	v59 =	vxor.u32 $0x80000000, v56;
	v37 =	vpop (erf);
	(erf) = vrcp.f32 v33  }
0x5d: {  	v48 =	vmin.f32 v26, v30;
	[tilespmem:$0x6C50] =	vst v59  }
0x5e: {  	[tilespmem:$0x6A90] =	vst v48;
	v59 =	vmin.f32 v47, v49  }
0x5f: {  	[tilespmem:$0x6AB0] =	vst v59;
	v55 =	vmin.f32 v38, v40  }
0x60: {  	[tilespmem:$0x6AA0] =	vst v55;
	v56 =	vmax.f32 v42, v45  }
0x61: {  	v17 =	vld [tilespmem:$0x6D00];
	[tilespmem:$0x6BA0] =	vst v56;
	v23 =	vxor.u32 $0x80000000, v20  }
0x62: {  	[tilespmem:$0x6C60] =	vst v23;
	v31 =	vxor.u32 $0x80000000, v29  }
0x63: {  	[tilespmem:$0x6C70] =	vst v31;
	v39 =	vxor.u32 $0x80000000, v37;
	v43 =	vpop (erf)  }
0x64: {  	v18 =	vld [tilespmem:$0x6D10];
	[tilespmem:$0x6C80] =	vst v39;
	v46 =	vxor.u32 $0x80000000, v43;
	v50 =	vpop (erf)  }
0x65: {  	[tilespmem:$0x6C90] =	vst v46;
	v53 =	vxor.u32 $0x80000000, v50;
	v57 =	vpop (erf)  }
0x66: {  	v61 =	vbroadcast v17, $0x0;
	[tilespmem:$0x6CA0] =	vst v53;
	v58 =	vxor.u32 $0x80000000, v57  }
0x67: {  	vm0 =	vcmask $0x300;
	vm11 =	vcmask $0x700;
	vm14 =	vcmask $0xB00;
	[tilespmem:$0x6CB0] =	vst v58  }
0x68: {  	vm6 =	vcmask $0xF00;
	vm1 =	veq.f32 v61, v17;
	vm9 =	vlt.f32 v61, v17;
	v62 =	vld.msk [tilespmem:$0x6D01 ss:$0x0], $0xffff  }
0x69: {  	vm10 =	vle.f32 v61, v18;
	v0 =	vimm.s32 $0x0;
	v63 =	vimm.s32 $0x1;
	v37 =	vld.msk [tilespmem:$0x6D02 ss:$0x0], $0xffff  }
0x6a: {  	v60 =	vbroadcast v18, $0x0;
	v12 =	vsel vm0, $0x0, v63;
	v13 =	vsel vm11, $0x0, v63;
	v40 =	vld.msk [tilespmem:$0x6D03 ss:$0x0], $0xffff  }
0x6b: {  	v15 =	vsel vm14, $0x0, v63;
	v16 =	vsel vm6, $0x0, v63;
	v36 =	vnsel vm1, $0x0, v12;
	v41 =	vld.msk [tilespmem:$0x6D04 ss:$0x0], $0xffff  }
0x6c: {  	vm6 =	vcmask $0x1B00;
	v21 =	vsel vm9, $0x1, v36;
	vm9 =	vcmask $0x1300;
	v47 =	vld.msk [tilespmem:$0x6D07 ss:$0x0], $0xffff  }
0x6d: {  	v10 =	vsel vm6, $0x0, v63;
	v38 =	vsel vm10, $0x1, v0;
	v14 =	vsel vm9, $0x0, v63;
	v52 =	vld.msk [tilespmem:$0x6D09 ss:$0x0], $0xffff  }
0x6e: {  	vm2 =	veq.f32 v62, v17;
	vm12 =	vlt.f32 v62, v17;
	vm13 =	vle.f32 v62, v18  }
0x6f: {  	vm15 =	veq.f32 v37, v17;
	vm4 =	vlt.f32 v37, v17;
	vm5 =	vle.f32 v37, v18  }
0x70: {  	v43 =	vld.msk [tilespmem:$0x6D05 ss:$0x0], $0xffff;
	vm7 =	veq.f32 v40, v17;
	vm8 =	vlt.f32 v40, v17;
	vm10 =	veq.f32 v41, v17  }
0x71: {  	v46 =	vld.msk [tilespmem:$0x6D06 ss:$0x0], $0xffff;
	vm11 =	vle.f32 v40, v18;
	vm14 =	vle.f32 v41, v18;
	vm9 =	veq.f32 v47, v17  }
0x72: {  	v49 =	vld.msk [tilespmem:$0x6D08 ss:$0x0], $0xffff;
	vm6 =	veq.f32 v52, v17;
	v39 =	vnsel vm2, $0x0, v13;
	v1 =	vsel vm13, $0x1, v0  }
0x73: {  	v42 =	vnsel vm15, $0x0, v15;
	v20 =	vsel vm5, $0x1, v0;
	v44 =	vnsel vm7, $0x0, v16  }
0x74: {  	v45 =	vnsel vm10, $0x0, v14;
	v22 =	vsel vm11, $0x1, v0;
	vm13 =	vcmask $0x1700  }
0x75: {  	vm15 =	veq.f32 v43, v17;
	v23 =	vsel vm14, $0x1, v0;
	vm5 =	vle.f32 v43, v18  }
0x76: {  	vm7 =	veq.f32 v46, v17;
	vm10 =	vle.f32 v46, v18;
	vm11 =	vlt.f32 v47, v17  }
0x77: {  	vm14 =	veq.f32 v49, v17;
	v24 =	vsel vm12, $0x1, v39;
	v19 =	vadd.s32 v38, v1  }
0x78: {  	v26 =	vsel vm4, $0x1, v42;
	v28 =	vsel vm8, $0x1, v44;
	vm12 =	vlt.f32 v41, v17  }
0x79: {  	v11 =	vsel vm13, $0x0, v63;
	vm4 =	vlt.f32 v43, v17;
	v25 =	vsel vm5, $0x1, v0  }
0x7a: {  	vm8 =	vlt.f32 v46, v17;
	v50 =	vnsel vm7, $0x0, v10;
	v1 =	vlaneseq.u32  }
0x7b: {  	v53 =	vld.msk [tilespmem:$0x6D0A ss:$0x0], $0xffff;
	v27 =	vsel vm10, $0x1, v0;
	vm13 =	vle.f32 v47, v18;
	vm5 =	vcmask $0x2700  }
0x7c: {  	vm7 =	vlt.f32 v52, v17;
	vm10 =	vle.f32 v52, v18;
	v29 =	vsel vm12, $0x1, v45  }
0x7d: {  	v48 =	vnsel vm15, $0x0, v11;
	v33 =	vsel vm8, $0x1, v50;
	v8 =	vshrl.u32 v1, $0x3  }
0x7e: {  	vm12 =	vcmask $0x2300;
	v30 =	vsel vm13, $0x1, v0;
	vm15 =	vlt.f32 v49, v17  }
0x7f: {  	v3 =	vsel vm5, $0x0, v63;
	vm8 =	vcmask $0x2B00;
	v34 =	vsel vm10, $0x1, v0  }
0x80: {  	vm13 =	vle.f32 v53, v18;
	vm5 =	vcmask $0x3300;
	v32 =	vsel vm4, $0x1, v48  }
0x81: {  	v55 =	vld.msk [tilespmem:$0x6D0B ss:$0x0], $0xffff;
	v51 =	vnsel vm9, $0x0, v8;
	v2 =	vsel vm12, $0x0, v63;
	vm4 =	vle.f32 v49, v18  }
0x82: {  	v56 =	vnsel vm6, $0x0, v3;
	vm9 =	veq.f32 v53, v17;
	v4 =	vsel vm8, $0x0, v63  }
0x83: {  	vm12 =	vcmask $0x2F00;
	v37 =	vsel vm13, $0x1, v0;
	v6 =	vsel vm5, $0x0, v63  }
0x84: {  	vm8 =	vcmask $0x3700;
	v35 =	vsel vm11, $0x1, v51;
	v54 =	vnsel vm14, $0x0, v2  }
0x85: {  	v31 =	vsel vm4, $0x1, v0;
	v40 =	vsel vm7, $0x1, v56;
	vm11 =	vlt.f32 v53, v17  }
0x86: {  	v42 =	vld.msk [tilespmem:$0x6D0C ss:$0x0], $0xffff;
	v57 =	vnsel vm9, $0x0, v4;
	vm14 =	veq.f32 v55, v17;
	v5 =	vsel vm12, $0x0, v63  }
0x87: {  	v46 =	vld.msk [tilespmem:$0x6D0E ss:$0x0], $0xffff;
	vm4 =	vle.f32 v55, v18;
	v7 =	vsel vm8, $0x0, v63;
	vm12 =	vcmask $0x3B00  }
0x88: {  	v47 =	vld.msk [tilespmem:$0x6D0F ss:$0x0], $0xffff;
	vm8 =	vlt.f32 v60, v17;
	v36 =	vsel vm15, $0x1, v54;
	v43 =	vsel vm11, $0x1, v57  }
0x89: {  	v45 =	vld.msk [tilespmem:$0x6D0D ss:$0x0], $0xffff;
	vm15 =	vlt.f32 v55, v17;
	v58 =	vnsel vm14, $0x0, v5;
	v38 =	vsel vm4, $0x1, v0  }
0x8a: {  	v9 =	vsel vm12, $0x0, v63;
	v54 =	vsel vm8, $0x1, v0;
	v39 =	vsel vm15, $0x1, v58  }
0x8b: {  	v61 =	vld.msk [tilespmem:$0x6D12 ss:$0x0], $0xffff;
	vm6 =	veq.f32 v42, v17;
	vm7 =	vlt.f32 v42, v17;
	vm10 =	vle.f32 v42, v18  }
0x8c: {  	vm14 =	veq.f32 v46, v17;
	vm15 =	vlt.f32 v46, v17;
	vm4 =	vle.f32 v46, v18  }
0x8d: {  	vm5 =	vlt.f32 v47, v17;
	v21 =	vadd.s32 v54, v21;
	v59 =	vnsel vm6, $0x0, v6  }
0x8e: {  	v49 =	vld.msk [tilespmem:$0x6D11 ss:$0x0], $0xffff;
	vm9 =	veq.f32 v45, v17;
	vm11 =	vlt.f32 v45, v17;
	v42 =	vsel vm10, $0x1, v0  }
0x8f: {  	vm13 =	vle.f32 v45, v18;
	v48 =	vnsel vm14, $0x0, v9;
	v50 =	vsel vm4, $0x1, v0  }
0x90: {  	vm6 =	vle.f32 v47, v18;
	v51 =	vsel vm5, $0x1, v0;
	vm14 =	vlt.f32 v61, v17  }
0x91: {  	v21 =	vadd.s32 v24, v21;
	v41 =	vsel vm7, $0x1, v59;
	v44 =	vnsel vm9, $0x0, v7  }
0x92: {  	v53 =	vld.msk [tilespmem:$0x6D13 ss:$0x0], $0xffff;
	v45 =	vsel vm13, $0x1, v0;
	v48 =	vsel vm15, $0x1, v48;
	v52 =	vsel vm6, $0x1, v0  }
0x93: {  	vm7 =	veq.f32 v60, v18;
	vm9 =	vlt.f32 v60, v18;
	vm10 =	veq.f32 v49, v18  }
0x94: {  	vm12 =	vlt.f32 v49, v18;
	vm13 =	veq.f32 v61, v18;
	vm15 =	vlt.f32 v61, v18  }
0x95: {  	v55 =	vld.msk [tilespmem:$0x6D14 ss:$0x0], $0xffff;
	v59 =	vsel vm14, $0x1, v0;
	v21 =	vadd.s32 v26, v21;
	v44 =	vsel vm11, $0x1, v44  }
0x96: {  	v57 =	vld.msk [tilespmem:$0x6D15 ss:$0x0], $0xffff;
	v62 =	vnsel vm7, $0x0, v12;
	vm11 =	vlt.f32 v49, v17;
	v63 =	vnsel vm10, $0x0, v13  }
0x97: {  	v58 =	vld.msk [tilespmem:$0x6D16 ss:$0x0], $0xffff;
	v60 =	vnsel vm13, $0x0, v15;
	vm4 =	veq.f32 v53, v18;
	vm1 =	vlt.f32 v53, v17  }
0x98: {  	vm2 =	vlt.f32 v53, v18;
	v21 =	vadd.s32 v28, v21;
	v46 =	vsel vm9, $0x1, v62  }
0x99: {  	v56 =	vsel vm11, $0x1, v0;
	v49 =	vsel vm12, $0x1, v63;
	v47 =	vsel vm15, $0x1, v60  }
0x9a: {  	v61 =	vnsel vm4, $0x0, v16;
	vm0 =	vlt.f32 v55, v17;
	vm7 =	vlt.f32 v55, v18  }
0x9b: {  	vm3 =	veq.f32 v55, v18;
	vm8 =	vlt.f32 v57, v17;
	vm10 =	vlt.f32 v57, v18  }
0x9c: {  	vm11 =	veq.f32 v57, v18;
	v21 =	vadd.s32 v29, v21;
	vm14 =	vlt.f32 v58, v17  }
0x9d: {  	vm9 =	vlt.f32 v58, v18;
	vm15 =	veq.f32 v58, v18;
	v58 =	vsel vm1, $0x1, v0  }
0x9e: {  	v60 =	vld.msk [tilespmem:$0x6D17 ss:$0x0], $0xffff;
	v53 =	vsel vm2, $0x1, v61;
	v61 =	vimm.s32 $0x0;
	v62 =	vnsel vm3, $0x0, v14  }
0x9f: {  	v55 =	vld.msk [tilespmem:$0x6D18 ss:$0x0], $0xffff;
	v28 =	vsel vm8, $0x1, v0;
	v21 =	vadd.s32 v32, v21;
	v19 =	vadd.s32 v46, v19  }
0xa0: {  	v57 =	vld.msk [tilespmem:$0x6D19 ss:$0x0], $0xffff;
	v54 =	vsel vm7, $0x1, v62;
	v21 =	vadd.s32 v33, v21;
	v19 =	vadd.s32 v20, v19  }
0xa1: {  	v62 =	vnsel vm15, $0x0, v10;
	v21 =	vadd.s32 v35, v21;
	v19 =	vadd.s32 v22, v19  }
0xa2: {  	v63 =	vld.msk [tilespmem:$0x6D1B ss:$0x0], $0xffff;
	v24 =	vsel vm9, $0x1, v62;
	v21 =	vadd.s32 v36, v21;
	v19 =	vadd.s32 v23, v19  }
0xa3: {  	vm12 =	vlt.f32 v60, v17;
	vm2 =	vlt.f32 v60, v18;
	vm13 =	veq.f32 v60, v18  }
0xa4: {  	v60 =	vsel vm0, $0x1, v0;
	vm5 =	vlt.f32 v55, v17;
	vm1 =	vlt.f32 v55, v18  }
0xa5: {  	vm6 =	veq.f32 v55, v18;
	vm4 =	vlt.f32 v57, v17;
	vm3 =	vlt.f32 v57, v18  }
0xa6: {  	v36 =	vadd.s32 v40, v21;
	v19 =	vadd.s32 v25, v19;
	v61 =	vsel vm5, $0xFFFFFFFF, v61  }
0xa7: {  	vm5 =	veq.f32 v57, v18;
	v57 =	vnsel vm11, $0x0, v11;
	vm11 =	vlt.f32 v63, v18  }
0xa8: {  	v55 =	vld.msk [tilespmem:$0x6D1A ss:$0x0], $0xffff;
	v32 =	vsel vm12, $0x1, v0;
	v20 =	vadd.s32 v43, v36;
	v40 =	vnsel vm6, $0x0, v2  }
0xa9: {  	v25 =	vsel vm4, $0x1, v0;
	v19 =	vadd.s32 v27, v19;
	v26 =	vsel vm10, $0x1, v57  }
0xaa: {  	vm10 =	vlt.f32 v63, v17;
	v22 =	vsel vm1, $0x1, v40;
	v46 =	vnsel vm5, $0x0, v3  }
0xab: {  	v19 =	vadd.s32 v30, v19;
	v20 =	vadd.s32 v39, v20;
	v27 =	vsel vm3, $0x1, v46  }
0xac: {  	v19 =	vadd.s32 v31, v19;
	v40 =	vsel vm10, $0x1, v0;
	v20 =	vadd.s32 v41, v20  }
0xad: {  	[tilespmem:$0x1FFD0] =	vst v61;
	v61 =	vld.msk [tilespmem:$0x6D1C ss:$0x0], $0xffff;
	v19 =	vadd.s32 v34, v19;
	v20 =	vadd.s32 v44, v20;
	vm7 =	vlt.f32 v55, v17  }
0xae: {  	vm8 =	vlt.f32 v55, v18;
	vm0 =	veq.f32 v55, v18;
	v55 =	vsel vm14, $0x1, v0  }
0xaf: {  	v43 =	vld [tilespmem:$0x1FFD0];
	vm14 =	veq.f32 v63, v18;
	v63 =	vnsel vm13, $0x0, v8;
	v19 =	vadd.s32 v37, v19  }
0xb0: {  	v20 =	vadd.s32 v48, v20;
	v21 =	vsel vm2, $0x1, v63;
	v57 =	vnsel vm0, $0x0, v4  }
0xb1: {  	v62 =	vnsel vm14, $0x0, v5;
	v19 =	vadd.s32 v38, v19;
	v20 =	vadd.s32 v51, v20  }
0xb2: {  	vm12 =	vlt.f32 v61, v17;
	vm9 =	vlt.f32 v61, v18;
	vm13 =	veq.f32 v61, v18  }
0xb3: {  	v63 =	vld.msk [tilespmem:$0x6D1D ss:$0x0], $0xffff;
	v61 =	vsel vm7, $0x1, v0;
	v29 =	vsel vm8, $0x1, v57;
	v31 =	vsel vm11, $0x1, v62  }
0xb4: {  	v19 =	vadd.s32 v42, v19;
	v20 =	vadd.s32 v56, v20;
	vm6 =	vnez.u8 v43  }
0xb5: {  	v51 =	vld.msk [tilespmem:$0x6D1E ss:$0x0], $0xffff;
	v43 =	vsel vm12, $0x1, v0;
	v46 =	vnsel vm13, $0x0, v6;
	v19 =	vadd.s32 v45, v19  }
0xb6: {  	v20 =	vadd.s32 v59, v20;
	v23 =	vsel vm6, $0x1, v0;
	v19 =	vadd.s32 v50, v19  }
0xb7: {  	v36 =	vsel vm9, $0x1, v46;
	v20 =	vadd.s32 v58, v20;
	v19 =	vadd.s32 v52, v19  }
0xb8: {  	v20 =	vadd.s32 v60, v20;
	vm8 =	vlt.f32 v63, v17;
	v19 =	vadd.s32 v49, v19  }
0xb9: {  	vm9 =	vlt.f32 v63, v18;
	vm10 =	veq.f32 v63, v18;
	v19 =	vadd.s32 v47, v19  }
0xba: {  	v20 =	vadd.s32 v28, v20;
	vm11 =	vlt.f32 v51, v17;
	v19 =	vadd.s32 v53, v19  }
0xbb: {  	vm12 =	vlt.f32 v51, v18;
	vm13 =	veq.f32 v51, v18;
	v19 =	vadd.s32 v54, v19  }
0xbc: {  	v50 =	vsel vm8, $0x1, v0;
	v20 =	vadd.s32 v55, v20;
	v19 =	vadd.s32 v26, v19  }
0xbd: {  	v33 =	vnsel vm10, $0x0, v7;
	v55 =	vld.msk [tilespmem:$0x6D1F ss:$0x0], $0xffff;
	v20 =	vadd.s32 v32, v20;
	v19 =	vadd.s32 v24, v19  }
0xbe: {  	v56 =	vnsel vm13, $0x0, v9;
	v20 =	vadd.s32 v23, v20;
	v19 =	vadd.s32 v21, v19  }
0xbf: {  	v33 =	vsel vm9, $0x1, v33;
	v20 =	vadd.s32 v25, v20;
	v19 =	vadd.s32 v22, v19  }
0xc0: {  	v54 =	vsel vm11, $0x1, v0;
	v20 =	vadd.s32 v61, v20;
	v19 =	vadd.s32 v27, v19  }
0xc1: {  	v21 =	vsel vm12, $0x1, v56;
	v20 =	vadd.s32 v40, v20;
	v19 =	vadd.s32 v29, v19  }
0xc2: {  	vm14 =	vlt.f32 v55, v17;
	v57 =	vadd.s32 v43, v20;
	v19 =	vadd.s32 v31, v19  }
0xc3: {  	vm15 =	vlt.f32 v55, v18;
	v17 =	vadd.s32 v50, v57;
	v19 =	vadd.s32 v36, v19  }
0xc4: {  	v58 =	vsel vm14, $0x1, v0;
	v17 =	vadd.s32 v54, v17;
	v59 =	vadd.s32 v33, v19  }
0xc5: {  	v60 =	vsel vm15, $0x1, v0;
	v17 =	vadd.s32 v58, v17;
	v18 =	vadd.s32 v21, v59  }
0xc6: {  	v18 =	vadd.s32 v60, v18;
	_ =	sdelay $0x2  }
0xc7: {  	s30 =	simm.s32 $0x6E00  }
0xc8: {  	[tilespmem:v17+s30+$0x0] =	vst.idx.msk $0xffff, v1;
	v17 =	vor.u32 $0x10, v1  }
0xc9: {  	[tilespmem:v18+s30+$0x0] =	vst.idx.msk $0xffff, v17  }
0xca: {  	v19 =	vld [tilespmem:$0x6D80]  }
0xcb: {  	v18 =	vld [tilespmem:$0x6D90]  }
0xcc: {  	v61 =	vld.msk [tilespmem:$0x6D81 ss:$0x0], $0xffff  }
0xcd: {  	v63 =	vld.msk [tilespmem:$0x6D82 ss:$0x0], $0xffff  }
0xce: {  	v36 =	vld.msk [tilespmem:$0x6D83 ss:$0x0], $0xffff;
	_ =	sdelay $0x1  }
0xcf: {  	v40 =	vld.msk [tilespmem:$0x6D85 ss:$0x0], $0xffff  }
0xd0: {  	v42 =	vld.msk [tilespmem:$0x6D86 ss:$0x0], $0xffff;
	v62 =	vbroadcast v19, $0x0;
	vm7 =	veq.f32 v61, v19  }
0xd1: {  	v44 =	vld.msk [tilespmem:$0x6D87 ss:$0x0], $0xffff;
	vm8 =	vlt.f32 v61, v19;
	vm9 =	vle.f32 v61, v18;
	vm10 =	veq.f32 v63, v19  }
0xd2: {  	vm11 =	vlt.f32 v63, v19;
	vm12 =	vle.f32 v63, v18;
	vm13 =	veq.f32 v36, v19  }
0xd3: {  	vm14 =	vlt.f32 v36, v19;
	vm15 =	vle.f32 v36, v18;
	v37 =	vnsel vm7, $0x0, v13  }
0xd4: {  	v20 =	vsel vm9, $0x1, v0;
	v39 =	vnsel vm10, $0x0, v15;
	v41 =	vnsel vm13, $0x0, v16  }
0xd5: {  	v48 =	vld.msk [tilespmem:$0x6D89 ss:$0x0], $0xffff;
	v22 =	vsel vm15, $0x1, v0;
	vm7 =	veq.f32 v40, v19;
	vm9 =	vle.f32 v40, v18  }
0xd6: {  	v50 =	vld.msk [tilespmem:$0x6D8A ss:$0x0], $0xffff;
	vm10 =	veq.f32 v42, v19;
	vm13 =	veq.f32 v44, v19;
	vm15 =	vle.f32 v44, v18  }
0xd7: {  	v52 =	vld.msk [tilespmem:$0x6D8B ss:$0x0], $0xffff;
	vm4 =	veq.f32 v62, v19;
	vm5 =	vlt.f32 v62, v19;
	vm6 =	vle.f32 v62, v18  }
0xd8: {  	v32 =	vsel vm8, $0x1, v37;
	v33 =	vsel vm11, $0x1, v39;
	v34 =	vsel vm14, $0x1, v41  }
0xd9: {  	v38 =	vld.msk [tilespmem:$0x6D84 ss:$0x0], $0xffff;
	vm8 =	vlt.f32 v40, v19;
	v45 =	vnsel vm7, $0x0, v11;
	v24 =	vsel vm9, $0x1, v0  }
0xda: {  	vm11 =	vlt.f32 v42, v19;
	v47 =	vnsel vm10, $0x0, v10;
	vm14 =	vlt.f32 v44, v19  }
0xdb: {  	v49 =	vnsel vm13, $0x0, v8;
	v26 =	vsel vm15, $0x1, v0;
	vm7 =	veq.f32 v48, v19  }
0xdc: {  	vm9 =	vle.f32 v48, v18;
	vm10 =	veq.f32 v50, v19;
	vm13 =	veq.f32 v52, v19  }
0xdd: {  	v56 =	vld.msk [tilespmem:$0x6D8D ss:$0x0], $0xffff;
	vm15 =	vle.f32 v52, v18;
	v35 =	vnsel vm4, $0x0, v12;
	v21 =	vsel vm6, $0x1, v0  }
0xde: {  	v58 =	vld.msk [tilespmem:$0x6D8E ss:$0x0], $0xffff;
	vm4 =	veq.f32 v38, v19;
	vm6 =	vle.f32 v38, v18;
	v36 =	vsel vm8, $0x1, v45  }
0xdf: {  	v37 =	vsel vm11, $0x1, v47;
	v39 =	vsel vm14, $0x1, v49;
	vm8 =	vlt.f32 v48, v19  }
0xe0: {  	v46 =	vld.msk [tilespmem:$0x6D88 ss:$0x0], $0xffff;
	v53 =	vnsel vm7, $0x0, v3;
	v28 =	vsel vm9, $0x1, v0;
	vm11 =	vlt.f32 v50, v19  }
0xe1: {  	v55 =	vnsel vm10, $0x0, v4;
	vm14 =	vlt.f32 v52, v19;
	v57 =	vnsel vm13, $0x0, v5  }
0xe2: {  	v30 =	vsel vm15, $0x1, v0;
	vm7 =	veq.f32 v56, v19;
	vm9 =	vle.f32 v56, v18  }
0xe3: {  	vm10 =	veq.f32 v58, v19;
	v31 =	vsel vm5, $0x1, v35;
	v20 =	vadd.s32 v21, v20  }
0xe4: {  	v21 =	vsel vm12, $0x1, v0;
	vm5 =	vlt.f32 v38, v19;
	v43 =	vnsel vm4, $0x0, v14  }
0xe5: {  	v54 =	vld.msk [tilespmem:$0x6D8C ss:$0x0], $0xffff;
	v23 =	vsel vm6, $0x1, v0;
	vm12 =	vle.f32 v42, v18;
	vm4 =	veq.f32 v46, v19  }
0xe6: {  	vm6 =	vle.f32 v46, v18;
	v45 =	vsel vm11, $0x1, v55;
	v61 =	vnsel vm7, $0x0, v7  }
0xe7: {  	vm11 =	vlt.f32 v58, v19;
	v63 =	vnsel vm10, $0x0, v9;
	v52 =	vsel vm9, $0x1, v0  }
0xe8: {  	v35 =	vsel vm5, $0x1, v43;
	v25 =	vsel vm12, $0x1, v0;
	vm5 =	vlt.f32 v46, v19  }
0xe9: {  	v60 =	vld.msk [tilespmem:$0x6D8F ss:$0x0], $0xffff;
	v51 =	vnsel vm4, $0x0, v2;
	v27 =	vsel vm6, $0x1, v0;
	v43 =	vsel vm8, $0x1, v53  }
0xea: {  	vm12 =	vle.f32 v50, v18;
	v46 =	vsel vm14, $0x1, v57;
	vm4 =	veq.f32 v54, v19  }
0xeb: {  	vm6 =	vle.f32 v54, v18;
	vm8 =	vlt.f32 v56, v19;
	v56 =	vbroadcast v18, $0x0  }
0xec: {  	v62 =	vld.msk [tilespmem:$0x6D91 ss:$0x0], $0xffff;
	v49 =	vsel vm11, $0x1, v63;
	v41 =	vsel vm5, $0x1, v51;
	v29 =	vsel vm12, $0x1, v0  }
0xed: {  	vm5 =	vlt.f32 v54, v19;
	v59 =	vnsel vm4, $0x0, v6;
	v47 =	vsel vm6, $0x1, v0  }
0xee: {  	v48 =	vsel vm8, $0x1, v61;
	vm12 =	vle.f32 v58, v18;
	vm6 =	vle.f32 v60, v18  }
0xef: {  	v40 =	vsel vm5, $0x1, v59;
	vm5 =	vlt.f32 v60, v19;
	vm1 =	vlt.f32 v56, v19  }
0xf0: {  	v57 =	vld.msk [tilespmem:$0x6D92 ss:$0x0], $0xffff;
	vm7 =	vlt.f32 v56, v18;
	vm8 =	veq.f32 v56, v18;
	v50 =	vsel vm12, $0x1, v0  }
0xf1: {  	v63 =	vld.msk [tilespmem:$0x6D96 ss:$0x0], $0xffff;
	vm9 =	vlt.f32 v62, v19;
	vm10 =	vlt.f32 v62, v18;
	vm12 =	veq.f32 v62, v18  }
0xf2: {  	v53 =	vld.msk [tilespmem:$0x6D97 ss:$0x0], $0xffff;
	v62 =	vimm.s32 $0x0;
	v51 =	vsel vm6, $0x1, v0;
	v61 =	vsel vm1, $0x1, v0  }
0xf3: {  	v58 =	vld.msk [tilespmem:$0x6D93 ss:$0x0], $0xffff;
	v42 =	vsel vm5, $0x1, v0;
	v12 =	vnsel vm8, $0x0, v12;
	v54 =	vsel vm9, $0x1, v0  }
0xf4: {  	v13 =	vnsel vm12, $0x0, v13;
	v31 =	vadd.s32 v61, v31;
	v12 =	vsel vm7, $0x1, v12  }
0xf5: {  	v13 =	vsel vm10, $0x1, v13;
	vm2 =	vlt.f32 v57, v19;
	vm3 =	vlt.f32 v57, v18  }
0xf6: {  	v59 =	vld.msk [tilespmem:$0x6D94 ss:$0x0], $0xffff;
	vm0 =	veq.f32 v57, v18;
	v31 =	vadd.s32 v32, v31;
	vm6 =	vlt.f32 v63, v19  }
0xf7: {  	v60 =	vld.msk [tilespmem:$0x6D95 ss:$0x0], $0xffff;
	vm9 =	vlt.f32 v63, v18;
	vm7 =	veq.f32 v63, v18;
	vm10 =	vlt.f32 v53, v19  }
0xf8: {  	vm12 =	veq.f32 v53, v18;
	v12 =	vadd.s32 v12, v20;
	vm11 =	vlt.f32 v58, v19  }
0xf9: {  	vm1 =	vlt.f32 v58, v18;
	vm13 =	veq.f32 v58, v18;
	v31 =	vadd.s32 v33, v31  }
0xfa: {  	v55 =	vld.msk [tilespmem:$0x6D98 ss:$0x0], $0xffff;
	v56 =	vsel vm2, $0x1, v0;
	v15 =	vnsel vm0, $0x0, v15;
	vm0 =	vlt.f32 v53, v18  }
0xfb: {  	v12 =	vadd.s32 v21, v12;
	v10 =	vnsel vm7, $0x0, v10;
	v8 =	vnsel vm12, $0x0, v8  }
0xfc: {  	vm4 =	vlt.f32 v59, v19;
	vm14 =	vlt.f32 v59, v18;
	vm15 =	vlt.f32 v60, v19  }
0xfd: {  	vm8 =	vlt.f32 v60, v18;
	vm5 =	veq.f32 v60, v18;
	v31 =	vadd.s32 v34, v31  }
0xfe: {  	v15 =	vsel vm3, $0x1, v15;
	v58 =	vsel vm11, $0x1, v0;
	v16 =	vnsel vm13, $0x0, v16  }
0xff: {  	v61 =	vld.msk [tilespmem:$0x6D9A ss:$0x0], $0xffff;
	vm11 =	vlt.f32 v55, v19;
	vm13 =	vlt.f32 v55, v18;
	v12 =	vadd.s32 v22, v12  }
0x100: {  	v10 =	vsel vm9, $0x1, v10;
	v8 =	vsel vm0, $0x1, v8;
	v38 =	vsel vm14, $0xFFFFFFFF, v62  }
0x101: {  	vm14 =	veq.f32 v59, v18;
	v31 =	vadd.s32 v35, v31;
	v16 =	vsel vm1, $0x1, v16  }
0x102: {  	v57 =	vld.msk [tilespmem:$0x6D99 ss:$0x0], $0xffff;
	v59 =	vimm.s32 $0x0;
	vm1 =	veq.f32 v55, v18;
	v60 =	vsel vm4, $0x1, v0  }
0x103: {  	v11 =	vnsel vm5, $0x0, v11;
	v12 =	vadd.s32 v23, v12;
	v31 =	vadd.s32 v36, v31  }
0x104: {  	v14 =	vnsel vm14, $0x0, v14;
	vm4 =	vlt.f32 v61, v18;
	vm5 =	veq.f32 v61, v18  }
0x105: {  	[tilespmem:$0x1FFE0] =	vst v38;
	v12 =	vadd.s32 v24, v12;
	v11 =	vsel vm8, $0x1, v11;
	v38 =	vsel vm6, $0x1, v0  }
0x106: {  	v2 =	vnsel vm1, $0x0, v2;
	v31 =	vadd.s32 v37, v31;
	v37 =	vsel vm13, $0xFFFFFFFF, v59  }
0x107: {  	v36 =	vld.msk [tilespmem:$0x6D9B ss:$0x0], $0xffff;
	vm13 =	vlt.f32 v57, v19;
	vm2 =	vlt.f32 v57, v18;
	vm3 =	veq.f32 v57, v18  }
0x108: {  	v63 =	vld [tilespmem:$0x1FFE0];
	v12 =	vadd.s32 v25, v12;
	v4 =	vnsel vm5, $0x0, v4;
	v31 =	vadd.s32 v39, v31  }
0x109: {  	v12 =	vadd.s32 v26, v12;
	v44 =	vsel vm13, $0x1, v0;
	v31 =	vadd.s32 v41, v31  }
0x10a: {  	v3 =	vnsel vm3, $0x0, v3;
	v12 =	vadd.s32 v27, v12;
	v31 =	vadd.s32 v43, v31  }
0x10b: {  	v39 =	vld.msk [tilespmem:$0x6D9C ss:$0x0], $0xffff;
	v3 =	vsel vm2, $0x1, v3;
	v12 =	vadd.s32 v28, v12;
	v62 =	vadd.s32 v45, v31  }
0x10c: {  	v31 =	vsel vm15, $0x1, v0;
	vm15 =	vlt.f32 v61, v19;
	vm6 =	vlt.f32 v36, v18  }
0x10d: {  	v41 =	vld.msk [tilespmem:$0x6D9D ss:$0x0], $0xffff;
	vm7 =	veq.f32 v36, v18;
	v12 =	vadd.s32 v29, v12;
	vm14 =	vnez.u8 v63  }
0x10e: {  	[tilespmem:$0x1FFF0] =	vst v37;
	v20 =	vadd.s32 v46, v62;
	v12 =	vadd.s32 v30, v12;
	v45 =	vsel vm15, $0x1, v0  }
0x10f: {  	v53 =	vld [tilespmem:$0x1FFF0];
	v55 =	vnsel vm7, $0x0, v5;
	v14 =	vsel vm14, $0x1, v14;
	v20 =	vadd.s32 v40, v20  }
0x110: {  	v43 =	vld.msk [tilespmem:$0x6D9E ss:$0x0], $0xffff;
	vm14 =	vlt.f32 v36, v19;
	v40 =	vsel vm10, $0x1, v0;
	vm12 =	vlt.f32 v39, v19  }
0x111: {  	vm9 =	vlt.f32 v39, v18;
	vm10 =	veq.f32 v39, v18;
	v12 =	vadd.s32 v47, v12  }
0x112: {  	v20 =	vadd.s32 v48, v20;
	vm0 =	vlt.f32 v41, v19;
	vm8 =	vlt.f32 v41, v18  }
0x113: {  	v12 =	vadd.s32 v52, v12;
	v47 =	vsel vm14, $0x1, v0;
	v48 =	vsel vm12, $0x1, v0  }
0x114: {  	vm15 =	vnez.u8 v53;
	v57 =	vnsel vm10, $0x0, v6;
	v20 =	vadd.s32 v49, v20  }
0x115: {  	v12 =	vadd.s32 v50, v12;
	vm14 =	vlt.f32 v43, v19;
	vm12 =	vlt.f32 v43, v18  }
0x116: {  	vm13 =	veq.f32 v43, v18;
	v50 =	vsel vm0, $0x1, v0;
	v20 =	vadd.s32 v42, v20  }
0x117: {  	v46 =	vld.msk [tilespmem:$0x6D9F ss:$0x0], $0xffff;
	v2 =	vsel vm15, $0x1, v2;
	v12 =	vadd.s32 v51, v12;
	v20 =	vadd.s32 v54, v20  }
0x118: {  	v42 =	vsel vm11, $0x1, v0;
	v12 =	vadd.s32 v13, v12;
	v20 =	vadd.s32 v56, v20  }
0x119: {  	vm11 =	veq.f32 v41, v18;
	v12 =	vadd.s32 v15, v12;
	v20 =	vadd.s32 v58, v20  }
0x11a: {  	v51 =	vsel vm14, $0x1, v0;
	v12 =	vadd.s32 v16, v12;
	v20 =	vadd.s32 v60, v20  }
0x11b: {  	v61 =	vnsel vm13, $0x0, v9;
	v12 =	vadd.s32 v14, v12;
	v20 =	vadd.s32 v31, v20  }
0x11c: {  	vm0 =	vlt.f32 v46, v19;
	v11 =	vadd.s32 v11, v12;
	v20 =	vadd.s32 v38, v20  }
0x11d: {  	vm14 =	vlt.f32 v46, v18;
	v10 =	vadd.s32 v10, v11;
	v20 =	vadd.s32 v40, v20  }
0x11e: {  	v54 =	vsel vm4, $0x1, v4;
	v8 =	vadd.s32 v8, v10;
	v20 =	vadd.s32 v42, v20  }
0x11f: {  	v59 =	vnsel vm11, $0x0, v7;
	v2 =	vadd.s32 v2, v8;
	v20 =	vadd.s32 v44, v20  }
0x120: {  	v4 =	vsel vm12, $0x1, v61;
	v2 =	vadd.s32 v3, v2;
	v49 =	vadd.s32 v45, v20  }
0x121: {  	v56 =	vsel vm6, $0x1, v55;
	v2 =	vadd.s32 v54, v2;
	v13 =	vadd.s32 v47, v49  }
0x122: {  	v58 =	vsel vm9, $0x1, v57;
	v2 =	vadd.s32 v56, v2;
	v13 =	vadd.s32 v48, v13  }
0x123: {  	v60 =	vsel vm8, $0x1, v59;
	v2 =	vadd.s32 v58, v2;
	v13 =	vadd.s32 v50, v13  }
0x124: {  	v62 =	vsel vm0, $0x1, v0;
	v2 =	vadd.s32 v60, v2;
	v52 =	vadd.s32 v51, v13  }
0x125: {  	v0 =	vsel vm14, $0x1, v0;
	v2 =	vadd.s32 v4, v2;
	v3 =	vadd.s32 v62, v52  }
0x126: {  	v0 =	vadd.s32 v0, v2;
	_ =	sdelay $0x2  }
0x127: {  	s31 =	simm.s32 $0x6E80  }
0x128: {  	[tilespmem:v3+s31+$0x0] =	vst.idx.msk $0xffff, v1  }
0x129: {  	v63 =	vimm.f32 $-3.000000010e+38;
	[tilespmem:v0+s31+$0x0] =	vst.idx.msk $0xffff, v17  }
0x12a: {  	[tilespmem:$0x2300] =	vst v63  }
0x12b: {  	[tilespmem:$0x2310] =	vst v63  }
0x12c: {  	[tilespmem:$0x2320] =	vst v63  }
0x12d: {  	[tilespmem:$0x2330] =	vst v63  }
0x12e: {  	[tilespmem:$0x2340] =	vst v63  }
0x12f: {  	[tilespmem:$0x2350] =	vst v63  }
0x130: {  	[tilespmem:$0x2360] =	vst v63  }
0x131: {  	s3 =	sadd.s32 $0x1A00, s3;
	[tilespmem:$0x2370] =	vst v63  }
.LBB2_1:
0x132: {  	s4 =	smul.u32 $0x6, s2;
	_ =	sdelay $0x1  }
0x133: {  	v0 =	vld.msk [tilespmem:s4+$0x6A00 ss:$0x0], $0xffff  }
0x134: {  	v1 =	vld.msk [tilespmem:s4+$0x6B00 ss:$0x0], $0xffff  }
0x135: {  	v2 =	vld.msk [tilespmem:s4+$0x6C00 ss:$0x0], $0xffff  }
0x136: {  	v3 =	vld.msk [tilespmem:s4+$0x6A01 ss:$0x0], $0xffff  }
0x137: {  	v4 =	vld.msk [tilespmem:s4+$0x6B01 ss:$0x0], $0xffff  }
0x138: {  	v5 =	vld.msk [tilespmem:s4+$0x6C01 ss:$0x0], $0xffff  }
0x139: {  	v6 =	vld.msk [tilespmem:s4+$0x6A02 ss:$0x0], $0xffff  }
0x13a: {  	v7 =	vld.msk [tilespmem:s4+$0x6B02 ss:$0x0], $0xffff  }
0x13b: {  	v8 =	vld.msk [tilespmem:s4+$0x6C02 ss:$0x0], $0xffff  }
0x13c: {  	v9 =	vld.msk [tilespmem:s4+$0x6A03 ss:$0x0], $0xffff  }
0x13d: {  	v10 =	vld.msk [tilespmem:s4+$0x6B03 ss:$0x0], $0xffff  }
0x13e: {  	v11 =	vld.msk [tilespmem:s4+$0x6C03 ss:$0x0], $0xffff  }
0x13f: {  	v12 =	vld.msk [tilespmem:s4+$0x6A04 ss:$0x0], $0xffff  }
0x140: {  	v13 =	vld.msk [tilespmem:s4+$0x6B04 ss:$0x0], $0xffff  }
0x141: {  	v14 =	vld.msk [tilespmem:s4+$0x6C04 ss:$0x0], $0xffff  }
0x142: {  	v15 =	vld.msk [tilespmem:s4+$0x6A05 ss:$0x0], $0xffff  }
0x143: {  	v16 =	vld.msk [tilespmem:s4+$0x6B05 ss:$0x0], $0xffff  }
0x144: {  	p0 =	por $0x1, $0x1;
	s6 =	simm.s32 $0x0;
	v17 =	vld.msk [tilespmem:s4+$0x6C05 ss:$0x0], $0xffff;
	s4 =	sshll.u32 s2, $0x3  }
.LBB2_2:
0x145: {  	s5 =	sshll.u32 s6, $0x4  }
0x146: {  	v18 =	vld [tilespmem:s5+$0x0]  }
0x147: {  	v19 =	vld [tilespmem:s5+$0x80]  }
0x148: {  	v22 =	vld [tilespmem:s5+$0x100]  }
0x149: {  	v25 =	vld [tilespmem:s5+$0x180]  }
0x14a: {  	s8 =	sor.u32 $0x1, s6;
	v26 =	vld [tilespmem:s5+$0x200]  }
0x14b: {  	v57 =	vld [tilespmem:s5+$0x280];
	s7 =	sshll.u32 s8, $0x4  }
0x14c: {  	v61 =	vld [tilespmem:s7+$0x0]  }
0x14d: {  	v32 =	vld [tilespmem:s7+$0x80];
	v20 =	vsub.f32 v0, v18  }
0x14e: {  	v37 =	vld [tilespmem:s7+$0x100];
	v18 =	vsub.f32 v18, v1;
	v23 =	vsub.f32 v3, v19  }
0x14f: {  	v40 =	vld [tilespmem:s7+$0x180];
	v19 =	vsub.f32 v19, v4;
	v24 =	vsub.f32 v6, v22  }
0x150: {  	v22 =	vsub.f32 v22, v7;
	v54 =	vsub.f32 v9, v25  }
0x151: {  	v25 =	vsub.f32 v25, v10;
	v27 =	vsub.f32 v12, v26  }
0x152: {  	v26 =	vsub.f32 v26, v13;
	v62 =	vsub.f32 v15, v57  }
0x153: {  	v28 =	vsub.f32 v0, v61;
	v38 =	vsub.f32 v3, v32  }
0x154: {  	v47 =	vld [tilespmem:s7+$0x280];
	v41 =	vsub.f32 v6, v37;
	v29 =	vsub.f32 v9, v40;
	v21 =	vmax.f32 v20, v18  }
0x155: {  	v18 =	vmin.f32 v20, v18;
	v52 =	vmax.f32 v23, v19;
	v19 =	vmin.f32 v23, v19  }
0x156: {  	v53 =	vmax.f32 v24, v22;
	v22 =	vmin.f32 v24, v22;
	v56 =	vmax.f32 v54, v25  }
0x157: {  	v59 =	vmin.f32 v54, v25;
	v60 =	vmax.f32 v27, v26;
	v24 =	vsub.f32 v61, v1  }
0x158: {  	v30 =	vmin.f32 v27, v26;
	v27 =	vsub.f32 v32, v4;
	v25 =	vsub.f32 v40, v10  }
0x159: {  	v54 =	vsub.f32 v15, v47;
	v21 =	vmax.f32 v21, $0.0e+00;
	v18 =	vmul.f32 v18, v18  }
0x15a: {  	v19 =	vmul.f32 v19, v19;
	v23 =	vmax.f32 v53, $0.0e+00;
	v22 =	vmul.f32 v22, v22  }
0x15b: {  	v21 =	vmul.f32 v21, v21;
	v23 =	vmul.f32 v23, v23;
	v35 =	vmax.f32 v28, v24  }
0x15c: {  	v24 =	vmin.f32 v28, v24;
	v39 =	vmax.f32 v38, v27;
	v43 =	vmax.f32 v29, v25  }
0x15d: {  	s10 =	sor.u32 $0x2, s6;
	v25 =	vmin.f32 v29, v25;
	v18 =	vmul.f32 v18, v2;
	v19 =	vmul.f32 v19, v5  }
0x15e: {  	s9 =	sshll.u32 s10, $0x4;
	v55 =	vmul.f32 v22, v8;
	v22 =	vmax.f32 v56, $0.0e+00;
	v36 =	vmax.f32 v35, $0.0e+00  }
0x15f: {  	v48 =	vld [tilespmem:s9+$0x0];
	v24 =	vmul.f32 v24, v24;
	v51 =	vmul.f32 v21, v2;
	v21 =	vmax.f32 v52, $0.0e+00  }
0x160: {  	v56 =	vld [tilespmem:s9+$0x80];
	v58 =	vmul.f32 v22, v22;
	v22 =	vmax.f32 v60, $0.0e+00;
	v21 =	vmul.f32 v21, v21  }
0x161: {  	v25 =	vmul.f32 v25, v25;
	v18 =	vadd.f32 $0.0e+00, v18;
	v22 =	vmul.f32 v22, v22  }
0x162: {  	v24 =	vmul.f32 v24, v2;
	v20 =	vadd.f32 $0.0e+00, v51;
	v21 =	vmul.f32 v21, v5  }
0x163: {  	v18 =	vadd.f32 v19, v18;
	v19 =	vmul.f32 v23, v8;
	v23 =	vsub.f32 v57, v16  }
0x164: {  	v49 =	vmul.f32 v25, v11;
	v24 =	vadd.f32 $0.0e+00, v24;
	v57 =	vsub.f32 v0, v48  }
0x165: {  	v32 =	vld [tilespmem:s9+$0x200];
	v22 =	vmul.f32 v22, v14;
	v60 =	vsub.f32 v3, v56;
	v20 =	vadd.f32 v21, v20  }
0x166: {  	v18 =	vadd.f32 v55, v18;
	v21 =	vmul.f32 v59, v59;
	v31 =	vmax.f32 v62, v23  }
0x167: {  	v23 =	vmin.f32 v62, v23;
	v55 =	vsub.f32 v47, v16;
	v26 =	vmax.f32 v31, $0.0e+00  }
0x168: {  	v59 =	vld [tilespmem:s9+$0x100];
	v19 =	vadd.f32 v19, v20;
	v20 =	vmul.f32 v58, v11;
	v63 =	vmul.f32 v21, v11  }
0x169: {  	v21 =	vmul.f32 v30, v30;
	v34 =	vmul.f32 v26, v26;
	v26 =	vmin.f32 v38, v27  }
0x16a: {  	v47 =	vsub.f32 v32, v13;
	v30 =	vld [tilespmem:s7+$0x200];
	v29 =	vmax.f32 v54, v55;
	v26 =	vmul.f32 v26, v26  }
0x16b: {  	v29 =	vmax.f32 v29, $0.0e+00;
	v19 =	vadd.f32 v20, v19;
	v33 =	vmul.f32 v21, v14  }
0x16c: {  	v18 =	vadd.f32 v63, v18;
	v21 =	vmul.f32 v36, v36;
	v29 =	vmul.f32 v29, v29  }
0x16d: {  	v26 =	vmul.f32 v26, v5;
	v36 =	vsub.f32 v6, v59;
	v19 =	vadd.f32 v22, v19  }
0x16e: {  	v31 =	vld [tilespmem:s9+$0x180];
	v20 =	vadd.f32 v33, v18;
	v18 =	vmul.f32 v34, v17;
	v22 =	vsub.f32 v37, v7  }
0x16f: {  	v21 =	vmul.f32 v21, v2;
	v24 =	vadd.f32 v26, v24;
	v45 =	vsub.f32 v12, v30  }
0x170: {  	v63 =	vmul.f32 v29, v17;
	v46 =	vsub.f32 v30, v13;
	v26 =	vsub.f32 v48, v1  }
0x171: {  	v30 =	vsub.f32 v59, v7;
	v18 =	vadd.f32 v18, v19;
	v19 =	vmul.f32 v23, v23  }
0x172: {  	v23 =	vmax.f32 v39, $0.0e+00;
	v21 =	vadd.f32 $0.0e+00, v21;
	v42 =	vmax.f32 v41, v22  }
0x173: {  	v22 =	vmin.f32 v41, v22;
	v39 =	vsub.f32 v9, v31;
	v31 =	vsub.f32 v31, v10  }
0x174: {  	s12 =	sor.u32 $0x3, s6;
	v23 =	vmul.f32 v23, v23;
	v27 =	vmax.f32 v42, $0.0e+00;
	v22 =	vmul.f32 v22, v22  }
0x175: {  	s11 =	sshll.u32 s12, $0x4;
	v50 =	vmax.f32 v45, v46;
	v53 =	vmin.f32 v45, v46;
	v58 =	vmax.f32 v57, v26  }
0x176: {  	v34 =	vld [tilespmem:s11+$0x180];
	v26 =	vmin.f32 v57, v26;
	v38 =	vmax.f32 v36, v30;
	v28 =	vmin.f32 v36, v30  }
0x177: {  	v46 =	vsub.f32 v12, v32;
	v27 =	vmul.f32 v27, v27;
	v19 =	vmul.f32 v19, v17  }
0x178: {  	v52 =	vmax.f32 v50, $0.0e+00;
	v25 =	vmax.f32 v58, $0.0e+00;
	v62 =	vmul.f32 v26, v26  }
0x179: {  	v28 =	vmul.f32 v28, v28;
	v42 =	vmax.f32 v39, v31;
	v23 =	vmul.f32 v23, v5  }
0x17a: {  	v45 =	vmin.f32 v39, v31;
	v22 =	vmul.f32 v22, v8;
	v61 =	vmul.f32 v25, v25  }
0x17b: {  	v50 =	vmax.f32 v46, v47;
	v36 =	vsub.f32 v9, v34;
	v34 =	vsub.f32 v34, v10  }
0x17c: {  	v44 =	vmul.f32 v27, v8;
	v19 =	vadd.f32 v19, v20;
	v27 =	vsub.f32 v56, v4  }
0x17d: {  	v58 =	vld [tilespmem:s11+$0x100];
	v25 =	vmul.f32 v62, v2;
	v21 =	vadd.f32 v23, v21;
	v23 =	vmax.f32 v43, $0.0e+00  }
0x17e: {  	v22 =	vadd.f32 v22, v24;
	v24 =	vmin.f32 v54, v55;
	v43 =	vmul.f32 v28, v8  }
0x17f: {  	v54 =	vmin.f32 v46, v47;
	v23 =	vmul.f32 v23, v23;
	v24 =	vmul.f32 v24, v24  }
0x180: {  	v35 =	vmax.f32 v60, v27;
	v27 =	vmin.f32 v60, v27;
	v25 =	vadd.f32 $0.0e+00, v25  }
0x181: {  	v21 =	vadd.f32 v44, v21;
	v22 =	vadd.f32 v49, v22;
	v29 =	vmax.f32 v35, $0.0e+00  }
0x182: {  	v27 =	vmul.f32 v27, v27;
	v49 =	vmul.f32 v45, v45;
	v35 =	vsub.f32 v6, v58  }
0x183: {  	v31 =	vsub.f32 v58, v7;
	v23 =	vmul.f32 v23, v11;
	v24 =	vmul.f32 v24, v17  }
0x184: {  	v44 =	vld [tilespmem:s11+$0x0];
	v37 =	vmul.f32 v29, v29;
	v29 =	vmax.f32 v38, $0.0e+00;
	v27 =	vmul.f32 v27, v5  }
0x185: {  	v40 =	vmul.f32 v29, v29;
	v39 =	vmax.f32 v35, v31;
	v31 =	vmin.f32 v35, v31  }
0x186: {  	v45 =	vld [tilespmem:s11+$0x280];
	v51 =	vadd.f32 v23, v21;
	v21 =	vmul.f32 v52, v52;
	v23 =	vmul.f32 v53, v53  }
0x187: {  	v52 =	vld [tilespmem:s11+$0x80];
	v31 =	vmul.f32 v31, v31;
	v41 =	vadd.f32 v27, v25;
	v26 =	vmul.f32 v40, v8  }
0x188: {  	v25 =	vmax.f32 v42, $0.0e+00;
	v21 =	vmul.f32 v21, v14;
	v23 =	vmul.f32 v23, v14  }
0x189: {  	v48 =	vmul.f32 v25, v25;
	v53 =	vsub.f32 v0, v44;
	v28 =	vsub.f32 v44, v1  }
0x18a: {  	v42 =	vld [tilespmem:s11+$0x200];
	v25 =	vmul.f32 v49, v11;
	v20 =	vadd.f32 v21, v51;
	v21 =	vmul.f32 v61, v2  }
0x18b: {  	v22 =	vadd.f32 v23, v22;
	v23 =	vmul.f32 v37, v5;
	v56 =	vmax.f32 v53, v28  }
0x18c: {  	v28 =	vmin.f32 v53, v28;
	v53 =	vsub.f32 v15, v45;
	v59 =	vsub.f32 v3, v52  }
0x18d: {  	v51 =	vld [tilespmem:s9+$0x280];
	v29 =	vsub.f32 v52, v4;
	v61 =	vmul.f32 v28, v28;
	v21 =	vadd.f32 $0.0e+00, v21  }
0x18e: {  	v20 =	vadd.f32 v63, v20;
	v22 =	vadd.f32 v24, v22;
	v24 =	vmul.f32 v48, v11  }
0x18f: {  	v49 =	vsub.f32 v12, v42;
	v33 =	vmax.f32 v59, v29;
	v29 =	vmin.f32 v59, v29  }
0x190: {  	v21 =	vadd.f32 v23, v21;
	v23 =	vadd.f32 v43, v41;
	v33 =	vmax.f32 v33, $0.0e+00  }
0x191: {  	v29 =	vmul.f32 v29, v29;
	v41 =	vmax.f32 v36, v34;
	v43 =	vmul.f32 v31, v8  }
0x192: {  	v57 =	vsub.f32 v15, v51;
	v27 =	vsub.f32 v51, v16;
	v33 =	vmul.f32 v33, v33  }
0x193: {  	v51 =	vmin.f32 v36, v34;
	v21 =	vadd.f32 v26, v21;
	v26 =	vmax.f32 v50, $0.0e+00  }
0x194: {  	v23 =	vadd.f32 v25, v23;
	v29 =	vmul.f32 v29, v5;
	v50 =	vsub.f32 v42, v13  }
0x195: {  	v31 =	vmul.f32 v51, v51;
	v26 =	vmul.f32 v26, v26;
	v62 =	vmax.f32 v57, v27  }
0x196: {  	v63 =	vmul.f32 v33, v5;
	v33 =	vmax.f32 v39, $0.0e+00;
	v46 =	vmin.f32 v57, v27  }
0x197: {  	v21 =	vadd.f32 v24, v21;
	v24 =	vmul.f32 v54, v54;
	v40 =	vmul.f32 v33, v33  }
0x198: {  	v28 =	vmax.f32 v62, $0.0e+00;
	v33 =	vmax.f32 v41, $0.0e+00;
	v31 =	vmul.f32 v31, v11  }
0x199: {  	v55 =	vmul.f32 v26, v14;
	v26 =	vmax.f32 v56, $0.0e+00;
	v44 =	vmul.f32 v33, v33  }
0x19a: {  	v52 =	vmax.f32 v49, v50;
	v47 =	vmul.f32 v28, v28;
	v60 =	vmul.f32 v26, v26  }
0x19b: {  	v33 =	vsub.f32 v45, v16;
	v24 =	vmul.f32 v24, v14;
	v26 =	vmul.f32 v61, v2  }
0x19c: {  	v28 =	vmax.f32 v52, $0.0e+00;
	v32 =	vmul.f32 v40, v8;
	v25 =	vmul.f32 v60, v2  }
0x19d: {  	v28 =	vmul.f32 v28, v28;
	v21 =	vadd.f32 v55, v21;
	v26 =	vadd.f32 $0.0e+00, v26  }
0x19e: {  	v48 =	vmul.f32 v44, v11;
	v27 =	vmul.f32 v47, v17;
	v25 =	vadd.f32 $0.0e+00, v25  }
0x19f: {  	v54 =	vmax.f32 v53, v33;
	v23 =	vadd.f32 v24, v23;
	v26 =	vadd.f32 v29, v26  }
0x1a0: {  	v24 =	vmul.f32 v46, v46;
	v29 =	vmin.f32 v49, v50;
	v25 =	vadd.f32 v63, v25  }
0x1a1: {  	s25 =	sor.u32 s4, s6;
	v30 =	vmax.f32 v54, $0.0e+00;
	v29 =	vmul.f32 v29, v29;
	v26 =	vadd.f32 v43, v26  }
0x1a2: {  	s6 =	sshll.u32 s25, $0x4;
	v28 =	vmul.f32 v28, v14;
	v25 =	vadd.f32 v32, v25;
	v32 =	vmin.f32 v53, v33  }
0x1a3: {  	s8 =	sor.u32 s4, s8;
	[tilespmem:s6+$0x1300] =	vst v19;
	v55 =	vmul.f32 v29, v14;
	v19 =	vadd.f32 v31, v26;
	v56 =	vmul.f32 v32, v32  }
0x1a4: {  	s26 =	sshll.u32 s8, $0x4;
	[tilespmem:s6+$0x300] =	vst v18;
	v30 =	vmul.f32 v30, v30;
	v24 =	vmul.f32 v24, v17;
	v25 =	vadd.f32 v48, v25  }
0x1a5: {  	s28 =	sor.u32 s4, s10;
	[tilespmem:s26+$0x300] =	vst v20;
	v21 =	vadd.f32 v27, v21;
	v19 =	vadd.f32 v55, v19;
	v59 =	vmul.f32 v56, v17  }
0x1a6: {  	s29 =	sshll.u32 s28, $0x4;
	[tilespmem:s26+$0x1300] =	vst v22;
	v57 =	vmul.f32 v30, v17;
	v58 =	vadd.f32 v24, v23;
	v25 =	vadd.f32 v28, v25  }
0x1a7: {  	s30 =	sor.u32 s4, s12;
	[tilespmem:s29+$0x300] =	vst v21;
	v19 =	vadd.f32 v59, v19  }
0x1a8: {  	s31 =	sshll.u32 s30, $0x4;
	v61 =	vld [tilespmem:s5+$0x2300];
	[tilespmem:s29+$0x1300] =	vst v58;
	v60 =	vadd.f32 v57, v25  }
0x1a9: {  	v62 =	vld [tilespmem:s7+$0x2300];
	[tilespmem:s31+$0x1300] =	vst v19  }
0x1aa: {  	v19 =	vld [tilespmem:s9+$0x2300];
	[tilespmem:s31+$0x300] =	vst v60  }
0x1ab: {  	v63 =	vld [tilespmem:s11+$0x2300]  }
0x1ac: {  	p1 =	por p0, p0  }
.Ltmp0:
0x1ad: {  	v18 =	vmax.f32 v61, v18;
	(pc) =	sbr.rel @p1 .LBB2_2-.Ltmp0, $4  }
0x1ae: {  	[tilespmem:s5+$0x2300] =	vst v18;
	v18 =	vmax.f32 v62, v20  }
0x1af: {  	[tilespmem:s7+$0x2300] =	vst v18;
	v18 =	vmax.f32 v19, v21  }
0x1b0: {  	[tilespmem:s9+$0x2300] =	vst v18;
	v18 =	vmax.f32 v63, v60  }
0x1b1: {  	p0 =	por $0x0, $0x0;
	s6 =	simm.s32 $0x4;
	[tilespmem:s11+$0x2300] =	vst v18  }
0x1b2: {  	s2 =	sadd.s32 $0x1, s2  }
0x1b3: {  	p0 =	sne.s32 s2, $0x20  }
.Ltmp1:
0x1b4: {  	_ = 	snop;
	(pc) =	sbr.rel @p0 .LBB2_1-.Ltmp1, $1  }
0x1b5: {  	_ =	sdelay $0x3  }
0x1b6: {  	s2 =	simm.s32 $0x0  }
.LBB2_5:
0x1b7: {  	s4 =	sshll.u32 s2, $0x3;
	p0 =	por $0x1, $0x1;
	s5 =	simm.s32 $0x0  }
.LBB2_6:
0x1b8: {  	s6 =	sshll.u32 s5, $0x4  }
0x1b9: {  	s7 =	sor.u32 $0x1, s5;
	s26 =	sor.u32 s4, s5;
	s6 =	sand.u32 $0x3FFFFFF0, s6  }
0x1ba: {  	s9 =	sor.u32 $0x2, s5;
	s10 =	sor.u32 $0x3, s5;
	s5 =	sshll.u32 s26, $0x4;
	v0 =	vld [tilespmem:s6+$0x2300]  }
0x1bb: {  	s8 =	sshll.u32 s7, $0x4;
	v4 =	vld [tilespmem:s5+$0x300]  }
0x1bc: {  	s23 =	sshll.u32 s9, $0x4;
	s22 =	sand.u32 $0x3FFFFFF0, s8;
	v5 =	vld [tilespmem:s5+$0x1300]  }
0x1bd: {  	s25 =	sshll.u32 s10, $0x4;
	s24 =	sand.u32 $0x3FFFFFF0, s23;
	v1 =	vld [tilespmem:s22+$0x2300]  }
0x1be: {  	s29 =	sor.u32 s4, s7;
	s28 =	sand.u32 $0x3FFFFFF0, s25;
	v2 =	vld [tilespmem:s24+$0x2300]  }
0x1bf: {  	s6 =	sshll.u32 s29, $0x4;
	v3 =	vld [tilespmem:s28+$0x2300]  }
0x1c0: {  	s30 =	sor.u32 s4, s9;
	v6 =	vld [tilespmem:s6+$0x300]  }
0x1c1: {  	s7 =	sshll.u32 s30, $0x4;
	v7 =	vld [tilespmem:s6+$0x1300]  }
0x1c2: {  	s31 =	sor.u32 s4, s10;
	v8 =	vld [tilespmem:s7+$0x300]  }
0x1c3: {  	s8 =	sshll.u32 s31, $0x4;
	v9 =	vld [tilespmem:s7+$0x1300];
	v4 =	vsub.f32 v4, v0  }
0x1c4: {  	v47 =	vld [tilespmem:s8+$0x300];
	v0 =	vsub.f32 v5, v0  }
0x1c5: {  	v10 =	vld [tilespmem:s8+$0x1300];
	v6 =	vsub.f32 v6, v1;
	v4 =	vmul.f32 $1.442695020e+00, v4  }
0x1c6: {  	v1 =	vsub.f32 v7, v1;
	v0 =	vmul.f32 $1.442695020e+00, v0  }
0x1c7: {  	v49 =	vsub.f32 v8, v2;
	v48 =	vmul.f32 $1.442695020e+00, v6;
	(erf) = vpow2.f32 v4  }
0x1c8: {  	v50 =	vsub.f32 v9, v2;
	v1 =	vmul.f32 $1.442695020e+00, v1;
	(erf) = vpow2.f32 v0  }
0x1c9: {  	v52 =	vsub.f32 v47, v3;
	v51 =	vmul.f32 $1.442695020e+00, v49;
	(erf) = vpow2.f32 v48  }
0x1ca: {  	v53 =	vsub.f32 v10, v3;
	v0 =	vmul.f32 $1.442695020e+00, v50;
	(erf) = vpow2.f32 v1  }
0x1cb: {  	v54 =	vmul.f32 $1.442695020e+00, v52;
	(erf) = vpow2.f32 v51  }
0x1cc: {  	v55 =	vmul.f32 $1.442695020e+00, v53;
	(erf) = vpow2.f32 v0  }
0x1cd: {  	(erf) = vpow2.f32 v54  }
0x1ce: {  	(erf) = vpow2.f32 v55;
	_ =	sdelay $0x1  }
0x1cf: {  	v56 =	vpop (erf)  }
0x1d0: {  	v57 =	vpop (erf);
	[tilespmem:s5+$0x300] =	vst v56  }
0x1d1: {  	[tilespmem:s5+$0x1300] =	vst v57;
	v58 =	vpop (erf)  }
0x1d2: {  	p1 =	por p0, p0;
	v59 =	vpop (erf);
	[tilespmem:s6+$0x300] =	vst v58  }
.Ltmp2:
0x1d3: {  	v60 =	vpop (erf);
	[tilespmem:s6+$0x1300] =	vst v59;
	(pc) =	sbr.rel @p1 .LBB2_6-.Ltmp2, $4  }
0x1d4: {  	v61 =	vpop (erf);
	[tilespmem:s7+$0x300] =	vst v60  }
0x1d5: {  	v62 =	vpop (erf);
	[tilespmem:s7+$0x1300] =	vst v61  }
0x1d6: {  	[tilespmem:s8+$0x300] =	vst v62;
	v63 =	vpop (erf)  }
0x1d7: {  	p0 =	por $0x0, $0x0;
	s5 =	simm.s32 $0x4;
	[tilespmem:s8+$0x1300] =	vst v63  }
0x1d8: {  	s2 =	sadd.s32 $0x1, s2  }
0x1d9: {  	p0 =	sne.s32 s2, $0x20  }
.Ltmp3:
0x1da: {  	_ = 	snop;
	(pc) =	sbr.rel @p0 .LBB2_5-.Ltmp3, $1  }
0x1db: {  	_ =	sdelay $0x3  }
0x1dc: {  	s2 =	simm.s32 $0x0;
	p0 =	por $0x1, $0x1;
	v0 =	vimm.f32 $0.0e+00  }
.LBB2_9:
0x1dd: {  	[tilespmem:s2+$0x3300] =	vst v0  }
0x1de: {  	[tilespmem:s2+$0x4300] =	vst v0  }
0x1df: {  	[tilespmem:s2+$0x5300] =	vst v0  }
0x1e0: {  	[tilespmem:s2+$0x6300] =	vst v0  }
0x1e1: {  	[tilespmem:s2+$0x3310] =	vst v0  }
0x1e2: {  	[tilespmem:s2+$0x4310] =	vst v0  }
0x1e3: {  	[tilespmem:s2+$0x5310] =	vst v0  }
0x1e4: {  	[tilespmem:s2+$0x6310] =	vst v0  }
0x1e5: {  	[tilespmem:s2+$0x3320] =	vst v0  }
0x1e6: {  	[tilespmem:s2+$0x4320] =	vst v0  }
0x1e7: {  	[tilespmem:s2+$0x5320] =	vst v0;
	p1 =	por p0, p0  }
.Ltmp4:
0x1e8: {  	[tilespmem:s2+$0x6320] =	vst v0;
	(pc) =	sbr.rel @p1 .LBB2_9-.Ltmp4, $4  }
0x1e9: {  	[tilespmem:s2+$0x3330] =	vst v0  }
0x1ea: {  	[tilespmem:s2+$0x4330] =	vst v0  }
0x1eb: {  	[tilespmem:s2+$0x5330] =	vst v0  }
0x1ec: {  	[tilespmem:s2+$0x6330] =	vst v0;
	s2 =	simm.s32 $0x40;
	p0 =	por $0x0, $0x0  }
0x1ed: {  	s2 =	simm.s32 $0x0  }
.LBB2_11:
0x1ee: {  	s4 =	ssub.s32 $0x6E1F, s2  }
0x1ef: {  	s30 =	ssub.s32 $0x6E9F, s2;
	v0 =	vld [tilespmem:s4+$0x0]  }
0x1f0: {  	v1 =	vld [tilespmem:s30+$0x0];
	_ =	sdelay $0x3  }
0x1f1: {  	(v2sf) =	vpush v0, $0x0  }
0x1f2: {  	(v2sf) =	vpush v1, $0x0;
	_ =	sdelay $0xc  }
0x1f3: {  	s5 =	sxor.u32 $0x1F, s2  }
0x1f4: {  	s31 =	sshll.u32 s2, $0x3;
	p0 =	por $0x1, $0x1;
	s7 =	spop (v2sf)  }
0x1f5: {  	s15 =	simm.s32 $0x0;
	s4 =	ssub.s32 $0xF0, s31;
	s8 =	spop (v2sf);
	v0 =	vld.msk [tilespmem:s7+$0x6D00 ss:$0x0], $0xffff  }
0x1f6: {  	s5 =	sshll.u32 s5, $0x3;
	s6 =	sshll.u32 s7, $0x3;
	s7 =	sshll.u32 s8, $0x3;
	v1 =	vld.msk [tilespmem:s8+$0x6D80 ss:$0x0], $0xffff  }
.LBB2_12:
0x1f7: {  	s8 =	sor.u32 s6, s15  }
0x1f8: {  	s8 =	sshll.u32 s8, $0x6  }
0x1f9: {  	s16 =	sor.u32 $0x1, s15;
	s9 =	sor.u32 s5, s15;
	s10 =	sshra.s32 s8, $0x2  }
0x1fa: {  	s11 =	sor.u32 s6, s16;
	s13 =	sor.u32 s5, s16;
	s8 =	sshll.u32 s9, $0x4;
	v2 =	vld [tilespmem:s10+$0x1300]  }
0x1fb: {  	s17 =	sor.u32 $0x2, s15;
	s12 =	sshll.u32 s11, $0x6;
	s9 =	sshll.u32 s13, $0x4;
	v3 =	vld [tilespmem:s8+$0x2380]  }
0x1fc: {  	s19 =	sor.u32 s5, s17;
	s11 =	sshra.s32 s12, $0x2;
	s12 =	sor.u32 s6, s17;
	v5 =	vld [tilespmem:s9+$0x2380]  }
0x1fd: {  	s18 =	sor.u32 $0x3, s15;
	s10 =	sshll.u32 s19, $0x4;
	v4 =	vld [tilespmem:s11+$0x1300];
	s14 =	sshll.u32 s12, $0x6  }
0x1fe: {  	s13 =	sor.u32 s6, s18;
	v7 =	vld [tilespmem:s10+$0x2380];
	s12 =	sshra.s32 s14, $0x2  }
0x1ff: {  	s20 =	sshll.u32 s13, $0x6;
	v6 =	vld [tilespmem:s12+$0x1300]  }
0x200: {  	s21 =	sor.u32 s5, s18;
	s11 =	sshra.s32 s20, $0x2  }
0x201: {  	s22 =	sor.u32 s4, s15;
	v8 =	vld [tilespmem:s11+$0x1300];
	s12 =	sshll.u32 s21, $0x4;
	v3 =	vadd.f32 v3, v2  }
0x202: {  	s11 =	sshll.u32 s22, $0x4;
	v9 =	vld [tilespmem:s12+$0x2380]  }
0x203: {  	s23 =	sor.u32 s4, s16;
	v5 =	vadd.f32 v5, v4;
	[tilespmem:s11+$0x2380] =	vst v3  }
0x204: {  	s13 =	sshll.u32 s23, $0x4;
	s14 =	sor.u32 s4, s17;
	v3 =	vadd.f32 v7, v6;
	v50 =	vld [tilespmem:s8+$0x3380]  }
0x205: {  	s14 =	sshll.u32 s14, $0x4;
	[tilespmem:s13+$0x2380] =	vst v5  }
0x206: {  	v52 =	vld [tilespmem:s9+$0x3380];
	[tilespmem:s14+$0x2380] =	vst v3  }
0x207: {  	s19 =	sor.u32 s4, s18;
	v2 =	vmul.f32 v2, v0;
	v51 =	vadd.f32 v9, v8;
	v3 =	vld [tilespmem:s10+$0x3380]  }
0x208: {  	s19 =	sshll.u32 s19, $0x4  }
0x209: {  	s24 =	sor.u32 s7, s15;
	v4 =	vmul.f32 v4, v0;
	[tilespmem:s19+$0x2380] =	vst v51;
	v2 =	vadd.f32 v50, v2  }
0x20a: {  	s15 =	sshll.u32 s24, $0x6;
	v6 =	vmul.f32 v6, v0;
	v5 =	vld [tilespmem:s12+$0x3380]  }
0x20b: {  	s16 =	sor.u32 s7, s16;
	s15 =	sshra.s32 s15, $0x2;
	v4 =	vadd.f32 v52, v4;
	[tilespmem:s11+$0x3380] =	vst v2  }
0x20c: {  	s16 =	sshll.u32 s16, $0x6;
	v2 =	vadd.f32 v3, v6;
	v3 =	vld [tilespmem:s15+$0x300]  }
0x20d: {  	s25 =	sshra.s32 s16, $0x2;
	s17 =	sor.u32 s7, s17;
	v53 =	vmul.f32 v8, v0;
	[tilespmem:s13+$0x3380] =	vst v4;
	v56 =	vld [tilespmem:s8+$0x4380]  }
0x20e: {  	s26 =	sshll.u32 s17, $0x6;
	v55 =	vld [tilespmem:s25+$0x300]  }
0x20f: {  	s28 =	sor.u32 s7, s18;
	s29 =	sshra.s32 s26, $0x2;
	v54 =	vadd.f32 v5, v53;
	v57 =	vld [tilespmem:s9+$0x4380];
	[tilespmem:s14+$0x3380] =	vst v2  }
0x210: {  	s30 =	sshll.u32 s28, $0x6;
	v2 =	vld [tilespmem:s29+$0x300]  }
0x211: {  	s31 =	sshra.s32 s30, $0x2;
	[tilespmem:s19+$0x3380] =	vst v54;
	v58 =	vld [tilespmem:s10+$0x4380]  }
0x212: {  	v4 =	vld [tilespmem:s31+$0x300]  }
0x213: {  	v59 =	vld [tilespmem:s12+$0x4380];
	_ =	sdelay $0x1  }
0x214: {  	v6 =	vadd.f32 v56, v3  }
0x215: {  	v7 =	vadd.f32 v57, v55  }
0x216: {  	[tilespmem:s11+$0x4380] =	vst v6;
	v60 =	vadd.f32 v58, v2  }
0x217: {  	v61 =	vld [tilespmem:s8+$0x5380];
	[tilespmem:s13+$0x4380] =	vst v7;
	v62 =	vadd.f32 v59, v4  }
0x218: {  	v63 =	vld [tilespmem:s9+$0x5380];
	[tilespmem:s14+$0x4380] =	vst v60  }
0x219: {  	v6 =	vld [tilespmem:s10+$0x5380];
	[tilespmem:s19+$0x4380] =	vst v62  }
0x21a: {  	v3 =	vmul.f32 v3, v1;
	v7 =	vld [tilespmem:s12+$0x5380]  }
0x21b: {  	v5 =	vmul.f32 v55, v1  }
0x21c: {  	p1 =	por p0, p0;
	v2 =	vmul.f32 v2, v1;
	v3 =	vadd.f32 v61, v3  }
.Ltmp5:
0x21d: {  	v4 =	vmul.f32 v4, v1;
	v5 =	vadd.f32 v63, v5;
	(pc) =	sbr.rel @p1 .LBB2_12-.Ltmp5, $4  }
0x21e: {  	[tilespmem:s11+$0x5380] =	vst v3;
	v2 =	vadd.f32 v6, v2  }
0x21f: {  	[tilespmem:s13+$0x5380] =	vst v5;
	v3 =	vadd.f32 v7, v4  }
0x220: {  	[tilespmem:s14+$0x5380] =	vst v2  }
0x221: {  	p0 =	por $0x0, $0x0;
	s15 =	simm.s32 $0x4;
	[tilespmem:s19+$0x5380] =	vst v3  }
0x222: {  	s2 =	sadd.s32 $0x1, s2  }
0x223: {  	p0 =	sne.s32 s2, $0x1F  }
.Ltmp6:
0x224: {  	_ = 	snop;
	(pc) =	sbr.rel @p0 .LBB2_11-.Ltmp6, $1  }
0x225: {  	_ =	sdelay $0x3  }
0x226: {  	v0 =	vld [tilespmem:$0x6E00]  }
0x227: {  	v1 =	vld [tilespmem:$0x6E80];
	_ =	sdelay $0x3  }
0x228: {  	(v2sf) =	vpush v0, $0x0  }
0x229: {  	(v2sf) =	vpush v1, $0x0;
	_ =	sdelay $0xd  }
0x22a: {  	s2 =	spop (v2sf)  }
0x22b: {  	p0 =	por $0x1, $0x1;
	s9 =	simm.s32 $0x0;
	s6 =	spop (v2sf);
	v0 =	vld.msk [tilespmem:s2+$0x6D00 ss:$0x0], $0xffff  }
0x22c: {  	v2 =	vimm.f32 $0.0e+00;
	s4 =	sshll.u32 s2, $0x3;
	s2 =	simm.s32 $0x0;
	s5 =	sshll.u32 s6, $0x3;
	v1 =	vld.msk [tilespmem:s6+$0x6D80 ss:$0x0], $0xffff  }
.LBB2_15:
0x22d: {  	s6 =	sor.u32 s4, s9  }
0x22e: {  	s20 =	sshll.u32 s9, $0x4;
	s6 =	sshll.u32 s6, $0x6  }
0x22f: {  	v4 =	vld [tilespmem:s20+$0x2380];
	s7 =	sshra.s32 s6, $0x2  }
0x230: {  	v3 =	vld [tilespmem:s7+$0x1300];
	_ =	sdelay $0x4  }
0x231: {  	v4 =	vadd.f32 v4, v3;
	_ =	sdelay $0x1  }
0x232: {  	(erf) = vrcp.f32 v4;
	_ =	sdelay $0x2  }
0x233: {  	v43 =	vld [tilespmem:s20+$0x3380];
	_ =	sdelay $0x2  }
0x234: {  	v3 =	vmul.f32 v3, v0;
	_ =	sdelay $0x1  }
0x235: {  	v3 =	vadd.f32 v43, v3  }
0x236: {  	v44 =	vpop (erf)  }
0x237: {  	s21 =	sor.u32 s5, s9;
	s8 =	sor.u32 $0x1, s9;
	v3 =	vmul.f32 v44, v3  }
0x238: {  	s10 =	sor.u32 s4, s8;
	v45 =	vld [tilespmem:s20+$0x4380];
	s23 =	sshll.u32 s8, $0x4;
	s7 =	sshll.u32 s21, $0x6  }
0x239: {  	s22 =	sshll.u32 s10, $0x6;
	v6 =	vld [tilespmem:s23+$0x2380];
	s7 =	sshra.s32 s7, $0x2;
	[tilespmem:s20+$0x6580] =	vst v3  }
0x23a: {  	s10 =	sshra.s32 s22, $0x2;
	v3 =	vld [tilespmem:s7+$0x300]  }
0x23b: {  	v5 =	vld [tilespmem:s10+$0x1300];
	_ =	sdelay $0x3  }
0x23c: {  	v4 =	vadd.f32 v45, v3  }
0x23d: {  	v6 =	vadd.f32 v6, v5  }
0x23e: {  	(erf) = vrcp.f32 v4  }
0x23f: {  	(erf) = vrcp.f32 v6;
	_ =	sdelay $0x2  }
0x240: {  	v46 =	vld [tilespmem:s23+$0x3380];
	_ =	sdelay $0x2  }
0x241: {  	v5 =	vmul.f32 v5, v0;
	_ =	sdelay $0x1  }
0x242: {  	v4 =	vadd.f32 v46, v5;
	v47 =	vpop (erf)  }
0x243: {  	v48 =	vpop (erf)  }
0x244: {  	s24 =	sor.u32 $0x2, s9;
	s8 =	sor.u32 s5, s8;
	v4 =	vmul.f32 v48, v4  }
0x245: {  	s11 =	sor.u32 s4, s24;
	s26 =	sshll.u32 s24, $0x4;
	s8 =	sshll.u32 s8, $0x6;
	v49 =	vld [tilespmem:s23+$0x4380]  }
0x246: {  	s25 =	sshll.u32 s11, $0x6;
	v8 =	vld [tilespmem:s26+$0x2380];
	s8 =	sshra.s32 s8, $0x2;
	[tilespmem:s23+$0x6580] =	vst v4  }
0x247: {  	s11 =	sshra.s32 s25, $0x2;
	v4 =	vld [tilespmem:s8+$0x300]  }
0x248: {  	v7 =	vld [tilespmem:s11+$0x1300];
	_ =	sdelay $0x3  }
0x249: {  	v5 =	vadd.f32 v49, v4  }
0x24a: {  	v8 =	vadd.f32 v8, v7  }
0x24b: {  	(erf) = vrcp.f32 v5  }
0x24c: {  	(erf) = vrcp.f32 v8;
	_ =	sdelay $0x2  }
0x24d: {  	v50 =	vld [tilespmem:s26+$0x3380];
	_ =	sdelay $0x2  }
0x24e: {  	v7 =	vmul.f32 v7, v0;
	_ =	sdelay $0x1  }
0x24f: {  	v5 =	vadd.f32 v50, v7;
	v51 =	vpop (erf)  }
0x250: {  	v52 =	vpop (erf)  }
0x251: {  	s28 =	sor.u32 $0x3, s9;
	s10 =	sor.u32 s5, s24;
	v5 =	vmul.f32 v52, v5  }
0x252: {  	s29 =	sor.u32 s4, s28;
	s31 =	sshll.u32 s28, $0x4;
	v53 =	vld [tilespmem:s26+$0x4380];
	s10 =	sshll.u32 s10, $0x6  }
0x253: {  	s30 =	sshll.u32 s29, $0x6;
	v10 =	vld [tilespmem:s31+$0x2380];
	s10 =	sshra.s32 s10, $0x2;
	[tilespmem:s26+$0x6580] =	vst v5  }
0x254: {  	v5 =	vld [tilespmem:s10+$0x300];
	s10 =	sshra.s32 s30, $0x2  }
0x255: {  	v9 =	vld [tilespmem:s10+$0x1300];
	_ =	sdelay $0x3  }
0x256: {  	v7 =	vadd.f32 v53, v5  }
0x257: {  	v10 =	vadd.f32 v10, v9  }
0x258: {  	(erf) = vrcp.f32 v7  }
0x259: {  	(erf) = vrcp.f32 v10;
	_ =	sdelay $0x2  }
0x25a: {  	v54 =	vld [tilespmem:s31+$0x3380];
	_ =	sdelay $0x2  }
0x25b: {  	v9 =	vmul.f32 v9, v0;
	_ =	sdelay $0x1  }
0x25c: {  	v56 =	vld [tilespmem:s20+$0x5380];
	v7 =	vadd.f32 v54, v9;
	v55 =	vpop (erf)  }
0x25d: {  	v11 =	vpop (erf)  }
0x25e: {  	s9 =	sor.u32 s5, s28;
	v7 =	vmul.f32 v11, v7  }
0x25f: {  	v57 =	vld [tilespmem:s23+$0x5380];
	s9 =	sshll.u32 s9, $0x6;
	v3 =	vmul.f32 v3, v1  }
0x260: {  	v58 =	vld [tilespmem:s31+$0x4380];
	s9 =	sshra.s32 s9, $0x2;
	[tilespmem:s31+$0x6580] =	vst v7  }
0x261: {  	[tilespmem:s20+$0x6380] =	vst v2;
	v3 =	vadd.f32 v56, v3;
	v7 =	vld [tilespmem:s9+$0x300]  }
0x262: {  	[tilespmem:s20+$0x6400] =	vst v2  }
0x263: {  	[tilespmem:s20+$0x6480] =	vst v2;
	v3 =	vmul.f32 v47, v3  }
0x264: {  	[tilespmem:s20+$0x6500] =	vst v2;
	v4 =	vmul.f32 v4, v1  }
0x265: {  	[tilespmem:s20+$0x6600] =	vst v3  }
0x266: {  	v3 =	vld [tilespmem:s26+$0x5380];
	[tilespmem:s23+$0x6380] =	vst v2;
	v4 =	vadd.f32 v57, v4;
	v59 =	vadd.f32 v58, v7  }
0x267: {  	[tilespmem:s23+$0x6400] =	vst v2  }
0x268: {  	[tilespmem:s23+$0x6480] =	vst v2;
	v4 =	vmul.f32 v51, v4;
	(erf) = vrcp.f32 v59  }
0x269: {  	[tilespmem:s23+$0x6500] =	vst v2;
	v60 =	vmul.f32 v5, v1  }
0x26a: {  	[tilespmem:s23+$0x6600] =	vst v4  }
0x26b: {  	v61 =	vld [tilespmem:s31+$0x5380];
	[tilespmem:s26+$0x6380] =	vst v2;
	v3 =	vadd.f32 v3, v60  }
0x26c: {  	[tilespmem:s26+$0x6400] =	vst v2  }
0x26d: {  	[tilespmem:s26+$0x6480] =	vst v2;
	v3 =	vmul.f32 v55, v3  }
0x26e: {  	[tilespmem:s26+$0x6500] =	vst v2;
	v62 =	vmul.f32 v7, v1  }
0x26f: {  	p1 =	por p0, p0;
	[tilespmem:s26+$0x6600] =	vst v3  }
.Ltmp7:
0x270: {  	[tilespmem:s31+$0x6380] =	vst v2;
	v3 =	vadd.f32 v61, v62;
	(pc) =	sbr.rel @p1 .LBB2_15-.Ltmp7, $4  }
0x271: {  	[tilespmem:s31+$0x6400] =	vst v2;
	v63 =	vpop (erf)  }
0x272: {  	[tilespmem:s31+$0x6480] =	vst v2;
	v3 =	vmul.f32 v63, v3  }
0x273: {  	[tilespmem:s31+$0x6500] =	vst v2  }
0x274: {  	p0 =	por $0x0, $0x0;
	s9 =	simm.s32 $0x4;
	[tilespmem:s31+$0x6600] =	vst v3  }
.LBB2_16:
0x275: {  	v0 =	vld [tilespmem:s2+$0x6E00]  }
0x276: {  	v1 =	vld [tilespmem:s2+$0x6E80];
	_ =	sdelay $0x3  }
0x277: {  	(v2sf) =	vpush v0, $0x0  }
0x278: {  	(v2sf) =	vpush v1, $0x0;
	_ =	sdelay $0xd  }
0x279: {  	s6 =	spop (v2sf)  }
0x27a: {  	s4 =	sshll.u32 s2, $0x3;
	s10 =	simm.s32 $0x0;
	s7 =	spop (v2sf);
	v0 =	vld.msk [tilespmem:s6+$0x6D00 ss:$0x0], $0xffff  }
0x27b: {  	p0 =	por $0x1, $0x1;
	s5 =	sshll.u32 s6, $0x3;
	s6 =	sshll.u32 s7, $0x3;
	v1 =	vld.msk [tilespmem:s7+$0x6D80 ss:$0x0], $0xffff  }
.LBB2_17:
0x27c: {  	s7 =	sor.u32 s5, s10  }
0x27d: {  	s7 =	sshll.u32 s7, $0x6  }
0x27e: {  	s7 =	sshra.s32 s7, $0x2  }
0x27f: {  	s19 =	sshll.u32 s10, $0x4;
	v2 =	vld [tilespmem:s7+$0x300]  }
0x280: {  	v4 =	vld [tilespmem:s19+$0x6400]  }
0x281: {  	v3 =	vld [tilespmem:s19+$0x6380];
	_ =	sdelay $0x2  }
0x282: {  	v5 =	vmul.f32 v2, v0  }
0x283: {  	v2 =	vadd.f32 v4, v2  }
0x284: {  	v3 =	vadd.f32 v5, v3  }
0x285: {  	s8 =	sor.u32 s4, s10;
	[tilespmem:s19+$0x6400] =	vst v2  }
0x286: {  	s8 =	sshll.u32 s8, $0x4;
	[tilespmem:s19+$0x6380] =	vst v3  }
0x287: {  	v20 =	vld [tilespmem:s8+$0x2380];
	_ =	sdelay $0x4  }
0x288: {  	v2 =	vadd.f32 v20, v2;
	_ =	sdelay $0x1  }
0x289: {  	(erf) = vrcp.f32 v2;
	_ =	sdelay $0x2  }
0x28a: {  	v2 =	vld [tilespmem:s8+$0x3380];
	_ =	sdelay $0x3  }
0x28b: {  	v21 =	vld [tilespmem:s19+$0x6580]  }
0x28c: {  	v2 =	vadd.f32 v2, v3  }
0x28d: {  	v3 =	vpop (erf)  }
0x28e: {  	v2 =	vmul.f32 v3, v2  }
0x28f: {  	s9 =	sor.u32 s6, s10;
	s12 =	sor.u32 $0x1, s10  }
0x290: {  	s9 =	sshll.u32 s9, $0x6;
	s11 =	sor.u32 s5, s12;
	v23 =	vld [tilespmem:s19+$0x6500];
	s21 =	sshll.u32 s12, $0x4;
	v2 =	vmin.f32 v21, v2  }
0x291: {  	s9 =	sshra.s32 s9, $0x2;
	s20 =	sshll.u32 s11, $0x6;
	v8 =	vld [tilespmem:s21+$0x6400];
	[tilespmem:s19+$0x6580] =	vst v2  }
0x292: {  	v2 =	vld [tilespmem:s9+$0x1300];
	s9 =	sshra.s32 s20, $0x2  }
0x293: {  	v22 =	vld [tilespmem:s9+$0x300]  }
0x294: {  	v3 =	vld [tilespmem:s19+$0x6480]  }
0x295: {  	v6 =	vld [tilespmem:s21+$0x6380];
	_ =	sdelay $0x1  }
0x296: {  	v7 =	vmul.f32 v2, v1;
	v2 =	vadd.f32 v23, v2  }
0x297: {  	v24 =	vmul.f32 v22, v0;
	v4 =	vadd.f32 v8, v22  }
0x298: {  	v3 =	vadd.f32 v7, v3;
	[tilespmem:s19+$0x6500] =	vst v2  }
0x299: {  	v25 =	vadd.f32 v24, v6;
	[tilespmem:s21+$0x6400] =	vst v4  }
0x29a: {  	s22 =	sor.u32 s4, s12;
	[tilespmem:s19+$0x6480] =	vst v3  }
0x29b: {  	s11 =	sshll.u32 s22, $0x4;
	[tilespmem:s21+$0x6380] =	vst v25;
	v26 =	vld [tilespmem:s8+$0x4380]  }
0x29c: {  	v27 =	vld [tilespmem:s11+$0x2380];
	_ =	sdelay $0x3  }
0x29d: {  	v2 =	vadd.f32 v26, v2  }
0x29e: {  	v4 =	vadd.f32 v27, v4  }
0x29f: {  	(erf) = vrcp.f32 v2  }
0x2a0: {  	(erf) = vrcp.f32 v4;
	_ =	sdelay $0x2  }
0x2a1: {  	v2 =	vld [tilespmem:s11+$0x3380];
	_ =	sdelay $0x3  }
0x2a2: {  	v28 =	vld [tilespmem:s21+$0x6580]  }
0x2a3: {  	v2 =	vadd.f32 v2, v25;
	v29 =	vpop (erf)  }
0x2a4: {  	v30 =	vpop (erf)  }
0x2a5: {  	v2 =	vmul.f32 v30, v2  }
0x2a6: {  	s14 =	sor.u32 $0x2, s10;
	s12 =	sor.u32 s6, s12  }
0x2a7: {  	s13 =	sor.u32 s5, s14;
	s24 =	sshll.u32 s14, $0x4;
	s12 =	sshll.u32 s12, $0x6;
	v33 =	vld [tilespmem:s21+$0x6500];
	v2 =	vmin.f32 v28, v2  }
0x2a8: {  	s23 =	sshll.u32 s13, $0x6;
	v10 =	vld [tilespmem:s24+$0x6400];
	s12 =	sshra.s32 s12, $0x2;
	[tilespmem:s21+$0x6580] =	vst v2  }
0x2a9: {  	v2 =	vld [tilespmem:s12+$0x1300];
	s12 =	sshra.s32 s23, $0x2  }
0x2aa: {  	v32 =	vld [tilespmem:s12+$0x300]  }
0x2ab: {  	v31 =	vld [tilespmem:s21+$0x6480]  }
0x2ac: {  	v34 =	vld [tilespmem:s24+$0x6380];
	_ =	sdelay $0x1  }
0x2ad: {  	v9 =	vmul.f32 v2, v1;
	v2 =	vadd.f32 v33, v2  }
0x2ae: {  	v35 =	vmul.f32 v32, v0;
	v5 =	vadd.f32 v10, v32  }
0x2af: {  	v4 =	vadd.f32 v9, v31;
	[tilespmem:s21+$0x6500] =	vst v2  }
0x2b0: {  	v36 =	vadd.f32 v35, v34;
	[tilespmem:s24+$0x6400] =	vst v5  }
0x2b1: {  	s25 =	sor.u32 s4, s14;
	[tilespmem:s21+$0x6480] =	vst v4  }
0x2b2: {  	s13 =	sshll.u32 s25, $0x4;
	[tilespmem:s24+$0x6380] =	vst v36;
	v37 =	vld [tilespmem:s11+$0x4380]  }
0x2b3: {  	v38 =	vld [tilespmem:s13+$0x2380];
	_ =	sdelay $0x3  }
0x2b4: {  	v2 =	vadd.f32 v37, v2  }
0x2b5: {  	v5 =	vadd.f32 v38, v5  }
0x2b6: {  	(erf) = vrcp.f32 v2  }
0x2b7: {  	(erf) = vrcp.f32 v5;
	_ =	sdelay $0x2  }
0x2b8: {  	v2 =	vld [tilespmem:s13+$0x3380];
	_ =	sdelay $0x3  }
0x2b9: {  	v39 =	vld [tilespmem:s24+$0x6580]  }
0x2ba: {  	s15 =	sor.u32 $0x3, s10;
	v2 =	vadd.f32 v2, v36;
	v40 =	vpop (erf)  }
0x2bb: {  	s28 =	sor.u32 s5, s15;
	v41 =	vpop (erf)  }
0x2bc: {  	s29 =	sshll.u32 s28, $0x6;
	v2 =	vmul.f32 v41, v2  }
0x2bd: {  	s14 =	sor.u32 s6, s14;
	s10 =	sshra.s32 s29, $0x2  }
0x2be: {  	s30 =	sshll.u32 s15, $0x4;
	s14 =	sshll.u32 s14, $0x6;
	v43 =	vld [tilespmem:s10+$0x300];
	v2 =	vmin.f32 v39, v2  }
0x2bf: {  	v45 =	vld [tilespmem:s30+$0x6380];
	s26 =	sshra.s32 s14, $0x2;
	[tilespmem:s24+$0x6580] =	vst v2  }
0x2c0: {  	v2 =	vld [tilespmem:s26+$0x1300]  }
0x2c1: {  	v44 =	vld [tilespmem:s24+$0x6500]  }
0x2c2: {  	v42 =	vld [tilespmem:s24+$0x6480]  }
0x2c3: {  	v12 =	vld [tilespmem:s30+$0x6400];
	v46 =	vmul.f32 v43, v0;
	_ =	sdelay $0x1  }
0x2c4: {  	v47 =	vadd.f32 v46, v45;
	v11 =	vmul.f32 v2, v1  }
0x2c5: {  	v2 =	vadd.f32 v44, v2  }
0x2c6: {  	[tilespmem:s30+$0x6380] =	vst v47;
	v5 =	vadd.f32 v11, v42  }
0x2c7: {  	v7 =	vadd.f32 v12, v43;
	[tilespmem:s24+$0x6500] =	vst v2  }
0x2c8: {  	s31 =	sor.u32 s4, s15;
	[tilespmem:s24+$0x6480] =	vst v5  }
0x2c9: {  	s14 =	sshll.u32 s31, $0x4;
	[tilespmem:s30+$0x6400] =	vst v7;
	v48 =	vld [tilespmem:s13+$0x4380]  }
0x2ca: {  	v49 =	vld [tilespmem:s14+$0x2380];
	_ =	sdelay $0x3  }
0x2cb: {  	v2 =	vadd.f32 v48, v2  }
0x2cc: {  	v7 =	vadd.f32 v49, v7  }
0x2cd: {  	(erf) = vrcp.f32 v2  }
0x2ce: {  	(erf) = vrcp.f32 v7;
	_ =	sdelay $0x2  }
0x2cf: {  	v2 =	vld [tilespmem:s14+$0x3380];
	_ =	sdelay $0x3  }
0x2d0: {  	v50 =	vld [tilespmem:s30+$0x6580]  }
0x2d1: {  	v2 =	vadd.f32 v2, v47;
	v51 =	vpop (erf)  }
0x2d2: {  	v52 =	vpop (erf)  }
0x2d3: {  	v2 =	vmul.f32 v52, v2  }
0x2d4: {  	s15 =	sor.u32 s6, s15  }
0x2d5: {  	s15 =	sshll.u32 s15, $0x6;
	v2 =	vmin.f32 v50, v2  }
0x2d6: {  	s15 =	sshra.s32 s15, $0x2;
	[tilespmem:s30+$0x6580] =	vst v2  }
0x2d7: {  	v2 =	vld [tilespmem:s15+$0x1300]  }
0x2d8: {  	v54 =	vld [tilespmem:s30+$0x6500]  }
0x2d9: {  	v53 =	vld [tilespmem:s30+$0x6480];
	_ =	sdelay $0x2  }
0x2da: {  	v55 =	vmul.f32 v2, v1  }
0x2db: {  	v2 =	vadd.f32 v54, v2  }
0x2dc: {  	v7 =	vadd.f32 v55, v53  }
0x2dd: {  	[tilespmem:s30+$0x6500] =	vst v2  }
0x2de: {  	[tilespmem:s30+$0x6480] =	vst v7  }
0x2df: {  	v56 =	vld [tilespmem:s14+$0x4380];
	_ =	sdelay $0x4  }
0x2e0: {  	v2 =	vadd.f32 v56, v2;
	_ =	sdelay $0x1  }
0x2e1: {  	v57 =	vld [tilespmem:s8+$0x5380];
	(erf) = vrcp.f32 v2  }
0x2e2: {  	v2 =	vld [tilespmem:s11+$0x5380]  }
0x2e3: {  	v58 =	vld [tilespmem:s13+$0x5380]  }
0x2e4: {  	v59 =	vld [tilespmem:s14+$0x5380]  }
0x2e5: {  	v13 =	vld [tilespmem:s19+$0x6600]  }
0x2e6: {  	v60 =	vld [tilespmem:s21+$0x6600];
	v3 =	vadd.f32 v57, v3  }
0x2e7: {  	v61 =	vld [tilespmem:s24+$0x6600];
	v2 =	vadd.f32 v2, v4  }
0x2e8: {  	v62 =	vld [tilespmem:s30+$0x6600];
	v3 =	vmul.f32 v29, v3;
	v5 =	vadd.f32 v58, v5  }
0x2e9: {  	p1 =	por p0, p0;
	v7 =	vadd.f32 v59, v7;
	v2 =	vmul.f32 v40, v2  }
.Ltmp8:
0x2ea: {  	v3 =	vmax.f32 v13, v3;
	v5 =	vmul.f32 v51, v5;
	v63 =	vpop (erf);
	(pc) =	sbr.rel @p1 .LBB2_17-.Ltmp8, $4  }
0x2eb: {  	[tilespmem:s19+$0x6600] =	vst v3;
	v2 =	vmax.f32 v60, v2;
	v3 =	vmul.f32 v63, v7  }
0x2ec: {  	[tilespmem:s21+$0x6600] =	vst v2;
	v2 =	vmax.f32 v61, v5  }
0x2ed: {  	[tilespmem:s24+$0x6600] =	vst v2;
	v2 =	vmax.f32 v62, v3  }
0x2ee: {  	p0 =	por $0x0, $0x0;
	s10 =	simm.s32 $0x4;
	[tilespmem:s30+$0x6600] =	vst v2  }
0x2ef: {  	s2 =	sadd.s32 $0x1, s2  }
0x2f0: {  	p0 =	sne.s32 s2, $0x20  }
.Ltmp9:
0x2f1: {  	_ = 	snop;
	(pc) =	sbr.rel @p0 .LBB2_16-.Ltmp9, $1  }
0x2f2: {  	_ =	sdelay $0x3  }
0x2f3: {  	s2 =	simm.s32 $0x0;
	p0 =	por $0x1, $0x1  }
.LBB2_20:
0x2f4: {  	v0 =	vld [tilespmem:s2+$0x6580]  }
0x2f5: {  	v1 =	vld [tilespmem:s2+$0x6600]  }
0x2f6: {  	v2 =	vld [tilespmem:s2+$0x6590]  }
0x2f7: {  	v3 =	vld [tilespmem:s2+$0x6610]  }
0x2f8: {  	v4 =	vld [tilespmem:s2+$0x65A0]  }
0x2f9: {  	v5 =	vld [tilespmem:s2+$0x6620]  }
0x2fa: {  	v6 =	vld [tilespmem:s2+$0x65B0]  }
0x2fb: {  	v7 =	vld [tilespmem:s2+$0x6630];
	_ =	sdelay $0x1  }
0x2fc: {  	v0 =	vadd.f32 v1, v0  }
0x2fd: {  	v59 =	vadd.f32 v3, v2  }
0x2fe: {  	p1 =	por p0, p0;
	v60 =	vadd.f32 v5, v4;
	v0 =	vmul.f32 $5.000000000e-01, v0  }
.Ltmp10:
0x2ff: {  	v61 =	vadd.f32 v7, v6;
	v1 =	vmul.f32 $5.000000000e-01, v59;
	(pc) =	sbr.rel @p1 .LBB2_20-.Ltmp10, $4  }
0x300: {  	v62 =	vmul.f32 $5.000000000e-01, v60;
	[tilespmem:s2+$0x6680] =	vst v0  }
0x301: {  	v63 =	vmul.f32 $5.000000000e-01, v61;
	[tilespmem:s2+$0x6690] =	vst v1  }
0x302: {  	[tilespmem:s2+$0x66A0] =	vst v62  }
0x303: {  	p0 =	por $0x0, $0x0;
	[tilespmem:s2+$0x66B0] =	vst v63;
	s2 =	simm.s32 $0x40  }
0x304: {  	s2 =	sshll.u32 s0, $0x4;
	s30 =	simm.s32 $0x0  }
0x305: {  	s4 =	simm.s32 $0x6680;
	s31 =	simm.s32 $0x1;
	s2 =	sadd.s32 s3, s2  }
0x306: {  	[hbm4b:s2+s30] =	stream.linear.scatter [tilespmem:s4], [sflag:$0x1], $0x80, $0x38;
	[tilespmem:$0x6F00] =	vst v63  }
0x307: {  	_ =	swait.ge [sflag:s31], $0x80  }
0x308: {  	[sflag:s31] =	ssyncset.done $0x0  }
0x309: {  	[sflag:s31] =	ssyncadd.s32 $0xFFFFFF80  }
0x30a: {  	_ =	sfence.sel $0x180000  }
0x30b: {  	[bflag:$0x0] =	sbarrier.arrive $0xFFFF  }
0x30c: {  	p0 =	sne.s32 s0, $0x0;
	_ =	strace $0x90000047  }
0x30d: {  	s0 =	sadd.s32 @!p0 $0x100000, s1;
	[bflag:$0x2] =	sbarrier.arrive $0xFFFF  }
0x30e: {  	[sflag:s0] =	ssyncadd.tile.s32 @!p0 $0x1;
	_ =	shalt  }
.Lfunc_end2:
_tile_overlayer_lowered:
.L_overlay_start_2:
0x30f: {  	(tag) =	ssettag $0x2  }
0x310: {  	s0 =	rddreg [dreg:$0x0];
	s2 =	stileid.u32  }
0x311: {  	s1 =	rddreg [dreg:$0x1];
	p0 =	sne.s32 s2, $0x0  }
0x312: {  	s3 =	rddreg [dreg:$0x2];
	[bflag:$0x3] =	sbarrier.arrive $0xFFFF;
	s2 =	simm.s32 @!p0 $0x1C01  }
0x313: {  	[timem:s3], [sflag:s2] =	dma.local @!p0 [hbm:s0], s1  }
0x314: {  	s0 =	simm.s32 @!p0 $0x1  }
0x315: {  	_ =	swait.ge @!p0 [sflag:s0], s1  }
0x316: {  	s1 =	ssub.s32 @!p0 $0x0, s1;
	[sflag:s0] =	ssyncset.done @!p0 $0x0  }
0x317: {  	[sflag:s0] =	ssyncadd.s32 @!p0 s1  }
0x318: {  	[bflag:$0x3] =	sbarrier.arrive $0xFFFF  }
0x319: {  	_ =	shalt  }

</sc_bundles>
